<compile_context>
chip_gen: v7x
topology: tpu7x:2x2x1
jax: 0.10.2.dev20260603
libtpu: 0.0.44.dev20260713+nightly
codegen_flags: <defaults>
</compile_context>

<pallas_src>
import functools
import jax
import jax.numpy as jnp
from jax import lax
from jax.experimental import pallas as pl
from jax.experimental.pallas import tpu as pltpu, tpu_sc as plsc

HD = 128
EAD = 16
NU = 10000
NM = 10000
E = 320000

NC = 2
NS = 16
NW = NC * NS
CL = 128
CH = (E + NW * CL - 1) // (NW * CL)
CH = 80
EP = NW * CH * CL
NPAD = 10240
ZR = NPAD // NS

f32 = jnp.float32


def _sigmoid(x):
    return 1.0 / (1.0 + jnp.exp(-x))


def _mm(a, b):
    return jnp.dot(a, b, preferred_element_type=f32)



BN = 1024


def _nodes_pre_body(ux, mx, ueW1, ueb1, ueW2, ueb2, meW1, meb1, meW2, meb2,
                    suWl, smWl, hu, hm, ymx, yux):
    relu = jax.nn.relu
    hu_v = _mm(relu(_mm(ux[...], ueW1[...]) + ueb1[...]), ueW2[...]) + ueb2[...]
    hm_v = _mm(relu(_mm(mx[...], meW1[...]) + meb1[...]), meW2[...]) + meb2[...]
    hu[...] = hu_v
    hm[...] = hm_v
    ymx[...] = _mm(hm_v, suWl[...])
    yux[...] = _mm(hu_v, smWl[...])


def _nodes_pre(ux, mx, ueW1, ueb1, ueW2, ueb2, meW1, meb1, meW2, meb2, suWl, smWl):
    row = pl.BlockSpec((BN, HD), lambda i: (i, 0))
    wfull = lambda shape: pl.BlockSpec(shape, lambda i: (0, 0))
    return pl.pallas_call(
        _nodes_pre_body,
        grid=(NPAD // BN,),
        in_specs=[row, row,
                  wfull((HD, HD)), wfull((1, HD)), wfull((HD, HD)), wfull((1, HD)),
                  wfull((HD, HD)), wfull((1, HD)), wfull((HD, HD)), wfull((1, HD)),
                  wfull((HD, HD)), wfull((HD, HD))],
        out_specs=[row, row, row, row],
        out_shape=[
            jax.ShapeDtypeStruct((NU, HD), f32),
            jax.ShapeDtypeStruct((NM, HD), f32),
            jax.ShapeDtypeStruct((NPAD, HD), f32),
            jax.ShapeDtypeStruct((NPAD, HD), f32),
        ],
    )(ux, mx, ueW1, ueb1, ueW2, ueb2, meW1, meb1, meW2, meb2, suWl, smWl)



def _segsum_body(ymx_h, yux_h, srcu_h, dstu_h, srcm_h, dstm_h, zeros_h,
                 zeros1_h, ones_h,
                 outu_h, outm_h, cntu_h, cntm_h,
                 sidx0, sidx1, didx_v, buf0, buf1, ones_v, tab_s, cnt_s,
                 sem0, sem1, semw0, semw1, semc, semi0, semi1):
    cid = lax.axis_index("c")
    sid = lax.axis_index("s")
    wid = cid * NS + sid
    pltpu.sync_copy(ones_h, ones_v)

    def do_relation(tab_hbm, src_h, dst_h, out_h, cnt_h):
        pltpu.sync_copy(zeros_h.at[pl.ds(sid * ZR, ZR)], tab_s.at[pl.ds(sid * ZR, ZR)])
        pltpu.sync_copy(zeros1_h.at[pl.ds(sid * ZR, ZR)], cnt_s.at[pl.ds(sid * ZR, ZR)])
        pltpu.sync_copy(dst_h.at[wid], didx_v)
        plsc.subcore_barrier()

        pltpu.sync_copy(src_h.at[wid, 0], sidx0)
        pltpu.async_copy(tab_hbm.at[sidx0], buf0, sem0)
        pltpu.sync_copy(src_h.at[wid, 1], sidx1)
        pltpu.async_copy(tab_hbm.at[sidx1], buf1, sem1)

        def body(g, carry):
            j0 = 2 * g
            j1 = 2 * g + 1
            j2 = lax.rem(2 * g + 2, CH)
            j3 = lax.rem(2 * g + 3, CH)
            pltpu.make_async_copy(tab_hbm.at[sidx0], buf0, sem0).wait()
            pltpu.async_copy(buf0, tab_s.at[didx_v.at[j0]], semw0, add=True)
            pltpu.async_copy(ones_v, cnt_s.at[didx_v.at[j0]], semc, add=True)
            pltpu.async_copy(src_h.at[wid, j2], sidx0, semi0)
            pltpu.make_async_copy(tab_hbm.at[sidx1], buf1, sem1).wait()
            pltpu.async_copy(buf1, tab_s.at[didx_v.at[j1]], semw1, add=True)
            pltpu.async_copy(ones_v, cnt_s.at[didx_v.at[j1]], semc, add=True)
            pltpu.async_copy(src_h.at[wid, j3], sidx1, semi1)
            pltpu.make_async_copy(buf0, tab_s.at[didx_v.at[j0]], semw0).wait()
            pltpu.make_async_copy(src_h.at[wid, j2], sidx0, semi0).wait()
            pltpu.async_copy(tab_hbm.at[sidx0], buf0, sem0)
            pltpu.make_async_copy(buf1, tab_s.at[didx_v.at[j1]], semw1).wait()
            pltpu.make_async_copy(src_h.at[wid, j3], sidx1, semi1).wait()
            pltpu.async_copy(tab_hbm.at[sidx1], buf1, sem1)
            return carry

        lax.fori_loop(0, CH // 2, body, 0)
        pltpu.make_async_copy(tab_hbm.at[sidx0], buf0, sem0).wait()
        pltpu.make_async_copy(tab_hbm.at[sidx1], buf1, sem1).wait()

        def drain(j, carry):
            pltpu.make_async_copy(ones_v, cnt_s.at[didx_v.at[0]], semc).wait()
            return carry

        lax.fori_loop(0, CH, drain, 0)
        plsc.subcore_barrier()
        pltpu.sync_copy(tab_s.at[pl.ds(sid * ZR, ZR)],
                        out_h.at[cid, pl.ds(sid * ZR, ZR)])
        pltpu.sync_copy(cnt_s.at[pl.ds(sid * ZR, ZR)],
                        cnt_h.at[cid, pl.ds(sid * ZR, ZR)])
        plsc.subcore_barrier()

    do_relation(ymx_h, srcu_h, dstu_h, outu_h, cntu_h)
    do_relation(yux_h, srcm_h, dstm_h, outm_h, cntm_h)


def _segsum(ymx, yux, srcu, dstu, srcm, dstm, zeros_tab, zeros_col, ones_cl):
    mesh = plsc.VectorSubcoreMesh(core_axis_name="c", subcore_axis_name="s")
    return pl.kernel(
        _segsum_body,
        out_type=[
            jax.ShapeDtypeStruct((NC, NPAD, HD), f32),
            jax.ShapeDtypeStruct((NC, NPAD, HD), f32),
            jax.ShapeDtypeStruct((NC, NPAD), f32),
            jax.ShapeDtypeStruct((NC, NPAD), f32),
        ],
        mesh=mesh,
        scratch_types=[
            pltpu.VMEM((CL,), jnp.int32),
            pltpu.VMEM((CL,), jnp.int32),
            pltpu.VMEM((CH, CL), jnp.int32),
            pltpu.VMEM((CL, HD), f32),
            pltpu.VMEM((CL, HD), f32),
            pltpu.VMEM((CL,), f32),
            pltpu.VMEM_SHARED((NPAD, HD), f32),
            pltpu.VMEM_SHARED((NPAD,), f32),
            pltpu.SemaphoreType.DMA,
            pltpu.SemaphoreType.DMA,
            pltpu.SemaphoreType.DMA,
            pltpu.SemaphoreType.DMA,
            pltpu.SemaphoreType.DMA,
            pltpu.SemaphoreType.DMA,
            pltpu.SemaphoreType.DMA,
        ],
    )(ymx, yux, srcu, dstu, srcm, dstm, zeros_tab, zeros_col, ones_cl)



def _nodes_post_body(hu0, hm0, ptu, ptm, ctu, ctm,
                     suWr, subl, suP1, supb1, supW2, supb2,
                     smWr, smbl, smP1, smpb1, smpW2, smpb2,
                     iW1, ib1, iW2p, ib2p, tW1, tb1, tW2, tb2,
                     npW, npb, W1a, W1b, eeW2, eeb2, W1c, mlpb1,
                     pu, pm, w1ce, be):
    relu = jax.nn.relu
    hu0v = hu0[...]
    hm0v = hm0[...]

    aggu = ptu[0] + ptu[1]
    cntu = jnp.maximum(ctu[:, 0:1] + ctu[:, 1:2], 1.0)
    u_conv = aggu / cntu + subl[...] + _mm(hu0v, suWr[...])
    h_u_rel = _mm(relu(_mm(u_conv, suP1[...]) + supb1[...]), supW2[...]) + supb2[...]

    aggm = ptm[0] + ptm[1]
    cntm = jnp.maximum(ctm[:, 0:1] + ctm[:, 1:2], 1.0)
    m_conv = aggm / cntm + smbl[...] + _mm(hm0v, smWr[...])
    h_m_rel = _mm(relu(_mm(m_conv, smP1[...]) + smpb1[...]), smpW2[...]) + smpb2[...]

    hu = hu0v + h_u_rel
    hm = hm0v + h_m_rel

    def intens(h):
        imp = _sigmoid(_mm(relu(_mm(h, iW1[...]) + ib1[...]), iW2p[...]) + ib2p[...])[:, 0:1]
        t = _mm(relu(_mm(h, tW1[...]) + tb1[...]), tW2[...]) + tb2[...]
        return h + t * imp

    hu = _mm(intens(hu), npW[...]) + npb[...]
    hm = _mm(intens(hm), npW[...]) + npb[...]

    pu[...] = _mm(hu, W1a[...])
    pm[...] = _mm(hm, W1b[...])
    w1ce[...] = _mm(eeW2[...], W1c[...])
    be[...] = _mm(eeb2[...], W1c[...]) + mlpb1[...]


def _nodes_post(*args):
    row = pl.BlockSpec((BN, HD), lambda i: (i, 0))
    wfull = lambda shape: pl.BlockSpec(shape, lambda i: (0,) * len(shape))
    pt = pl.BlockSpec((NC, BN, HD), lambda i: (0, i, 0))
    ct = pl.BlockSpec((BN, NC), lambda i: (i, 0))
    w = wfull((HD, HD))
    b = wfull((1, HD))
    return pl.pallas_call(
        _nodes_post_body,
        grid=(NPAD // BN,),
        in_specs=[row, row, pt, pt, ct, ct,
                  w, b, w, b, w, b,
                  w, b, w, b, w, b,
                  wfull((HD, HD // 2)), wfull((1, HD // 2)), wfull((HD // 2, HD)), b,
                  w, b, w, b,
                  w, b, w, w, w, b, w, b],
        out_specs=[row, row, w, b],
        out_shape=[
            jax.ShapeDtypeStruct((NPAD, HD), f32),
            jax.ShapeDtypeStruct((NPAD, HD), f32),
            jax.ShapeDtypeStruct((HD, HD), f32),
            jax.ShapeDtypeStruct((1, HD), f32),
        ],
    )(*args)



def _vadd_chunk(ba, bb):
    def row(r, carry):
        for k in range(HD // 16):
            sl = pl.ds(k * 16, 16)
            ba[r, sl] = ba[r, sl] + bb[r, sl]
        return carry

    lax.fori_loop(0, CL, row, 0)


E2 = E // 2
CHH = 40
EPH = NW * CHH * CL


def _gather_body(pu_h, pm_h, src_h, dst_h, gs_h,
                 sidx_v, didx_v, bufa0, bufa1, bufb0, bufb1,
                 sema0, sema1, semb0, semb1):
    cid = lax.axis_index("c")
    sid = lax.axis_index("s")
    wid = cid * NS + sid
    base = wid * (CHH * CL)
    pltpu.sync_copy(src_h.at[wid], sidx_v)
    pltpu.sync_copy(dst_h.at[wid], didx_v)

    pltpu.async_copy(pu_h.at[sidx_v.at[0]], bufa0, sema0)
    pltpu.async_copy(pm_h.at[didx_v.at[0]], bufb0, semb0)

    def body(g, carry):
        j0 = 2 * g
        j1 = 2 * g + 1
        j2 = lax.rem(2 * g + 2, CHH)
        pltpu.async_copy(pu_h.at[sidx_v.at[j1]], bufa1, sema1)
        pltpu.async_copy(pm_h.at[didx_v.at[j1]], bufb1, semb1)
        pltpu.make_async_copy(pu_h.at[sidx_v.at[j0]], bufa0, sema0).wait()
        pltpu.make_async_copy(pm_h.at[didx_v.at[j0]], bufb0, semb0).wait()
        _vadd_chunk(bufa0, bufb0)
        pltpu.sync_copy(bufa0, gs_h.at[pl.ds(base + j0 * CL, CL)])
        pltpu.async_copy(pu_h.at[sidx_v.at[j2]], bufa0, sema0)
        pltpu.async_copy(pm_h.at[didx_v.at[j2]], bufb0, semb0)
        pltpu.make_async_copy(pu_h.at[sidx_v.at[j1]], bufa1, sema1).wait()
        pltpu.make_async_copy(pm_h.at[didx_v.at[j1]], bufb1, semb1).wait()
        _vadd_chunk(bufa1, bufb1)
        pltpu.sync_copy(bufa1, gs_h.at[pl.ds(base + j1 * CL, CL)])
        return carry

    lax.fori_loop(0, CHH // 2, body, 0)
    pltpu.make_async_copy(pu_h.at[sidx_v.at[0]], bufa0, sema0).wait()
    pltpu.make_async_copy(pm_h.at[didx_v.at[0]], bufb0, semb0).wait()


def _gathers(pu, pm, srce, dste):
    mesh = plsc.VectorSubcoreMesh(core_axis_name="c", subcore_axis_name="s")
    return pl.kernel(
        _gather_body,
        out_type=jax.ShapeDtypeStruct((EPH, HD), f32),
        mesh=mesh,
        scratch_types=[
            pltpu.VMEM((CHH, CL), jnp.int32),
            pltpu.VMEM((CHH, CL), jnp.int32),
            pltpu.VMEM((CL, HD), f32),
            pltpu.VMEM((CL, HD), f32),
            pltpu.VMEM((CL, HD), f32),
            pltpu.VMEM((CL, HD), f32),
            pltpu.SemaphoreType.DMA,
            pltpu.SemaphoreType.DMA,
            pltpu.SemaphoreType.DMA,
            pltpu.SemaphoreType.DMA,
        ],
    )(pu, pm, srce, dste)



BK = 3200


def _edges_body(gs, eat, eeW1, eeb1, w1ce, be, W2, b2, W3, b3t, out):
    relu = jax.nn.relu
    ea_w = lax.dot_general(eat[...], eeW1[...], (((0,), (0,)), ((), ())),
                           preferred_element_type=f32)
    h0 = relu(ea_w + eeb1[...])
    h1 = relu(gs[...] + _mm(h0, w1ce[...]) + be[...])
    h2 = relu(_mm(h1, W2[...]) + b2[...])
    out[...] = lax.dot_general(W3[...], h2, (((0,), (1,)), ((), ())),
                               preferred_element_type=f32) + b3t[...]


def _edges(gs, eat, eeW1, eeb1, w1ce, be, W2, b2, W3, b3t, half):
    nblk = E2 // BK
    off = half * nblk
    full = lambda shape: pl.BlockSpec(shape, lambda i: (0, 0))
    return pl.pallas_call(
        _edges_body,
        grid=(nblk,),
        in_specs=[
            pl.BlockSpec((BK, HD), lambda i: (i, 0)),
            pl.BlockSpec((EAD, BK), lambda i: (0, i + off)),
            full((EAD, HD)),
            full((1, HD)),
            full((HD, HD)),
            full((1, HD)),
            full((HD, HD // 2)),
            full((1, HD // 2)),
            full((HD // 2, 2)),
            full((2, 1)),
        ],
        out_specs=pl.BlockSpec((2, BK), lambda i: (0, i)),
        out_shape=jax.ShapeDtypeStruct((2, E2), f32),
    )(gs, eat, eeW1, eeb1, w1ce, be, W2, b2, W3, b3t)



def _prep_idx(idx):
    pad = NU + (jnp.arange(EP - E, dtype=jnp.int32) % (NPAD - NU))
    full = jnp.concatenate([idx.astype(jnp.int32), pad])
    return full.reshape(NW, CH, CL)


def _prep_idx_half(idx):
    pad = NU + (jnp.arange(EPH - E2, dtype=jnp.int32) % (NPAD - NU))
    full = jnp.concatenate([idx.astype(jnp.int32), pad])
    return full.reshape(NW, CHH, CL)


def kernel(user_x, merchant_x, edge_index_ut, edge_index_mr, src_idx, dst_idx,
           edge_attr, params):
    p = params
    r1 = lambda b: b.reshape(1, -1).astype(f32)

    srcu = _prep_idx(edge_index_mr[0])
    dstu = _prep_idx(edge_index_mr[1])
    srcm = _prep_idx(edge_index_ut[0])
    dstm = _prep_idx(edge_index_ut[1])
    srcq = [_prep_idx_half(src_idx[k * E2:(k + 1) * E2]) for k in range(2)]
    dstq = [_prep_idx_half(dst_idx[k * E2:(k + 1) * E2]) for k in range(2)]
    zeros_tab = jnp.zeros((NPAD, HD), f32)
    zeros_col = jnp.zeros((NPAD,), f32)
    ones_cl = jnp.ones((CL,), f32)

    hu0, hm0, ymx, yux = _nodes_pre(
        user_x, merchant_x,
        p['ue_W1'], r1(p['ue_b1']), p['ue_W2'], r1(p['ue_b2']),
        p['me_W1'], r1(p['me_b1']), p['me_W2'], r1(p['me_b2']),
        p['su_Wl'], p['sm_Wl'])

    ptu, ptm, ctu, ctm = _segsum(ymx, yux, srcu, dstu, srcm, dstm,
                                 zeros_tab, zeros_col, ones_cl)

    iW2p = jnp.zeros((HD // 2, HD), f32).at[:, 0].set(p['int_iW2'][:, 0])
    ib2p = jnp.zeros((1, HD), f32).at[0, 0].set(p['int_ib2'][0])

    pu, pm, w1ce, be = _nodes_post(
        hu0, hm0, ptu, ptm, jnp.transpose(ctu), jnp.transpose(ctm),
        p['su_Wr'], r1(p['su_bl']), p['su_pW1'][HD:], r1(p['su_pb1']),
        p['su_pW2'], r1(p['su_pb2']),
        p['sm_Wr'], r1(p['sm_bl']), p['sm_pW1'][:HD], r1(p['sm_pb1']),
        p['sm_pW2'], r1(p['sm_pb2']),
        p['int_iW1'], r1(p['int_ib1']), iW2p, ib2p,
        p['int_tW1'], r1(p['int_tb1']), p['int_tW2'], r1(p['int_tb2']),
        p['np_W'], r1(p['np_b']),
        p['mlp_W1'][:HD], p['mlp_W1'][HD:2 * HD],
        p['ee_W2'], r1(p['ee_b2']), p['mlp_W1'][2 * HD:], r1(p['mlp_b1']))

    eat = jnp.transpose(edge_attr)
    b3t = p['mlp_b3'].reshape(2, 1).astype(f32)
    ew = (p['ee_W1'], r1(p['ee_b1']), w1ce, be,
          p['mlp_W2'], r1(p['mlp_b2']), p['mlp_W3'], b3t)

    gsq = [_gathers(pu, pm, srcq[k], dstq[k]) for k in range(2)]
    ltq = [_edges(gsq[k], eat, *ew, half=k) for k in range(2)]
    return jnp.transpose(jnp.concatenate(ltq, axis=1))

# --- scband reference (transcript-rebuilt; emitter-appended) ---
"""Pipeline reference for scband-fraud-gnnhybrid-74036646248796 (READ-ONLY COPY).

The authoritative reference and input builder live on the scoring server;
editing this copy changes nothing except your own understanding.
"""

import jax, jax.numpy as jnp
import numpy as np

HD = 128
EAD = 16
NU = 10000
NM = 10000
E = 320000


def _lin(x, W, b):
    return x @ W + b


def _sage(x_src, x_dst, edge_index, Wl, bl, Wr):
    # PyG SAGEConv with mean aggregation: out = lin_l(mean_agg(msgs)) + lin_r(x_dst)
    src = edge_index[0]
    dst = edge_index[1]
    msgs = x_src[src]
    agg = jax.ops.segment_sum(msgs, dst, num_segments=x_dst.shape[0])
    cnt = jax.ops.segment_sum(jnp.ones((src.shape[0],), dtype=x_src.dtype), dst, num_segments=x_dst.shape[0])
    agg = agg / jnp.maximum(cnt, 1.0)[:, None]
    return agg @ Wl + bl + x_dst @ Wr


def _intensify(h, p):
    imp = jax.nn.sigmoid(_lin(jax.nn.relu(_lin(h, p['int_iW1'], p['int_ib1'])), p['int_iW2'], p['int_ib2']))
    return h + _lin(jax.nn.relu(_lin(h, p['int_tW1'], p['int_tb1'])), p['int_tW2'], p['int_tb2']) * imp


def setup_inputs(seed: int = 0) -> dict:
    key = jax.random.key(seed)
    ks = iter([jax.random.fold_in(key, i) for i in range(64)])

    def _p(shape):
        return jax.random.normal(next(ks), shape, dtype=jnp.float32) * 0.02

    user_x = jax.random.normal(next(ks), (NU, HD), dtype=jnp.float32)
    merchant_x = jax.random.normal(next(ks), (NM, HD), dtype=jnp.float32)
    edge_index_ut = jax.random.randint(next(ks), (2, E), 0, NM, dtype=jnp.int64)
    edge_index_mr = jax.random.randint(next(ks), (2, E), 0, NU, dtype=jnp.int64)
    src_idx = jax.random.randint(next(ks), (E,), 0, NU, dtype=jnp.int64)
    dst_idx = jax.random.randint(next(ks), (E,), 0, NM, dtype=jnp.int64)
    edge_attr = jax.random.normal(next(ks), (E, EAD), dtype=jnp.float32)

    params = {
        # user encoder
        'ue_W1': _p((HD, HD)), 'ue_b1': _p((HD,)), 'ue_W2': _p((HD, HD)), 'ue_b2': _p((HD,)),
        # merchant encoder
        'me_W1': _p((HD, HD)), 'me_b1': _p((HD,)), 'me_W2': _p((HD, HD)), 'me_b2': _p((HD,)),
        # rel_summary_user: only the (merchant, receives, user) SAGEConv contributes
        'su_Wl': _p((HD, HD)), 'su_bl': _p((HD,)), 'su_Wr': _p((HD, HD)),
        'su_pW1': _p((2 * HD, HD)), 'su_pb1': _p((HD,)), 'su_pW2': _p((HD, HD)), 'su_pb2': _p((HD,)),
        # rel_summary_merch: only the (user, transacts, merchant) SAGEConv contributes
        'sm_Wl': _p((HD, HD)), 'sm_bl': _p((HD,)), 'sm_Wr': _p((HD, HD)),
        'sm_pW1': _p((2 * HD, HD)), 'sm_pb1': _p((HD,)), 'sm_pW2': _p((HD, HD)), 'sm_pb2': _p((HD,)),
        # intensifier (shared for user & merchant)
        'int_iW1': _p((HD, HD // 2)), 'int_ib1': _p((HD // 2,)), 'int_iW2': _p((HD // 2, 1)), 'int_ib2': _p((1,)),
        'int_tW1': _p((HD, HD)), 'int_tb1': _p((HD,)), 'int_tW2': _p((HD, HD)), 'int_tb2': _p((HD,)),
        # node projection
        'np_W': _p((HD, HD)), 'np_b': _p((HD,)),
        # edge classifier: edge encoder + 3-layer MLP
        'ee_W1': _p((EAD, HD)), 'ee_b1': _p((HD,)), 'ee_W2': _p((HD, HD)), 'ee_b2': _p((HD,)),
        'mlp_W1': _p((3 * HD, HD)), 'mlp_b1': _p((HD,)),
        'mlp_W2': _p((HD, HD // 2)), 'mlp_b2': _p((HD // 2,)),
        'mlp_W3': _p((HD // 2, 2)), 'mlp_b3': _p((2,)),
    }
    return {
        'user_x': user_x, 'merchant_x': merchant_x,
        'edge_index_ut': edge_index_ut, 'edge_index_mr': edge_index_mr,
        'src_idx': src_idx, 'dst_idx': dst_idx, 'edge_attr': edge_attr,
        'params': params,
    }


def reference(user_x, merchant_x, edge_index_ut, edge_index_mr, src_idx, dst_idx, edge_attr, params):
    p = params
    # forward_nodes (eval mode -> dropout is identity)
    h_user = _lin(jax.nn.relu(_lin(user_x, p['ue_W1'], p['ue_b1'])), p['ue_W2'], p['ue_b2'])
    h_merch = _lin(jax.nn.relu(_lin(merchant_x, p['me_W1'], p['me_b1'])), p['me_W2'], p['me_b2'])

    # rel_summary_user, dst_type='user': rel (u->m) yields zeros, rel (m->u) yields SAGE output
    u_conv = _sage(h_merch, h_user, edge_index_mr, p['su_Wl'], p['su_bl'], p['su_Wr'])
    u_comb = jnp.concatenate([jnp.zeros_like(h_user), u_conv], axis=-1)
    h_u_rel = _lin(jax.nn.relu(_lin(u_comb, p['su_pW1'], p['su_pb1'])), p['su_pW2'], p['su_pb2'])

    # rel_summary_merch, dst_type='merchant': rel (u->m) yields SAGE output, rel (m->u) yields zeros
    m_conv = _sage(h_user, h_merch, edge_index_ut, p['sm_Wl'], p['sm_bl'], p['sm_Wr'])
    m_comb = jnp.concatenate([m_conv, jnp.zeros_like(h_merch)], axis=-1)
    h_m_rel = _lin(jax.nn.relu(_lin(m_comb, p['sm_pW1'], p['sm_pb1'])), p['sm_pW2'], p['sm_pb2'])

    h_user = h_user + h_u_rel
    h_merch = h_merch + h_m_rel
    h_user = _intensify(h_user, p)
    h_merch = _intensify(h_merch, p)
    h_user = _lin(h_user, p['np_W'], p['np_b'])
    h_merch = _lin(h_merch, p['np_W'], p['np_b'])

    # forward_edges
    src_h = h_user[src_idx]
    dst_h = h_merch[dst_idx]
    e = _lin(jax.nn.relu(_lin(edge_attr, p['ee_W1'], p['ee_b1'])), p['ee_W2'], p['ee_b2'])
    combined = jnp.concatenate([src_h, dst_h, e], axis=-1)
    h = jax.nn.relu(_lin(combined, p['mlp_W1'], p['mlp_b1']))
    h = jax.nn.relu(_lin(h, p['mlp_W2'], p['mlp_b2']))
    logits = _lin(h, p['mlp_W3'], p['mlp_b3'])
    return logits

if __name__ == "__main__":
    import jax
    _d = setup_inputs()
    print(jax.jit(kernel)(*tuple(_d.values())))

</pallas_src>

<mosaic_0001>
#map = affine_map<(d0, d1) -> (0, 0)>
#map1 = affine_map<(d0, d1) -> (0, 0, 0)>
#map2 = affine_map<(d0, d1) -> (0)>
module attributes {stable_mosaic.version = 14 : i64} {
  func.func @_segsum_body(%arg0: i32, %arg1: i32, %arg2: memref<10240x128xf32, #tpu.memory_space<hbm>>, %arg3: memref<10240x128xf32, #tpu.memory_space<hbm>>, %arg4: memref<32x80x128xi32, #tpu.memory_space<hbm>>, %arg5: memref<32x80x128xi32, #tpu.memory_space<hbm>>, %arg6: memref<32x80x128xi32, #tpu.memory_space<hbm>>, %arg7: memref<32x80x128xi32, #tpu.memory_space<hbm>>, %arg8: memref<10240x128xf32, #tpu.memory_space<hbm>>, %arg9: memref<10240xf32, #tpu.memory_space<hbm>>, %arg10: memref<128xf32, #tpu.memory_space<hbm>>, %arg11: memref<2x10240x128xf32, #tpu.memory_space<hbm>>, %arg12: memref<2x10240x128xf32, #tpu.memory_space<hbm>>, %arg13: memref<2x10240xf32, #tpu.memory_space<hbm>>, %arg14: memref<2x10240xf32, #tpu.memory_space<hbm>>, %arg15: memref<128xi32, #tpu.memory_space<vmem>>, %arg16: memref<128xi32, #tpu.memory_space<vmem>>, %arg17: memref<80x128xi32, #tpu.memory_space<vmem>>, %arg18: memref<128x128xf32, #tpu.memory_space<vmem>>, %arg19: memref<128x128xf32, #tpu.memory_space<vmem>>, %arg20: memref<128xf32, #tpu.memory_space<vmem>>, %arg21: memref<10240x128xf32, #tpu.memory_space<vmem_shared>>, %arg22: memref<10240xf32, #tpu.memory_space<vmem_shared>>, %arg23: memref<!tpu.dma_semaphore, #tpu.memory_space<semaphore_mem>>, %arg24: memref<!tpu.dma_semaphore, #tpu.memory_space<semaphore_mem>>, %arg25: memref<!tpu.dma_semaphore, #tpu.memory_space<semaphore_mem>>, %arg26: memref<!tpu.dma_semaphore, #tpu.memory_space<semaphore_mem>>, %arg27: memref<!tpu.dma_semaphore, #tpu.memory_space<semaphore_mem>>, %arg28: memref<!tpu.dma_semaphore, #tpu.memory_space<semaphore_mem>>, %arg29: memref<!tpu.dma_semaphore, #tpu.memory_space<semaphore_mem>>) attributes {dimension_semantics = [#tpu.dimension_semantics<core_parallel>, #tpu.dimension_semantics<subcore_parallel>], iteration_bounds = array<i64: 2, 16>, scalar_prefetch = 0 : i64, scratch_operands = 15 : i64, tpu.core_type = #tpu.core_type<sc_vector_subcore>, window_params = [{transform_indices = #map}, {transform_indices = #map}, {transform_indices = #map1}, {transform_indices = #map1}, {transform_indices = #map1}, {transform_indices = #map1}, {transform_indices = #map}, {transform_indices = #map2}, {transform_indices = #map2}, {transform_indices = #map1}, {transform_indices = #map1}, {transform_indices = #map}, {transform_indices = #map}]} {
    %mul3A = arith.constant 16 : i32
    %mul3A_0 = arith.muli %arg0, %mul3A : i32
    %add3A = arith.addi %mul3A_0, %arg1 : i32
    "tpu.region"() ({
      %run_scoped3A_86 = tpu.sem_alloc : memref<!tpu.dma_semaphore, #tpu.memory_space<semaphore_mem>>
      tpu.enqueue_dma source(%arg10 : memref<128xf32, #tpu.memory_space<hbm>>) target(%arg20 : memref<128xf32, #tpu.memory_space<vmem>>) target_semaphore(%run_scoped3A_86 : memref<!tpu.dma_semaphore, #tpu.memory_space<semaphore_mem>>)
      tpu.wait_dma2 semaphore(%run_scoped3A_86 : memref<!tpu.dma_semaphore, #tpu.memory_space<semaphore_mem>>) src(%arg10 : memref<128xf32, #tpu.memory_space<hbm>>) dst(%arg20 : memref<128xf32, #tpu.memory_space<vmem>>)
      tpu.yield
    }) : () -> ()
    %mul3A_1 = arith.constant 640 : i32
    %mul3A_2 = arith.muli %arg1, %mul3A_1 : i32
    %mul3A_3 = arith.constant 640 : i32
    %mul3A_4 = arith.muli %arg1, %mul3A_3 : i32
    "tpu.region"() ({
      %run_scoped3A_86 = tpu.sem_alloc : memref<!tpu.dma_semaphore, #tpu.memory_space<semaphore_mem>>
      %dma_start3A_87 = arith.constant 0 : i32
      %dma_start3A_88 = tpu.memref_slice %arg21[%mul3A_4, %dma_start3A_87] : memref<10240x128xf32, #tpu.memory_space<vmem_shared>> -> memref<640x128xf32, #tpu.memory_space<vmem_shared>>
      %dma_start3A_89 = arith.constant 0 : i32
      %dma_start3A_90 = tpu.memref_slice %arg8[%mul3A_2, %dma_start3A_89] : memref<10240x128xf32, #tpu.memory_space<hbm>> -> memref<640x128xf32, #tpu.memory_space<hbm>>
      tpu.enqueue_dma source(%dma_start3A_90 : memref<640x128xf32, #tpu.memory_space<hbm>>) target(%dma_start3A_88 : memref<640x128xf32, #tpu.memory_space<vmem_shared>>) target_semaphore(%run_scoped3A_86 : memref<!tpu.dma_semaphore, #tpu.memory_space<semaphore_mem>>)
      %dma_wait3A_91 = arith.constant 0 : i32
      %dma_wait3A_92 = tpu.memref_slice %arg21[%mul3A_4, %dma_wait3A_91] : memref<10240x128xf32, #tpu.memory_space<vmem_shared>> -> memref<640x128xf32, #tpu.memory_space<vmem_shared>>
      %dma_wait3A_93 = arith.constant 0 : i32
      %dma_wait3A_94 = tpu.memref_slice %arg8[%mul3A_2, %dma_wait3A_93] : memref<10240x128xf32, #tpu.memory_space<hbm>> -> memref<640x128xf32, #tpu.memory_space<hbm>>
      tpu.wait_dma2 semaphore(%run_scoped3A_86 : memref<!tpu.dma_semaphore, #tpu.memory_space<semaphore_mem>>) src(%dma_wait3A_94 : memref<640x128xf32, #tpu.memory_space<hbm>>) dst(%dma_wait3A_92 : memref<640x128xf32, #tpu.memory_space<vmem_shared>>)
      tpu.yield
    }) : () -> ()
    %mul3A_5 = arith.constant 640 : i32
    %mul3A_6 = arith.muli %arg1, %mul3A_5 : i32
    %mul3A_7 = arith.constant 640 : i32
    %mul3A_8 = arith.muli %arg1, %mul3A_7 : i32
    "tpu.region"() ({
      %run_scoped3A_86 = tpu.sem_alloc : memref<!tpu.dma_semaphore, #tpu.memory_space<semaphore_mem>>
      %dma_start3A_87 = tpu.memref_slice %arg22[%mul3A_8] : memref<10240xf32, #tpu.memory_space<vmem_shared>> -> memref<640xf32, #tpu.memory_space<vmem_shared>>
      %dma_start3A_88 = tpu.memref_slice %arg9[%mul3A_6] : memref<10240xf32, #tpu.memory_space<hbm>> -> memref<640xf32, #tpu.memory_space<hbm>>
      tpu.enqueue_dma source(%dma_start3A_88 : memref<640xf32, #tpu.memory_space<hbm>>) target(%dma_start3A_87 : memref<640xf32, #tpu.memory_space<vmem_shared>>) target_semaphore(%run_scoped3A_86 : memref<!tpu.dma_semaphore, #tpu.memory_space<semaphore_mem>>)
      %dma_wait3A_89 = tpu.memref_slice %arg22[%mul3A_8] : memref<10240xf32, #tpu.memory_space<vmem_shared>> -> memref<640xf32, #tpu.memory_space<vmem_shared>>
      %dma_wait3A_90 = tpu.memref_slice %arg9[%mul3A_6] : memref<10240xf32, #tpu.memory_space<hbm>> -> memref<640xf32, #tpu.memory_space<hbm>>
      tpu.wait_dma2 semaphore(%run_scoped3A_86 : memref<!tpu.dma_semaphore, #tpu.memory_space<semaphore_mem>>) src(%dma_wait3A_90 : memref<640xf32, #tpu.memory_space<hbm>>) dst(%dma_wait3A_89 : memref<640xf32, #tpu.memory_space<vmem_shared>>)
      tpu.yield
    }) : () -> ()
    "tpu.region"() ({
      %run_scoped3A_86 = tpu.sem_alloc : memref<!tpu.dma_semaphore, #tpu.memory_space<semaphore_mem>>
      %dma_start3A_87 = arith.constant 0 : i32
      %dma_start3A_88 = arith.constant 0 : i32
      %dma_start3A_89 = tpu.memref_slice %arg5[%add3A, %dma_start3A_87, %dma_start3A_88] : memref<32x80x128xi32, #tpu.memory_space<hbm>> -> memref<1x80x128xi32, #tpu.memory_space<hbm>>
      %dma_start3A_90 = tpu.memref_squeeze %dma_start3A_89 : memref<1x80x128xi32, #tpu.memory_space<hbm>> -> memref<80x128xi32, #tpu.memory_space<hbm>>
      %dma_start3A_91 = arith.constant 0 : i32
      %dma_start3A_92 = arith.constant 0 : i32
      %dma_start3A_93 = tpu.memref_slice %arg5[%add3A, %dma_start3A_91, %dma_start3A_92] : memref<32x80x128xi32, #tpu.memory_space<hbm>> -> memref<1x80x128xi32, #tpu.memory_space<hbm>>
      %dma_start3A_94 = tpu.memref_squeeze %dma_start3A_93 : memref<1x80x128xi32, #tpu.memory_space<hbm>> -> memref<80x128xi32, #tpu.memory_space<hbm>>
      tpu.enqueue_dma source(%dma_start3A_94 : memref<80x128xi32, #tpu.memory_space<hbm>>) target(%arg17 : memref<80x128xi32, #tpu.memory_space<vmem>>) target_semaphore(%run_scoped3A_86 : memref<!tpu.dma_semaphore, #tpu.memory_space<semaphore_mem>>)
      %dma_wait3A_95 = arith.constant 0 : i32
      %dma_wait3A_96 = arith.constant 0 : i32
      %dma_wait3A_97 = tpu.memref_slice %arg5[%add3A, %dma_wait3A_95, %dma_wait3A_96] : memref<32x80x128xi32, #tpu.memory_space<hbm>> -> memref<1x80x128xi32, #tpu.memory_space<hbm>>
      %dma_wait3A_98 = tpu.memref_squeeze %dma_wait3A_97 : memref<1x80x128xi32, #tpu.memory_space<hbm>> -> memref<80x128xi32, #tpu.memory_space<hbm>>
      %dma_wait3A_99 = arith.constant 0 : i32
      %dma_wait3A_100 = arith.constant 0 : i32
      %dma_wait3A_101 = tpu.memref_slice %arg5[%add3A, %dma_wait3A_99, %dma_wait3A_100] : memref<32x80x128xi32, #tpu.memory_space<hbm>> -> memref<1x80x128xi32, #tpu.memory_space<hbm>>
      %dma_wait3A_102 = tpu.memref_squeeze %dma_wait3A_101 : memref<1x80x128xi32, #tpu.memory_space<hbm>> -> memref<80x128xi32, #tpu.memory_space<hbm>>
      tpu.wait_dma2 semaphore(%run_scoped3A_86 : memref<!tpu.dma_semaphore, #tpu.memory_space<semaphore_mem>>) src(%dma_wait3A_102 : memref<80x128xi32, #tpu.memory_space<hbm>>) dst(%arg17 : memref<80x128xi32, #tpu.memory_space<vmem>>)
      tpu.yield
    }) : () -> ()
    %barrier3A = arith.constant 0 : index
    tpu.barrier barrier_id(%barrier3A)
    %run_scoped3A = arith.constant 0 : i32
    "tpu.region"() ({
      %run_scoped3A_86 = tpu.sem_alloc : memref<!tpu.dma_semaphore, #tpu.memory_space<semaphore_mem>>
      %dma_start3A_87 = arith.constant 0 : i32
      %dma_start3A_88 = tpu.memref_slice %arg4[%add3A, %run_scoped3A, %dma_start3A_87] : memref<32x80x128xi32, #tpu.memory_space<hbm>> -> memref<1x1x128xi32, #tpu.memory_space<hbm>>
      %dma_start3A_89 = tpu.memref_squeeze %dma_start3A_88 : memref<1x1x128xi32, #tpu.memory_space<hbm>> -> memref<128xi32, #tpu.memory_space<hbm>>
      %dma_start3A_90 = arith.constant 0 : i32
      %dma_start3A_91 = tpu.memref_slice %arg4[%add3A, %run_scoped3A, %dma_start3A_90] : memref<32x80x128xi32, #tpu.memory_space<hbm>> -> memref<1x1x128xi32, #tpu.memory_space<hbm>>
      %dma_start3A_92 = tpu.memref_squeeze %dma_start3A_91 : memref<1x1x128xi32, #tpu.memory_space<hbm>> -> memref<128xi32, #tpu.memory_space<hbm>>
      tpu.enqueue_dma source(%dma_start3A_92 : memref<128xi32, #tpu.memory_space<hbm>>) target(%arg15 : memref<128xi32, #tpu.memory_space<vmem>>) target_semaphore(%run_scoped3A_86 : memref<!tpu.dma_semaphore, #tpu.memory_space<semaphore_mem>>)
      %dma_wait3A_93 = arith.constant 0 : i32
      %dma_wait3A_94 = tpu.memref_slice %arg4[%add3A, %run_scoped3A, %dma_wait3A_93] : memref<32x80x128xi32, #tpu.memory_space<hbm>> -> memref<1x1x128xi32, #tpu.memory_space<hbm>>
      %dma_wait3A_95 = tpu.memref_squeeze %dma_wait3A_94 : memref<1x1x128xi32, #tpu.memory_space<hbm>> -> memref<128xi32, #tpu.memory_space<hbm>>
      %dma_wait3A_96 = arith.constant 0 : i32
      %dma_wait3A_97 = tpu.memref_slice %arg4[%add3A, %run_scoped3A, %dma_wait3A_96] : memref<32x80x128xi32, #tpu.memory_space<hbm>> -> memref<1x1x128xi32, #tpu.memory_space<hbm>>
      %dma_wait3A_98 = tpu.memref_squeeze %dma_wait3A_97 : memref<1x1x128xi32, #tpu.memory_space<hbm>> -> memref<128xi32, #tpu.memory_space<hbm>>
      tpu.wait_dma2 semaphore(%run_scoped3A_86 : memref<!tpu.dma_semaphore, #tpu.memory_space<semaphore_mem>>) src(%dma_wait3A_98 : memref<128xi32, #tpu.memory_space<hbm>>) dst(%arg15 : memref<128xi32, #tpu.memory_space<vmem>>)
      tpu.yield
    }) : () -> ()
    %dma_start3A = arith.constant 0 : i32
    %dma_start3A_9 = arith.constant 0 : i32
    %dma_start3A_10 = tpu.memref_slice %arg2[%dma_start3A, %dma_start3A_9] : memref<10240x128xf32, #tpu.memory_space<hbm>> -> memref<10240x128xf32, #tpu.memory_space<hbm>>
    tpu.enqueue_indirect_dma source(%dma_start3A_10 : memref<10240x128xf32, #tpu.memory_space<hbm>>) target(%arg18 : memref<128x128xf32, #tpu.memory_space<vmem>>) offsets(%arg15 : memref<128xi32, #tpu.memory_space<vmem>>) semaphore(%arg23 : memref<!tpu.dma_semaphore, #tpu.memory_space<semaphore_mem>>)
    %run_scoped3A_11 = arith.constant 1 : i32
    "tpu.region"() ({
      %run_scoped3A_86 = tpu.sem_alloc : memref<!tpu.dma_semaphore, #tpu.memory_space<semaphore_mem>>
      %dma_start3A_87 = arith.constant 0 : i32
      %dma_start3A_88 = tpu.memref_slice %arg4[%add3A, %run_scoped3A_11, %dma_start3A_87] : memref<32x80x128xi32, #tpu.memory_space<hbm>> -> memref<1x1x128xi32, #tpu.memory_space<hbm>>
      %dma_start3A_89 = tpu.memref_squeeze %dma_start3A_88 : memref<1x1x128xi32, #tpu.memory_space<hbm>> -> memref<128xi32, #tpu.memory_space<hbm>>
      %dma_start3A_90 = arith.constant 0 : i32
      %dma_start3A_91 = tpu.memref_slice %arg4[%add3A, %run_scoped3A_11, %dma_start3A_90] : memref<32x80x128xi32, #tpu.memory_space<hbm>> -> memref<1x1x128xi32, #tpu.memory_space<hbm>>
      %dma_start3A_92 = tpu.memref_squeeze %dma_start3A_91 : memref<1x1x128xi32, #tpu.memory_space<hbm>> -> memref<128xi32, #tpu.memory_space<hbm>>
      tpu.enqueue_dma source(%dma_start3A_92 : memref<128xi32, #tpu.memory_space<hbm>>) target(%arg16 : memref<128xi32, #tpu.memory_space<vmem>>) target_semaphore(%run_scoped3A_86 : memref<!tpu.dma_semaphore, #tpu.memory_space<semaphore_mem>>)
      %dma_wait3A_93 = arith.constant 0 : i32
      %dma_wait3A_94 = tpu.memref_slice %arg4[%add3A, %run_scoped3A_11, %dma_wait3A_93] : memref<32x80x128xi32, #tpu.memory_space<hbm>> -> memref<1x1x128xi32, #tpu.memory_space<hbm>>
      %dma_wait3A_95 = tpu.memref_squeeze %dma_wait3A_94 : memref<1x1x128xi32, #tpu.memory_space<hbm>> -> memref<128xi32, #tpu.memory_space<hbm>>
      %dma_wait3A_96 = arith.constant 0 : i32
      %dma_wait3A_97 = tpu.memref_slice %arg4[%add3A, %run_scoped3A_11, %dma_wait3A_96] : memref<32x80x128xi32, #tpu.memory_space<hbm>> -> memref<1x1x128xi32, #tpu.memory_space<hbm>>
      %dma_wait3A_98 = tpu.memref_squeeze %dma_wait3A_97 : memref<1x1x128xi32, #tpu.memory_space<hbm>> -> memref<128xi32, #tpu.memory_space<hbm>>
      tpu.wait_dma2 semaphore(%run_scoped3A_86 : memref<!tpu.dma_semaphore, #tpu.memory_space<semaphore_mem>>) src(%dma_wait3A_98 : memref<128xi32, #tpu.memory_space<hbm>>) dst(%arg16 : memref<128xi32, #tpu.memory_space<vmem>>)
      tpu.yield
    }) : () -> ()
    %dma_start3A_12 = arith.constant 0 : i32
    %dma_start3A_13 = arith.constant 0 : i32
    %dma_start3A_14 = tpu.memref_slice %arg2[%dma_start3A_12, %dma_start3A_13] : memref<10240x128xf32, #tpu.memory_space<hbm>> -> memref<10240x128xf32, #tpu.memory_space<hbm>>
    tpu.enqueue_indirect_dma source(%dma_start3A_14 : memref<10240x128xf32, #tpu.memory_space<hbm>>) target(%arg19 : memref<128x128xf32, #tpu.memory_space<vmem>>) offsets(%arg16 : memref<128xi32, #tpu.memory_space<vmem>>) semaphore(%arg24 : memref<!tpu.dma_semaphore, #tpu.memory_space<semaphore_mem>>)
    %scan3A = arith.constant 0 : i32
    %scan3A_15 = arith.constant 0 : i32
    %scan3A_16 = arith.constant 40 : i32
    %scan3A_17 = arith.addi %scan3A_15, %scan3A_16 : i32
    %scan3A_18 = arith.constant 1 : i32
    scf.for %scan3A_86 = %scan3A_15 to %scan3A_17 step %scan3A_18  : i32 {
      %mul3A_87 = arith.constant 2 : i32
      %mul3A_88 = arith.muli %mul3A_87, %scan3A_86 : i32
      %mul3A_89 = arith.constant 2 : i32
      %mul3A_90 = arith.muli %mul3A_89, %scan3A_86 : i32
      %add3A_91 = arith.constant 1 : i32
      %add3A_92 = arith.addi %mul3A_90, %add3A_91 : i32
      %mul3A_93 = arith.constant 2 : i32
      %mul3A_94 = arith.muli %mul3A_93, %scan3A_86 : i32
      %add3A_95 = arith.constant 2 : i32
      %add3A_96 = arith.addi %mul3A_94, %add3A_95 : i32
      %rem3A = arith.constant 80 : i32
      %rem3A_97 = arith.remsi %add3A_96, %rem3A : i32
      %mul3A_98 = arith.constant 2 : i32
      %mul3A_99 = arith.muli %mul3A_98, %scan3A_86 : i32
      %add3A_100 = arith.constant 3 : i32
      %add3A_101 = arith.addi %mul3A_99, %add3A_100 : i32
      %rem3A_102 = arith.constant 80 : i32
      %rem3A_103 = arith.remsi %add3A_101, %rem3A_102 : i32
      %dma_wait3A_104 = arith.constant 0 : i32
      %dma_wait3A_105 = arith.constant 0 : i32
      %dma_wait3A_106 = tpu.memref_slice %arg2[%dma_wait3A_104, %dma_wait3A_105] : memref<10240x128xf32, #tpu.memory_space<hbm>> -> memref<10240x128xf32, #tpu.memory_space<hbm>>
      tpu.wait_indirect_dma semaphore(%arg23 : memref<!tpu.dma_semaphore, #tpu.memory_space<semaphore_mem>>) src(%dma_wait3A_106 : memref<10240x128xf32, #tpu.memory_space<hbm>>) dst(%arg18 : memref<128x128xf32, #tpu.memory_space<vmem>>)
      %dma_start3A_107 = arith.constant 0 : i32
      %dma_start3A_108 = tpu.memref_slice %arg17[%mul3A_88, %dma_start3A_107] : memref<80x128xi32, #tpu.memory_space<vmem>> -> memref<1x128xi32, #tpu.memory_space<vmem>>
      %dma_start3A_109 = tpu.memref_squeeze %dma_start3A_108 : memref<1x128xi32, #tpu.memory_space<vmem>> -> memref<128xi32, #tpu.memory_space<vmem>>
      %dma_start3A_110 = arith.constant 0 : i32
      %dma_start3A_111 = arith.constant 0 : i32
      %dma_start3A_112 = tpu.memref_slice %arg21[%dma_start3A_110, %dma_start3A_111] : memref<10240x128xf32, #tpu.memory_space<vmem_shared>> -> memref<10240x128xf32, #tpu.memory_space<vmem_shared>>
      tpu.enqueue_indirect_dma source(%arg18 : memref<128x128xf32, #tpu.memory_space<vmem>>) target(%dma_start3A_112 : memref<10240x128xf32, #tpu.memory_space<vmem_shared>>) offsets(%dma_start3A_109 : memref<128xi32, #tpu.memory_space<vmem>>) semaphore(%arg25 : memref<!tpu.dma_semaphore, #tpu.memory_space<semaphore_mem>>) {add = true}
      %dma_start3A_113 = arith.constant 0 : i32
      %dma_start3A_114 = tpu.memref_slice %arg17[%mul3A_88, %dma_start3A_113] : memref<80x128xi32, #tpu.memory_space<vmem>> -> memref<1x128xi32, #tpu.memory_space<vmem>>
      %dma_start3A_115 = tpu.memref_squeeze %dma_start3A_114 : memref<1x128xi32, #tpu.memory_space<vmem>> -> memref<128xi32, #tpu.memory_space<vmem>>
      %dma_start3A_116 = arith.constant 0 : i32
      %dma_start3A_117 = tpu.memref_slice %arg22[%dma_start3A_116] : memref<10240xf32, #tpu.memory_space<vmem_shared>> -> memref<10240xf32, #tpu.memory_space<vmem_shared>>
      tpu.enqueue_indirect_dma source(%arg20 : memref<128xf32, #tpu.memory_space<vmem>>) target(%dma_start3A_117 : memref<10240xf32, #tpu.memory_space<vmem_shared>>) offsets(%dma_start3A_115 : memref<128xi32, #tpu.memory_space<vmem>>) semaphore(%arg27 : memref<!tpu.dma_semaphore, #tpu.memory_space<semaphore_mem>>) {add = true}
      %dma_start3A_118 = arith.constant 0 : i32
      %dma_start3A_119 = tpu.memref_slice %arg4[%add3A, %rem3A_97, %dma_start3A_118] : memref<32x80x128xi32, #tpu.memory_space<hbm>> -> memref<1x1x128xi32, #tpu.memory_space<hbm>>
      %dma_start3A_120 = tpu.memref_squeeze %dma_start3A_119 : memref<1x1x128xi32, #tpu.memory_space<hbm>> -> memref<128xi32, #tpu.memory_space<hbm>>
      %dma_start3A_121 = arith.constant 0 : i32
      %dma_start3A_122 = tpu.memref_slice %arg4[%add3A, %rem3A_97, %dma_start3A_121] : memref<32x80x128xi32, #tpu.memory_space<hbm>> -> memref<1x1x128xi32, #tpu.memory_space<hbm>>
      %dma_start3A_123 = tpu.memref_squeeze %dma_start3A_122 : memref<1x1x128xi32, #tpu.memory_space<hbm>> -> memref<128xi32, #tpu.memory_space<hbm>>
      tpu.enqueue_dma source(%dma_start3A_123 : memref<128xi32, #tpu.memory_space<hbm>>) target(%arg15 : memref<128xi32, #tpu.memory_space<vmem>>) target_semaphore(%arg28 : memref<!tpu.dma_semaphore, #tpu.memory_space<semaphore_mem>>)
      %dma_wait3A_124 = arith.constant 0 : i32
      %dma_wait3A_125 = arith.constant 0 : i32
      %dma_wait3A_126 = tpu.memref_slice %arg2[%dma_wait3A_124, %dma_wait3A_125] : memref<10240x128xf32, #tpu.memory_space<hbm>> -> memref<10240x128xf32, #tpu.memory_space<hbm>>
      tpu.wait_indirect_dma semaphore(%arg24 : memref<!tpu.dma_semaphore, #tpu.memory_space<semaphore_mem>>) src(%dma_wait3A_126 : memref<10240x128xf32, #tpu.memory_space<hbm>>) dst(%arg19 : memref<128x128xf32, #tpu.memory_space<vmem>>)
      %dma_start3A_127 = arith.constant 0 : i32
      %dma_start3A_128 = tpu.memref_slice %arg17[%add3A_92, %dma_start3A_127] : memref<80x128xi32, #tpu.memory_space<vmem>> -> memref<1x128xi32, #tpu.memory_space<vmem>>
      %dma_start3A_129 = tpu.memref_squeeze %dma_start3A_128 : memref<1x128xi32, #tpu.memory_space<vmem>> -> memref<128xi32, #tpu.memory_space<vmem>>
      %dma_start3A_130 = arith.constant 0 : i32
      %dma_start3A_131 = arith.constant 0 : i32
      %dma_start3A_132 = tpu.memref_slice %arg21[%dma_start3A_130, %dma_start3A_131] : memref<10240x128xf32, #tpu.memory_space<vmem_shared>> -> memref<10240x128xf32, #tpu.memory_space<vmem_shared>>
      tpu.enqueue_indirect_dma source(%arg19 : memref<128x128xf32, #tpu.memory_space<vmem>>) target(%dma_start3A_132 : memref<10240x128xf32, #tpu.memory_space<vmem_shared>>) offsets(%dma_start3A_129 : memref<128xi32, #tpu.memory_space<vmem>>) semaphore(%arg26 : memref<!tpu.dma_semaphore, #tpu.memory_space<semaphore_mem>>) {add = true}
      %dma_start3A_133 = arith.constant 0 : i32
      %dma_start3A_134 = tpu.memref_slice %arg17[%add3A_92, %dma_start3A_133] : memref<80x128xi32, #tpu.memory_space<vmem>> -> memref<1x128xi32, #tpu.memory_space<vmem>>
      %dma_start3A_135 = tpu.memref_squeeze %dma_start3A_134 : memref<1x128xi32, #tpu.memory_space<vmem>> -> memref<128xi32, #tpu.memory_space<vmem>>
      %dma_start3A_136 = arith.constant 0 : i32
      %dma_start3A_137 = tpu.memref_slice %arg22[%dma_start3A_136] : memref<10240xf32, #tpu.memory_space<vmem_shared>> -> memref<10240xf32, #tpu.memory_space<vmem_shared>>
      tpu.enqueue_indirect_dma source(%arg20 : memref<128xf32, #tpu.memory_space<vmem>>) target(%dma_start3A_137 : memref<10240xf32, #tpu.memory_space<vmem_shared>>) offsets(%dma_start3A_135 : memref<128xi32, #tpu.memory_space<vmem>>) semaphore(%arg27 : memref<!tpu.dma_semaphore, #tpu.memory_space<semaphore_mem>>) {add = true}
      %dma_start3A_138 = arith.constant 0 : i32
      %dma_start3A_139 = tpu.memref_slice %arg4[%add3A, %rem3A_103, %dma_start3A_138] : memref<32x80x128xi32, #tpu.memory_space<hbm>> -> memref<1x1x128xi32, #tpu.memory_space<hbm>>
      %dma_start3A_140 = tpu.memref_squeeze %dma_start3A_139 : memref<1x1x128xi32, #tpu.memory_space<hbm>> -> memref<128xi32, #tpu.memory_space<hbm>>
      %dma_start3A_141 = arith.constant 0 : i32
      %dma_start3A_142 = tpu.memref_slice %arg4[%add3A, %rem3A_103, %dma_start3A_141] : memref<32x80x128xi32, #tpu.memory_space<hbm>> -> memref<1x1x128xi32, #tpu.memory_space<hbm>>
      %dma_start3A_143 = tpu.memref_squeeze %dma_start3A_142 : memref<1x1x128xi32, #tpu.memory_space<hbm>> -> memref<128xi32, #tpu.memory_space<hbm>>
      tpu.enqueue_dma source(%dma_start3A_143 : memref<128xi32, #tpu.memory_space<hbm>>) target(%arg16 : memref<128xi32, #tpu.memory_space<vmem>>) target_semaphore(%arg29 : memref<!tpu.dma_semaphore, #tpu.memory_space<semaphore_mem>>)
      %dma_wait3A_144 = arith.constant 0 : i32
      %dma_wait3A_145 = tpu.memref_slice %arg17[%mul3A_88, %dma_wait3A_144] : memref<80x128xi32, #tpu.memory_space<vmem>> -> memref<1x128xi32, #tpu.memory_space<vmem>>
      %dma_wait3A_146 = tpu.memref_squeeze %dma_wait3A_145 : memref<1x128xi32, #tpu.memory_space<vmem>> -> memref<128xi32, #tpu.memory_space<vmem>>
      %dma_wait3A_147 = arith.constant 0 : i32
      %dma_wait3A_148 = arith.constant 0 : i32
      %dma_wait3A_149 = tpu.memref_slice %arg21[%dma_wait3A_147, %dma_wait3A_148] : memref<10240x128xf32, #tpu.memory_space<vmem_shared>> -> memref<10240x128xf32, #tpu.memory_space<vmem_shared>>
      tpu.wait_indirect_dma semaphore(%arg25 : memref<!tpu.dma_semaphore, #tpu.memory_space<semaphore_mem>>) src(%arg18 : memref<128x128xf32, #tpu.memory_space<vmem>>) dst(%dma_wait3A_149 : memref<10240x128xf32, #tpu.memory_space<vmem_shared>>)
      %dma_wait3A_150 = arith.constant 0 : i32
      %dma_wait3A_151 = tpu.memref_slice %arg4[%add3A, %rem3A_97, %dma_wait3A_150] : memref<32x80x128xi32, #tpu.memory_space<hbm>> -> memref<1x1x128xi32, #tpu.memory_space<hbm>>
      %dma_wait3A_152 = tpu.memref_squeeze %dma_wait3A_151 : memref<1x1x128xi32, #tpu.memory_space<hbm>> -> memref<128xi32, #tpu.memory_space<hbm>>
      %dma_wait3A_153 = arith.constant 0 : i32
      %dma_wait3A_154 = tpu.memref_slice %arg4[%add3A, %rem3A_97, %dma_wait3A_153] : memref<32x80x128xi32, #tpu.memory_space<hbm>> -> memref<1x1x128xi32, #tpu.memory_space<hbm>>
      %dma_wait3A_155 = tpu.memref_squeeze %dma_wait3A_154 : memref<1x1x128xi32, #tpu.memory_space<hbm>> -> memref<128xi32, #tpu.memory_space<hbm>>
      tpu.wait_dma2 semaphore(%arg28 : memref<!tpu.dma_semaphore, #tpu.memory_space<semaphore_mem>>) src(%dma_wait3A_155 : memref<128xi32, #tpu.memory_space<hbm>>) dst(%arg15 : memref<128xi32, #tpu.memory_space<vmem>>)
      %dma_start3A_156 = arith.constant 0 : i32
      %dma_start3A_157 = arith.constant 0 : i32
      %dma_start3A_158 = tpu.memref_slice %arg2[%dma_start3A_156, %dma_start3A_157] : memref<10240x128xf32, #tpu.memory_space<hbm>> -> memref<10240x128xf32, #tpu.memory_space<hbm>>
      tpu.enqueue_indirect_dma source(%dma_start3A_158 : memref<10240x128xf32, #tpu.memory_space<hbm>>) target(%arg18 : memref<128x128xf32, #tpu.memory_space<vmem>>) offsets(%arg15 : memref<128xi32, #tpu.memory_space<vmem>>) semaphore(%arg23 : memref<!tpu.dma_semaphore, #tpu.memory_space<semaphore_mem>>)
      %dma_wait3A_159 = arith.constant 0 : i32
      %dma_wait3A_160 = tpu.memref_slice %arg17[%add3A_92, %dma_wait3A_159] : memref<80x128xi32, #tpu.memory_space<vmem>> -> memref<1x128xi32, #tpu.memory_space<vmem>>
      %dma_wait3A_161 = tpu.memref_squeeze %dma_wait3A_160 : memref<1x128xi32, #tpu.memory_space<vmem>> -> memref<128xi32, #tpu.memory_space<vmem>>
      %dma_wait3A_162 = arith.constant 0 : i32
      %dma_wait3A_163 = arith.constant 0 : i32
      %dma_wait3A_164 = tpu.memref_slice %arg21[%dma_wait3A_162, %dma_wait3A_163] : memref<10240x128xf32, #tpu.memory_space<vmem_shared>> -> memref<10240x128xf32, #tpu.memory_space<vmem_shared>>
      tpu.wait_indirect_dma semaphore(%arg26 : memref<!tpu.dma_semaphore, #tpu.memory_space<semaphore_mem>>) src(%arg19 : memref<128x128xf32, #tpu.memory_space<vmem>>) dst(%dma_wait3A_164 : memref<10240x128xf32, #tpu.memory_space<vmem_shared>>)
      %dma_wait3A_165 = arith.constant 0 : i32
      %dma_wait3A_166 = tpu.memref_slice %arg4[%add3A, %rem3A_103, %dma_wait3A_165] : memref<32x80x128xi32, #tpu.memory_space<hbm>> -> memref<1x1x128xi32, #tpu.memory_space<hbm>>
      %dma_wait3A_167 = tpu.memref_squeeze %dma_wait3A_166 : memref<1x1x128xi32, #tpu.memory_space<hbm>> -> memref<128xi32, #tpu.memory_space<hbm>>
      %dma_wait3A_168 = arith.constant 0 : i32
      %dma_wait3A_169 = tpu.memref_slice %arg4[%add3A, %rem3A_103, %dma_wait3A_168] : memref<32x80x128xi32, #tpu.memory_space<hbm>> -> memref<1x1x128xi32, #tpu.memory_space<hbm>>
      %dma_wait3A_170 = tpu.memref_squeeze %dma_wait3A_169 : memref<1x1x128xi32, #tpu.memory_space<hbm>> -> memref<128xi32, #tpu.memory_space<hbm>>
      tpu.wait_dma2 semaphore(%arg29 : memref<!tpu.dma_semaphore, #tpu.memory_space<semaphore_mem>>) src(%dma_wait3A_170 : memref<128xi32, #tpu.memory_space<hbm>>) dst(%arg16 : memref<128xi32, #tpu.memory_space<vmem>>)
      %dma_start3A_171 = arith.constant 0 : i32
      %dma_start3A_172 = arith.constant 0 : i32
      %dma_start3A_173 = tpu.memref_slice %arg2[%dma_start3A_171, %dma_start3A_172] : memref<10240x128xf32, #tpu.memory_space<hbm>> -> memref<10240x128xf32, #tpu.memory_space<hbm>>
      tpu.enqueue_indirect_dma source(%dma_start3A_173 : memref<10240x128xf32, #tpu.memory_space<hbm>>) target(%arg19 : memref<128x128xf32, #tpu.memory_space<vmem>>) offsets(%arg16 : memref<128xi32, #tpu.memory_space<vmem>>) semaphore(%arg24 : memref<!tpu.dma_semaphore, #tpu.memory_space<semaphore_mem>>)
    }
    %scan3A_19 = arith.constant 40 : i32
    %dma_wait3A = arith.constant 0 : i32
    %dma_wait3A_20 = arith.constant 0 : i32
    %dma_wait3A_21 = tpu.memref_slice %arg2[%dma_wait3A, %dma_wait3A_20] : memref<10240x128xf32, #tpu.memory_space<hbm>> -> memref<10240x128xf32, #tpu.memory_space<hbm>>
    tpu.wait_indirect_dma semaphore(%arg23 : memref<!tpu.dma_semaphore, #tpu.memory_space<semaphore_mem>>) src(%dma_wait3A_21 : memref<10240x128xf32, #tpu.memory_space<hbm>>) dst(%arg18 : memref<128x128xf32, #tpu.memory_space<vmem>>)
    %dma_wait3A_22 = arith.constant 0 : i32
    %dma_wait3A_23 = arith.constant 0 : i32
    %dma_wait3A_24 = tpu.memref_slice %arg2[%dma_wait3A_22, %dma_wait3A_23] : memref<10240x128xf32, #tpu.memory_space<hbm>> -> memref<10240x128xf32, #tpu.memory_space<hbm>>
    tpu.wait_indirect_dma semaphore(%arg24 : memref<!tpu.dma_semaphore, #tpu.memory_space<semaphore_mem>>) src(%dma_wait3A_24 : memref<10240x128xf32, #tpu.memory_space<hbm>>) dst(%arg19 : memref<128x128xf32, #tpu.memory_space<vmem>>)
    %scan3A_25 = arith.constant 0 : i32
    %scan3A_26 = arith.constant 0 : i32
    %scan3A_27 = arith.constant 80 : i32
    %scan3A_28 = arith.addi %scan3A_26, %scan3A_27 : i32
    %scan3A_29 = arith.constant 1 : i32
    scf.for %scan3A_86 = %scan3A_26 to %scan3A_28 step %scan3A_29  : i32 {
      %dma_wait3A_87 = arith.constant 0 : i32
      %dma_wait3A_88 = arith.constant 0 : i32
      %dma_wait3A_89 = tpu.memref_slice %arg17[%dma_wait3A_87, %dma_wait3A_88] : memref<80x128xi32, #tpu.memory_space<vmem>> -> memref<1x128xi32, #tpu.memory_space<vmem>>
      %dma_wait3A_90 = tpu.memref_squeeze %dma_wait3A_89 : memref<1x128xi32, #tpu.memory_space<vmem>> -> memref<128xi32, #tpu.memory_space<vmem>>
      %dma_wait3A_91 = arith.constant 0 : i32
      %dma_wait3A_92 = tpu.memref_slice %arg22[%dma_wait3A_91] : memref<10240xf32, #tpu.memory_space<vmem_shared>> -> memref<10240xf32, #tpu.memory_space<vmem_shared>>
      tpu.wait_indirect_dma semaphore(%arg27 : memref<!tpu.dma_semaphore, #tpu.memory_space<semaphore_mem>>) src(%arg20 : memref<128xf32, #tpu.memory_space<vmem>>) dst(%dma_wait3A_92 : memref<10240xf32, #tpu.memory_space<vmem_shared>>)
    }
    %scan3A_30 = arith.constant 80 : i32
    %barrier3A_31 = arith.constant 0 : index
    tpu.barrier barrier_id(%barrier3A_31)
    %mul3A_32 = arith.constant 640 : i32
    %mul3A_33 = arith.muli %arg1, %mul3A_32 : i32
    %mul3A_34 = arith.constant 640 : i32
    %mul3A_35 = arith.muli %arg1, %mul3A_34 : i32
    "tpu.region"() ({
      %run_scoped3A_86 = tpu.sem_alloc : memref<!tpu.dma_semaphore, #tpu.memory_space<semaphore_mem>>
      %dma_start3A_87 = arith.constant 0 : i32
      %dma_start3A_88 = tpu.memref_slice %arg11[%arg0, %mul3A_35, %dma_start3A_87] : memref<2x10240x128xf32, #tpu.memory_space<hbm>> -> memref<1x640x128xf32, #tpu.memory_space<hbm>>
      %dma_start3A_89 = tpu.memref_squeeze %dma_start3A_88 : memref<1x640x128xf32, #tpu.memory_space<hbm>> -> memref<640x128xf32, #tpu.memory_space<hbm>>
      %dma_start3A_90 = arith.constant 0 : i32
      %dma_start3A_91 = tpu.memref_slice %arg21[%mul3A_33, %dma_start3A_90] : memref<10240x128xf32, #tpu.memory_space<vmem_shared>> -> memref<640x128xf32, #tpu.memory_space<vmem_shared>>
      tpu.enqueue_dma source(%dma_start3A_91 : memref<640x128xf32, #tpu.memory_space<vmem_shared>>) target(%dma_start3A_89 : memref<640x128xf32, #tpu.memory_space<hbm>>) target_semaphore(%run_scoped3A_86 : memref<!tpu.dma_semaphore, #tpu.memory_space<semaphore_mem>>)
      %dma_wait3A_92 = arith.constant 0 : i32
      %dma_wait3A_93 = tpu.memref_slice %arg11[%arg0, %mul3A_35, %dma_wait3A_92] : memref<2x10240x128xf32, #tpu.memory_space<hbm>> -> memref<1x640x128xf32, #tpu.memory_space<hbm>>
      %dma_wait3A_94 = tpu.memref_squeeze %dma_wait3A_93 : memref<1x640x128xf32, #tpu.memory_space<hbm>> -> memref<640x128xf32, #tpu.memory_space<hbm>>
      %dma_wait3A_95 = arith.constant 0 : i32
      %dma_wait3A_96 = tpu.memref_slice %arg21[%mul3A_33, %dma_wait3A_95] : memref<10240x128xf32, #tpu.memory_space<vmem_shared>> -> memref<640x128xf32, #tpu.memory_space<vmem_shared>>
      tpu.wait_dma2 semaphore(%run_scoped3A_86 : memref<!tpu.dma_semaphore, #tpu.memory_space<semaphore_mem>>) src(%dma_wait3A_96 : memref<640x128xf32, #tpu.memory_space<vmem_shared>>) dst(%dma_wait3A_94 : memref<640x128xf32, #tpu.memory_space<hbm>>)
      tpu.yield
    }) : () -> ()
    %mul3A_36 = arith.constant 640 : i32
    %mul3A_37 = arith.muli %arg1, %mul3A_36 : i32
    %mul3A_38 = arith.constant 640 : i32
    %mul3A_39 = arith.muli %arg1, %mul3A_38 : i32
    "tpu.region"() ({
      %run_scoped3A_86 = tpu.sem_alloc : memref<!tpu.dma_semaphore, #tpu.memory_space<semaphore_mem>>
      %dma_start3A_87 = tpu.memref_slice %arg13[%arg0, %mul3A_39] : memref<2x10240xf32, #tpu.memory_space<hbm>> -> memref<1x640xf32, #tpu.memory_space<hbm>>
      %dma_start3A_88 = tpu.memref_squeeze %dma_start3A_87 : memref<1x640xf32, #tpu.memory_space<hbm>> -> memref<640xf32, #tpu.memory_space<hbm>>
      %dma_start3A_89 = tpu.memref_slice %arg22[%mul3A_37] : memref<10240xf32, #tpu.memory_space<vmem_shared>> -> memref<640xf32, #tpu.memory_space<vmem_shared>>
      tpu.enqueue_dma source(%dma_start3A_89 : memref<640xf32, #tpu.memory_space<vmem_shared>>) target(%dma_start3A_88 : memref<640xf32, #tpu.memory_space<hbm>>) target_semaphore(%run_scoped3A_86 : memref<!tpu.dma_semaphore, #tpu.memory_space<semaphore_mem>>)
      %dma_wait3A_90 = tpu.memref_slice %arg13[%arg0, %mul3A_39] : memref<2x10240xf32, #tpu.memory_space<hbm>> -> memref<1x640xf32, #tpu.memory_space<hbm>>
      %dma_wait3A_91 = tpu.memref_squeeze %dma_wait3A_90 : memref<1x640xf32, #tpu.memory_space<hbm>> -> memref<640xf32, #tpu.memory_space<hbm>>
      %dma_wait3A_92 = tpu.memref_slice %arg22[%mul3A_37] : memref<10240xf32, #tpu.memory_space<vmem_shared>> -> memref<640xf32, #tpu.memory_space<vmem_shared>>
      tpu.wait_dma2 semaphore(%run_scoped3A_86 : memref<!tpu.dma_semaphore, #tpu.memory_space<semaphore_mem>>) src(%dma_wait3A_92 : memref<640xf32, #tpu.memory_space<vmem_shared>>) dst(%dma_wait3A_91 : memref<640xf32, #tpu.memory_space<hbm>>)
      tpu.yield
    }) : () -> ()
    %barrier3A_40 = arith.constant 0 : index
    tpu.barrier barrier_id(%barrier3A_40)
    %mul3A_41 = arith.constant 640 : i32
    %mul3A_42 = arith.muli %arg1, %mul3A_41 : i32
    %mul3A_43 = arith.constant 640 : i32
    %mul3A_44 = arith.muli %arg1, %mul3A_43 : i32
    "tpu.region"() ({
      %run_scoped3A_86 = tpu.sem_alloc : memref<!tpu.dma_semaphore, #tpu.memory_space<semaphore_mem>>
      %dma_start3A_87 = arith.constant 0 : i32
      %dma_start3A_88 = tpu.memref_slice %arg21[%mul3A_44, %dma_start3A_87] : memref<10240x128xf32, #tpu.memory_space<vmem_shared>> -> memref<640x128xf32, #tpu.memory_space<vmem_shared>>
      %dma_start3A_89 = arith.constant 0 : i32
      %dma_start3A_90 = tpu.memref_slice %arg8[%mul3A_42, %dma_start3A_89] : memref<10240x128xf32, #tpu.memory_space<hbm>> -> memref<640x128xf32, #tpu.memory_space<hbm>>
      tpu.enqueue_dma source(%dma_start3A_90 : memref<640x128xf32, #tpu.memory_space<hbm>>) target(%dma_start3A_88 : memref<640x128xf32, #tpu.memory_space<vmem_shared>>) target_semaphore(%run_scoped3A_86 : memref<!tpu.dma_semaphore, #tpu.memory_space<semaphore_mem>>)
      %dma_wait3A_91 = arith.constant 0 : i32
      %dma_wait3A_92 = tpu.memref_slice %arg21[%mul3A_44, %dma_wait3A_91] : memref<10240x128xf32, #tpu.memory_space<vmem_shared>> -> memref<640x128xf32, #tpu.memory_space<vmem_shared>>
      %dma_wait3A_93 = arith.constant 0 : i32
      %dma_wait3A_94 = tpu.memref_slice %arg8[%mul3A_42, %dma_wait3A_93] : memref<10240x128xf32, #tpu.memory_space<hbm>> -> memref<640x128xf32, #tpu.memory_space<hbm>>
      tpu.wait_dma2 semaphore(%run_scoped3A_86 : memref<!tpu.dma_semaphore, #tpu.memory_space<semaphore_mem>>) src(%dma_wait3A_94 : memref<640x128xf32, #tpu.memory_space<hbm>>) dst(%dma_wait3A_92 : memref<640x128xf32, #tpu.memory_space<vmem_shared>>)
      tpu.yield
    }) : () -> ()
    %mul3A_45 = arith.constant 640 : i32
    %mul3A_46 = arith.muli %arg1, %mul3A_45 : i32
    %mul3A_47 = arith.constant 640 : i32
    %mul3A_48 = arith.muli %arg1, %mul3A_47 : i32
    "tpu.region"() ({
      %run_scoped3A_86 = tpu.sem_alloc : memref<!tpu.dma_semaphore, #tpu.memory_space<semaphore_mem>>
      %dma_start3A_87 = tpu.memref_slice %arg22[%mul3A_48] : memref<10240xf32, #tpu.memory_space<vmem_shared>> -> memref<640xf32, #tpu.memory_space<vmem_shared>>
      %dma_start3A_88 = tpu.memref_slice %arg9[%mul3A_46] : memref<10240xf32, #tpu.memory_space<hbm>> -> memref<640xf32, #tpu.memory_space<hbm>>
      tpu.enqueue_dma source(%dma_start3A_88 : memref<640xf32, #tpu.memory_space<hbm>>) target(%dma_start3A_87 : memref<640xf32, #tpu.memory_space<vmem_shared>>) target_semaphore(%run_scoped3A_86 : memref<!tpu.dma_semaphore, #tpu.memory_space<semaphore_mem>>)
      %dma_wait3A_89 = tpu.memref_slice %arg22[%mul3A_48] : memref<10240xf32, #tpu.memory_space<vmem_shared>> -> memref<640xf32, #tpu.memory_space<vmem_shared>>
      %dma_wait3A_90 = tpu.memref_slice %arg9[%mul3A_46] : memref<10240xf32, #tpu.memory_space<hbm>> -> memref<640xf32, #tpu.memory_space<hbm>>
      tpu.wait_dma2 semaphore(%run_scoped3A_86 : memref<!tpu.dma_semaphore, #tpu.memory_space<semaphore_mem>>) src(%dma_wait3A_90 : memref<640xf32, #tpu.memory_space<hbm>>) dst(%dma_wait3A_89 : memref<640xf32, #tpu.memory_space<vmem_shared>>)
      tpu.yield
    }) : () -> ()
    "tpu.region"() ({
      %run_scoped3A_86 = tpu.sem_alloc : memref<!tpu.dma_semaphore, #tpu.memory_space<semaphore_mem>>
      %dma_start3A_87 = arith.constant 0 : i32
      %dma_start3A_88 = arith.constant 0 : i32
      %dma_start3A_89 = tpu.memref_slice %arg7[%add3A, %dma_start3A_87, %dma_start3A_88] : memref<32x80x128xi32, #tpu.memory_space<hbm>> -> memref<1x80x128xi32, #tpu.memory_space<hbm>>
      %dma_start3A_90 = tpu.memref_squeeze %dma_start3A_89 : memref<1x80x128xi32, #tpu.memory_space<hbm>> -> memref<80x128xi32, #tpu.memory_space<hbm>>
      %dma_start3A_91 = arith.constant 0 : i32
      %dma_start3A_92 = arith.constant 0 : i32
      %dma_start3A_93 = tpu.memref_slice %arg7[%add3A, %dma_start3A_91, %dma_start3A_92] : memref<32x80x128xi32, #tpu.memory_space<hbm>> -> memref<1x80x128xi32, #tpu.memory_space<hbm>>
      %dma_start3A_94 = tpu.memref_squeeze %dma_start3A_93 : memref<1x80x128xi32, #tpu.memory_space<hbm>> -> memref<80x128xi32, #tpu.memory_space<hbm>>
      tpu.enqueue_dma source(%dma_start3A_94 : memref<80x128xi32, #tpu.memory_space<hbm>>) target(%arg17 : memref<80x128xi32, #tpu.memory_space<vmem>>) target_semaphore(%run_scoped3A_86 : memref<!tpu.dma_semaphore, #tpu.memory_space<semaphore_mem>>)
      %dma_wait3A_95 = arith.constant 0 : i32
      %dma_wait3A_96 = arith.constant 0 : i32
      %dma_wait3A_97 = tpu.memref_slice %arg7[%add3A, %dma_wait3A_95, %dma_wait3A_96] : memref<32x80x128xi32, #tpu.memory_space<hbm>> -> memref<1x80x128xi32, #tpu.memory_space<hbm>>
      %dma_wait3A_98 = tpu.memref_squeeze %dma_wait3A_97 : memref<1x80x128xi32, #tpu.memory_space<hbm>> -> memref<80x128xi32, #tpu.memory_space<hbm>>
      %dma_wait3A_99 = arith.constant 0 : i32
      %dma_wait3A_100 = arith.constant 0 : i32
      %dma_wait3A_101 = tpu.memref_slice %arg7[%add3A, %dma_wait3A_99, %dma_wait3A_100] : memref<32x80x128xi32, #tpu.memory_space<hbm>> -> memref<1x80x128xi32, #tpu.memory_space<hbm>>
      %dma_wait3A_102 = tpu.memref_squeeze %dma_wait3A_101 : memref<1x80x128xi32, #tpu.memory_space<hbm>> -> memref<80x128xi32, #tpu.memory_space<hbm>>
      tpu.wait_dma2 semaphore(%run_scoped3A_86 : memref<!tpu.dma_semaphore, #tpu.memory_space<semaphore_mem>>) src(%dma_wait3A_102 : memref<80x128xi32, #tpu.memory_space<hbm>>) dst(%arg17 : memref<80x128xi32, #tpu.memory_space<vmem>>)
      tpu.yield
    }) : () -> ()
    %barrier3A_49 = arith.constant 0 : index
    tpu.barrier barrier_id(%barrier3A_49)
    %run_scoped3A_50 = arith.constant 0 : i32
    "tpu.region"() ({
      %run_scoped3A_86 = tpu.sem_alloc : memref<!tpu.dma_semaphore, #tpu.memory_space<semaphore_mem>>
      %dma_start3A_87 = arith.constant 0 : i32
      %dma_start3A_88 = tpu.memref_slice %arg6[%add3A, %run_scoped3A_50, %dma_start3A_87] : memref<32x80x128xi32, #tpu.memory_space<hbm>> -> memref<1x1x128xi32, #tpu.memory_space<hbm>>
      %dma_start3A_89 = tpu.memref_squeeze %dma_start3A_88 : memref<1x1x128xi32, #tpu.memory_space<hbm>> -> memref<128xi32, #tpu.memory_space<hbm>>
      %dma_start3A_90 = arith.constant 0 : i32
      %dma_start3A_91 = tpu.memref_slice %arg6[%add3A, %run_scoped3A_50, %dma_start3A_90] : memref<32x80x128xi32, #tpu.memory_space<hbm>> -> memref<1x1x128xi32, #tpu.memory_space<hbm>>
      %dma_start3A_92 = tpu.memref_squeeze %dma_start3A_91 : memref<1x1x128xi32, #tpu.memory_space<hbm>> -> memref<128xi32, #tpu.memory_space<hbm>>
      tpu.enqueue_dma source(%dma_start3A_92 : memref<128xi32, #tpu.memory_space<hbm>>) target(%arg15 : memref<128xi32, #tpu.memory_space<vmem>>) target_semaphore(%run_scoped3A_86 : memref<!tpu.dma_semaphore, #tpu.memory_space<semaphore_mem>>)
      %dma_wait3A_93 = arith.constant 0 : i32
      %dma_wait3A_94 = tpu.memref_slice %arg6[%add3A, %run_scoped3A_50, %dma_wait3A_93] : memref<32x80x128xi32, #tpu.memory_space<hbm>> -> memref<1x1x128xi32, #tpu.memory_space<hbm>>
      %dma_wait3A_95 = tpu.memref_squeeze %dma_wait3A_94 : memref<1x1x128xi32, #tpu.memory_space<hbm>> -> memref<128xi32, #tpu.memory_space<hbm>>
      %dma_wait3A_96 = arith.constant 0 : i32
      %dma_wait3A_97 = tpu.memref_slice %arg6[%add3A, %run_scoped3A_50, %dma_wait3A_96] : memref<32x80x128xi32, #tpu.memory_space<hbm>> -> memref<1x1x128xi32, #tpu.memory_space<hbm>>
      %dma_wait3A_98 = tpu.memref_squeeze %dma_wait3A_97 : memref<1x1x128xi32, #tpu.memory_space<hbm>> -> memref<128xi32, #tpu.memory_space<hbm>>
      tpu.wait_dma2 semaphore(%run_scoped3A_86 : memref<!tpu.dma_semaphore, #tpu.memory_space<semaphore_mem>>) src(%dma_wait3A_98 : memref<128xi32, #tpu.memory_space<hbm>>) dst(%arg15 : memref<128xi32, #tpu.memory_space<vmem>>)
      tpu.yield
    }) : () -> ()
    %dma_start3A_51 = arith.constant 0 : i32
    %dma_start3A_52 = arith.constant 0 : i32
    %dma_start3A_53 = tpu.memref_slice %arg3[%dma_start3A_51, %dma_start3A_52] : memref<10240x128xf32, #tpu.memory_space<hbm>> -> memref<10240x128xf32, #tpu.memory_space<hbm>>
    tpu.enqueue_indirect_dma source(%dma_start3A_53 : memref<10240x128xf32, #tpu.memory_space<hbm>>) target(%arg18 : memref<128x128xf32, #tpu.memory_space<vmem>>) offsets(%arg15 : memref<128xi32, #tpu.memory_space<vmem>>) semaphore(%arg23 : memref<!tpu.dma_semaphore, #tpu.memory_space<semaphore_mem>>)
    %run_scoped3A_54 = arith.constant 1 : i32
    "tpu.region"() ({
      %run_scoped3A_86 = tpu.sem_alloc : memref<!tpu.dma_semaphore, #tpu.memory_space<semaphore_mem>>
      %dma_start3A_87 = arith.constant 0 : i32
      %dma_start3A_88 = tpu.memref_slice %arg6[%add3A, %run_scoped3A_54, %dma_start3A_87] : memref<32x80x128xi32, #tpu.memory_space<hbm>> -> memref<1x1x128xi32, #tpu.memory_space<hbm>>
      %dma_start3A_89 = tpu.memref_squeeze %dma_start3A_88 : memref<1x1x128xi32, #tpu.memory_space<hbm>> -> memref<128xi32, #tpu.memory_space<hbm>>
      %dma_start3A_90 = arith.constant 0 : i32
      %dma_start3A_91 = tpu.memref_slice %arg6[%add3A, %run_scoped3A_54, %dma_start3A_90] : memref<32x80x128xi32, #tpu.memory_space<hbm>> -> memref<1x1x128xi32, #tpu.memory_space<hbm>>
      %dma_start3A_92 = tpu.memref_squeeze %dma_start3A_91 : memref<1x1x128xi32, #tpu.memory_space<hbm>> -> memref<128xi32, #tpu.memory_space<hbm>>
      tpu.enqueue_dma source(%dma_start3A_92 : memref<128xi32, #tpu.memory_space<hbm>>) target(%arg16 : memref<128xi32, #tpu.memory_space<vmem>>) target_semaphore(%run_scoped3A_86 : memref<!tpu.dma_semaphore, #tpu.memory_space<semaphore_mem>>)
      %dma_wait3A_93 = arith.constant 0 : i32
      %dma_wait3A_94 = tpu.memref_slice %arg6[%add3A, %run_scoped3A_54, %dma_wait3A_93] : memref<32x80x128xi32, #tpu.memory_space<hbm>> -> memref<1x1x128xi32, #tpu.memory_space<hbm>>
      %dma_wait3A_95 = tpu.memref_squeeze %dma_wait3A_94 : memref<1x1x128xi32, #tpu.memory_space<hbm>> -> memref<128xi32, #tpu.memory_space<hbm>>
      %dma_wait3A_96 = arith.constant 0 : i32
      %dma_wait3A_97 = tpu.memref_slice %arg6[%add3A, %run_scoped3A_54, %dma_wait3A_96] : memref<32x80x128xi32, #tpu.memory_space<hbm>> -> memref<1x1x128xi32, #tpu.memory_space<hbm>>
      %dma_wait3A_98 = tpu.memref_squeeze %dma_wait3A_97 : memref<1x1x128xi32, #tpu.memory_space<hbm>> -> memref<128xi32, #tpu.memory_space<hbm>>
      tpu.wait_dma2 semaphore(%run_scoped3A_86 : memref<!tpu.dma_semaphore, #tpu.memory_space<semaphore_mem>>) src(%dma_wait3A_98 : memref<128xi32, #tpu.memory_space<hbm>>) dst(%arg16 : memref<128xi32, #tpu.memory_space<vmem>>)
      tpu.yield
    }) : () -> ()
    %dma_start3A_55 = arith.constant 0 : i32
    %dma_start3A_56 = arith.constant 0 : i32
    %dma_start3A_57 = tpu.memref_slice %arg3[%dma_start3A_55, %dma_start3A_56] : memref<10240x128xf32, #tpu.memory_space<hbm>> -> memref<10240x128xf32, #tpu.memory_space<hbm>>
    tpu.enqueue_indirect_dma source(%dma_start3A_57 : memref<10240x128xf32, #tpu.memory_space<hbm>>) target(%arg19 : memref<128x128xf32, #tpu.memory_space<vmem>>) offsets(%arg16 : memref<128xi32, #tpu.memory_space<vmem>>) semaphore(%arg24 : memref<!tpu.dma_semaphore, #tpu.memory_space<semaphore_mem>>)
    %scan3A_58 = arith.constant 0 : i32
    %scan3A_59 = arith.constant 0 : i32
    %scan3A_60 = arith.constant 40 : i32
    %scan3A_61 = arith.addi %scan3A_59, %scan3A_60 : i32
    %scan3A_62 = arith.constant 1 : i32
    scf.for %scan3A_86 = %scan3A_59 to %scan3A_61 step %scan3A_62  : i32 {
      %mul3A_87 = arith.constant 2 : i32
      %mul3A_88 = arith.muli %mul3A_87, %scan3A_86 : i32
      %mul3A_89 = arith.constant 2 : i32
      %mul3A_90 = arith.muli %mul3A_89, %scan3A_86 : i32
      %add3A_91 = arith.constant 1 : i32
      %add3A_92 = arith.addi %mul3A_90, %add3A_91 : i32
      %mul3A_93 = arith.constant 2 : i32
      %mul3A_94 = arith.muli %mul3A_93, %scan3A_86 : i32
      %add3A_95 = arith.constant 2 : i32
      %add3A_96 = arith.addi %mul3A_94, %add3A_95 : i32
      %rem3A = arith.constant 80 : i32
      %rem3A_97 = arith.remsi %add3A_96, %rem3A : i32
      %mul3A_98 = arith.constant 2 : i32
      %mul3A_99 = arith.muli %mul3A_98, %scan3A_86 : i32
      %add3A_100 = arith.constant 3 : i32
      %add3A_101 = arith.addi %mul3A_99, %add3A_100 : i32
      %rem3A_102 = arith.constant 80 : i32
      %rem3A_103 = arith.remsi %add3A_101, %rem3A_102 : i32
      %dma_wait3A_104 = arith.constant 0 : i32
      %dma_wait3A_105 = arith.constant 0 : i32
      %dma_wait3A_106 = tpu.memref_slice %arg3[%dma_wait3A_104, %dma_wait3A_105] : memref<10240x128xf32, #tpu.memory_space<hbm>> -> memref<10240x128xf32, #tpu.memory_space<hbm>>
      tpu.wait_indirect_dma semaphore(%arg23 : memref<!tpu.dma_semaphore, #tpu.memory_space<semaphore_mem>>) src(%dma_wait3A_106 : memref<10240x128xf32, #tpu.memory_space<hbm>>) dst(%arg18 : memref<128x128xf32, #tpu.memory_space<vmem>>)
      %dma_start3A_107 = arith.constant 0 : i32
      %dma_start3A_108 = tpu.memref_slice %arg17[%mul3A_88, %dma_start3A_107] : memref<80x128xi32, #tpu.memory_space<vmem>> -> memref<1x128xi32, #tpu.memory_space<vmem>>
      %dma_start3A_109 = tpu.memref_squeeze %dma_start3A_108 : memref<1x128xi32, #tpu.memory_space<vmem>> -> memref<128xi32, #tpu.memory_space<vmem>>
      %dma_start3A_110 = arith.constant 0 : i32
      %dma_start3A_111 = arith.constant 0 : i32
      %dma_start3A_112 = tpu.memref_slice %arg21[%dma_start3A_110, %dma_start3A_111] : memref<10240x128xf32, #tpu.memory_space<vmem_shared>> -> memref<10240x128xf32, #tpu.memory_space<vmem_shared>>
      tpu.enqueue_indirect_dma source(%arg18 : memref<128x128xf32, #tpu.memory_space<vmem>>) target(%dma_start3A_112 : memref<10240x128xf32, #tpu.memory_space<vmem_shared>>) offsets(%dma_start3A_109 : memref<128xi32, #tpu.memory_space<vmem>>) semaphore(%arg25 : memref<!tpu.dma_semaphore, #tpu.memory_space<semaphore_mem>>) {add = true}
      %dma_start3A_113 = arith.constant 0 : i32
      %dma_start3A_114 = tpu.memref_slice %arg17[%mul3A_88, %dma_start3A_113] : memref<80x128xi32, #tpu.memory_space<vmem>> -> memref<1x128xi32, #tpu.memory_space<vmem>>
      %dma_start3A_115 = tpu.memref_squeeze %dma_start3A_114 : memref<1x128xi32, #tpu.memory_space<vmem>> -> memref<128xi32, #tpu.memory_space<vmem>>
      %dma_start3A_116 = arith.constant 0 : i32
      %dma_start3A_117 = tpu.memref_slice %arg22[%dma_start3A_116] : memref<10240xf32, #tpu.memory_space<vmem_shared>> -> memref<10240xf32, #tpu.memory_space<vmem_shared>>
      tpu.enqueue_indirect_dma source(%arg20 : memref<128xf32, #tpu.memory_space<vmem>>) target(%dma_start3A_117 : memref<10240xf32, #tpu.memory_space<vmem_shared>>) offsets(%dma_start3A_115 : memref<128xi32, #tpu.memory_space<vmem>>) semaphore(%arg27 : memref<!tpu.dma_semaphore, #tpu.memory_space<semaphore_mem>>) {add = true}
      %dma_start3A_118 = arith.constant 0 : i32
      %dma_start3A_119 = tpu.memref_slice %arg6[%add3A, %rem3A_97, %dma_start3A_118] : memref<32x80x128xi32, #tpu.memory_space<hbm>> -> memref<1x1x128xi32, #tpu.memory_space<hbm>>
      %dma_start3A_120 = tpu.memref_squeeze %dma_start3A_119 : memref<1x1x128xi32, #tpu.memory_space<hbm>> -> memref<128xi32, #tpu.memory_space<hbm>>
      %dma_start3A_121 = arith.constant 0 : i32
      %dma_start3A_122 = tpu.memref_slice %arg6[%add3A, %rem3A_97, %dma_start3A_121] : memref<32x80x128xi32, #tpu.memory_space<hbm>> -> memref<1x1x128xi32, #tpu.memory_space<hbm>>
      %dma_start3A_123 = tpu.memref_squeeze %dma_start3A_122 : memref<1x1x128xi32, #tpu.memory_space<hbm>> -> memref<128xi32, #tpu.memory_space<hbm>>
      tpu.enqueue_dma source(%dma_start3A_123 : memref<128xi32, #tpu.memory_space<hbm>>) target(%arg15 : memref<128xi32, #tpu.memory_space<vmem>>) target_semaphore(%arg28 : memref<!tpu.dma_semaphore, #tpu.memory_space<semaphore_mem>>)
      %dma_wait3A_124 = arith.constant 0 : i32
      %dma_wait3A_125 = arith.constant 0 : i32
      %dma_wait3A_126 = tpu.memref_slice %arg3[%dma_wait3A_124, %dma_wait3A_125] : memref<10240x128xf32, #tpu.memory_space<hbm>> -> memref<10240x128xf32, #tpu.memory_space<hbm>>
      tpu.wait_indirect_dma semaphore(%arg24 : memref<!tpu.dma_semaphore, #tpu.memory_space<semaphore_mem>>) src(%dma_wait3A_126 : memref<10240x128xf32, #tpu.memory_space<hbm>>) dst(%arg19 : memref<128x128xf32, #tpu.memory_space<vmem>>)
      %dma_start3A_127 = arith.constant 0 : i32
      %dma_start3A_128 = tpu.memref_slice %arg17[%add3A_92, %dma_start3A_127] : memref<80x128xi32, #tpu.memory_space<vmem>> -> memref<1x128xi32, #tpu.memory_space<vmem>>
      %dma_start3A_129 = tpu.memref_squeeze %dma_start3A_128 : memref<1x128xi32, #tpu.memory_space<vmem>> -> memref<128xi32, #tpu.memory_space<vmem>>
      %dma_start3A_130 = arith.constant 0 : i32
      %dma_start3A_131 = arith.constant 0 : i32
      %dma_start3A_132 = tpu.memref_slice %arg21[%dma_start3A_130, %dma_start3A_131] : memref<10240x128xf32, #tpu.memory_space<vmem_shared>> -> memref<10240x128xf32, #tpu.memory_space<vmem_shared>>
      tpu.enqueue_indirect_dma source(%arg19 : memref<128x128xf32, #tpu.memory_space<vmem>>) target(%dma_start3A_132 : memref<10240x128xf32, #tpu.memory_space<vmem_shared>>) offsets(%dma_start3A_129 : memref<128xi32, #tpu.memory_space<vmem>>) semaphore(%arg26 : memref<!tpu.dma_semaphore, #tpu.memory_space<semaphore_mem>>) {add = true}
      %dma_start3A_133 = arith.constant 0 : i32
      %dma_start3A_134 = tpu.memref_slice %arg17[%add3A_92, %dma_start3A_133] : memref<80x128xi32, #tpu.memory_space<vmem>> -> memref<1x128xi32, #tpu.memory_space<vmem>>
      %dma_start3A_135 = tpu.memref_squeeze %dma_start3A_134 : memref<1x128xi32, #tpu.memory_space<vmem>> -> memref<128xi32, #tpu.memory_space<vmem>>
      %dma_start3A_136 = arith.constant 0 : i32
      %dma_start3A_137 = tpu.memref_slice %arg22[%dma_start3A_136] : memref<10240xf32, #tpu.memory_space<vmem_shared>> -> memref<10240xf32, #tpu.memory_space<vmem_shared>>
      tpu.enqueue_indirect_dma source(%arg20 : memref<128xf32, #tpu.memory_space<vmem>>) target(%dma_start3A_137 : memref<10240xf32, #tpu.memory_space<vmem_shared>>) offsets(%dma_start3A_135 : memref<128xi32, #tpu.memory_space<vmem>>) semaphore(%arg27 : memref<!tpu.dma_semaphore, #tpu.memory_space<semaphore_mem>>) {add = true}
      %dma_start3A_138 = arith.constant 0 : i32
      %dma_start3A_139 = tpu.memref_slice %arg6[%add3A, %rem3A_103, %dma_start3A_138] : memref<32x80x128xi32, #tpu.memory_space<hbm>> -> memref<1x1x128xi32, #tpu.memory_space<hbm>>
      %dma_start3A_140 = tpu.memref_squeeze %dma_start3A_139 : memref<1x1x128xi32, #tpu.memory_space<hbm>> -> memref<128xi32, #tpu.memory_space<hbm>>
      %dma_start3A_141 = arith.constant 0 : i32
      %dma_start3A_142 = tpu.memref_slice %arg6[%add3A, %rem3A_103, %dma_start3A_141] : memref<32x80x128xi32, #tpu.memory_space<hbm>> -> memref<1x1x128xi32, #tpu.memory_space<hbm>>
      %dma_start3A_143 = tpu.memref_squeeze %dma_start3A_142 : memref<1x1x128xi32, #tpu.memory_space<hbm>> -> memref<128xi32, #tpu.memory_space<hbm>>
      tpu.enqueue_dma source(%dma_start3A_143 : memref<128xi32, #tpu.memory_space<hbm>>) target(%arg16 : memref<128xi32, #tpu.memory_space<vmem>>) target_semaphore(%arg29 : memref<!tpu.dma_semaphore, #tpu.memory_space<semaphore_mem>>)
      %dma_wait3A_144 = arith.constant 0 : i32
      %dma_wait3A_145 = tpu.memref_slice %arg17[%mul3A_88, %dma_wait3A_144] : memref<80x128xi32, #tpu.memory_space<vmem>> -> memref<1x128xi32, #tpu.memory_space<vmem>>
      %dma_wait3A_146 = tpu.memref_squeeze %dma_wait3A_145 : memref<1x128xi32, #tpu.memory_space<vmem>> -> memref<128xi32, #tpu.memory_space<vmem>>
      %dma_wait3A_147 = arith.constant 0 : i32
      %dma_wait3A_148 = arith.constant 0 : i32
      %dma_wait3A_149 = tpu.memref_slice %arg21[%dma_wait3A_147, %dma_wait3A_148] : memref<10240x128xf32, #tpu.memory_space<vmem_shared>> -> memref<10240x128xf32, #tpu.memory_space<vmem_shared>>
      tpu.wait_indirect_dma semaphore(%arg25 : memref<!tpu.dma_semaphore, #tpu.memory_space<semaphore_mem>>) src(%arg18 : memref<128x128xf32, #tpu.memory_space<vmem>>) dst(%dma_wait3A_149 : memref<10240x128xf32, #tpu.memory_space<vmem_shared>>)
      %dma_wait3A_150 = arith.constant 0 : i32
      %dma_wait3A_151 = tpu.memref_slice %arg6[%add3A, %rem3A_97, %dma_wait3A_150] : memref<32x80x128xi32, #tpu.memory_space<hbm>> -> memref<1x1x128xi32, #tpu.memory_space<hbm>>
      %dma_wait3A_152 = tpu.memref_squeeze %dma_wait3A_151 : memref<1x1x128xi32, #tpu.memory_space<hbm>> -> memref<128xi32, #tpu.memory_space<hbm>>
      %dma_wait3A_153 = arith.constant 0 : i32
      %dma_wait3A_154 = tpu.memref_slice %arg6[%add3A, %rem3A_97, %dma_wait3A_153] : memref<32x80x128xi32, #tpu.memory_space<hbm>> -> memref<1x1x128xi32, #tpu.memory_space<hbm>>
      %dma_wait3A_155 = tpu.memref_squeeze %dma_wait3A_154 : memref<1x1x128xi32, #tpu.memory_space<hbm>> -> memref<128xi32, #tpu.memory_space<hbm>>
      tpu.wait_dma2 semaphore(%arg28 : memref<!tpu.dma_semaphore, #tpu.memory_space<semaphore_mem>>) src(%dma_wait3A_155 : memref<128xi32, #tpu.memory_space<hbm>>) dst(%arg15 : memref<128xi32, #tpu.memory_space<vmem>>)
      %dma_start3A_156 = arith.constant 0 : i32
      %dma_start3A_157 = arith.constant 0 : i32
      %dma_start3A_158 = tpu.memref_slice %arg3[%dma_start3A_156, %dma_start3A_157] : memref<10240x128xf32, #tpu.memory_space<hbm>> -> memref<10240x128xf32, #tpu.memory_space<hbm>>
      tpu.enqueue_indirect_dma source(%dma_start3A_158 : memref<10240x128xf32, #tpu.memory_space<hbm>>) target(%arg18 : memref<128x128xf32, #tpu.memory_space<vmem>>) offsets(%arg15 : memref<128xi32, #tpu.memory_space<vmem>>) semaphore(%arg23 : memref<!tpu.dma_semaphore, #tpu.memory_space<semaphore_mem>>)
      %dma_wait3A_159 = arith.constant 0 : i32
      %dma_wait3A_160 = tpu.memref_slice %arg17[%add3A_92, %dma_wait3A_159] : memref<80x128xi32, #tpu.memory_space<vmem>> -> memref<1x128xi32, #tpu.memory_space<vmem>>
      %dma_wait3A_161 = tpu.memref_squeeze %dma_wait3A_160 : memref<1x128xi32, #tpu.memory_space<vmem>> -> memref<128xi32, #tpu.memory_space<vmem>>
      %dma_wait3A_162 = arith.constant 0 : i32
      %dma_wait3A_163 = arith.constant 0 : i32
      %dma_wait3A_164 = tpu.memref_slice %arg21[%dma_wait3A_162, %dma_wait3A_163] : memref<10240x128xf32, #tpu.memory_space<vmem_shared>> -> memref<10240x128xf32, #tpu.memory_space<vmem_shared>>
      tpu.wait_indirect_dma semaphore(%arg26 : memref<!tpu.dma_semaphore, #tpu.memory_space<semaphore_mem>>) src(%arg19 : memref<128x128xf32, #tpu.memory_space<vmem>>) dst(%dma_wait3A_164 : memref<10240x128xf32, #tpu.memory_space<vmem_shared>>)
      %dma_wait3A_165 = arith.constant 0 : i32
      %dma_wait3A_166 = tpu.memref_slice %arg6[%add3A, %rem3A_103, %dma_wait3A_165] : memref<32x80x128xi32, #tpu.memory_space<hbm>> -> memref<1x1x128xi32, #tpu.memory_space<hbm>>
      %dma_wait3A_167 = tpu.memref_squeeze %dma_wait3A_166 : memref<1x1x128xi32, #tpu.memory_space<hbm>> -> memref<128xi32, #tpu.memory_space<hbm>>
      %dma_wait3A_168 = arith.constant 0 : i32
      %dma_wait3A_169 = tpu.memref_slice %arg6[%add3A, %rem3A_103, %dma_wait3A_168] : memref<32x80x128xi32, #tpu.memory_space<hbm>> -> memref<1x1x128xi32, #tpu.memory_space<hbm>>
      %dma_wait3A_170 = tpu.memref_squeeze %dma_wait3A_169 : memref<1x1x128xi32, #tpu.memory_space<hbm>> -> memref<128xi32, #tpu.memory_space<hbm>>
      tpu.wait_dma2 semaphore(%arg29 : memref<!tpu.dma_semaphore, #tpu.memory_space<semaphore_mem>>) src(%dma_wait3A_170 : memref<128xi32, #tpu.memory_space<hbm>>) dst(%arg16 : memref<128xi32, #tpu.memory_space<vmem>>)
      %dma_start3A_171 = arith.constant 0 : i32
      %dma_start3A_172 = arith.constant 0 : i32
      %dma_start3A_173 = tpu.memref_slice %arg3[%dma_start3A_171, %dma_start3A_172] : memref<10240x128xf32, #tpu.memory_space<hbm>> -> memref<10240x128xf32, #tpu.memory_space<hbm>>
      tpu.enqueue_indirect_dma source(%dma_start3A_173 : memref<10240x128xf32, #tpu.memory_space<hbm>>) target(%arg19 : memref<128x128xf32, #tpu.memory_space<vmem>>) offsets(%arg16 : memref<128xi32, #tpu.memory_space<vmem>>) semaphore(%arg24 : memref<!tpu.dma_semaphore, #tpu.memory_space<semaphore_mem>>)
    }
    %scan3A_63 = arith.constant 40 : i32
    %dma_wait3A_64 = arith.constant 0 : i32
    %dma_wait3A_65 = arith.constant 0 : i32
    %dma_wait3A_66 = tpu.memref_slice %arg3[%dma_wait3A_64, %dma_wait3A_65] : memref<10240x128xf32, #tpu.memory_space<hbm>> -> memref<10240x128xf32, #tpu.memory_space<hbm>>
    tpu.wait_indirect_dma semaphore(%arg23 : memref<!tpu.dma_semaphore, #tpu.memory_space<semaphore_mem>>) src(%dma_wait3A_66 : memref<10240x128xf32, #tpu.memory_space<hbm>>) dst(%arg18 : memref<128x128xf32, #tpu.memory_space<vmem>>)
    %dma_wait3A_67 = arith.constant 0 : i32
    %dma_wait3A_68 = arith.constant 0 : i32
    %dma_wait3A_69 = tpu.memref_slice %arg3[%dma_wait3A_67, %dma_wait3A_68] : memref<10240x128xf32, #tpu.memory_space<hbm>> -> memref<10240x128xf32, #tpu.memory_space<hbm>>
    tpu.wait_indirect_dma semaphore(%arg24 : memref<!tpu.dma_semaphore, #tpu.memory_space<semaphore_mem>>) src(%dma_wait3A_69 : memref<10240x128xf32, #tpu.memory_space<hbm>>) dst(%arg19 : memref<128x128xf32, #tpu.memory_space<vmem>>)
    %scan3A_70 = arith.constant 0 : i32
    %scan3A_71 = arith.constant 0 : i32
    %scan3A_72 = arith.constant 80 : i32
    %scan3A_73 = arith.addi %scan3A_71, %scan3A_72 : i32
    %scan3A_74 = arith.constant 1 : i32
    scf.for %scan3A_86 = %scan3A_71 to %scan3A_73 step %scan3A_74  : i32 {
      %dma_wait3A_87 = arith.constant 0 : i32
      %dma_wait3A_88 = arith.constant 0 : i32
      %dma_wait3A_89 = tpu.memref_slice %arg17[%dma_wait3A_87, %dma_wait3A_88] : memref<80x128xi32, #tpu.memory_space<vmem>> -> memref<1x128xi32, #tpu.memory_space<vmem>>
      %dma_wait3A_90 = tpu.memref_squeeze %dma_wait3A_89 : memref<1x128xi32, #tpu.memory_space<vmem>> -> memref<128xi32, #tpu.memory_space<vmem>>
      %dma_wait3A_91 = arith.constant 0 : i32
      %dma_wait3A_92 = tpu.memref_slice %arg22[%dma_wait3A_91] : memref<10240xf32, #tpu.memory_space<vmem_shared>> -> memref<10240xf32, #tpu.memory_space<vmem_shared>>
      tpu.wait_indirect_dma semaphore(%arg27 : memref<!tpu.dma_semaphore, #tpu.memory_space<semaphore_mem>>) src(%arg20 : memref<128xf32, #tpu.memory_space<vmem>>) dst(%dma_wait3A_92 : memref<10240xf32, #tpu.memory_space<vmem_shared>>)
    }
    %scan3A_75 = arith.constant 80 : i32
    %barrier3A_76 = arith.constant 0 : index
    tpu.barrier barrier_id(%barrier3A_76)
    %mul3A_77 = arith.constant 640 : i32
    %mul3A_78 = arith.muli %arg1, %mul3A_77 : i32
    %mul3A_79 = arith.constant 640 : i32
    %mul3A_80 = arith.muli %arg1, %mul3A_79 : i32
    "tpu.region"() ({
      %run_scoped3A_86 = tpu.sem_alloc : memref<!tpu.dma_semaphore, #tpu.memory_space<semaphore_mem>>
      %dma_start3A_87 = arith.constant 0 : i32
      %dma_start3A_88 = tpu.memref_slice %arg12[%arg0, %mul3A_80, %dma_start3A_87] : memref<2x10240x128xf32, #tpu.memory_space<hbm>> -> memref<1x640x128xf32, #tpu.memory_space<hbm>>
      %dma_start3A_89 = tpu.memref_squeeze %dma_start3A_88 : memref<1x640x128xf32, #tpu.memory_space<hbm>> -> memref<640x128xf32, #tpu.memory_space<hbm>>
      %dma_start3A_90 = arith.constant 0 : i32
      %dma_start3A_91 = tpu.memref_slice %arg21[%mul3A_78, %dma_start3A_90] : memref<10240x128xf32, #tpu.memory_space<vmem_shared>> -> memref<640x128xf32, #tpu.memory_space<vmem_shared>>
      tpu.enqueue_dma source(%dma_start3A_91 : memref<640x128xf32, #tpu.memory_space<vmem_shared>>) target(%dma_start3A_89 : memref<640x128xf32, #tpu.memory_space<hbm>>) target_semaphore(%run_scoped3A_86 : memref<!tpu.dma_semaphore, #tpu.memory_space<semaphore_mem>>)
      %dma_wait3A_92 = arith.constant 0 : i32
      %dma_wait3A_93 = tpu.memref_slice %arg12[%arg0, %mul3A_80, %dma_wait3A_92] : memref<2x10240x128xf32, #tpu.memory_space<hbm>> -> memref<1x640x128xf32, #tpu.memory_space<hbm>>
      %dma_wait3A_94 = tpu.memref_squeeze %dma_wait3A_93 : memref<1x640x128xf32, #tpu.memory_space<hbm>> -> memref<640x128xf32, #tpu.memory_space<hbm>>
      %dma_wait3A_95 = arith.constant 0 : i32
      %dma_wait3A_96 = tpu.memref_slice %arg21[%mul3A_78, %dma_wait3A_95] : memref<10240x128xf32, #tpu.memory_space<vmem_shared>> -> memref<640x128xf32, #tpu.memory_space<vmem_shared>>
      tpu.wait_dma2 semaphore(%run_scoped3A_86 : memref<!tpu.dma_semaphore, #tpu.memory_space<semaphore_mem>>) src(%dma_wait3A_96 : memref<640x128xf32, #tpu.memory_space<vmem_shared>>) dst(%dma_wait3A_94 : memref<640x128xf32, #tpu.memory_space<hbm>>)
      tpu.yield
    }) : () -> ()
    %mul3A_81 = arith.constant 640 : i32
    %mul3A_82 = arith.muli %arg1, %mul3A_81 : i32
    %mul3A_83 = arith.constant 640 : i32
    %mul3A_84 = arith.muli %arg1, %mul3A_83 : i32
    "tpu.region"() ({
      %run_scoped3A_86 = tpu.sem_alloc : memref<!tpu.dma_semaphore, #tpu.memory_space<semaphore_mem>>
      %dma_start3A_87 = tpu.memref_slice %arg14[%arg0, %mul3A_84] : memref<2x10240xf32, #tpu.memory_space<hbm>> -> memref<1x640xf32, #tpu.memory_space<hbm>>
      %dma_start3A_88 = tpu.memref_squeeze %dma_start3A_87 : memref<1x640xf32, #tpu.memory_space<hbm>> -> memref<640xf32, #tpu.memory_space<hbm>>
      %dma_start3A_89 = tpu.memref_slice %arg22[%mul3A_82] : memref<10240xf32, #tpu.memory_space<vmem_shared>> -> memref<640xf32, #tpu.memory_space<vmem_shared>>
      tpu.enqueue_dma source(%dma_start3A_89 : memref<640xf32, #tpu.memory_space<vmem_shared>>) target(%dma_start3A_88 : memref<640xf32, #tpu.memory_space<hbm>>) target_semaphore(%run_scoped3A_86 : memref<!tpu.dma_semaphore, #tpu.memory_space<semaphore_mem>>)
      %dma_wait3A_90 = tpu.memref_slice %arg14[%arg0, %mul3A_84] : memref<2x10240xf32, #tpu.memory_space<hbm>> -> memref<1x640xf32, #tpu.memory_space<hbm>>
      %dma_wait3A_91 = tpu.memref_squeeze %dma_wait3A_90 : memref<1x640xf32, #tpu.memory_space<hbm>> -> memref<640xf32, #tpu.memory_space<hbm>>
      %dma_wait3A_92 = tpu.memref_slice %arg22[%mul3A_82] : memref<10240xf32, #tpu.memory_space<vmem_shared>> -> memref<640xf32, #tpu.memory_space<vmem_shared>>
      tpu.wait_dma2 semaphore(%run_scoped3A_86 : memref<!tpu.dma_semaphore, #tpu.memory_space<semaphore_mem>>) src(%dma_wait3A_92 : memref<640xf32, #tpu.memory_space<vmem_shared>>) dst(%dma_wait3A_91 : memref<640xf32, #tpu.memory_space<hbm>>)
      tpu.yield
    }) : () -> ()
    %barrier3A_85 = arith.constant 0 : index
    tpu.barrier barrier_id(%barrier3A_85)
    return
  }
}

#map = affine_map<(d0, d1) -> (0, 0)>
#map1 = affine_map<(d0, d1) -> (0, 0, 0)>
module attributes {stable_mosaic.version = 14 : i64} {
  func.func @_gather_body(%arg0: i32, %arg1: i32, %arg2: memref<10240x128xf32, #tpu.memory_space<hbm>>, %arg3: memref<10240x128xf32, #tpu.memory_space<hbm>>, %arg4: memref<32x40x128xi32, #tpu.memory_space<hbm>>, %arg5: memref<32x40x128xi32, #tpu.memory_space<hbm>>, %arg6: memref<163840x128xf32, #tpu.memory_space<hbm>>, %arg7: memref<40x128xi32, #tpu.memory_space<vmem>>, %arg8: memref<40x128xi32, #tpu.memory_space<vmem>>, %arg9: memref<128x128xf32, #tpu.memory_space<vmem>>, %arg10: memref<128x128xf32, #tpu.memory_space<vmem>>, %arg11: memref<128x128xf32, #tpu.memory_space<vmem>>, %arg12: memref<128x128xf32, #tpu.memory_space<vmem>>, %arg13: memref<!tpu.dma_semaphore, #tpu.memory_space<semaphore_mem>>, %arg14: memref<!tpu.dma_semaphore, #tpu.memory_space<semaphore_mem>>, %arg15: memref<!tpu.dma_semaphore, #tpu.memory_space<semaphore_mem>>, %arg16: memref<!tpu.dma_semaphore, #tpu.memory_space<semaphore_mem>>) attributes {dimension_semantics = [#tpu.dimension_semantics<core_parallel>, #tpu.dimension_semantics<subcore_parallel>], iteration_bounds = array<i64: 2, 16>, scalar_prefetch = 0 : i64, scratch_operands = 10 : i64, tpu.core_type = #tpu.core_type<sc_vector_subcore>, window_params = [{transform_indices = #map}, {transform_indices = #map}, {transform_indices = #map1}, {transform_indices = #map1}, {transform_indices = #map}]} {
    %mul3A = arith.constant 16 : i32
    %mul3A_0 = arith.muli %arg0, %mul3A : i32
    %add3A = arith.addi %mul3A_0, %arg1 : i32
    %mul3A_1 = arith.constant 5120 : i32
    %mul3A_2 = arith.muli %add3A, %mul3A_1 : i32
    "tpu.region"() ({
      %run_scoped3A = tpu.sem_alloc : memref<!tpu.dma_semaphore, #tpu.memory_space<semaphore_mem>>
      %dma_start3A_34 = arith.constant 0 : i32
      %dma_start3A_35 = arith.constant 0 : i32
      %dma_start3A_36 = tpu.memref_slice %arg4[%add3A, %dma_start3A_34, %dma_start3A_35] : memref<32x40x128xi32, #tpu.memory_space<hbm>> -> memref<1x40x128xi32, #tpu.memory_space<hbm>>
      %dma_start3A_37 = tpu.memref_squeeze %dma_start3A_36 : memref<1x40x128xi32, #tpu.memory_space<hbm>> -> memref<40x128xi32, #tpu.memory_space<hbm>>
      %dma_start3A_38 = arith.constant 0 : i32
      %dma_start3A_39 = arith.constant 0 : i32
      %dma_start3A_40 = tpu.memref_slice %arg4[%add3A, %dma_start3A_38, %dma_start3A_39] : memref<32x40x128xi32, #tpu.memory_space<hbm>> -> memref<1x40x128xi32, #tpu.memory_space<hbm>>
      %dma_start3A_41 = tpu.memref_squeeze %dma_start3A_40 : memref<1x40x128xi32, #tpu.memory_space<hbm>> -> memref<40x128xi32, #tpu.memory_space<hbm>>
      tpu.enqueue_dma source(%dma_start3A_41 : memref<40x128xi32, #tpu.memory_space<hbm>>) target(%arg7 : memref<40x128xi32, #tpu.memory_space<vmem>>) target_semaphore(%run_scoped3A : memref<!tpu.dma_semaphore, #tpu.memory_space<semaphore_mem>>)
      %dma_wait3A_42 = arith.constant 0 : i32
      %dma_wait3A_43 = arith.constant 0 : i32
      %dma_wait3A_44 = tpu.memref_slice %arg4[%add3A, %dma_wait3A_42, %dma_wait3A_43] : memref<32x40x128xi32, #tpu.memory_space<hbm>> -> memref<1x40x128xi32, #tpu.memory_space<hbm>>
      %dma_wait3A_45 = tpu.memref_squeeze %dma_wait3A_44 : memref<1x40x128xi32, #tpu.memory_space<hbm>> -> memref<40x128xi32, #tpu.memory_space<hbm>>
      %dma_wait3A_46 = arith.constant 0 : i32
      %dma_wait3A_47 = arith.constant 0 : i32
      %dma_wait3A_48 = tpu.memref_slice %arg4[%add3A, %dma_wait3A_46, %dma_wait3A_47] : memref<32x40x128xi32, #tpu.memory_space<hbm>> -> memref<1x40x128xi32, #tpu.memory_space<hbm>>
      %dma_wait3A_49 = tpu.memref_squeeze %dma_wait3A_48 : memref<1x40x128xi32, #tpu.memory_space<hbm>> -> memref<40x128xi32, #tpu.memory_space<hbm>>
      tpu.wait_dma2 semaphore(%run_scoped3A : memref<!tpu.dma_semaphore, #tpu.memory_space<semaphore_mem>>) src(%dma_wait3A_49 : memref<40x128xi32, #tpu.memory_space<hbm>>) dst(%arg7 : memref<40x128xi32, #tpu.memory_space<vmem>>)
      tpu.yield
    }) : () -> ()
    "tpu.region"() ({
      %run_scoped3A = tpu.sem_alloc : memref<!tpu.dma_semaphore, #tpu.memory_space<semaphore_mem>>
      %dma_start3A_34 = arith.constant 0 : i32
      %dma_start3A_35 = arith.constant 0 : i32
      %dma_start3A_36 = tpu.memref_slice %arg5[%add3A, %dma_start3A_34, %dma_start3A_35] : memref<32x40x128xi32, #tpu.memory_space<hbm>> -> memref<1x40x128xi32, #tpu.memory_space<hbm>>
      %dma_start3A_37 = tpu.memref_squeeze %dma_start3A_36 : memref<1x40x128xi32, #tpu.memory_space<hbm>> -> memref<40x128xi32, #tpu.memory_space<hbm>>
      %dma_start3A_38 = arith.constant 0 : i32
      %dma_start3A_39 = arith.constant 0 : i32
      %dma_start3A_40 = tpu.memref_slice %arg5[%add3A, %dma_start3A_38, %dma_start3A_39] : memref<32x40x128xi32, #tpu.memory_space<hbm>> -> memref<1x40x128xi32, #tpu.memory_space<hbm>>
      %dma_start3A_41 = tpu.memref_squeeze %dma_start3A_40 : memref<1x40x128xi32, #tpu.memory_space<hbm>> -> memref<40x128xi32, #tpu.memory_space<hbm>>
      tpu.enqueue_dma source(%dma_start3A_41 : memref<40x128xi32, #tpu.memory_space<hbm>>) target(%arg8 : memref<40x128xi32, #tpu.memory_space<vmem>>) target_semaphore(%run_scoped3A : memref<!tpu.dma_semaphore, #tpu.memory_space<semaphore_mem>>)
      %dma_wait3A_42 = arith.constant 0 : i32
      %dma_wait3A_43 = arith.constant 0 : i32
      %dma_wait3A_44 = tpu.memref_slice %arg5[%add3A, %dma_wait3A_42, %dma_wait3A_43] : memref<32x40x128xi32, #tpu.memory_space<hbm>> -> memref<1x40x128xi32, #tpu.memory_space<hbm>>
      %dma_wait3A_45 = tpu.memref_squeeze %dma_wait3A_44 : memref<1x40x128xi32, #tpu.memory_space<hbm>> -> memref<40x128xi32, #tpu.memory_space<hbm>>
      %dma_wait3A_46 = arith.constant 0 : i32
      %dma_wait3A_47 = arith.constant 0 : i32
      %dma_wait3A_48 = tpu.memref_slice %arg5[%add3A, %dma_wait3A_46, %dma_wait3A_47] : memref<32x40x128xi32, #tpu.memory_space<hbm>> -> memref<1x40x128xi32, #tpu.memory_space<hbm>>
      %dma_wait3A_49 = tpu.memref_squeeze %dma_wait3A_48 : memref<1x40x128xi32, #tpu.memory_space<hbm>> -> memref<40x128xi32, #tpu.memory_space<hbm>>
      tpu.wait_dma2 semaphore(%run_scoped3A : memref<!tpu.dma_semaphore, #tpu.memory_space<semaphore_mem>>) src(%dma_wait3A_49 : memref<40x128xi32, #tpu.memory_space<hbm>>) dst(%arg8 : memref<40x128xi32, #tpu.memory_space<vmem>>)
      tpu.yield
    }) : () -> ()
    %dma_start3A = arith.constant 0 : i32
    %dma_start3A_3 = arith.constant 0 : i32
    %dma_start3A_4 = tpu.memref_slice %arg7[%dma_start3A, %dma_start3A_3] : memref<40x128xi32, #tpu.memory_space<vmem>> -> memref<1x128xi32, #tpu.memory_space<vmem>>
    %dma_start3A_5 = tpu.memref_squeeze %dma_start3A_4 : memref<1x128xi32, #tpu.memory_space<vmem>> -> memref<128xi32, #tpu.memory_space<vmem>>
    %dma_start3A_6 = arith.constant 0 : i32
    %dma_start3A_7 = arith.constant 0 : i32
    %dma_start3A_8 = tpu.memref_slice %arg2[%dma_start3A_6, %dma_start3A_7] : memref<10240x128xf32, #tpu.memory_space<hbm>> -> memref<10240x128xf32, #tpu.memory_space<hbm>>
    tpu.enqueue_indirect_dma source(%dma_start3A_8 : memref<10240x128xf32, #tpu.memory_space<hbm>>) target(%arg9 : memref<128x128xf32, #tpu.memory_space<vmem>>) offsets(%dma_start3A_5 : memref<128xi32, #tpu.memory_space<vmem>>) semaphore(%arg13 : memref<!tpu.dma_semaphore, #tpu.memory_space<semaphore_mem>>)
    %dma_start3A_9 = arith.constant 0 : i32
    %dma_start3A_10 = arith.constant 0 : i32
    %dma_start3A_11 = tpu.memref_slice %arg8[%dma_start3A_9, %dma_start3A_10] : memref<40x128xi32, #tpu.memory_space<vmem>> -> memref<1x128xi32, #tpu.memory_space<vmem>>
    %dma_start3A_12 = tpu.memref_squeeze %dma_start3A_11 : memref<1x128xi32, #tpu.memory_space<vmem>> -> memref<128xi32, #tpu.memory_space<vmem>>
    %dma_start3A_13 = arith.constant 0 : i32
    %dma_start3A_14 = arith.constant 0 : i32
    %dma_start3A_15 = tpu.memref_slice %arg3[%dma_start3A_13, %dma_start3A_14] : memref<10240x128xf32, #tpu.memory_space<hbm>> -> memref<10240x128xf32, #tpu.memory_space<hbm>>
    tpu.enqueue_indirect_dma source(%dma_start3A_15 : memref<10240x128xf32, #tpu.memory_space<hbm>>) target(%arg11 : memref<128x128xf32, #tpu.memory_space<vmem>>) offsets(%dma_start3A_12 : memref<128xi32, #tpu.memory_space<vmem>>) semaphore(%arg15 : memref<!tpu.dma_semaphore, #tpu.memory_space<semaphore_mem>>)
    %scan3A = arith.constant 0 : i32
    %scan3A_16 = arith.constant 0 : i32
    %scan3A_17 = arith.constant 20 : i32
    %scan3A_18 = arith.addi %scan3A_16, %scan3A_17 : i32
    %scan3A_19 = arith.constant 1 : i32
    scf.for %scan3A_34 = %scan3A_16 to %scan3A_18 step %scan3A_19  : i32 {
      %mul3A_35 = arith.constant 2 : i32
      %mul3A_36 = arith.muli %mul3A_35, %scan3A_34 : i32
      %mul3A_37 = arith.constant 2 : i32
      %mul3A_38 = arith.muli %mul3A_37, %scan3A_34 : i32
      %add3A_39 = arith.constant 1 : i32
      %add3A_40 = arith.addi %mul3A_38, %add3A_39 : i32
      %mul3A_41 = arith.constant 2 : i32
      %mul3A_42 = arith.muli %mul3A_41, %scan3A_34 : i32
      %add3A_43 = arith.constant 2 : i32
      %add3A_44 = arith.addi %mul3A_42, %add3A_43 : i32
      %rem3A = arith.constant 40 : i32
      %rem3A_45 = arith.remsi %add3A_44, %rem3A : i32
      %dma_start3A_46 = arith.constant 0 : i32
      %dma_start3A_47 = tpu.memref_slice %arg7[%add3A_40, %dma_start3A_46] : memref<40x128xi32, #tpu.memory_space<vmem>> -> memref<1x128xi32, #tpu.memory_space<vmem>>
      %dma_start3A_48 = tpu.memref_squeeze %dma_start3A_47 : memref<1x128xi32, #tpu.memory_space<vmem>> -> memref<128xi32, #tpu.memory_space<vmem>>
      %dma_start3A_49 = arith.constant 0 : i32
      %dma_start3A_50 = arith.constant 0 : i32
      %dma_start3A_51 = tpu.memref_slice %arg2[%dma_start3A_49, %dma_start3A_50] : memref<10240x128xf32, #tpu.memory_space<hbm>> -> memref<10240x128xf32, #tpu.memory_space<hbm>>
      tpu.enqueue_indirect_dma source(%dma_start3A_51 : memref<10240x128xf32, #tpu.memory_space<hbm>>) target(%arg10 : memref<128x128xf32, #tpu.memory_space<vmem>>) offsets(%dma_start3A_48 : memref<128xi32, #tpu.memory_space<vmem>>) semaphore(%arg14 : memref<!tpu.dma_semaphore, #tpu.memory_space<semaphore_mem>>)
      %dma_start3A_52 = arith.constant 0 : i32
      %dma_start3A_53 = tpu.memref_slice %arg8[%add3A_40, %dma_start3A_52] : memref<40x128xi32, #tpu.memory_space<vmem>> -> memref<1x128xi32, #tpu.memory_space<vmem>>
      %dma_start3A_54 = tpu.memref_squeeze %dma_start3A_53 : memref<1x128xi32, #tpu.memory_space<vmem>> -> memref<128xi32, #tpu.memory_space<vmem>>
      %dma_start3A_55 = arith.constant 0 : i32
      %dma_start3A_56 = arith.constant 0 : i32
      %dma_start3A_57 = tpu.memref_slice %arg3[%dma_start3A_55, %dma_start3A_56] : memref<10240x128xf32, #tpu.memory_space<hbm>> -> memref<10240x128xf32, #tpu.memory_space<hbm>>
      tpu.enqueue_indirect_dma source(%dma_start3A_57 : memref<10240x128xf32, #tpu.memory_space<hbm>>) target(%arg12 : memref<128x128xf32, #tpu.memory_space<vmem>>) offsets(%dma_start3A_54 : memref<128xi32, #tpu.memory_space<vmem>>) semaphore(%arg16 : memref<!tpu.dma_semaphore, #tpu.memory_space<semaphore_mem>>)
      %dma_wait3A_58 = arith.constant 0 : i32
      %dma_wait3A_59 = tpu.memref_slice %arg7[%mul3A_36, %dma_wait3A_58] : memref<40x128xi32, #tpu.memory_space<vmem>> -> memref<1x128xi32, #tpu.memory_space<vmem>>
      %dma_wait3A_60 = tpu.memref_squeeze %dma_wait3A_59 : memref<1x128xi32, #tpu.memory_space<vmem>> -> memref<128xi32, #tpu.memory_space<vmem>>
      %dma_wait3A_61 = arith.constant 0 : i32
      %dma_wait3A_62 = arith.constant 0 : i32
      %dma_wait3A_63 = tpu.memref_slice %arg2[%dma_wait3A_61, %dma_wait3A_62] : memref<10240x128xf32, #tpu.memory_space<hbm>> -> memref<10240x128xf32, #tpu.memory_space<hbm>>
      tpu.wait_indirect_dma semaphore(%arg13 : memref<!tpu.dma_semaphore, #tpu.memory_space<semaphore_mem>>) src(%dma_wait3A_63 : memref<10240x128xf32, #tpu.memory_space<hbm>>) dst(%arg9 : memref<128x128xf32, #tpu.memory_space<vmem>>)
      %dma_wait3A_64 = arith.constant 0 : i32
      %dma_wait3A_65 = tpu.memref_slice %arg8[%mul3A_36, %dma_wait3A_64] : memref<40x128xi32, #tpu.memory_space<vmem>> -> memref<1x128xi32, #tpu.memory_space<vmem>>
      %dma_wait3A_66 = tpu.memref_squeeze %dma_wait3A_65 : memref<1x128xi32, #tpu.memory_space<vmem>> -> memref<128xi32, #tpu.memory_space<vmem>>
      %dma_wait3A_67 = arith.constant 0 : i32
      %dma_wait3A_68 = arith.constant 0 : i32
      %dma_wait3A_69 = tpu.memref_slice %arg3[%dma_wait3A_67, %dma_wait3A_68] : memref<10240x128xf32, #tpu.memory_space<hbm>> -> memref<10240x128xf32, #tpu.memory_space<hbm>>
      tpu.wait_indirect_dma semaphore(%arg15 : memref<!tpu.dma_semaphore, #tpu.memory_space<semaphore_mem>>) src(%dma_wait3A_69 : memref<10240x128xf32, #tpu.memory_space<hbm>>) dst(%arg11 : memref<128x128xf32, #tpu.memory_space<vmem>>)
      %scan3A_70 = arith.constant 0 : i32
      %scan3A_71 = arith.constant 0 : i32
      %scan3A_72 = arith.constant 128 : i32
      %scan3A_73 = arith.addi %scan3A_71, %scan3A_72 : i32
      %scan3A_74 = arith.constant 1 : i32
      scf.for %scan3A_112 = %scan3A_71 to %scan3A_73 step %scan3A_74  : i32 {
        %get3A = arith.index_cast %scan3A_112 : i32 to index
        %get3A_113 = arith.constant 0 : index
        %get3A_114 = tpu.vector_load %arg9[%get3A, %get3A_113] {strides = array<i32>} : memref<128x128xf32, #tpu.memory_space<vmem>>, vector<1x16xf32>,
        %get3A_115 = vector.shape_cast %get3A_114 : vector<1x16xf32> to vector<16xf32>
        %get3A_116 = arith.index_cast %scan3A_112 : i32 to index
        %get3A_117 = arith.constant 0 : index
        %get3A_118 = tpu.vector_load %arg11[%get3A_116, %get3A_117] {strides = array<i32>} : memref<128x128xf32, #tpu.memory_space<vmem>>, vector<1x16xf32>,
        %get3A_119 = vector.shape_cast %get3A_118 : vector<1x16xf32> to vector<16xf32>
        %add3A_120 = arith.addf %get3A_115, %get3A_119 : vector<16xf32>
        %swap3A = arith.index_cast %scan3A_112 : i32 to index
        %swap3A_121 = arith.constant 0 : index
        %swap3A_122 = tpu.vector_load %arg9[%swap3A, %swap3A_121] {strides = array<i32>} : memref<128x128xf32, #tpu.memory_space<vmem>>, vector<1x16xf32>,
        %swap3A_123 = vector.shape_cast %swap3A_122 : vector<1x16xf32> to vector<16xf32>
        %swap3A_124 = vector.shape_cast %add3A_120 : vector<16xf32> to vector<1x16xf32>
        tpu.vector_store %arg9[%swap3A, %swap3A_121], %swap3A_124 {strides = array<i32>} : memref<128x128xf32, #tpu.memory_space<vmem>>, vector<1x16xf32>,
        %get3A_125 = arith.index_cast %scan3A_112 : i32 to index
        %get3A_126 = arith.constant 16 : index
        %get3A_127 = tpu.vector_load %arg9[%get3A_125, %get3A_126] {strides = array<i32>} : memref<128x128xf32, #tpu.memory_space<vmem>>, vector<1x16xf32>,
        %get3A_128 = vector.shape_cast %get3A_127 : vector<1x16xf32> to vector<16xf32>
        %get3A_129 = arith.index_cast %scan3A_112 : i32 to index
        %get3A_130 = arith.constant 16 : index
        %get3A_131 = tpu.vector_load %arg11[%get3A_129, %get3A_130] {strides = array<i32>} : memref<128x128xf32, #tpu.memory_space<vmem>>, vector<1x16xf32>,
        %get3A_132 = vector.shape_cast %get3A_131 : vector<1x16xf32> to vector<16xf32>
        %add3A_133 = arith.addf %get3A_128, %get3A_132 : vector<16xf32>
        %swap3A_134 = arith.index_cast %scan3A_112 : i32 to index
        %swap3A_135 = arith.constant 16 : index
        %swap3A_136 = tpu.vector_load %arg9[%swap3A_134, %swap3A_135] {strides = array<i32>} : memref<128x128xf32, #tpu.memory_space<vmem>>, vector<1x16xf32>,
        %swap3A_137 = vector.shape_cast %swap3A_136 : vector<1x16xf32> to vector<16xf32>
        %swap3A_138 = vector.shape_cast %add3A_133 : vector<16xf32> to vector<1x16xf32>
        tpu.vector_store %arg9[%swap3A_134, %swap3A_135], %swap3A_138 {strides = array<i32>} : memref<128x128xf32, #tpu.memory_space<vmem>>, vector<1x16xf32>,
        %get3A_139 = arith.index_cast %scan3A_112 : i32 to index
        %get3A_140 = arith.constant 32 : index
        %get3A_141 = tpu.vector_load %arg9[%get3A_139, %get3A_140] {strides = array<i32>} : memref<128x128xf32, #tpu.memory_space<vmem>>, vector<1x16xf32>,
        %get3A_142 = vector.shape_cast %get3A_141 : vector<1x16xf32> to vector<16xf32>
        %get3A_143 = arith.index_cast %scan3A_112 : i32 to index
        %get3A_144 = arith.constant 32 : index
        %get3A_145 = tpu.vector_load %arg11[%get3A_143, %get3A_144] {strides = array<i32>} : memref<128x128xf32, #tpu.memory_space<vmem>>, vector<1x16xf32>,
        %get3A_146 = vector.shape_cast %get3A_145 : vector<1x16xf32> to vector<16xf32>
        %add3A_147 = arith.addf %get3A_142, %get3A_146 : vector<16xf32>
        %swap3A_148 = arith.index_cast %scan3A_112 : i32 to index
        %swap3A_149 = arith.constant 32 : index
        %swap3A_150 = tpu.vector_load %arg9[%swap3A_148, %swap3A_149] {strides = array<i32>} : memref<128x128xf32, #tpu.memory_space<vmem>>, vector<1x16xf32>,
        %swap3A_151 = vector.shape_cast %swap3A_150 : vector<1x16xf32> to vector<16xf32>
        %swap3A_152 = vector.shape_cast %add3A_147 : vector<16xf32> to vector<1x16xf32>
        tpu.vector_store %arg9[%swap3A_148, %swap3A_149], %swap3A_152 {strides = array<i32>} : memref<128x128xf32, #tpu.memory_space<vmem>>, vector<1x16xf32>,
        %get3A_153 = arith.index_cast %scan3A_112 : i32 to index
        %get3A_154 = arith.constant 48 : index
        %get3A_155 = tpu.vector_load %arg9[%get3A_153, %get3A_154] {strides = array<i32>} : memref<128x128xf32, #tpu.memory_space<vmem>>, vector<1x16xf32>,
        %get3A_156 = vector.shape_cast %get3A_155 : vector<1x16xf32> to vector<16xf32>
        %get3A_157 = arith.index_cast %scan3A_112 : i32 to index
        %get3A_158 = arith.constant 48 : index
        %get3A_159 = tpu.vector_load %arg11[%get3A_157, %get3A_158] {strides = array<i32>} : memref<128x128xf32, #tpu.memory_space<vmem>>, vector<1x16xf32>,
        %get3A_160 = vector.shape_cast %get3A_159 : vector<1x16xf32> to vector<16xf32>
        %add3A_161 = arith.addf %get3A_156, %get3A_160 : vector<16xf32>
        %swap3A_162 = arith.index_cast %scan3A_112 : i32 to index
        %swap3A_163 = arith.constant 48 : index
        %swap3A_164 = tpu.vector_load %arg9[%swap3A_162, %swap3A_163] {strides = array<i32>} : memref<128x128xf32, #tpu.memory_space<vmem>>, vector<1x16xf32>,
        %swap3A_165 = vector.shape_cast %swap3A_164 : vector<1x16xf32> to vector<16xf32>
        %swap3A_166 = vector.shape_cast %add3A_161 : vector<16xf32> to vector<1x16xf32>
        tpu.vector_store %arg9[%swap3A_162, %swap3A_163], %swap3A_166 {strides = array<i32>} : memref<128x128xf32, #tpu.memory_space<vmem>>, vector<1x16xf32>,
        %get3A_167 = arith.index_cast %scan3A_112 : i32 to index
        %get3A_168 = arith.constant 64 : index
        %get3A_169 = tpu.vector_load %arg9[%get3A_167, %get3A_168] {strides = array<i32>} : memref<128x128xf32, #tpu.memory_space<vmem>>, vector<1x16xf32>,
        %get3A_170 = vector.shape_cast %get3A_169 : vector<1x16xf32> to vector<16xf32>
        %get3A_171 = arith.index_cast %scan3A_112 : i32 to index
        %get3A_172 = arith.constant 64 : index
        %get3A_173 = tpu.vector_load %arg11[%get3A_171, %get3A_172] {strides = array<i32>} : memref<128x128xf32, #tpu.memory_space<vmem>>, vector<1x16xf32>,
        %get3A_174 = vector.shape_cast %get3A_173 : vector<1x16xf32> to vector<16xf32>
        %add3A_175 = arith.addf %get3A_170, %get3A_174 : vector<16xf32>
        %swap3A_176 = arith.index_cast %scan3A_112 : i32 to index
        %swap3A_177 = arith.constant 64 : index
        %swap3A_178 = tpu.vector_load %arg9[%swap3A_176, %swap3A_177] {strides = array<i32>} : memref<128x128xf32, #tpu.memory_space<vmem>>, vector<1x16xf32>,
        %swap3A_179 = vector.shape_cast %swap3A_178 : vector<1x16xf32> to vector<16xf32>
        %swap3A_180 = vector.shape_cast %add3A_175 : vector<16xf32> to vector<1x16xf32>
        tpu.vector_store %arg9[%swap3A_176, %swap3A_177], %swap3A_180 {strides = array<i32>} : memref<128x128xf32, #tpu.memory_space<vmem>>, vector<1x16xf32>,
        %get3A_181 = arith.index_cast %scan3A_112 : i32 to index
        %get3A_182 = arith.constant 80 : index
        %get3A_183 = tpu.vector_load %arg9[%get3A_181, %get3A_182] {strides = array<i32>} : memref<128x128xf32, #tpu.memory_space<vmem>>, vector<1x16xf32>,
        %get3A_184 = vector.shape_cast %get3A_183 : vector<1x16xf32> to vector<16xf32>
        %get3A_185 = arith.index_cast %scan3A_112 : i32 to index
        %get3A_186 = arith.constant 80 : index
        %get3A_187 = tpu.vector_load %arg11[%get3A_185, %get3A_186] {strides = array<i32>} : memref<128x128xf32, #tpu.memory_space<vmem>>, vector<1x16xf32>,
        %get3A_188 = vector.shape_cast %get3A_187 : vector<1x16xf32> to vector<16xf32>
        %add3A_189 = arith.addf %get3A_184, %get3A_188 : vector<16xf32>
        %swap3A_190 = arith.index_cast %scan3A_112 : i32 to index
        %swap3A_191 = arith.constant 80 : index
        %swap3A_192 = tpu.vector_load %arg9[%swap3A_190, %swap3A_191] {strides = array<i32>} : memref<128x128xf32, #tpu.memory_space<vmem>>, vector<1x16xf32>,
        %swap3A_193 = vector.shape_cast %swap3A_192 : vector<1x16xf32> to vector<16xf32>
        %swap3A_194 = vector.shape_cast %add3A_189 : vector<16xf32> to vector<1x16xf32>
        tpu.vector_store %arg9[%swap3A_190, %swap3A_191], %swap3A_194 {strides = array<i32>} : memref<128x128xf32, #tpu.memory_space<vmem>>, vector<1x16xf32>,
        %get3A_195 = arith.index_cast %scan3A_112 : i32 to index
        %get3A_196 = arith.constant 96 : index
        %get3A_197 = tpu.vector_load %arg9[%get3A_195, %get3A_196] {strides = array<i32>} : memref<128x128xf32, #tpu.memory_space<vmem>>, vector<1x16xf32>,
        %get3A_198 = vector.shape_cast %get3A_197 : vector<1x16xf32> to vector<16xf32>
        %get3A_199 = arith.index_cast %scan3A_112 : i32 to index
        %get3A_200 = arith.constant 96 : index
        %get3A_201 = tpu.vector_load %arg11[%get3A_199, %get3A_200] {strides = array<i32>} : memref<128x128xf32, #tpu.memory_space<vmem>>, vector<1x16xf32>,
        %get3A_202 = vector.shape_cast %get3A_201 : vector<1x16xf32> to vector<16xf32>
        %add3A_203 = arith.addf %get3A_198, %get3A_202 : vector<16xf32>
        %swap3A_204 = arith.index_cast %scan3A_112 : i32 to index
        %swap3A_205 = arith.constant 96 : index
        %swap3A_206 = tpu.vector_load %arg9[%swap3A_204, %swap3A_205] {strides = array<i32>} : memref<128x128xf32, #tpu.memory_space<vmem>>, vector<1x16xf32>,
        %swap3A_207 = vector.shape_cast %swap3A_206 : vector<1x16xf32> to vector<16xf32>
        %swap3A_208 = vector.shape_cast %add3A_203 : vector<16xf32> to vector<1x16xf32>
        tpu.vector_store %arg9[%swap3A_204, %swap3A_205], %swap3A_208 {strides = array<i32>} : memref<128x128xf32, #tpu.memory_space<vmem>>, vector<1x16xf32>,
        %get3A_209 = arith.index_cast %scan3A_112 : i32 to index
        %get3A_210 = arith.constant 112 : index
        %get3A_211 = tpu.vector_load %arg9[%get3A_209, %get3A_210] {strides = array<i32>} : memref<128x128xf32, #tpu.memory_space<vmem>>, vector<1x16xf32>,
        %get3A_212 = vector.shape_cast %get3A_211 : vector<1x16xf32> to vector<16xf32>
        %get3A_213 = arith.index_cast %scan3A_112 : i32 to index
        %get3A_214 = arith.constant 112 : index
        %get3A_215 = tpu.vector_load %arg11[%get3A_213, %get3A_214] {strides = array<i32>} : memref<128x128xf32, #tpu.memory_space<vmem>>, vector<1x16xf32>,
        %get3A_216 = vector.shape_cast %get3A_215 : vector<1x16xf32> to vector<16xf32>
        %add3A_217 = arith.addf %get3A_212, %get3A_216 : vector<16xf32>
        %swap3A_218 = arith.index_cast %scan3A_112 : i32 to index
        %swap3A_219 = arith.constant 112 : index
        %swap3A_220 = tpu.vector_load %arg9[%swap3A_218, %swap3A_219] {strides = array<i32>} : memref<128x128xf32, #tpu.memory_space<vmem>>, vector<1x16xf32>,
        %swap3A_221 = vector.shape_cast %swap3A_220 : vector<1x16xf32> to vector<16xf32>
        %swap3A_222 = vector.shape_cast %add3A_217 : vector<16xf32> to vector<1x16xf32>
        tpu.vector_store %arg9[%swap3A_218, %swap3A_219], %swap3A_222 {strides = array<i32>} : memref<128x128xf32, #tpu.memory_space<vmem>>, vector<1x16xf32>,
      }
      %scan3A_75 = arith.constant 128 : i32
      %mul3A_76 = arith.constant 128 : i32
      %mul3A_77 = arith.muli %mul3A_36, %mul3A_76 : i32
      %add3A_78 = arith.addi %mul3A_2, %mul3A_77 : i32
      "tpu.region"() ({
        %run_scoped3A = tpu.sem_alloc : memref<!tpu.dma_semaphore, #tpu.memory_space<semaphore_mem>>
        %dma_start3A_112 = arith.constant 0 : i32
        %dma_start3A_113 = tpu.memref_slice %arg6[%add3A_78, %dma_start3A_112] : memref<163840x128xf32, #tpu.memory_space<hbm>> -> memref<128x128xf32, #tpu.memory_space<hbm>>
        %dma_start3A_114 = arith.constant 0 : i32
        %dma_start3A_115 = tpu.memref_slice %arg6[%add3A_78, %dma_start3A_114] : memref<163840x128xf32, #tpu.memory_space<hbm>> -> memref<128x128xf32, #tpu.memory_space<hbm>>
        tpu.enqueue_dma source(%arg9 : memref<128x128xf32, #tpu.memory_space<vmem>>) target(%dma_start3A_115 : memref<128x128xf32, #tpu.memory_space<hbm>>) target_semaphore(%run_scoped3A : memref<!tpu.dma_semaphore, #tpu.memory_space<semaphore_mem>>)
        %dma_wait3A_116 = arith.constant 0 : i32
        %dma_wait3A_117 = tpu.memref_slice %arg6[%add3A_78, %dma_wait3A_116] : memref<163840x128xf32, #tpu.memory_space<hbm>> -> memref<128x128xf32, #tpu.memory_space<hbm>>
        %dma_wait3A_118 = arith.constant 0 : i32
        %dma_wait3A_119 = tpu.memref_slice %arg6[%add3A_78, %dma_wait3A_118] : memref<163840x128xf32, #tpu.memory_space<hbm>> -> memref<128x128xf32, #tpu.memory_space<hbm>>
        tpu.wait_dma2 semaphore(%run_scoped3A : memref<!tpu.dma_semaphore, #tpu.memory_space<semaphore_mem>>) src(%arg9 : memref<128x128xf32, #tpu.memory_space<vmem>>) dst(%dma_wait3A_119 : memref<128x128xf32, #tpu.memory_space<hbm>>)
        tpu.yield
      }) : () -> ()
      %dma_start3A_79 = arith.constant 0 : i32
      %dma_start3A_80 = tpu.memref_slice %arg7[%rem3A_45, %dma_start3A_79] : memref<40x128xi32, #tpu.memory_space<vmem>> -> memref<1x128xi32, #tpu.memory_space<vmem>>
      %dma_start3A_81 = tpu.memref_squeeze %dma_start3A_80 : memref<1x128xi32, #tpu.memory_space<vmem>> -> memref<128xi32, #tpu.memory_space<vmem>>
      %dma_start3A_82 = arith.constant 0 : i32
      %dma_start3A_83 = arith.constant 0 : i32
      %dma_start3A_84 = tpu.memref_slice %arg2[%dma_start3A_82, %dma_start3A_83] : memref<10240x128xf32, #tpu.memory_space<hbm>> -> memref<10240x128xf32, #tpu.memory_space<hbm>>
      tpu.enqueue_indirect_dma source(%dma_start3A_84 : memref<10240x128xf32, #tpu.memory_space<hbm>>) target(%arg9 : memref<128x128xf32, #tpu.memory_space<vmem>>) offsets(%dma_start3A_81 : memref<128xi32, #tpu.memory_space<vmem>>) semaphore(%arg13 : memref<!tpu.dma_semaphore, #tpu.memory_space<semaphore_mem>>)
      %dma_start3A_85 = arith.constant 0 : i32
      %dma_start3A_86 = tpu.memref_slice %arg8[%rem3A_45, %dma_start3A_85] : memref<40x128xi32, #tpu.memory_space<vmem>> -> memref<1x128xi32, #tpu.memory_space<vmem>>
      %dma_start3A_87 = tpu.memref_squeeze %dma_start3A_86 : memref<1x128xi32, #tpu.memory_space<vmem>> -> memref<128xi32, #tpu.memory_space<vmem>>
      %dma_start3A_88 = arith.constant 0 : i32
      %dma_start3A_89 = arith.constant 0 : i32
      %dma_start3A_90 = tpu.memref_slice %arg3[%dma_start3A_88, %dma_start3A_89] : memref<10240x128xf32, #tpu.memory_space<hbm>> -> memref<10240x128xf32, #tpu.memory_space<hbm>>
      tpu.enqueue_indirect_dma source(%dma_start3A_90 : memref<10240x128xf32, #tpu.memory_space<hbm>>) target(%arg11 : memref<128x128xf32, #tpu.memory_space<vmem>>) offsets(%dma_start3A_87 : memref<128xi32, #tpu.memory_space<vmem>>) semaphore(%arg15 : memref<!tpu.dma_semaphore, #tpu.memory_space<semaphore_mem>>)
      %dma_wait3A_91 = arith.constant 0 : i32
      %dma_wait3A_92 = tpu.memref_slice %arg7[%add3A_40, %dma_wait3A_91] : memref<40x128xi32, #tpu.memory_space<vmem>> -> memref<1x128xi32, #tpu.memory_space<vmem>>
      %dma_wait3A_93 = tpu.memref_squeeze %dma_wait3A_92 : memref<1x128xi32, #tpu.memory_space<vmem>> -> memref<128xi32, #tpu.memory_space<vmem>>
      %dma_wait3A_94 = arith.constant 0 : i32
      %dma_wait3A_95 = arith.constant 0 : i32
      %dma_wait3A_96 = tpu.memref_slice %arg2[%dma_wait3A_94, %dma_wait3A_95] : memref<10240x128xf32, #tpu.memory_space<hbm>> -> memref<10240x128xf32, #tpu.memory_space<hbm>>
      tpu.wait_indirect_dma semaphore(%arg14 : memref<!tpu.dma_semaphore, #tpu.memory_space<semaphore_mem>>) src(%dma_wait3A_96 : memref<10240x128xf32, #tpu.memory_space<hbm>>) dst(%arg10 : memref<128x128xf32, #tpu.memory_space<vmem>>)
      %dma_wait3A_97 = arith.constant 0 : i32
      %dma_wait3A_98 = tpu.memref_slice %arg8[%add3A_40, %dma_wait3A_97] : memref<40x128xi32, #tpu.memory_space<vmem>> -> memref<1x128xi32, #tpu.memory_space<vmem>>
      %dma_wait3A_99 = tpu.memref_squeeze %dma_wait3A_98 : memref<1x128xi32, #tpu.memory_space<vmem>> -> memref<128xi32, #tpu.memory_space<vmem>>
      %dma_wait3A_100 = arith.constant 0 : i32
      %dma_wait3A_101 = arith.constant 0 : i32
      %dma_wait3A_102 = tpu.memref_slice %arg3[%dma_wait3A_100, %dma_wait3A_101] : memref<10240x128xf32, #tpu.memory_space<hbm>> -> memref<10240x128xf32, #tpu.memory_space<hbm>>
      tpu.wait_indirect_dma semaphore(%arg16 : memref<!tpu.dma_semaphore, #tpu.memory_space<semaphore_mem>>) src(%dma_wait3A_102 : memref<10240x128xf32, #tpu.memory_space<hbm>>) dst(%arg12 : memref<128x128xf32, #tpu.memory_space<vmem>>)
      %scan3A_103 = arith.constant 0 : i32
      %scan3A_104 = arith.constant 0 : i32
      %scan3A_105 = arith.constant 128 : i32
      %scan3A_106 = arith.addi %scan3A_104, %scan3A_105 : i32
      %scan3A_107 = arith.constant 1 : i32
      scf.for %scan3A_112 = %scan3A_104 to %scan3A_106 step %scan3A_107  : i32 {
        %get3A = arith.index_cast %scan3A_112 : i32 to index
        %get3A_113 = arith.constant 0 : index
        %get3A_114 = tpu.vector_load %arg10[%get3A, %get3A_113] {strides = array<i32>} : memref<128x128xf32, #tpu.memory_space<vmem>>, vector<1x16xf32>,
        %get3A_115 = vector.shape_cast %get3A_114 : vector<1x16xf32> to vector<16xf32>
        %get3A_116 = arith.index_cast %scan3A_112 : i32 to index
        %get3A_117 = arith.constant 0 : index
        %get3A_118 = tpu.vector_load %arg12[%get3A_116, %get3A_117] {strides = array<i32>} : memref<128x128xf32, #tpu.memory_space<vmem>>, vector<1x16xf32>,
        %get3A_119 = vector.shape_cast %get3A_118 : vector<1x16xf32> to vector<16xf32>
        %add3A_120 = arith.addf %get3A_115, %get3A_119 : vector<16xf32>
        %swap3A = arith.index_cast %scan3A_112 : i32 to index
        %swap3A_121 = arith.constant 0 : index
        %swap3A_122 = tpu.vector_load %arg10[%swap3A, %swap3A_121] {strides = array<i32>} : memref<128x128xf32, #tpu.memory_space<vmem>>, vector<1x16xf32>,
        %swap3A_123 = vector.shape_cast %swap3A_122 : vector<1x16xf32> to vector<16xf32>
        %swap3A_124 = vector.shape_cast %add3A_120 : vector<16xf32> to vector<1x16xf32>
        tpu.vector_store %arg10[%swap3A, %swap3A_121], %swap3A_124 {strides = array<i32>} : memref<128x128xf32, #tpu.memory_space<vmem>>, vector<1x16xf32>,
        %get3A_125 = arith.index_cast %scan3A_112 : i32 to index
        %get3A_126 = arith.constant 16 : index
        %get3A_127 = tpu.vector_load %arg10[%get3A_125, %get3A_126] {strides = array<i32>} : memref<128x128xf32, #tpu.memory_space<vmem>>, vector<1x16xf32>,
        %get3A_128 = vector.shape_cast %get3A_127 : vector<1x16xf32> to vector<16xf32>
        %get3A_129 = arith.index_cast %scan3A_112 : i32 to index
        %get3A_130 = arith.constant 16 : index
        %get3A_131 = tpu.vector_load %arg12[%get3A_129, %get3A_130] {strides = array<i32>} : memref<128x128xf32, #tpu.memory_space<vmem>>, vector<1x16xf32>,
        %get3A_132 = vector.shape_cast %get3A_131 : vector<1x16xf32> to vector<16xf32>
        %add3A_133 = arith.addf %get3A_128, %get3A_132 : vector<16xf32>
        %swap3A_134 = arith.index_cast %scan3A_112 : i32 to index
        %swap3A_135 = arith.constant 16 : index
        %swap3A_136 = tpu.vector_load %arg10[%swap3A_134, %swap3A_135] {strides = array<i32>} : memref<128x128xf32, #tpu.memory_space<vmem>>, vector<1x16xf32>,
        %swap3A_137 = vector.shape_cast %swap3A_136 : vector<1x16xf32> to vector<16xf32>
        %swap3A_138 = vector.shape_cast %add3A_133 : vector<16xf32> to vector<1x16xf32>
        tpu.vector_store %arg10[%swap3A_134, %swap3A_135], %swap3A_138 {strides = array<i32>} : memref<128x128xf32, #tpu.memory_space<vmem>>, vector<1x16xf32>,
        %get3A_139 = arith.index_cast %scan3A_112 : i32 to index
        %get3A_140 = arith.constant 32 : index
        %get3A_141 = tpu.vector_load %arg10[%get3A_139, %get3A_140] {strides = array<i32>} : memref<128x128xf32, #tpu.memory_space<vmem>>, vector<1x16xf32>,
        %get3A_142 = vector.shape_cast %get3A_141 : vector<1x16xf32> to vector<16xf32>
        %get3A_143 = arith.index_cast %scan3A_112 : i32 to index
        %get3A_144 = arith.constant 32 : index
        %get3A_145 = tpu.vector_load %arg12[%get3A_143, %get3A_144] {strides = array<i32>} : memref<128x128xf32, #tpu.memory_space<vmem>>, vector<1x16xf32>,
        %get3A_146 = vector.shape_cast %get3A_145 : vector<1x16xf32> to vector<16xf32>
        %add3A_147 = arith.addf %get3A_142, %get3A_146 : vector<16xf32>
        %swap3A_148 = arith.index_cast %scan3A_112 : i32 to index
        %swap3A_149 = arith.constant 32 : index
        %swap3A_150 = tpu.vector_load %arg10[%swap3A_148, %swap3A_149] {strides = array<i32>} : memref<128x128xf32, #tpu.memory_space<vmem>>, vector<1x16xf32>,
        %swap3A_151 = vector.shape_cast %swap3A_150 : vector<1x16xf32> to vector<16xf32>
        %swap3A_152 = vector.shape_cast %add3A_147 : vector<16xf32> to vector<1x16xf32>
        tpu.vector_store %arg10[%swap3A_148, %swap3A_149], %swap3A_152 {strides = array<i32>} : memref<128x128xf32, #tpu.memory_space<vmem>>, vector<1x16xf32>,
        %get3A_153 = arith.index_cast %scan3A_112 : i32 to index
        %get3A_154 = arith.constant 48 : index
        %get3A_155 = tpu.vector_load %arg10[%get3A_153, %get3A_154] {strides = array<i32>} : memref<128x128xf32, #tpu.memory_space<vmem>>, vector<1x16xf32>,
        %get3A_156 = vector.shape_cast %get3A_155 : vector<1x16xf32> to vector<16xf32>
        %get3A_157 = arith.index_cast %scan3A_112 : i32 to index
        %get3A_158 = arith.constant 48 : index
        %get3A_159 = tpu.vector_load %arg12[%get3A_157, %get3A_158] {strides = array<i32>} : memref<128x128xf32, #tpu.memory_space<vmem>>, vector<1x16xf32>,
        %get3A_160 = vector.shape_cast %get3A_159 : vector<1x16xf32> to vector<16xf32>
        %add3A_161 = arith.addf %get3A_156, %get3A_160 : vector<16xf32>
        %swap3A_162 = arith.index_cast %scan3A_112 : i32 to index
        %swap3A_163 = arith.constant 48 : index
        %swap3A_164 = tpu.vector_load %arg10[%swap3A_162, %swap3A_163] {strides = array<i32>} : memref<128x128xf32, #tpu.memory_space<vmem>>, vector<1x16xf32>,
        %swap3A_165 = vector.shape_cast %swap3A_164 : vector<1x16xf32> to vector<16xf32>
        %swap3A_166 = vector.shape_cast %add3A_161 : vector<16xf32> to vector<1x16xf32>
        tpu.vector_store %arg10[%swap3A_162, %swap3A_163], %swap3A_166 {strides = array<i32>} : memref<128x128xf32, #tpu.memory_space<vmem>>, vector<1x16xf32>,
        %get3A_167 = arith.index_cast %scan3A_112 : i32 to index
        %get3A_168 = arith.constant 64 : index
        %get3A_169 = tpu.vector_load %arg10[%get3A_167, %get3A_168] {strides = array<i32>} : memref<128x128xf32, #tpu.memory_space<vmem>>, vector<1x16xf32>,
        %get3A_170 = vector.shape_cast %get3A_169 : vector<1x16xf32> to vector<16xf32>
        %get3A_171 = arith.index_cast %scan3A_112 : i32 to index
        %get3A_172 = arith.constant 64 : index
        %get3A_173 = tpu.vector_load %arg12[%get3A_171, %get3A_172] {strides = array<i32>} : memref<128x128xf32, #tpu.memory_space<vmem>>, vector<1x16xf32>,
        %get3A_174 = vector.shape_cast %get3A_173 : vector<1x16xf32> to vector<16xf32>
        %add3A_175 = arith.addf %get3A_170, %get3A_174 : vector<16xf32>
        %swap3A_176 = arith.index_cast %scan3A_112 : i32 to index
        %swap3A_177 = arith.constant 64 : index
        %swap3A_178 = tpu.vector_load %arg10[%swap3A_176, %swap3A_177] {strides = array<i32>} : memref<128x128xf32, #tpu.memory_space<vmem>>, vector<1x16xf32>,
        %swap3A_179 = vector.shape_cast %swap3A_178 : vector<1x16xf32> to vector<16xf32>
        %swap3A_180 = vector.shape_cast %add3A_175 : vector<16xf32> to vector<1x16xf32>
        tpu.vector_store %arg10[%swap3A_176, %swap3A_177], %swap3A_180 {strides = array<i32>} : memref<128x128xf32, #tpu.memory_space<vmem>>, vector<1x16xf32>,
        %get3A_181 = arith.index_cast %scan3A_112 : i32 to index
        %get3A_182 = arith.constant 80 : index
        %get3A_183 = tpu.vector_load %arg10[%get3A_181, %get3A_182] {strides = array<i32>} : memref<128x128xf32, #tpu.memory_space<vmem>>, vector<1x16xf32>,
        %get3A_184 = vector.shape_cast %get3A_183 : vector<1x16xf32> to vector<16xf32>
        %get3A_185 = arith.index_cast %scan3A_112 : i32 to index
        %get3A_186 = arith.constant 80 : index
        %get3A_187 = tpu.vector_load %arg12[%get3A_185, %get3A_186] {strides = array<i32>} : memref<128x128xf32, #tpu.memory_space<vmem>>, vector<1x16xf32>,
        %get3A_188 = vector.shape_cast %get3A_187 : vector<1x16xf32> to vector<16xf32>
        %add3A_189 = arith.addf %get3A_184, %get3A_188 : vector<16xf32>
        %swap3A_190 = arith.index_cast %scan3A_112 : i32 to index
        %swap3A_191 = arith.constant 80 : index
        %swap3A_192 = tpu.vector_load %arg10[%swap3A_190, %swap3A_191] {strides = array<i32>} : memref<128x128xf32, #tpu.memory_space<vmem>>, vector<1x16xf32>,
        %swap3A_193 = vector.shape_cast %swap3A_192 : vector<1x16xf32> to vector<16xf32>
        %swap3A_194 = vector.shape_cast %add3A_189 : vector<16xf32> to vector<1x16xf32>
        tpu.vector_store %arg10[%swap3A_190, %swap3A_191], %swap3A_194 {strides = array<i32>} : memref<128x128xf32, #tpu.memory_space<vmem>>, vector<1x16xf32>,
        %get3A_195 = arith.index_cast %scan3A_112 : i32 to index
        %get3A_196 = arith.constant 96 : index
        %get3A_197 = tpu.vector_load %arg10[%get3A_195, %get3A_196] {strides = array<i32>} : memref<128x128xf32, #tpu.memory_space<vmem>>, vector<1x16xf32>,
        %get3A_198 = vector.shape_cast %get3A_197 : vector<1x16xf32> to vector<16xf32>
        %get3A_199 = arith.index_cast %scan3A_112 : i32 to index
        %get3A_200 = arith.constant 96 : index
        %get3A_201 = tpu.vector_load %arg12[%get3A_199, %get3A_200] {strides = array<i32>} : memref<128x128xf32, #tpu.memory_space<vmem>>, vector<1x16xf32>,
        %get3A_202 = vector.shape_cast %get3A_201 : vector<1x16xf32> to vector<16xf32>
        %add3A_203 = arith.addf %get3A_198, %get3A_202 : vector<16xf32>
        %swap3A_204 = arith.index_cast %scan3A_112 : i32 to index
        %swap3A_205 = arith.constant 96 : index
        %swap3A_206 = tpu.vector_load %arg10[%swap3A_204, %swap3A_205] {strides = array<i32>} : memref<128x128xf32, #tpu.memory_space<vmem>>, vector<1x16xf32>,
        %swap3A_207 = vector.shape_cast %swap3A_206 : vector<1x16xf32> to vector<16xf32>
        %swap3A_208 = vector.shape_cast %add3A_203 : vector<16xf32> to vector<1x16xf32>
        tpu.vector_store %arg10[%swap3A_204, %swap3A_205], %swap3A_208 {strides = array<i32>} : memref<128x128xf32, #tpu.memory_space<vmem>>, vector<1x16xf32>,
        %get3A_209 = arith.index_cast %scan3A_112 : i32 to index
        %get3A_210 = arith.constant 112 : index
        %get3A_211 = tpu.vector_load %arg10[%get3A_209, %get3A_210] {strides = array<i32>} : memref<128x128xf32, #tpu.memory_space<vmem>>, vector<1x16xf32>,
        %get3A_212 = vector.shape_cast %get3A_211 : vector<1x16xf32> to vector<16xf32>
        %get3A_213 = arith.index_cast %scan3A_112 : i32 to index
        %get3A_214 = arith.constant 112 : index
        %get3A_215 = tpu.vector_load %arg12[%get3A_213, %get3A_214] {strides = array<i32>} : memref<128x128xf32, #tpu.memory_space<vmem>>, vector<1x16xf32>,
        %get3A_216 = vector.shape_cast %get3A_215 : vector<1x16xf32> to vector<16xf32>
        %add3A_217 = arith.addf %get3A_212, %get3A_216 : vector<16xf32>
        %swap3A_218 = arith.index_cast %scan3A_112 : i32 to index
        %swap3A_219 = arith.constant 112 : index
        %swap3A_220 = tpu.vector_load %arg10[%swap3A_218, %swap3A_219] {strides = array<i32>} : memref<128x128xf32, #tpu.memory_space<vmem>>, vector<1x16xf32>,
        %swap3A_221 = vector.shape_cast %swap3A_220 : vector<1x16xf32> to vector<16xf32>
        %swap3A_222 = vector.shape_cast %add3A_217 : vector<16xf32> to vector<1x16xf32>
        tpu.vector_store %arg10[%swap3A_218, %swap3A_219], %swap3A_222 {strides = array<i32>} : memref<128x128xf32, #tpu.memory_space<vmem>>, vector<1x16xf32>,
      }
      %scan3A_108 = arith.constant 128 : i32
      %mul3A_109 = arith.constant 128 : i32
      %mul3A_110 = arith.muli %add3A_40, %mul3A_109 : i32
      %add3A_111 = arith.addi %mul3A_2, %mul3A_110 : i32
      "tpu.region"() ({
        %run_scoped3A = tpu.sem_alloc : memref<!tpu.dma_semaphore, #tpu.memory_space<semaphore_mem>>
        %dma_start3A_112 = arith.constant 0 : i32
        %dma_start3A_113 = tpu.memref_slice %arg6[%add3A_111, %dma_start3A_112] : memref<163840x128xf32, #tpu.memory_space<hbm>> -> memref<128x128xf32, #tpu.memory_space<hbm>>
        %dma_start3A_114 = arith.constant 0 : i32
        %dma_start3A_115 = tpu.memref_slice %arg6[%add3A_111, %dma_start3A_114] : memref<163840x128xf32, #tpu.memory_space<hbm>> -> memref<128x128xf32, #tpu.memory_space<hbm>>
        tpu.enqueue_dma source(%arg10 : memref<128x128xf32, #tpu.memory_space<vmem>>) target(%dma_start3A_115 : memref<128x128xf32, #tpu.memory_space<hbm>>) target_semaphore(%run_scoped3A : memref<!tpu.dma_semaphore, #tpu.memory_space<semaphore_mem>>)
        %dma_wait3A_116 = arith.constant 0 : i32
        %dma_wait3A_117 = tpu.memref_slice %arg6[%add3A_111, %dma_wait3A_116] : memref<163840x128xf32, #tpu.memory_space<hbm>> -> memref<128x128xf32, #tpu.memory_space<hbm>>
        %dma_wait3A_118 = arith.constant 0 : i32
        %dma_wait3A_119 = tpu.memref_slice %arg6[%add3A_111, %dma_wait3A_118] : memref<163840x128xf32, #tpu.memory_space<hbm>> -> memref<128x128xf32, #tpu.memory_space<hbm>>
        tpu.wait_dma2 semaphore(%run_scoped3A : memref<!tpu.dma_semaphore, #tpu.memory_space<semaphore_mem>>) src(%arg10 : memref<128x128xf32, #tpu.memory_space<vmem>>) dst(%dma_wait3A_119 : memref<128x128xf32, #tpu.memory_space<hbm>>)
        tpu.yield
      }) : () -> ()
    }
    %scan3A_20 = arith.constant 20 : i32
    %dma_wait3A = arith.constant 0 : i32
    %dma_wait3A_21 = arith.constant 0 : i32
    %dma_wait3A_22 = tpu.memref_slice %arg7[%dma_wait3A, %dma_wait3A_21] : memref<40x128xi32, #tpu.memory_space<vmem>> -> memref<1x128xi32, #tpu.memory_space<vmem>>
    %dma_wait3A_23 = tpu.memref_squeeze %dma_wait3A_22 : memref<1x128xi32, #tpu.memory_space<vmem>> -> memref<128xi32, #tpu.memory_space<vmem>>
    %dma_wait3A_24 = arith.constant 0 : i32
    %dma_wait3A_25 = arith.constant 0 : i32
    %dma_wait3A_26 = tpu.memref_slice %arg2[%dma_wait3A_24, %dma_wait3A_25] : memref<10240x128xf32, #tpu.memory_space<hbm>> -> memref<10240x128xf32, #tpu.memory_space<hbm>>
    tpu.wait_indirect_dma semaphore(%arg13 : memref<!tpu.dma_semaphore, #tpu.memory_space<semaphore_mem>>) src(%dma_wait3A_26 : memref<10240x128xf32, #tpu.memory_space<hbm>>) dst(%arg9 : memref<128x128xf32, #tpu.memory_space<vmem>>)
    %dma_wait3A_27 = arith.constant 0 : i32
    %dma_wait3A_28 = arith.constant 0 : i32
    %dma_wait3A_29 = tpu.memref_slice %arg8[%dma_wait3A_27, %dma_wait3A_28] : memref<40x128xi32, #tpu.memory_space<vmem>> -> memref<1x128xi32, #tpu.memory_space<vmem>>
    %dma_wait3A_30 = tpu.memref_squeeze %dma_wait3A_29 : memref<1x128xi32, #tpu.memory_space<vmem>> -> memref<128xi32, #tpu.memory_space<vmem>>
    %dma_wait3A_31 = arith.constant 0 : i32
    %dma_wait3A_32 = arith.constant 0 : i32
    %dma_wait3A_33 = tpu.memref_slice %arg3[%dma_wait3A_31, %dma_wait3A_32] : memref<10240x128xf32, #tpu.memory_space<hbm>> -> memref<10240x128xf32, #tpu.memory_space<hbm>>
    tpu.wait_indirect_dma semaphore(%arg15 : memref<!tpu.dma_semaphore, #tpu.memory_space<semaphore_mem>>) src(%dma_wait3A_33 : memref<10240x128xf32, #tpu.memory_space<hbm>>) dst(%arg11 : memref<128x128xf32, #tpu.memory_space<vmem>>)
    return
  }
}

#map = affine_map<(d0, d1) -> (0, 0)>
#map1 = affine_map<(d0, d1) -> (0, 0, 0)>
module attributes {stable_mosaic.version = 14 : i64} {
  func.func @_gather_body(%arg0: i32, %arg1: i32, %arg2: memref<10240x128xf32, #tpu.memory_space<hbm>>, %arg3: memref<10240x128xf32, #tpu.memory_space<hbm>>, %arg4: memref<32x40x128xi32, #tpu.memory_space<hbm>>, %arg5: memref<32x40x128xi32, #tpu.memory_space<hbm>>, %arg6: memref<163840x128xf32, #tpu.memory_space<hbm>>, %arg7: memref<40x128xi32, #tpu.memory_space<vmem>>, %arg8: memref<40x128xi32, #tpu.memory_space<vmem>>, %arg9: memref<128x128xf32, #tpu.memory_space<vmem>>, %arg10: memref<128x128xf32, #tpu.memory_space<vmem>>, %arg11: memref<128x128xf32, #tpu.memory_space<vmem>>, %arg12: memref<128x128xf32, #tpu.memory_space<vmem>>, %arg13: memref<!tpu.dma_semaphore, #tpu.memory_space<semaphore_mem>>, %arg14: memref<!tpu.dma_semaphore, #tpu.memory_space<semaphore_mem>>, %arg15: memref<!tpu.dma_semaphore, #tpu.memory_space<semaphore_mem>>, %arg16: memref<!tpu.dma_semaphore, #tpu.memory_space<semaphore_mem>>) attributes {dimension_semantics = [#tpu.dimension_semantics<core_parallel>, #tpu.dimension_semantics<subcore_parallel>], iteration_bounds = array<i64: 2, 16>, scalar_prefetch = 0 : i64, scratch_operands = 10 : i64, tpu.core_type = #tpu.core_type<sc_vector_subcore>, window_params = [{transform_indices = #map}, {transform_indices = #map}, {transform_indices = #map1}, {transform_indices = #map1}, {transform_indices = #map}]} {
    %mul3A = arith.constant 16 : i32
    %mul3A_0 = arith.muli %arg0, %mul3A : i32
    %add3A = arith.addi %mul3A_0, %arg1 : i32
    %mul3A_1 = arith.constant 5120 : i32
    %mul3A_2 = arith.muli %add3A, %mul3A_1 : i32
    "tpu.region"() ({
      %run_scoped3A = tpu.sem_alloc : memref<!tpu.dma_semaphore, #tpu.memory_space<semaphore_mem>>
      %dma_start3A_34 = arith.constant 0 : i32
      %dma_start3A_35 = arith.constant 0 : i32
      %dma_start3A_36 = tpu.memref_slice %arg4[%add3A, %dma_start3A_34, %dma_start3A_35] : memref<32x40x128xi32, #tpu.memory_space<hbm>> -> memref<1x40x128xi32, #tpu.memory_space<hbm>>
      %dma_start3A_37 = tpu.memref_squeeze %dma_start3A_36 : memref<1x40x128xi32, #tpu.memory_space<hbm>> -> memref<40x128xi32, #tpu.memory_space<hbm>>
      %dma_start3A_38 = arith.constant 0 : i32
      %dma_start3A_39 = arith.constant 0 : i32
      %dma_start3A_40 = tpu.memref_slice %arg4[%add3A, %dma_start3A_38, %dma_start3A_39] : memref<32x40x128xi32, #tpu.memory_space<hbm>> -> memref<1x40x128xi32, #tpu.memory_space<hbm>>
      %dma_start3A_41 = tpu.memref_squeeze %dma_start3A_40 : memref<1x40x128xi32, #tpu.memory_space<hbm>> -> memref<40x128xi32, #tpu.memory_space<hbm>>
      tpu.enqueue_dma source(%dma_start3A_41 : memref<40x128xi32, #tpu.memory_space<hbm>>) target(%arg7 : memref<40x128xi32, #tpu.memory_space<vmem>>) target_semaphore(%run_scoped3A : memref<!tpu.dma_semaphore, #tpu.memory_space<semaphore_mem>>)
      %dma_wait3A_42 = arith.constant 0 : i32
      %dma_wait3A_43 = arith.constant 0 : i32
      %dma_wait3A_44 = tpu.memref_slice %arg4[%add3A, %dma_wait3A_42, %dma_wait3A_43] : memref<32x40x128xi32, #tpu.memory_space<hbm>> -> memref<1x40x128xi32, #tpu.memory_space<hbm>>
      %dma_wait3A_45 = tpu.memref_squeeze %dma_wait3A_44 : memref<1x40x128xi32, #tpu.memory_space<hbm>> -> memref<40x128xi32, #tpu.memory_space<hbm>>
      %dma_wait3A_46 = arith.constant 0 : i32
      %dma_wait3A_47 = arith.constant 0 : i32
      %dma_wait3A_48 = tpu.memref_slice %arg4[%add3A, %dma_wait3A_46, %dma_wait3A_47] : memref<32x40x128xi32, #tpu.memory_space<hbm>> -> memref<1x40x128xi32, #tpu.memory_space<hbm>>
      %dma_wait3A_49 = tpu.memref_squeeze %dma_wait3A_48 : memref<1x40x128xi32, #tpu.memory_space<hbm>> -> memref<40x128xi32, #tpu.memory_space<hbm>>
      tpu.wait_dma2 semaphore(%run_scoped3A : memref<!tpu.dma_semaphore, #tpu.memory_space<semaphore_mem>>) src(%dma_wait3A_49 : memref<40x128xi32, #tpu.memory_space<hbm>>) dst(%arg7 : memref<40x128xi32, #tpu.memory_space<vmem>>)
      tpu.yield
    }) : () -> ()
    "tpu.region"() ({
      %run_scoped3A = tpu.sem_alloc : memref<!tpu.dma_semaphore, #tpu.memory_space<semaphore_mem>>
      %dma_start3A_34 = arith.constant 0 : i32
      %dma_start3A_35 = arith.constant 0 : i32
      %dma_start3A_36 = tpu.memref_slice %arg5[%add3A, %dma_start3A_34, %dma_start3A_35] : memref<32x40x128xi32, #tpu.memory_space<hbm>> -> memref<1x40x128xi32, #tpu.memory_space<hbm>>
      %dma_start3A_37 = tpu.memref_squeeze %dma_start3A_36 : memref<1x40x128xi32, #tpu.memory_space<hbm>> -> memref<40x128xi32, #tpu.memory_space<hbm>>
      %dma_start3A_38 = arith.constant 0 : i32
      %dma_start3A_39 = arith.constant 0 : i32
      %dma_start3A_40 = tpu.memref_slice %arg5[%add3A, %dma_start3A_38, %dma_start3A_39] : memref<32x40x128xi32, #tpu.memory_space<hbm>> -> memref<1x40x128xi32, #tpu.memory_space<hbm>>
      %dma_start3A_41 = tpu.memref_squeeze %dma_start3A_40 : memref<1x40x128xi32, #tpu.memory_space<hbm>> -> memref<40x128xi32, #tpu.memory_space<hbm>>
      tpu.enqueue_dma source(%dma_start3A_41 : memref<40x128xi32, #tpu.memory_space<hbm>>) target(%arg8 : memref<40x128xi32, #tpu.memory_space<vmem>>) target_semaphore(%run_scoped3A : memref<!tpu.dma_semaphore, #tpu.memory_space<semaphore_mem>>)
      %dma_wait3A_42 = arith.constant 0 : i32
      %dma_wait3A_43 = arith.constant 0 : i32
      %dma_wait3A_44 = tpu.memref_slice %arg5[%add3A, %dma_wait3A_42, %dma_wait3A_43] : memref<32x40x128xi32, #tpu.memory_space<hbm>> -> memref<1x40x128xi32, #tpu.memory_space<hbm>>
      %dma_wait3A_45 = tpu.memref_squeeze %dma_wait3A_44 : memref<1x40x128xi32, #tpu.memory_space<hbm>> -> memref<40x128xi32, #tpu.memory_space<hbm>>
      %dma_wait3A_46 = arith.constant 0 : i32
      %dma_wait3A_47 = arith.constant 0 : i32
      %dma_wait3A_48 = tpu.memref_slice %arg5[%add3A, %dma_wait3A_46, %dma_wait3A_47] : memref<32x40x128xi32, #tpu.memory_space<hbm>> -> memref<1x40x128xi32, #tpu.memory_space<hbm>>
      %dma_wait3A_49 = tpu.memref_squeeze %dma_wait3A_48 : memref<1x40x128xi32, #tpu.memory_space<hbm>> -> memref<40x128xi32, #tpu.memory_space<hbm>>
      tpu.wait_dma2 semaphore(%run_scoped3A : memref<!tpu.dma_semaphore, #tpu.memory_space<semaphore_mem>>) src(%dma_wait3A_49 : memref<40x128xi32, #tpu.memory_space<hbm>>) dst(%arg8 : memref<40x128xi32, #tpu.memory_space<vmem>>)
      tpu.yield
    }) : () -> ()
    %dma_start3A = arith.constant 0 : i32
    %dma_start3A_3 = arith.constant 0 : i32
    %dma_start3A_4 = tpu.memref_slice %arg7[%dma_start3A, %dma_start3A_3] : memref<40x128xi32, #tpu.memory_space<vmem>> -> memref<1x128xi32, #tpu.memory_space<vmem>>
    %dma_start3A_5 = tpu.memref_squeeze %dma_start3A_4 : memref<1x128xi32, #tpu.memory_space<vmem>> -> memref<128xi32, #tpu.memory_space<vmem>>
    %dma_start3A_6 = arith.constant 0 : i32
    %dma_start3A_7 = arith.constant 0 : i32
    %dma_start3A_8 = tpu.memref_slice %arg2[%dma_start3A_6, %dma_start3A_7] : memref<10240x128xf32, #tpu.memory_space<hbm>> -> memref<10240x128xf32, #tpu.memory_space<hbm>>
    tpu.enqueue_indirect_dma source(%dma_start3A_8 : memref<10240x128xf32, #tpu.memory_space<hbm>>) target(%arg9 : memref<128x128xf32, #tpu.memory_space<vmem>>) offsets(%dma_start3A_5 : memref<128xi32, #tpu.memory_space<vmem>>) semaphore(%arg13 : memref<!tpu.dma_semaphore, #tpu.memory_space<semaphore_mem>>)
    %dma_start3A_9 = arith.constant 0 : i32
    %dma_start3A_10 = arith.constant 0 : i32
    %dma_start3A_11 = tpu.memref_slice %arg8[%dma_start3A_9, %dma_start3A_10] : memref<40x128xi32, #tpu.memory_space<vmem>> -> memref<1x128xi32, #tpu.memory_space<vmem>>
    %dma_start3A_12 = tpu.memref_squeeze %dma_start3A_11 : memref<1x128xi32, #tpu.memory_space<vmem>> -> memref<128xi32, #tpu.memory_space<vmem>>
    %dma_start3A_13 = arith.constant 0 : i32
    %dma_start3A_14 = arith.constant 0 : i32
    %dma_start3A_15 = tpu.memref_slice %arg3[%dma_start3A_13, %dma_start3A_14] : memref<10240x128xf32, #tpu.memory_space<hbm>> -> memref<10240x128xf32, #tpu.memory_space<hbm>>
    tpu.enqueue_indirect_dma source(%dma_start3A_15 : memref<10240x128xf32, #tpu.memory_space<hbm>>) target(%arg11 : memref<128x128xf32, #tpu.memory_space<vmem>>) offsets(%dma_start3A_12 : memref<128xi32, #tpu.memory_space<vmem>>) semaphore(%arg15 : memref<!tpu.dma_semaphore, #tpu.memory_space<semaphore_mem>>)
    %scan3A = arith.constant 0 : i32
    %scan3A_16 = arith.constant 0 : i32
    %scan3A_17 = arith.constant 20 : i32
    %scan3A_18 = arith.addi %scan3A_16, %scan3A_17 : i32
    %scan3A_19 = arith.constant 1 : i32
    scf.for %scan3A_34 = %scan3A_16 to %scan3A_18 step %scan3A_19  : i32 {
      %mul3A_35 = arith.constant 2 : i32
      %mul3A_36 = arith.muli %mul3A_35, %scan3A_34 : i32
      %mul3A_37 = arith.constant 2 : i32
      %mul3A_38 = arith.muli %mul3A_37, %scan3A_34 : i32
      %add3A_39 = arith.constant 1 : i32
      %add3A_40 = arith.addi %mul3A_38, %add3A_39 : i32
      %mul3A_41 = arith.constant 2 : i32
      %mul3A_42 = arith.muli %mul3A_41, %scan3A_34 : i32
      %add3A_43 = arith.constant 2 : i32
      %add3A_44 = arith.addi %mul3A_42, %add3A_43 : i32
      %rem3A = arith.constant 40 : i32
      %rem3A_45 = arith.remsi %add3A_44, %rem3A : i32
      %dma_start3A_46 = arith.constant 0 : i32
      %dma_start3A_47 = tpu.memref_slice %arg7[%add3A_40, %dma_start3A_46] : memref<40x128xi32, #tpu.memory_space<vmem>> -> memref<1x128xi32, #tpu.memory_space<vmem>>
      %dma_start3A_48 = tpu.memref_squeeze %dma_start3A_47 : memref<1x128xi32, #tpu.memory_space<vmem>> -> memref<128xi32, #tpu.memory_space<vmem>>
      %dma_start3A_49 = arith.constant 0 : i32
      %dma_start3A_50 = arith.constant 0 : i32
      %dma_start3A_51 = tpu.memref_slice %arg2[%dma_start3A_49, %dma_start3A_50] : memref<10240x128xf32, #tpu.memory_space<hbm>> -> memref<10240x128xf32, #tpu.memory_space<hbm>>
      tpu.enqueue_indirect_dma source(%dma_start3A_51 : memref<10240x128xf32, #tpu.memory_space<hbm>>) target(%arg10 : memref<128x128xf32, #tpu.memory_space<vmem>>) offsets(%dma_start3A_48 : memref<128xi32, #tpu.memory_space<vmem>>) semaphore(%arg14 : memref<!tpu.dma_semaphore, #tpu.memory_space<semaphore_mem>>)
      %dma_start3A_52 = arith.constant 0 : i32
      %dma_start3A_53 = tpu.memref_slice %arg8[%add3A_40, %dma_start3A_52] : memref<40x128xi32, #tpu.memory_space<vmem>> -> memref<1x128xi32, #tpu.memory_space<vmem>>
      %dma_start3A_54 = tpu.memref_squeeze %dma_start3A_53 : memref<1x128xi32, #tpu.memory_space<vmem>> -> memref<128xi32, #tpu.memory_space<vmem>>
      %dma_start3A_55 = arith.constant 0 : i32
      %dma_start3A_56 = arith.constant 0 : i32
      %dma_start3A_57 = tpu.memref_slice %arg3[%dma_start3A_55, %dma_start3A_56] : memref<10240x128xf32, #tpu.memory_space<hbm>> -> memref<10240x128xf32, #tpu.memory_space<hbm>>
      tpu.enqueue_indirect_dma source(%dma_start3A_57 : memref<10240x128xf32, #tpu.memory_space<hbm>>) target(%arg12 : memref<128x128xf32, #tpu.memory_space<vmem>>) offsets(%dma_start3A_54 : memref<128xi32, #tpu.memory_space<vmem>>) semaphore(%arg16 : memref<!tpu.dma_semaphore, #tpu.memory_space<semaphore_mem>>)
      %dma_wait3A_58 = arith.constant 0 : i32
      %dma_wait3A_59 = tpu.memref_slice %arg7[%mul3A_36, %dma_wait3A_58] : memref<40x128xi32, #tpu.memory_space<vmem>> -> memref<1x128xi32, #tpu.memory_space<vmem>>
      %dma_wait3A_60 = tpu.memref_squeeze %dma_wait3A_59 : memref<1x128xi32, #tpu.memory_space<vmem>> -> memref<128xi32, #tpu.memory_space<vmem>>
      %dma_wait3A_61 = arith.constant 0 : i32
      %dma_wait3A_62 = arith.constant 0 : i32
      %dma_wait3A_63 = tpu.memref_slice %arg2[%dma_wait3A_61, %dma_wait3A_62] : memref<10240x128xf32, #tpu.memory_space<hbm>> -> memref<10240x128xf32, #tpu.memory_space<hbm>>
      tpu.wait_indirect_dma semaphore(%arg13 : memref<!tpu.dma_semaphore, #tpu.memory_space<semaphore_mem>>) src(%dma_wait3A_63 : memref<10240x128xf32, #tpu.memory_space<hbm>>) dst(%arg9 : memref<128x128xf32, #tpu.memory_space<vmem>>)
      %dma_wait3A_64 = arith.constant 0 : i32
      %dma_wait3A_65 = tpu.memref_slice %arg8[%mul3A_36, %dma_wait3A_64] : memref<40x128xi32, #tpu.memory_space<vmem>> -> memref<1x128xi32, #tpu.memory_space<vmem>>
      %dma_wait3A_66 = tpu.memref_squeeze %dma_wait3A_65 : memref<1x128xi32, #tpu.memory_space<vmem>> -> memref<128xi32, #tpu.memory_space<vmem>>
      %dma_wait3A_67 = arith.constant 0 : i32
      %dma_wait3A_68 = arith.constant 0 : i32
      %dma_wait3A_69 = tpu.memref_slice %arg3[%dma_wait3A_67, %dma_wait3A_68] : memref<10240x128xf32, #tpu.memory_space<hbm>> -> memref<10240x128xf32, #tpu.memory_space<hbm>>
      tpu.wait_indirect_dma semaphore(%arg15 : memref<!tpu.dma_semaphore, #tpu.memory_space<semaphore_mem>>) src(%dma_wait3A_69 : memref<10240x128xf32, #tpu.memory_space<hbm>>) dst(%arg11 : memref<128x128xf32, #tpu.memory_space<vmem>>)
      %scan3A_70 = arith.constant 0 : i32
      %scan3A_71 = arith.constant 0 : i32
      %scan3A_72 = arith.constant 128 : i32
      %scan3A_73 = arith.addi %scan3A_71, %scan3A_72 : i32
      %scan3A_74 = arith.constant 1 : i32
      scf.for %scan3A_112 = %scan3A_71 to %scan3A_73 step %scan3A_74  : i32 {
        %get3A = arith.index_cast %scan3A_112 : i32 to index
        %get3A_113 = arith.constant 0 : index
        %get3A_114 = tpu.vector_load %arg9[%get3A, %get3A_113] {strides = array<i32>} : memref<128x128xf32, #tpu.memory_space<vmem>>, vector<1x16xf32>,
        %get3A_115 = vector.shape_cast %get3A_114 : vector<1x16xf32> to vector<16xf32>
        %get3A_116 = arith.index_cast %scan3A_112 : i32 to index
        %get3A_117 = arith.constant 0 : index
        %get3A_118 = tpu.vector_load %arg11[%get3A_116, %get3A_117] {strides = array<i32>} : memref<128x128xf32, #tpu.memory_space<vmem>>, vector<1x16xf32>,
        %get3A_119 = vector.shape_cast %get3A_118 : vector<1x16xf32> to vector<16xf32>
        %add3A_120 = arith.addf %get3A_115, %get3A_119 : vector<16xf32>
        %swap3A = arith.index_cast %scan3A_112 : i32 to index
        %swap3A_121 = arith.constant 0 : index
        %swap3A_122 = tpu.vector_load %arg9[%swap3A, %swap3A_121] {strides = array<i32>} : memref<128x128xf32, #tpu.memory_space<vmem>>, vector<1x16xf32>,
        %swap3A_123 = vector.shape_cast %swap3A_122 : vector<1x16xf32> to vector<16xf32>
        %swap3A_124 = vector.shape_cast %add3A_120 : vector<16xf32> to vector<1x16xf32>
        tpu.vector_store %arg9[%swap3A, %swap3A_121], %swap3A_124 {strides = array<i32>} : memref<128x128xf32, #tpu.memory_space<vmem>>, vector<1x16xf32>,
        %get3A_125 = arith.index_cast %scan3A_112 : i32 to index
        %get3A_126 = arith.constant 16 : index
        %get3A_127 = tpu.vector_load %arg9[%get3A_125, %get3A_126] {strides = array<i32>} : memref<128x128xf32, #tpu.memory_space<vmem>>, vector<1x16xf32>,
        %get3A_128 = vector.shape_cast %get3A_127 : vector<1x16xf32> to vector<16xf32>
        %get3A_129 = arith.index_cast %scan3A_112 : i32 to index
        %get3A_130 = arith.constant 16 : index
        %get3A_131 = tpu.vector_load %arg11[%get3A_129, %get3A_130] {strides = array<i32>} : memref<128x128xf32, #tpu.memory_space<vmem>>, vector<1x16xf32>,
        %get3A_132 = vector.shape_cast %get3A_131 : vector<1x16xf32> to vector<16xf32>
        %add3A_133 = arith.addf %get3A_128, %get3A_132 : vector<16xf32>
        %swap3A_134 = arith.index_cast %scan3A_112 : i32 to index
        %swap3A_135 = arith.constant 16 : index
        %swap3A_136 = tpu.vector_load %arg9[%swap3A_134, %swap3A_135] {strides = array<i32>} : memref<128x128xf32, #tpu.memory_space<vmem>>, vector<1x16xf32>,
        %swap3A_137 = vector.shape_cast %swap3A_136 : vector<1x16xf32> to vector<16xf32>
        %swap3A_138 = vector.shape_cast %add3A_133 : vector<16xf32> to vector<1x16xf32>
        tpu.vector_store %arg9[%swap3A_134, %swap3A_135], %swap3A_138 {strides = array<i32>} : memref<128x128xf32, #tpu.memory_space<vmem>>, vector<1x16xf32>,
        %get3A_139 = arith.index_cast %scan3A_112 : i32 to index
        %get3A_140 = arith.constant 32 : index
        %get3A_141 = tpu.vector_load %arg9[%get3A_139, %get3A_140] {strides = array<i32>} : memref<128x128xf32, #tpu.memory_space<vmem>>, vector<1x16xf32>,
        %get3A_142 = vector.shape_cast %get3A_141 : vector<1x16xf32> to vector<16xf32>
        %get3A_143 = arith.index_cast %scan3A_112 : i32 to index
        %get3A_144 = arith.constant 32 : index
        %get3A_145 = tpu.vector_load %arg11[%get3A_143, %get3A_144] {strides = array<i32>} : memref<128x128xf32, #tpu.memory_space<vmem>>, vector<1x16xf32>,
        %get3A_146 = vector.shape_cast %get3A_145 : vector<1x16xf32> to vector<16xf32>
        %add3A_147 = arith.addf %get3A_142, %get3A_146 : vector<16xf32>
        %swap3A_148 = arith.index_cast %scan3A_112 : i32 to index
        %swap3A_149 = arith.constant 32 : index
        %swap3A_150 = tpu.vector_load %arg9[%swap3A_148, %swap3A_149] {strides = array<i32>} : memref<128x128xf32, #tpu.memory_space<vmem>>, vector<1x16xf32>,
        %swap3A_151 = vector.shape_cast %swap3A_150 : vector<1x16xf32> to vector<16xf32>
        %swap3A_152 = vector.shape_cast %add3A_147 : vector<16xf32> to vector<1x16xf32>
        tpu.vector_store %arg9[%swap3A_148, %swap3A_149], %swap3A_152 {strides = array<i32>} : memref<128x128xf32, #tpu.memory_space<vmem>>, vector<1x16xf32>,
        %get3A_153 = arith.index_cast %scan3A_112 : i32 to index
        %get3A_154 = arith.constant 48 : index
        %get3A_155 = tpu.vector_load %arg9[%get3A_153, %get3A_154] {strides = array<i32>} : memref<128x128xf32, #tpu.memory_space<vmem>>, vector<1x16xf32>,
        %get3A_156 = vector.shape_cast %get3A_155 : vector<1x16xf32> to vector<16xf32>
        %get3A_157 = arith.index_cast %scan3A_112 : i32 to index
        %get3A_158 = arith.constant 48 : index
        %get3A_159 = tpu.vector_load %arg11[%get3A_157, %get3A_158] {strides = array<i32>} : memref<128x128xf32, #tpu.memory_space<vmem>>, vector<1x16xf32>,
        %get3A_160 = vector.shape_cast %get3A_159 : vector<1x16xf32> to vector<16xf32>
        %add3A_161 = arith.addf %get3A_156, %get3A_160 : vector<16xf32>
        %swap3A_162 = arith.index_cast %scan3A_112 : i32 to index
        %swap3A_163 = arith.constant 48 : index
        %swap3A_164 = tpu.vector_load %arg9[%swap3A_162, %swap3A_163] {strides = array<i32>} : memref<128x128xf32, #tpu.memory_space<vmem>>, vector<1x16xf32>,
        %swap3A_165 = vector.shape_cast %swap3A_164 : vector<1x16xf32> to vector<16xf32>
        %swap3A_166 = vector.shape_cast %add3A_161 : vector<16xf32> to vector<1x16xf32>
        tpu.vector_store %arg9[%swap3A_162, %swap3A_163], %swap3A_166 {strides = array<i32>} : memref<128x128xf32, #tpu.memory_space<vmem>>, vector<1x16xf32>,
        %get3A_167 = arith.index_cast %scan3A_112 : i32 to index
        %get3A_168 = arith.constant 64 : index
        %get3A_169 = tpu.vector_load %arg9[%get3A_167, %get3A_168] {strides = array<i32>} : memref<128x128xf32, #tpu.memory_space<vmem>>, vector<1x16xf32>,
        %get3A_170 = vector.shape_cast %get3A_169 : vector<1x16xf32> to vector<16xf32>
        %get3A_171 = arith.index_cast %scan3A_112 : i32 to index
        %get3A_172 = arith.constant 64 : index
        %get3A_173 = tpu.vector_load %arg11[%get3A_171, %get3A_172] {strides = array<i32>} : memref<128x128xf32, #tpu.memory_space<vmem>>, vector<1x16xf32>,
        %get3A_174 = vector.shape_cast %get3A_173 : vector<1x16xf32> to vector<16xf32>
        %add3A_175 = arith.addf %get3A_170, %get3A_174 : vector<16xf32>
        %swap3A_176 = arith.index_cast %scan3A_112 : i32 to index
        %swap3A_177 = arith.constant 64 : index
        %swap3A_178 = tpu.vector_load %arg9[%swap3A_176, %swap3A_177] {strides = array<i32>} : memref<128x128xf32, #tpu.memory_space<vmem>>, vector<1x16xf32>,
        %swap3A_179 = vector.shape_cast %swap3A_178 : vector<1x16xf32> to vector<16xf32>
        %swap3A_180 = vector.shape_cast %add3A_175 : vector<16xf32> to vector<1x16xf32>
        tpu.vector_store %arg9[%swap3A_176, %swap3A_177], %swap3A_180 {strides = array<i32>} : memref<128x128xf32, #tpu.memory_space<vmem>>, vector<1x16xf32>,
        %get3A_181 = arith.index_cast %scan3A_112 : i32 to index
        %get3A_182 = arith.constant 80 : index
        %get3A_183 = tpu.vector_load %arg9[%get3A_181, %get3A_182] {strides = array<i32>} : memref<128x128xf32, #tpu.memory_space<vmem>>, vector<1x16xf32>,
        %get3A_184 = vector.shape_cast %get3A_183 : vector<1x16xf32> to vector<16xf32>
        %get3A_185 = arith.index_cast %scan3A_112 : i32 to index
        %get3A_186 = arith.constant 80 : index
        %get3A_187 = tpu.vector_load %arg11[%get3A_185, %get3A_186] {strides = array<i32>} : memref<128x128xf32, #tpu.memory_space<vmem>>, vector<1x16xf32>,
        %get3A_188 = vector.shape_cast %get3A_187 : vector<1x16xf32> to vector<16xf32>
        %add3A_189 = arith.addf %get3A_184, %get3A_188 : vector<16xf32>
        %swap3A_190 = arith.index_cast %scan3A_112 : i32 to index
        %swap3A_191 = arith.constant 80 : index
        %swap3A_192 = tpu.vector_load %arg9[%swap3A_190, %swap3A_191] {strides = array<i32>} : memref<128x128xf32, #tpu.memory_space<vmem>>, vector<1x16xf32>,
        %swap3A_193 = vector.shape_cast %swap3A_192 : vector<1x16xf32> to vector<16xf32>
        %swap3A_194 = vector.shape_cast %add3A_189 : vector<16xf32> to vector<1x16xf32>
        tpu.vector_store %arg9[%swap3A_190, %swap3A_191], %swap3A_194 {strides = array<i32>} : memref<128x128xf32, #tpu.memory_space<vmem>>, vector<1x16xf32>,
        %get3A_195 = arith.index_cast %scan3A_112 : i32 to index
        %get3A_196 = arith.constant 96 : index
        %get3A_197 = tpu.vector_load %arg9[%get3A_195, %get3A_196] {strides = array<i32>} : memref<128x128xf32, #tpu.memory_space<vmem>>, vector<1x16xf32>,
        %get3A_198 = vector.shape_cast %get3A_197 : vector<1x16xf32> to vector<16xf32>
        %get3A_199 = arith.index_cast %scan3A_112 : i32 to index
        %get3A_200 = arith.constant 96 : index
        %get3A_201 = tpu.vector_load %arg11[%get3A_199, %get3A_200] {strides = array<i32>} : memref<128x128xf32, #tpu.memory_space<vmem>>, vector<1x16xf32>,
        %get3A_202 = vector.shape_cast %get3A_201 : vector<1x16xf32> to vector<16xf32>
        %add3A_203 = arith.addf %get3A_198, %get3A_202 : vector<16xf32>
        %swap3A_204 = arith.index_cast %scan3A_112 : i32 to index
        %swap3A_205 = arith.constant 96 : index
        %swap3A_206 = tpu.vector_load %arg9[%swap3A_204, %swap3A_205] {strides = array<i32>} : memref<128x128xf32, #tpu.memory_space<vmem>>, vector<1x16xf32>,
        %swap3A_207 = vector.shape_cast %swap3A_206 : vector<1x16xf32> to vector<16xf32>
        %swap3A_208 = vector.shape_cast %add3A_203 : vector<16xf32> to vector<1x16xf32>
        tpu.vector_store %arg9[%swap3A_204, %swap3A_205], %swap3A_208 {strides = array<i32>} : memref<128x128xf32, #tpu.memory_space<vmem>>, vector<1x16xf32>,
        %get3A_209 = arith.index_cast %scan3A_112 : i32 to index
        %get3A_210 = arith.constant 112 : index
        %get3A_211 = tpu.vector_load %arg9[%get3A_209, %get3A_210] {strides = array<i32>} : memref<128x128xf32, #tpu.memory_space<vmem>>, vector<1x16xf32>,
        %get3A_212 = vector.shape_cast %get3A_211 : vector<1x16xf32> to vector<16xf32>
        %get3A_213 = arith.index_cast %scan3A_112 : i32 to index
        %get3A_214 = arith.constant 112 : index
        %get3A_215 = tpu.vector_load %arg11[%get3A_213, %get3A_214] {strides = array<i32>} : memref<128x128xf32, #tpu.memory_space<vmem>>, vector<1x16xf32>,
        %get3A_216 = vector.shape_cast %get3A_215 : vector<1x16xf32> to vector<16xf32>
        %add3A_217 = arith.addf %get3A_212, %get3A_216 : vector<16xf32>
        %swap3A_218 = arith.index_cast %scan3A_112 : i32 to index
        %swap3A_219 = arith.constant 112 : index
        %swap3A_220 = tpu.vector_load %arg9[%swap3A_218, %swap3A_219] {strides = array<i32>} : memref<128x128xf32, #tpu.memory_space<vmem>>, vector<1x16xf32>,
        %swap3A_221 = vector.shape_cast %swap3A_220 : vector<1x16xf32> to vector<16xf32>
        %swap3A_222 = vector.shape_cast %add3A_217 : vector<16xf32> to vector<1x16xf32>
        tpu.vector_store %arg9[%swap3A_218, %swap3A_219], %swap3A_222 {strides = array<i32>} : memref<128x128xf32, #tpu.memory_space<vmem>>, vector<1x16xf32>,
      }
      %scan3A_75 = arith.constant 128 : i32
      %mul3A_76 = arith.constant 128 : i32
      %mul3A_77 = arith.muli %mul3A_36, %mul3A_76 : i32
      %add3A_78 = arith.addi %mul3A_2, %mul3A_77 : i32
      "tpu.region"() ({
        %run_scoped3A = tpu.sem_alloc : memref<!tpu.dma_semaphore, #tpu.memory_space<semaphore_mem>>
        %dma_start3A_112 = arith.constant 0 : i32
        %dma_start3A_113 = tpu.memref_slice %arg6[%add3A_78, %dma_start3A_112] : memref<163840x128xf32, #tpu.memory_space<hbm>> -> memref<128x128xf32, #tpu.memory_space<hbm>>
        %dma_start3A_114 = arith.constant 0 : i32
        %dma_start3A_115 = tpu.memref_slice %arg6[%add3A_78, %dma_start3A_114] : memref<163840x128xf32, #tpu.memory_space<hbm>> -> memref<128x128xf32, #tpu.memory_space<hbm>>
        tpu.enqueue_dma source(%arg9 : memref<128x128xf32, #tpu.memory_space<vmem>>) target(%dma_start3A_115 : memref<128x128xf32, #tpu.memory_space<hbm>>) target_semaphore(%run_scoped3A : memref<!tpu.dma_semaphore, #tpu.memory_space<semaphore_mem>>)
        %dma_wait3A_116 = arith.constant 0 : i32
        %dma_wait3A_117 = tpu.memref_slice %arg6[%add3A_78, %dma_wait3A_116] : memref<163840x128xf32, #tpu.memory_space<hbm>> -> memref<128x128xf32, #tpu.memory_space<hbm>>
        %dma_wait3A_118 = arith.constant 0 : i32
        %dma_wait3A_119 = tpu.memref_slice %arg6[%add3A_78, %dma_wait3A_118] : memref<163840x128xf32, #tpu.memory_space<hbm>> -> memref<128x128xf32, #tpu.memory_space<hbm>>
        tpu.wait_dma2 semaphore(%run_scoped3A : memref<!tpu.dma_semaphore, #tpu.memory_space<semaphore_mem>>) src(%arg9 : memref<128x128xf32, #tpu.memory_space<vmem>>) dst(%dma_wait3A_119 : memref<128x128xf32, #tpu.memory_space<hbm>>)
        tpu.yield
      }) : () -> ()
      %dma_start3A_79 = arith.constant 0 : i32
      %dma_start3A_80 = tpu.memref_slice %arg7[%rem3A_45, %dma_start3A_79] : memref<40x128xi32, #tpu.memory_space<vmem>> -> memref<1x128xi32, #tpu.memory_space<vmem>>
      %dma_start3A_81 = tpu.memref_squeeze %dma_start3A_80 : memref<1x128xi32, #tpu.memory_space<vmem>> -> memref<128xi32, #tpu.memory_space<vmem>>
      %dma_start3A_82 = arith.constant 0 : i32
      %dma_start3A_83 = arith.constant 0 : i32
      %dma_start3A_84 = tpu.memref_slice %arg2[%dma_start3A_82, %dma_start3A_83] : memref<10240x128xf32, #tpu.memory_space<hbm>> -> memref<10240x128xf32, #tpu.memory_space<hbm>>
      tpu.enqueue_indirect_dma source(%dma_start3A_84 : memref<10240x128xf32, #tpu.memory_space<hbm>>) target(%arg9 : memref<128x128xf32, #tpu.memory_space<vmem>>) offsets(%dma_start3A_81 : memref<128xi32, #tpu.memory_space<vmem>>) semaphore(%arg13 : memref<!tpu.dma_semaphore, #tpu.memory_space<semaphore_mem>>)
      %dma_start3A_85 = arith.constant 0 : i32
      %dma_start3A_86 = tpu.memref_slice %arg8[%rem3A_45, %dma_start3A_85] : memref<40x128xi32, #tpu.memory_space<vmem>> -> memref<1x128xi32, #tpu.memory_space<vmem>>
      %dma_start3A_87 = tpu.memref_squeeze %dma_start3A_86 : memref<1x128xi32, #tpu.memory_space<vmem>> -> memref<128xi32, #tpu.memory_space<vmem>>
      %dma_start3A_88 = arith.constant 0 : i32
      %dma_start3A_89 = arith.constant 0 : i32
      %dma_start3A_90 = tpu.memref_slice %arg3[%dma_start3A_88, %dma_start3A_89] : memref<10240x128xf32, #tpu.memory_space<hbm>> -> memref<10240x128xf32, #tpu.memory_space<hbm>>
      tpu.enqueue_indirect_dma source(%dma_start3A_90 : memref<10240x128xf32, #tpu.memory_space<hbm>>) target(%arg11 : memref<128x128xf32, #tpu.memory_space<vmem>>) offsets(%dma_start3A_87 : memref<128xi32, #tpu.memory_space<vmem>>) semaphore(%arg15 : memref<!tpu.dma_semaphore, #tpu.memory_space<semaphore_mem>>)
      %dma_wait3A_91 = arith.constant 0 : i32
      %dma_wait3A_92 = tpu.memref_slice %arg7[%add3A_40, %dma_wait3A_91] : memref<40x128xi32, #tpu.memory_space<vmem>> -> memref<1x128xi32, #tpu.memory_space<vmem>>
      %dma_wait3A_93 = tpu.memref_squeeze %dma_wait3A_92 : memref<1x128xi32, #tpu.memory_space<vmem>> -> memref<128xi32, #tpu.memory_space<vmem>>
      %dma_wait3A_94 = arith.constant 0 : i32
      %dma_wait3A_95 = arith.constant 0 : i32
      %dma_wait3A_96 = tpu.memref_slice %arg2[%dma_wait3A_94, %dma_wait3A_95] : memref<10240x128xf32, #tpu.memory_space<hbm>> -> memref<10240x128xf32, #tpu.memory_space<hbm>>
      tpu.wait_indirect_dma semaphore(%arg14 : memref<!tpu.dma_semaphore, #tpu.memory_space<semaphore_mem>>) src(%dma_wait3A_96 : memref<10240x128xf32, #tpu.memory_space<hbm>>) dst(%arg10 : memref<128x128xf32, #tpu.memory_space<vmem>>)
      %dma_wait3A_97 = arith.constant 0 : i32
      %dma_wait3A_98 = tpu.memref_slice %arg8[%add3A_40, %dma_wait3A_97] : memref<40x128xi32, #tpu.memory_space<vmem>> -> memref<1x128xi32, #tpu.memory_space<vmem>>
      %dma_wait3A_99 = tpu.memref_squeeze %dma_wait3A_98 : memref<1x128xi32, #tpu.memory_space<vmem>> -> memref<128xi32, #tpu.memory_space<vmem>>
      %dma_wait3A_100 = arith.constant 0 : i32
      %dma_wait3A_101 = arith.constant 0 : i32
      %dma_wait3A_102 = tpu.memref_slice %arg3[%dma_wait3A_100, %dma_wait3A_101] : memref<10240x128xf32, #tpu.memory_space<hbm>> -> memref<10240x128xf32, #tpu.memory_space<hbm>>
      tpu.wait_indirect_dma semaphore(%arg16 : memref<!tpu.dma_semaphore, #tpu.memory_space<semaphore_mem>>) src(%dma_wait3A_102 : memref<10240x128xf32, #tpu.memory_space<hbm>>) dst(%arg12 : memref<128x128xf32, #tpu.memory_space<vmem>>)
      %scan3A_103 = arith.constant 0 : i32
      %scan3A_104 = arith.constant 0 : i32
      %scan3A_105 = arith.constant 128 : i32
      %scan3A_106 = arith.addi %scan3A_104, %scan3A_105 : i32
      %scan3A_107 = arith.constant 1 : i32
      scf.for %scan3A_112 = %scan3A_104 to %scan3A_106 step %scan3A_107  : i32 {
        %get3A = arith.index_cast %scan3A_112 : i32 to index
        %get3A_113 = arith.constant 0 : index
        %get3A_114 = tpu.vector_load %arg10[%get3A, %get3A_113] {strides = array<i32>} : memref<128x128xf32, #tpu.memory_space<vmem>>, vector<1x16xf32>,
        %get3A_115 = vector.shape_cast %get3A_114 : vector<1x16xf32> to vector<16xf32>
        %get3A_116 = arith.index_cast %scan3A_112 : i32 to index
        %get3A_117 = arith.constant 0 : index
        %get3A_118 = tpu.vector_load %arg12[%get3A_116, %get3A_117] {strides = array<i32>} : memref<128x128xf32, #tpu.memory_space<vmem>>, vector<1x16xf32>,
        %get3A_119 = vector.shape_cast %get3A_118 : vector<1x16xf32> to vector<16xf32>
        %add3A_120 = arith.addf %get3A_115, %get3A_119 : vector<16xf32>
        %swap3A = arith.index_cast %scan3A_112 : i32 to index
        %swap3A_121 = arith.constant 0 : index
        %swap3A_122 = tpu.vector_load %arg10[%swap3A, %swap3A_121] {strides = array<i32>} : memref<128x128xf32, #tpu.memory_space<vmem>>, vector<1x16xf32>,
        %swap3A_123 = vector.shape_cast %swap3A_122 : vector<1x16xf32> to vector<16xf32>
        %swap3A_124 = vector.shape_cast %add3A_120 : vector<16xf32> to vector<1x16xf32>
        tpu.vector_store %arg10[%swap3A, %swap3A_121], %swap3A_124 {strides = array<i32>} : memref<128x128xf32, #tpu.memory_space<vmem>>, vector<1x16xf32>,
        %get3A_125 = arith.index_cast %scan3A_112 : i32 to index
        %get3A_126 = arith.constant 16 : index
        %get3A_127 = tpu.vector_load %arg10[%get3A_125, %get3A_126] {strides = array<i32>} : memref<128x128xf32, #tpu.memory_space<vmem>>, vector<1x16xf32>,
        %get3A_128 = vector.shape_cast %get3A_127 : vector<1x16xf32> to vector<16xf32>
        %get3A_129 = arith.index_cast %scan3A_112 : i32 to index
        %get3A_130 = arith.constant 16 : index
        %get3A_131 = tpu.vector_load %arg12[%get3A_129, %get3A_130] {strides = array<i32>} : memref<128x128xf32, #tpu.memory_space<vmem>>, vector<1x16xf32>,
        %get3A_132 = vector.shape_cast %get3A_131 : vector<1x16xf32> to vector<16xf32>
        %add3A_133 = arith.addf %get3A_128, %get3A_132 : vector<16xf32>
        %swap3A_134 = arith.index_cast %scan3A_112 : i32 to index
        %swap3A_135 = arith.constant 16 : index
        %swap3A_136 = tpu.vector_load %arg10[%swap3A_134, %swap3A_135] {strides = array<i32>} : memref<128x128xf32, #tpu.memory_space<vmem>>, vector<1x16xf32>,
        %swap3A_137 = vector.shape_cast %swap3A_136 : vector<1x16xf32> to vector<16xf32>
        %swap3A_138 = vector.shape_cast %add3A_133 : vector<16xf32> to vector<1x16xf32>
        tpu.vector_store %arg10[%swap3A_134, %swap3A_135], %swap3A_138 {strides = array<i32>} : memref<128x128xf32, #tpu.memory_space<vmem>>, vector<1x16xf32>,
        %get3A_139 = arith.index_cast %scan3A_112 : i32 to index
        %get3A_140 = arith.constant 32 : index
        %get3A_141 = tpu.vector_load %arg10[%get3A_139, %get3A_140] {strides = array<i32>} : memref<128x128xf32, #tpu.memory_space<vmem>>, vector<1x16xf32>,
        %get3A_142 = vector.shape_cast %get3A_141 : vector<1x16xf32> to vector<16xf32>
        %get3A_143 = arith.index_cast %scan3A_112 : i32 to index
        %get3A_144 = arith.constant 32 : index
        %get3A_145 = tpu.vector_load %arg12[%get3A_143, %get3A_144] {strides = array<i32>} : memref<128x128xf32, #tpu.memory_space<vmem>>, vector<1x16xf32>,
        %get3A_146 = vector.shape_cast %get3A_145 : vector<1x16xf32> to vector<16xf32>
        %add3A_147 = arith.addf %get3A_142, %get3A_146 : vector<16xf32>
        %swap3A_148 = arith.index_cast %scan3A_112 : i32 to index
        %swap3A_149 = arith.constant 32 : index
        %swap3A_150 = tpu.vector_load %arg10[%swap3A_148, %swap3A_149] {strides = array<i32>} : memref<128x128xf32, #tpu.memory_space<vmem>>, vector<1x16xf32>,
        %swap3A_151 = vector.shape_cast %swap3A_150 : vector<1x16xf32> to vector<16xf32>
        %swap3A_152 = vector.shape_cast %add3A_147 : vector<16xf32> to vector<1x16xf32>
        tpu.vector_store %arg10[%swap3A_148, %swap3A_149], %swap3A_152 {strides = array<i32>} : memref<128x128xf32, #tpu.memory_space<vmem>>, vector<1x16xf32>,
        %get3A_153 = arith.index_cast %scan3A_112 : i32 to index
        %get3A_154 = arith.constant 48 : index
        %get3A_155 = tpu.vector_load %arg10[%get3A_153, %get3A_154] {strides = array<i32>} : memref<128x128xf32, #tpu.memory_space<vmem>>, vector<1x16xf32>,
        %get3A_156 = vector.shape_cast %get3A_155 : vector<1x16xf32> to vector<16xf32>
        %get3A_157 = arith.index_cast %scan3A_112 : i32 to index
        %get3A_158 = arith.constant 48 : index
        %get3A_159 = tpu.vector_load %arg12[%get3A_157, %get3A_158] {strides = array<i32>} : memref<128x128xf32, #tpu.memory_space<vmem>>, vector<1x16xf32>,
        %get3A_160 = vector.shape_cast %get3A_159 : vector<1x16xf32> to vector<16xf32>
        %add3A_161 = arith.addf %get3A_156, %get3A_160 : vector<16xf32>
        %swap3A_162 = arith.index_cast %scan3A_112 : i32 to index
        %swap3A_163 = arith.constant 48 : index
        %swap3A_164 = tpu.vector_load %arg10[%swap3A_162, %swap3A_163] {strides = array<i32>} : memref<128x128xf32, #tpu.memory_space<vmem>>, vector<1x16xf32>,
        %swap3A_165 = vector.shape_cast %swap3A_164 : vector<1x16xf32> to vector<16xf32>
        %swap3A_166 = vector.shape_cast %add3A_161 : vector<16xf32> to vector<1x16xf32>
        tpu.vector_store %arg10[%swap3A_162, %swap3A_163], %swap3A_166 {strides = array<i32>} : memref<128x128xf32, #tpu.memory_space<vmem>>, vector<1x16xf32>,
        %get3A_167 = arith.index_cast %scan3A_112 : i32 to index
        %get3A_168 = arith.constant 64 : index
        %get3A_169 = tpu.vector_load %arg10[%get3A_167, %get3A_168] {strides = array<i32>} : memref<128x128xf32, #tpu.memory_space<vmem>>, vector<1x16xf32>,
        %get3A_170 = vector.shape_cast %get3A_169 : vector<1x16xf32> to vector<16xf32>
        %get3A_171 = arith.index_cast %scan3A_112 : i32 to index
        %get3A_172 = arith.constant 64 : index
        %get3A_173 = tpu.vector_load %arg12[%get3A_171, %get3A_172] {strides = array<i32>} : memref<128x128xf32, #tpu.memory_space<vmem>>, vector<1x16xf32>,
        %get3A_174 = vector.shape_cast %get3A_173 : vector<1x16xf32> to vector<16xf32>
        %add3A_175 = arith.addf %get3A_170, %get3A_174 : vector<16xf32>
        %swap3A_176 = arith.index_cast %scan3A_112 : i32 to index
        %swap3A_177 = arith.constant 64 : index
        %swap3A_178 = tpu.vector_load %arg10[%swap3A_176, %swap3A_177] {strides = array<i32>} : memref<128x128xf32, #tpu.memory_space<vmem>>, vector<1x16xf32>,
        %swap3A_179 = vector.shape_cast %swap3A_178 : vector<1x16xf32> to vector<16xf32>
        %swap3A_180 = vector.shape_cast %add3A_175 : vector<16xf32> to vector<1x16xf32>
        tpu.vector_store %arg10[%swap3A_176, %swap3A_177], %swap3A_180 {strides = array<i32>} : memref<128x128xf32, #tpu.memory_space<vmem>>, vector<1x16xf32>,
        %get3A_181 = arith.index_cast %scan3A_112 : i32 to index
        %get3A_182 = arith.constant 80 : index
        %get3A_183 = tpu.vector_load %arg10[%get3A_181, %get3A_182] {strides = array<i32>} : memref<128x128xf32, #tpu.memory_space<vmem>>, vector<1x16xf32>,
        %get3A_184 = vector.shape_cast %get3A_183 : vector<1x16xf32> to vector<16xf32>
        %get3A_185 = arith.index_cast %scan3A_112 : i32 to index
        %get3A_186 = arith.constant 80 : index
        %get3A_187 = tpu.vector_load %arg12[%get3A_185, %get3A_186] {strides = array<i32>} : memref<128x128xf32, #tpu.memory_space<vmem>>, vector<1x16xf32>,
        %get3A_188 = vector.shape_cast %get3A_187 : vector<1x16xf32> to vector<16xf32>
        %add3A_189 = arith.addf %get3A_184, %get3A_188 : vector<16xf32>
        %swap3A_190 = arith.index_cast %scan3A_112 : i32 to index
        %swap3A_191 = arith.constant 80 : index
        %swap3A_192 = tpu.vector_load %arg10[%swap3A_190, %swap3A_191] {strides = array<i32>} : memref<128x128xf32, #tpu.memory_space<vmem>>, vector<1x16xf32>,
        %swap3A_193 = vector.shape_cast %swap3A_192 : vector<1x16xf32> to vector<16xf32>
        %swap3A_194 = vector.shape_cast %add3A_189 : vector<16xf32> to vector<1x16xf32>
        tpu.vector_store %arg10[%swap3A_190, %swap3A_191], %swap3A_194 {strides = array<i32>} : memref<128x128xf32, #tpu.memory_space<vmem>>, vector<1x16xf32>,
        %get3A_195 = arith.index_cast %scan3A_112 : i32 to index
        %get3A_196 = arith.constant 96 : index
        %get3A_197 = tpu.vector_load %arg10[%get3A_195, %get3A_196] {strides = array<i32>} : memref<128x128xf32, #tpu.memory_space<vmem>>, vector<1x16xf32>,
        %get3A_198 = vector.shape_cast %get3A_197 : vector<1x16xf32> to vector<16xf32>
        %get3A_199 = arith.index_cast %scan3A_112 : i32 to index
        %get3A_200 = arith.constant 96 : index
        %get3A_201 = tpu.vector_load %arg12[%get3A_199, %get3A_200] {strides = array<i32>} : memref<128x128xf32, #tpu.memory_space<vmem>>, vector<1x16xf32>,
        %get3A_202 = vector.shape_cast %get3A_201 : vector<1x16xf32> to vector<16xf32>
        %add3A_203 = arith.addf %get3A_198, %get3A_202 : vector<16xf32>
        %swap3A_204 = arith.index_cast %scan3A_112 : i32 to index
        %swap3A_205 = arith.constant 96 : index
        %swap3A_206 = tpu.vector_load %arg10[%swap3A_204, %swap3A_205] {strides = array<i32>} : memref<128x128xf32, #tpu.memory_space<vmem>>, vector<1x16xf32>,
        %swap3A_207 = vector.shape_cast %swap3A_206 : vector<1x16xf32> to vector<16xf32>
        %swap3A_208 = vector.shape_cast %add3A_203 : vector<16xf32> to vector<1x16xf32>
        tpu.vector_store %arg10[%swap3A_204, %swap3A_205], %swap3A_208 {strides = array<i32>} : memref<128x128xf32, #tpu.memory_space<vmem>>, vector<1x16xf32>,
        %get3A_209 = arith.index_cast %scan3A_112 : i32 to index
        %get3A_210 = arith.constant 112 : index
        %get3A_211 = tpu.vector_load %arg10[%get3A_209, %get3A_210] {strides = array<i32>} : memref<128x128xf32, #tpu.memory_space<vmem>>, vector<1x16xf32>,
        %get3A_212 = vector.shape_cast %get3A_211 : vector<1x16xf32> to vector<16xf32>
        %get3A_213 = arith.index_cast %scan3A_112 : i32 to index
        %get3A_214 = arith.constant 112 : index
        %get3A_215 = tpu.vector_load %arg12[%get3A_213, %get3A_214] {strides = array<i32>} : memref<128x128xf32, #tpu.memory_space<vmem>>, vector<1x16xf32>,
        %get3A_216 = vector.shape_cast %get3A_215 : vector<1x16xf32> to vector<16xf32>
        %add3A_217 = arith.addf %get3A_212, %get3A_216 : vector<16xf32>
        %swap3A_218 = arith.index_cast %scan3A_112 : i32 to index
        %swap3A_219 = arith.constant 112 : index
        %swap3A_220 = tpu.vector_load %arg10[%swap3A_218, %swap3A_219] {strides = array<i32>} : memref<128x128xf32, #tpu.memory_space<vmem>>, vector<1x16xf32>,
        %swap3A_221 = vector.shape_cast %swap3A_220 : vector<1x16xf32> to vector<16xf32>
        %swap3A_222 = vector.shape_cast %add3A_217 : vector<16xf32> to vector<1x16xf32>
        tpu.vector_store %arg10[%swap3A_218, %swap3A_219], %swap3A_222 {strides = array<i32>} : memref<128x128xf32, #tpu.memory_space<vmem>>, vector<1x16xf32>,
      }
      %scan3A_108 = arith.constant 128 : i32
      %mul3A_109 = arith.constant 128 : i32
      %mul3A_110 = arith.muli %add3A_40, %mul3A_109 : i32
      %add3A_111 = arith.addi %mul3A_2, %mul3A_110 : i32
      "tpu.region"() ({
        %run_scoped3A = tpu.sem_alloc : memref<!tpu.dma_semaphore, #tpu.memory_space<semaphore_mem>>
        %dma_start3A_112 = arith.constant 0 : i32
        %dma_start3A_113 = tpu.memref_slice %arg6[%add3A_111, %dma_start3A_112] : memref<163840x128xf32, #tpu.memory_space<hbm>> -> memref<128x128xf32, #tpu.memory_space<hbm>>
        %dma_start3A_114 = arith.constant 0 : i32
        %dma_start3A_115 = tpu.memref_slice %arg6[%add3A_111, %dma_start3A_114] : memref<163840x128xf32, #tpu.memory_space<hbm>> -> memref<128x128xf32, #tpu.memory_space<hbm>>
        tpu.enqueue_dma source(%arg10 : memref<128x128xf32, #tpu.memory_space<vmem>>) target(%dma_start3A_115 : memref<128x128xf32, #tpu.memory_space<hbm>>) target_semaphore(%run_scoped3A : memref<!tpu.dma_semaphore, #tpu.memory_space<semaphore_mem>>)
        %dma_wait3A_116 = arith.constant 0 : i32
        %dma_wait3A_117 = tpu.memref_slice %arg6[%add3A_111, %dma_wait3A_116] : memref<163840x128xf32, #tpu.memory_space<hbm>> -> memref<128x128xf32, #tpu.memory_space<hbm>>
        %dma_wait3A_118 = arith.constant 0 : i32
        %dma_wait3A_119 = tpu.memref_slice %arg6[%add3A_111, %dma_wait3A_118] : memref<163840x128xf32, #tpu.memory_space<hbm>> -> memref<128x128xf32, #tpu.memory_space<hbm>>
        tpu.wait_dma2 semaphore(%run_scoped3A : memref<!tpu.dma_semaphore, #tpu.memory_space<semaphore_mem>>) src(%arg10 : memref<128x128xf32, #tpu.memory_space<vmem>>) dst(%dma_wait3A_119 : memref<128x128xf32, #tpu.memory_space<hbm>>)
        tpu.yield
      }) : () -> ()
    }
    %scan3A_20 = arith.constant 20 : i32
    %dma_wait3A = arith.constant 0 : i32
    %dma_wait3A_21 = arith.constant 0 : i32
    %dma_wait3A_22 = tpu.memref_slice %arg7[%dma_wait3A, %dma_wait3A_21] : memref<40x128xi32, #tpu.memory_space<vmem>> -> memref<1x128xi32, #tpu.memory_space<vmem>>
    %dma_wait3A_23 = tpu.memref_squeeze %dma_wait3A_22 : memref<1x128xi32, #tpu.memory_space<vmem>> -> memref<128xi32, #tpu.memory_space<vmem>>
    %dma_wait3A_24 = arith.constant 0 : i32
    %dma_wait3A_25 = arith.constant 0 : i32
    %dma_wait3A_26 = tpu.memref_slice %arg2[%dma_wait3A_24, %dma_wait3A_25] : memref<10240x128xf32, #tpu.memory_space<hbm>> -> memref<10240x128xf32, #tpu.memory_space<hbm>>
    tpu.wait_indirect_dma semaphore(%arg13 : memref<!tpu.dma_semaphore, #tpu.memory_space<semaphore_mem>>) src(%dma_wait3A_26 : memref<10240x128xf32, #tpu.memory_space<hbm>>) dst(%arg9 : memref<128x128xf32, #tpu.memory_space<vmem>>)
    %dma_wait3A_27 = arith.constant 0 : i32
    %dma_wait3A_28 = arith.constant 0 : i32
    %dma_wait3A_29 = tpu.memref_slice %arg8[%dma_wait3A_27, %dma_wait3A_28] : memref<40x128xi32, #tpu.memory_space<vmem>> -> memref<1x128xi32, #tpu.memory_space<vmem>>
    %dma_wait3A_30 = tpu.memref_squeeze %dma_wait3A_29 : memref<1x128xi32, #tpu.memory_space<vmem>> -> memref<128xi32, #tpu.memory_space<vmem>>
    %dma_wait3A_31 = arith.constant 0 : i32
    %dma_wait3A_32 = arith.constant 0 : i32
    %dma_wait3A_33 = tpu.memref_slice %arg3[%dma_wait3A_31, %dma_wait3A_32] : memref<10240x128xf32, #tpu.memory_space<hbm>> -> memref<10240x128xf32, #tpu.memory_space<hbm>>
    tpu.wait_indirect_dma semaphore(%arg15 : memref<!tpu.dma_semaphore, #tpu.memory_space<semaphore_mem>>) src(%dma_wait3A_33 : memref<10240x128xf32, #tpu.memory_space<hbm>>) dst(%arg11 : memref<128x128xf32, #tpu.memory_space<vmem>>)
    return
  }
}

module attributes {stable_mosaic.version = 14 : i64} {
  func.func @_nodes_pre_body(%arg0: i32, %arg1: memref<1024x128xf32, #tpu.memory_space<vmem>>, %arg2: memref<1024x128xf32, #tpu.memory_space<vmem>>, %arg3: memref<128x128xf32, #tpu.memory_space<vmem>>, %arg4: memref<1x128xf32, #tpu.memory_space<vmem>>, %arg5: memref<128x128xf32, #tpu.memory_space<vmem>>, %arg6: memref<1x128xf32, #tpu.memory_space<vmem>>, %arg7: memref<128x128xf32, #tpu.memory_space<vmem>>, %arg8: memref<1x128xf32, #tpu.memory_space<vmem>>, %arg9: memref<128x128xf32, #tpu.memory_space<vmem>>, %arg10: memref<1x128xf32, #tpu.memory_space<vmem>>, %arg11: memref<128x128xf32, #tpu.memory_space<vmem>>, %arg12: memref<128x128xf32, #tpu.memory_space<vmem>>, %arg13: memref<1024x128xf32, #tpu.memory_space<vmem>>, %arg14: memref<1024x128xf32, #tpu.memory_space<vmem>>, %arg15: memref<1024x128xf32, #tpu.memory_space<vmem>>, %arg16: memref<1024x128xf32, #tpu.memory_space<vmem>>) attributes {dimension_semantics = [#tpu.dimension_semantics<arbitrary>], iteration_bounds = array<i64: 10>, scalar_prefetch = 0 : i64, scratch_operands = 0 : i64, tpu.core_type = #tpu.core_type<tc>, window_params = [{transform_indices = @transform_0, window_bounds = array<i64: 1024, 128>}, {transform_indices = @transform_1, window_bounds = array<i64: 1024, 128>}, {pipeline_mode = #tpu.pipeline_mode<synchronous>, transform_indices = @transform_2, window_bounds = array<i64: 128, 128>}, {pipeline_mode = #tpu.pipeline_mode<synchronous>, transform_indices = @transform_3, window_bounds = array<i64: 1, 128>}, {pipeline_mode = #tpu.pipeline_mode<synchronous>, transform_indices = @transform_4, window_bounds = array<i64: 128, 128>}, {pipeline_mode = #tpu.pipeline_mode<synchronous>, transform_indices = @transform_5, window_bounds = array<i64: 1, 128>}, {pipeline_mode = #tpu.pipeline_mode<synchronous>, transform_indices = @transform_6, window_bounds = array<i64: 128, 128>}, {pipeline_mode = #tpu.pipeline_mode<synchronous>, transform_indices = @transform_7, window_bounds = array<i64: 1, 128>}, {pipeline_mode = #tpu.pipeline_mode<synchronous>, transform_indices = @transform_8, window_bounds = array<i64: 128, 128>}, {pipeline_mode = #tpu.pipeline_mode<synchronous>, transform_indices = @transform_9, window_bounds = array<i64: 1, 128>}, {pipeline_mode = #tpu.pipeline_mode<synchronous>, transform_indices = @transform_10, window_bounds = array<i64: 128, 128>}, {pipeline_mode = #tpu.pipeline_mode<synchronous>, transform_indices = @transform_11, window_bounds = array<i64: 128, 128>}, {transform_indices = @transform_12, window_bounds = array<i64: 1024, 128>}, {transform_indices = @transform_13, window_bounds = array<i64: 1024, 128>}, {transform_indices = @transform_14, window_bounds = array<i64: 1024, 128>}, {transform_indices = @transform_15, window_bounds = array<i64: 1024, 128>}]} {
    %get3A = arith.constant 0 : index
    %get3A_0 = arith.constant 0 : index
    %get3A_1 = vector.load %arg1[%get3A, %get3A_0] : memref<1024x128xf32, #tpu.memory_space<vmem>>, vector<1024x128xf32>
    %get3A_2 = arith.constant 0 : index
    %get3A_3 = arith.constant 0 : index
    %get3A_4 = vector.load %arg3[%get3A_2, %get3A_3] : memref<128x128xf32, #tpu.memory_space<vmem>>, vector<128x128xf32>
    %dot_general3A = arith.constant dense<0.000000e+00> : vector<1024x128xf32>
    %dot_general3A_5 = tpu.matmul %get3A_1, %get3A_4, %dot_general3A {dimension_numbers = #tpu.dot_dimension_numbers<[1], [0], [0], [1], [0, 0, 1, 1], [], []>, transpose_lhs_hint = false} : vector<1024x128xf32>, vector<128x128xf32>, vector<1024x128xf32> -> vector<1024x128xf32>
    %get3A_6 = arith.constant 0 : index
    %get3A_7 = arith.constant 0 : index
    %get3A_8 = vector.load %arg4[%get3A_6, %get3A_7] : memref<1x128xf32, #tpu.memory_space<vmem>>, vector<1x128xf32>
    %add3A = vector.broadcast %get3A_8 : vector<1x128xf32> to vector<1024x128xf32>
    %add3A_9 = arith.addf %dot_general3A_5, %add3A : vector<1024x128xf32>
    %max3A = arith.constant 0.000000e+00 : f32
    %max3A_10 = vector.broadcast %max3A : f32 to vector<1024x128xf32>
    %max3A_11 = arith.maximumf %add3A_9, %max3A_10 : vector<1024x128xf32>
    %get3A_12 = arith.constant 0 : index
    %get3A_13 = arith.constant 0 : index
    %get3A_14 = vector.load %arg5[%get3A_12, %get3A_13] : memref<128x128xf32, #tpu.memory_space<vmem>>, vector<128x128xf32>
    %dot_general3A_15 = arith.constant dense<0.000000e+00> : vector<1024x128xf32>
    %dot_general3A_16 = tpu.matmul %max3A_11, %get3A_14, %dot_general3A_15 {dimension_numbers = #tpu.dot_dimension_numbers<[1], [0], [0], [1], [0, 0, 1, 1], [], []>, transpose_lhs_hint = false} : vector<1024x128xf32>, vector<128x128xf32>, vector<1024x128xf32> -> vector<1024x128xf32>
    %get3A_17 = arith.constant 0 : index
    %get3A_18 = arith.constant 0 : index
    %get3A_19 = vector.load %arg6[%get3A_17, %get3A_18] : memref<1x128xf32, #tpu.memory_space<vmem>>, vector<1x128xf32>
    %add3A_20 = vector.broadcast %get3A_19 : vector<1x128xf32> to vector<1024x128xf32>
    %add3A_21 = arith.addf %dot_general3A_16, %add3A_20 : vector<1024x128xf32>
    %get3A_22 = arith.constant 0 : index
    %get3A_23 = arith.constant 0 : index
    %get3A_24 = vector.load %arg2[%get3A_22, %get3A_23] : memref<1024x128xf32, #tpu.memory_space<vmem>>, vector<1024x128xf32>
    %get3A_25 = arith.constant 0 : index
    %get3A_26 = arith.constant 0 : index
    %get3A_27 = vector.load %arg7[%get3A_25, %get3A_26] : memref<128x128xf32, #tpu.memory_space<vmem>>, vector<128x128xf32>
    %dot_general3A_28 = arith.constant dense<0.000000e+00> : vector<1024x128xf32>
    %dot_general3A_29 = tpu.matmul %get3A_24, %get3A_27, %dot_general3A_28 {dimension_numbers = #tpu.dot_dimension_numbers<[1], [0], [0], [1], [0, 0, 1, 1], [], []>, transpose_lhs_hint = false} : vector<1024x128xf32>, vector<128x128xf32>, vector<1024x128xf32> -> vector<1024x128xf32>
    %get3A_30 = arith.constant 0 : index
    %get3A_31 = arith.constant 0 : index
    %get3A_32 = vector.load %arg8[%get3A_30, %get3A_31] : memref<1x128xf32, #tpu.memory_space<vmem>>, vector<1x128xf32>
    %add3A_33 = vector.broadcast %get3A_32 : vector<1x128xf32> to vector<1024x128xf32>
    %add3A_34 = arith.addf %dot_general3A_29, %add3A_33 : vector<1024x128xf32>
    %max3A_35 = arith.constant 0.000000e+00 : f32
    %max3A_36 = vector.broadcast %max3A_35 : f32 to vector<1024x128xf32>
    %max3A_37 = arith.maximumf %add3A_34, %max3A_36 : vector<1024x128xf32>
    %get3A_38 = arith.constant 0 : index
    %get3A_39 = arith.constant 0 : index
    %get3A_40 = vector.load %arg9[%get3A_38, %get3A_39] : memref<128x128xf32, #tpu.memory_space<vmem>>, vector<128x128xf32>
    %dot_general3A_41 = arith.constant dense<0.000000e+00> : vector<1024x128xf32>
    %dot_general3A_42 = tpu.matmul %max3A_37, %get3A_40, %dot_general3A_41 {dimension_numbers = #tpu.dot_dimension_numbers<[1], [0], [0], [1], [0, 0, 1, 1], [], []>, transpose_lhs_hint = false} : vector<1024x128xf32>, vector<128x128xf32>, vector<1024x128xf32> -> vector<1024x128xf32>
    %get3A_43 = arith.constant 0 : index
    %get3A_44 = arith.constant 0 : index
    %get3A_45 = vector.load %arg10[%get3A_43, %get3A_44] : memref<1x128xf32, #tpu.memory_space<vmem>>, vector<1x128xf32>
    %add3A_46 = vector.broadcast %get3A_45 : vector<1x128xf32> to vector<1024x128xf32>
    %add3A_47 = arith.addf %dot_general3A_42, %add3A_46 : vector<1024x128xf32>
    %swap3A = arith.constant 0 : index
    %swap3A_48 = arith.constant 0 : index
    %swap3A_49 = vector.load %arg13[%swap3A, %swap3A_48] : memref<1024x128xf32, #tpu.memory_space<vmem>>, vector<1024x128xf32>
    tpu.vector_store %arg13[%swap3A, %swap3A_48], %add3A_21 {strides = array<i32>} : memref<1024x128xf32, #tpu.memory_space<vmem>>, vector<1024x128xf32>,
    %swap3A_50 = arith.constant 0 : index
    %swap3A_51 = arith.constant 0 : index
    %swap3A_52 = vector.load %arg14[%swap3A_50, %swap3A_51] : memref<1024x128xf32, #tpu.memory_space<vmem>>, vector<1024x128xf32>
    tpu.vector_store %arg14[%swap3A_50, %swap3A_51], %add3A_47 {strides = array<i32>} : memref<1024x128xf32, #tpu.memory_space<vmem>>, vector<1024x128xf32>,
    %get3A_53 = arith.constant 0 : index
    %get3A_54 = arith.constant 0 : index
    %get3A_55 = vector.load %arg11[%get3A_53, %get3A_54] : memref<128x128xf32, #tpu.memory_space<vmem>>, vector<128x128xf32>
    %dot_general3A_56 = arith.constant dense<0.000000e+00> : vector<1024x128xf32>
    %dot_general3A_57 = tpu.matmul %add3A_47, %get3A_55, %dot_general3A_56 {dimension_numbers = #tpu.dot_dimension_numbers<[1], [0], [0], [1], [0, 0, 1, 1], [], []>, transpose_lhs_hint = false} : vector<1024x128xf32>, vector<128x128xf32>, vector<1024x128xf32> -> vector<1024x128xf32>
    %swap3A_58 = arith.constant 0 : index
    %swap3A_59 = arith.constant 0 : index
    %swap3A_60 = vector.load %arg15[%swap3A_58, %swap3A_59] : memref<1024x128xf32, #tpu.memory_space<vmem>>, vector<1024x128xf32>
    tpu.vector_store %arg15[%swap3A_58, %swap3A_59], %dot_general3A_57 {strides = array<i32>} : memref<1024x128xf32, #tpu.memory_space<vmem>>, vector<1024x128xf32>,
    %get3A_61 = arith.constant 0 : index
    %get3A_62 = arith.constant 0 : index
    %get3A_63 = vector.load %arg12[%get3A_61, %get3A_62] : memref<128x128xf32, #tpu.memory_space<vmem>>, vector<128x128xf32>
    %dot_general3A_64 = arith.constant dense<0.000000e+00> : vector<1024x128xf32>
    %dot_general3A_65 = tpu.matmul %add3A_21, %get3A_63, %dot_general3A_64 {dimension_numbers = #tpu.dot_dimension_numbers<[1], [0], [0], [1], [0, 0, 1, 1], [], []>, transpose_lhs_hint = false} : vector<1024x128xf32>, vector<128x128xf32>, vector<1024x128xf32> -> vector<1024x128xf32>
    %swap3A_66 = arith.constant 0 : index
    %swap3A_67 = arith.constant 0 : index
    %swap3A_68 = vector.load %arg16[%swap3A_66, %swap3A_67] : memref<1024x128xf32, #tpu.memory_space<vmem>>, vector<1024x128xf32>
    tpu.vector_store %arg16[%swap3A_66, %swap3A_67], %dot_general3A_65 {strides = array<i32>} : memref<1024x128xf32, #tpu.memory_space<vmem>>, vector<1024x128xf32>,
    return
  }
  func.func @transform_0(%arg0: i32) -> (i32, i32) {
    %c0_i32 = arith.constant 0 : i32
    %c0_i32_0 = arith.constant 0 : i32
    return %arg0, %c0_i32 : i32, i32
  }
  func.func @transform_1(%arg0: i32) -> (i32, i32) {
    %c0_i32 = arith.constant 0 : i32
    %c0_i32_0 = arith.constant 0 : i32
    return %arg0, %c0_i32 : i32, i32
  }
  func.func @transform_2(%arg0: i32) -> (i32, i32) {
    %c0_i32 = arith.constant 0 : i32
    %c0_i32_0 = arith.constant 0 : i32
    %c0_i32_1 = arith.constant 0 : i32
    return %c0_i32, %c0_i32_0 : i32, i32
  }
  func.func @transform_3(%arg0: i32) -> (i32, i32) {
    %c0_i32 = arith.constant 0 : i32
    %c0_i32_0 = arith.constant 0 : i32
    %c0_i32_1 = arith.constant 0 : i32
    return %c0_i32, %c0_i32_0 : i32, i32
  }
  func.func @transform_4(%arg0: i32) -> (i32, i32) {
    %c0_i32 = arith.constant 0 : i32
    %c0_i32_0 = arith.constant 0 : i32
    %c0_i32_1 = arith.constant 0 : i32
    return %c0_i32, %c0_i32_0 : i32, i32
  }
  func.func @transform_5(%arg0: i32) -> (i32, i32) {
    %c0_i32 = arith.constant 0 : i32
    %c0_i32_0 = arith.constant 0 : i32
    %c0_i32_1 = arith.constant 0 : i32
    return %c0_i32, %c0_i32_0 : i32, i32
  }
  func.func @transform_6(%arg0: i32) -> (i32, i32) {
    %c0_i32 = arith.constant 0 : i32
    %c0_i32_0 = arith.constant 0 : i32
    %c0_i32_1 = arith.constant 0 : i32
    return %c0_i32, %c0_i32_0 : i32, i32
  }
  func.func @transform_7(%arg0: i32) -> (i32, i32) {
    %c0_i32 = arith.constant 0 : i32
    %c0_i32_0 = arith.constant 0 : i32
    %c0_i32_1 = arith.constant 0 : i32
    return %c0_i32, %c0_i32_0 : i32, i32
  }
  func.func @transform_8(%arg0: i32) -> (i32, i32) {
    %c0_i32 = arith.constant 0 : i32
    %c0_i32_0 = arith.constant 0 : i32
    %c0_i32_1 = arith.constant 0 : i32
    return %c0_i32, %c0_i32_0 : i32, i32
  }
  func.func @transform_9(%arg0: i32) -> (i32, i32) {
    %c0_i32 = arith.constant 0 : i32
    %c0_i32_0 = arith.constant 0 : i32
    %c0_i32_1 = arith.constant 0 : i32
    return %c0_i32, %c0_i32_0 : i32, i32
  }
  func.func @transform_10(%arg0: i32) -> (i32, i32) {
    %c0_i32 = arith.constant 0 : i32
    %c0_i32_0 = arith.constant 0 : i32
    %c0_i32_1 = arith.constant 0 : i32
    return %c0_i32, %c0_i32_0 : i32, i32
  }
  func.func @transform_11(%arg0: i32) -> (i32, i32) {
    %c0_i32 = arith.constant 0 : i32
    %c0_i32_0 = arith.constant 0 : i32
    %c0_i32_1 = arith.constant 0 : i32
    return %c0_i32, %c0_i32_0 : i32, i32
  }
  func.func @transform_12(%arg0: i32) -> (i32, i32) {
    %c0_i32 = arith.constant 0 : i32
    %c0_i32_0 = arith.constant 0 : i32
    return %arg0, %c0_i32 : i32, i32
  }
  func.func @transform_13(%arg0: i32) -> (i32, i32) {
    %c0_i32 = arith.constant 0 : i32
    %c0_i32_0 = arith.constant 0 : i32
    return %arg0, %c0_i32 : i32, i32
  }
  func.func @transform_14(%arg0: i32) -> (i32, i32) {
    %c0_i32 = arith.constant 0 : i32
    %c0_i32_0 = arith.constant 0 : i32
    return %arg0, %c0_i32 : i32, i32
  }
  func.func @transform_15(%arg0: i32) -> (i32, i32) {
    %c0_i32 = arith.constant 0 : i32
    %c0_i32_0 = arith.constant 0 : i32
    return %arg0, %c0_i32 : i32, i32
  }
}

module attributes {stable_mosaic.version = 14 : i64} {
  func.func @_nodes_post_body(%arg0: i32, %arg1: memref<1024x128xf32, #tpu.memory_space<vmem>>, %arg2: memref<1024x128xf32, #tpu.memory_space<vmem>>, %arg3: memref<2x1024x128xf32, #tpu.memory_space<vmem>>, %arg4: memref<2x1024x128xf32, #tpu.memory_space<vmem>>, %arg5: memref<1024x2xf32, #tpu.memory_space<vmem>>, %arg6: memref<1024x2xf32, #tpu.memory_space<vmem>>, %arg7: memref<128x128xf32, #tpu.memory_space<vmem>>, %arg8: memref<1x128xf32, #tpu.memory_space<vmem>>, %arg9: memref<128x128xf32, #tpu.memory_space<vmem>>, %arg10: memref<1x128xf32, #tpu.memory_space<vmem>>, %arg11: memref<128x128xf32, #tpu.memory_space<vmem>>, %arg12: memref<1x128xf32, #tpu.memory_space<vmem>>, %arg13: memref<128x128xf32, #tpu.memory_space<vmem>>, %arg14: memref<1x128xf32, #tpu.memory_space<vmem>>, %arg15: memref<128x128xf32, #tpu.memory_space<vmem>>, %arg16: memref<1x128xf32, #tpu.memory_space<vmem>>, %arg17: memref<128x128xf32, #tpu.memory_space<vmem>>, %arg18: memref<1x128xf32, #tpu.memory_space<vmem>>, %arg19: memref<128x64xf32, #tpu.memory_space<vmem>>, %arg20: memref<1x64xf32, #tpu.memory_space<vmem>>, %arg21: memref<64x128xf32, #tpu.memory_space<vmem>>, %arg22: memref<1x128xf32, #tpu.memory_space<vmem>>, %arg23: memref<128x128xf32, #tpu.memory_space<vmem>>, %arg24: memref<1x128xf32, #tpu.memory_space<vmem>>, %arg25: memref<128x128xf32, #tpu.memory_space<vmem>>, %arg26: memref<1x128xf32, #tpu.memory_space<vmem>>, %arg27: memref<128x128xf32, #tpu.memory_space<vmem>>, %arg28: memref<1x128xf32, #tpu.memory_space<vmem>>, %arg29: memref<128x128xf32, #tpu.memory_space<vmem>>, %arg30: memref<128x128xf32, #tpu.memory_space<vmem>>, %arg31: memref<128x128xf32, #tpu.memory_space<vmem>>, %arg32: memref<1x128xf32, #tpu.memory_space<vmem>>, %arg33: memref<128x128xf32, #tpu.memory_space<vmem>>, %arg34: memref<1x128xf32, #tpu.memory_space<vmem>>, %arg35: memref<1024x128xf32, #tpu.memory_space<vmem>>, %arg36: memref<1024x128xf32, #tpu.memory_space<vmem>>, %arg37: memref<128x128xf32, #tpu.memory_space<vmem>>, %arg38: memref<1x128xf32, #tpu.memory_space<vmem>>) attributes {dimension_semantics = [#tpu.dimension_semantics<arbitrary>], iteration_bounds = array<i64: 10>, scalar_prefetch = 0 : i64, scratch_operands = 0 : i64, tpu.core_type = #tpu.core_type<tc>, window_params = [{transform_indices = @transform_0, window_bounds = array<i64: 1024, 128>}, {transform_indices = @transform_1, window_bounds = array<i64: 1024, 128>}, {transform_indices = @transform_2, window_bounds = array<i64: 2, 1024, 128>}, {transform_indices = @transform_3, window_bounds = array<i64: 2, 1024, 128>}, {transform_indices = @transform_4, window_bounds = array<i64: 1024, 2>}, {transform_indices = @transform_5, window_bounds = array<i64: 1024, 2>}, {pipeline_mode = #tpu.pipeline_mode<synchronous>, transform_indices = @transform_6, window_bounds = array<i64: 128, 128>}, {pipeline_mode = #tpu.pipeline_mode<synchronous>, transform_indices = @transform_7, window_bounds = array<i64: 1, 128>}, {pipeline_mode = #tpu.pipeline_mode<synchronous>, transform_indices = @transform_8, window_bounds = array<i64: 128, 128>}, {pipeline_mode = #tpu.pipeline_mode<synchronous>, transform_indices = @transform_9, window_bounds = array<i64: 1, 128>}, {pipeline_mode = #tpu.pipeline_mode<synchronous>, transform_indices = @transform_10, window_bounds = array<i64: 128, 128>}, {pipeline_mode = #tpu.pipeline_mode<synchronous>, transform_indices = @transform_11, window_bounds = array<i64: 1, 128>}, {pipeline_mode = #tpu.pipeline_mode<synchronous>, transform_indices = @transform_12, window_bounds = array<i64: 128, 128>}, {pipeline_mode = #tpu.pipeline_mode<synchronous>, transform_indices = @transform_13, window_bounds = array<i64: 1, 128>}, {pipeline_mode = #tpu.pipeline_mode<synchronous>, transform_indices = @transform_14, window_bounds = array<i64: 128, 128>}, {pipeline_mode = #tpu.pipeline_mode<synchronous>, transform_indices = @transform_15, window_bounds = array<i64: 1, 128>}, {pipeline_mode = #tpu.pipeline_mode<synchronous>, transform_indices = @transform_16, window_bounds = array<i64: 128, 128>}, {pipeline_mode = #tpu.pipeline_mode<synchronous>, transform_indices = @transform_17, window_bounds = array<i64: 1, 128>}, {pipeline_mode = #tpu.pipeline_mode<synchronous>, transform_indices = @transform_18, window_bounds = array<i64: 128, 64>}, {pipeline_mode = #tpu.pipeline_mode<synchronous>, transform_indices = @transform_19, window_bounds = array<i64: 1, 64>}, {pipeline_mode = #tpu.pipeline_mode<synchronous>, transform_indices = @transform_20, window_bounds = array<i64: 64, 128>}, {pipeline_mode = #tpu.pipeline_mode<synchronous>, transform_indices = @transform_21, window_bounds = array<i64: 1, 128>}, {pipeline_mode = #tpu.pipeline_mode<synchronous>, transform_indices = @transform_22, window_bounds = array<i64: 128, 128>}, {pipeline_mode = #tpu.pipeline_mode<synchronous>, transform_indices = @transform_23, window_bounds = array<i64: 1, 128>}, {pipeline_mode = #tpu.pipeline_mode<synchronous>, transform_indices = @transform_24, window_bounds = array<i64: 128, 128>}, {pipeline_mode = #tpu.pipeline_mode<synchronous>, transform_indices = @transform_25, window_bounds = array<i64: 1, 128>}, {pipeline_mode = #tpu.pipeline_mode<synchronous>, transform_indices = @transform_26, window_bounds = array<i64: 128, 128>}, {pipeline_mode = #tpu.pipeline_mode<synchronous>, transform_indices = @transform_27, window_bounds = array<i64: 1, 128>}, {pipeline_mode = #tpu.pipeline_mode<synchronous>, transform_indices = @transform_28, window_bounds = array<i64: 128, 128>}, {pipeline_mode = #tpu.pipeline_mode<synchronous>, transform_indices = @transform_29, window_bounds = array<i64: 128, 128>}, {pipeline_mode = #tpu.pipeline_mode<synchronous>, transform_indices = @transform_30, window_bounds = array<i64: 128, 128>}, {pipeline_mode = #tpu.pipeline_mode<synchronous>, transform_indices = @transform_31, window_bounds = array<i64: 1, 128>}, {pipeline_mode = #tpu.pipeline_mode<synchronous>, transform_indices = @transform_32, window_bounds = array<i64: 128, 128>}, {pipeline_mode = #tpu.pipeline_mode<synchronous>, transform_indices = @transform_33, window_bounds = array<i64: 1, 128>}, {transform_indices = @transform_34, window_bounds = array<i64: 1024, 128>}, {transform_indices = @transform_35, window_bounds = array<i64: 1024, 128>}, {pipeline_mode = #tpu.pipeline_mode<synchronous>, transform_indices = @transform_36, window_bounds = array<i64: 128, 128>}, {pipeline_mode = #tpu.pipeline_mode<synchronous>, transform_indices = @transform_37, window_bounds = array<i64: 1, 128>}]} {
    %get3A = arith.constant 0 : index
    %get3A_0 = arith.constant 0 : index
    %get3A_1 = vector.load %arg1[%get3A, %get3A_0] : memref<1024x128xf32, #tpu.memory_space<vmem>>, vector<1024x128xf32>
    %get3A_2 = arith.constant 0 : index
    %get3A_3 = arith.constant 0 : index
    %get3A_4 = vector.load %arg2[%get3A_2, %get3A_3] : memref<1024x128xf32, #tpu.memory_space<vmem>>, vector<1024x128xf32>
    %get3A_5 = arith.constant 0 : index
    %get3A_6 = arith.constant 0 : index
    %get3A_7 = arith.constant 0 : index
    %get3A_8 = vector.load %arg3[%get3A_5, %get3A_6, %get3A_7] : memref<2x1024x128xf32, #tpu.memory_space<vmem>>, vector<1x1024x128xf32>
    %get3A_9 = vector.shape_cast %get3A_8 : vector<1x1024x128xf32> to vector<1024x128xf32>
    %get3A_10 = arith.constant 1 : index
    %get3A_11 = arith.constant 0 : index
    %get3A_12 = arith.constant 0 : index
    %get3A_13 = vector.load %arg3[%get3A_10, %get3A_11, %get3A_12] : memref<2x1024x128xf32, #tpu.memory_space<vmem>>, vector<1x1024x128xf32>
    %get3A_14 = vector.shape_cast %get3A_13 : vector<1x1024x128xf32> to vector<1024x128xf32>
    %add3A = arith.addf %get3A_9, %get3A_14 : vector<1024x128xf32>
    %get3A_15 = arith.constant 0 : index
    %get3A_16 = arith.constant 0 : index
    %get3A_17 = vector.load %arg5[%get3A_15, %get3A_16] : memref<1024x2xf32, #tpu.memory_space<vmem>>, vector<1024x1xf32>
    %get3A_18 = arith.constant 0 : index
    %get3A_19 = arith.constant 1 : index
    %get3A_20 = vector.load %arg5[%get3A_18, %get3A_19] : memref<1024x2xf32, #tpu.memory_space<vmem>>, vector<1024x1xf32>
    %add3A_21 = arith.addf %get3A_17, %get3A_20 : vector<1024x1xf32>
    %max3A = arith.constant 1.000000e+00 : f32
    %max3A_22 = vector.broadcast %max3A : f32 to vector<1024x1xf32>
    %max3A_23 = arith.maximumf %add3A_21, %max3A_22 : vector<1024x1xf32>
    %div3A = vector.broadcast %max3A_23 : vector<1024x1xf32> to vector<1024x128xf32>
    %div3A_24 = arith.divf %add3A, %div3A : vector<1024x128xf32>
    %get3A_25 = arith.constant 0 : index
    %get3A_26 = arith.constant 0 : index
    %get3A_27 = vector.load %arg8[%get3A_25, %get3A_26] : memref<1x128xf32, #tpu.memory_space<vmem>>, vector<1x128xf32>
    %add3A_28 = vector.broadcast %get3A_27 : vector<1x128xf32> to vector<1024x128xf32>
    %add3A_29 = arith.addf %div3A_24, %add3A_28 : vector<1024x128xf32>
    %get3A_30 = arith.constant 0 : index
    %get3A_31 = arith.constant 0 : index
    %get3A_32 = vector.load %arg7[%get3A_30, %get3A_31] : memref<128x128xf32, #tpu.memory_space<vmem>>, vector<128x128xf32>
    %dot_general3A = arith.constant dense<0.000000e+00> : vector<1024x128xf32>
    %dot_general3A_33 = tpu.matmul %get3A_1, %get3A_32, %dot_general3A {dimension_numbers = #tpu.dot_dimension_numbers<[1], [0], [0], [1], [0, 0, 1, 1], [], []>, transpose_lhs_hint = false} : vector<1024x128xf32>, vector<128x128xf32>, vector<1024x128xf32> -> vector<1024x128xf32>
    %add3A_34 = arith.addf %add3A_29, %dot_general3A_33 : vector<1024x128xf32>
    %get3A_35 = arith.constant 0 : index
    %get3A_36 = arith.constant 0 : index
    %get3A_37 = vector.load %arg9[%get3A_35, %get3A_36] : memref<128x128xf32, #tpu.memory_space<vmem>>, vector<128x128xf32>
    %dot_general3A_38 = arith.constant dense<0.000000e+00> : vector<1024x128xf32>
    %dot_general3A_39 = tpu.matmul %add3A_34, %get3A_37, %dot_general3A_38 {dimension_numbers = #tpu.dot_dimension_numbers<[1], [0], [0], [1], [0, 0, 1, 1], [], []>, transpose_lhs_hint = false} : vector<1024x128xf32>, vector<128x128xf32>, vector<1024x128xf32> -> vector<1024x128xf32>
    %get3A_40 = arith.constant 0 : index
    %get3A_41 = arith.constant 0 : index
    %get3A_42 = vector.load %arg10[%get3A_40, %get3A_41] : memref<1x128xf32, #tpu.memory_space<vmem>>, vector<1x128xf32>
    %add3A_43 = vector.broadcast %get3A_42 : vector<1x128xf32> to vector<1024x128xf32>
    %add3A_44 = arith.addf %dot_general3A_39, %add3A_43 : vector<1024x128xf32>
    %max3A_45 = arith.constant 0.000000e+00 : f32
    %max3A_46 = vector.broadcast %max3A_45 : f32 to vector<1024x128xf32>
    %max3A_47 = arith.maximumf %add3A_44, %max3A_46 : vector<1024x128xf32>
    %get3A_48 = arith.constant 0 : index
    %get3A_49 = arith.constant 0 : index
    %get3A_50 = vector.load %arg11[%get3A_48, %get3A_49] : memref<128x128xf32, #tpu.memory_space<vmem>>, vector<128x128xf32>
    %dot_general3A_51 = arith.constant dense<0.000000e+00> : vector<1024x128xf32>
    %dot_general3A_52 = tpu.matmul %max3A_47, %get3A_50, %dot_general3A_51 {dimension_numbers = #tpu.dot_dimension_numbers<[1], [0], [0], [1], [0, 0, 1, 1], [], []>, transpose_lhs_hint = false} : vector<1024x128xf32>, vector<128x128xf32>, vector<1024x128xf32> -> vector<1024x128xf32>
    %get3A_53 = arith.constant 0 : index
    %get3A_54 = arith.constant 0 : index
    %get3A_55 = vector.load %arg12[%get3A_53, %get3A_54] : memref<1x128xf32, #tpu.memory_space<vmem>>, vector<1x128xf32>
    %add3A_56 = vector.broadcast %get3A_55 : vector<1x128xf32> to vector<1024x128xf32>
    %add3A_57 = arith.addf %dot_general3A_52, %add3A_56 : vector<1024x128xf32>
    %get3A_58 = arith.constant 0 : index
    %get3A_59 = arith.constant 0 : index
    %get3A_60 = arith.constant 0 : index
    %get3A_61 = vector.load %arg4[%get3A_58, %get3A_59, %get3A_60] : memref<2x1024x128xf32, #tpu.memory_space<vmem>>, vector<1x1024x128xf32>
    %get3A_62 = vector.shape_cast %get3A_61 : vector<1x1024x128xf32> to vector<1024x128xf32>
    %get3A_63 = arith.constant 1 : index
    %get3A_64 = arith.constant 0 : index
    %get3A_65 = arith.constant 0 : index
    %get3A_66 = vector.load %arg4[%get3A_63, %get3A_64, %get3A_65] : memref<2x1024x128xf32, #tpu.memory_space<vmem>>, vector<1x1024x128xf32>
    %get3A_67 = vector.shape_cast %get3A_66 : vector<1x1024x128xf32> to vector<1024x128xf32>
    %add3A_68 = arith.addf %get3A_62, %get3A_67 : vector<1024x128xf32>
    %get3A_69 = arith.constant 0 : index
    %get3A_70 = arith.constant 0 : index
    %get3A_71 = vector.load %arg6[%get3A_69, %get3A_70] : memref<1024x2xf32, #tpu.memory_space<vmem>>, vector<1024x1xf32>
    %get3A_72 = arith.constant 0 : index
    %get3A_73 = arith.constant 1 : index
    %get3A_74 = vector.load %arg6[%get3A_72, %get3A_73] : memref<1024x2xf32, #tpu.memory_space<vmem>>, vector<1024x1xf32>
    %add3A_75 = arith.addf %get3A_71, %get3A_74 : vector<1024x1xf32>
    %max3A_76 = arith.constant 1.000000e+00 : f32
    %max3A_77 = vector.broadcast %max3A_76 : f32 to vector<1024x1xf32>
    %max3A_78 = arith.maximumf %add3A_75, %max3A_77 : vector<1024x1xf32>
    %div3A_79 = vector.broadcast %max3A_78 : vector<1024x1xf32> to vector<1024x128xf32>
    %div3A_80 = arith.divf %add3A_68, %div3A_79 : vector<1024x128xf32>
    %get3A_81 = arith.constant 0 : index
    %get3A_82 = arith.constant 0 : index
    %get3A_83 = vector.load %arg14[%get3A_81, %get3A_82] : memref<1x128xf32, #tpu.memory_space<vmem>>, vector<1x128xf32>
    %add3A_84 = vector.broadcast %get3A_83 : vector<1x128xf32> to vector<1024x128xf32>
    %add3A_85 = arith.addf %div3A_80, %add3A_84 : vector<1024x128xf32>
    %get3A_86 = arith.constant 0 : index
    %get3A_87 = arith.constant 0 : index
    %get3A_88 = vector.load %arg13[%get3A_86, %get3A_87] : memref<128x128xf32, #tpu.memory_space<vmem>>, vector<128x128xf32>
    %dot_general3A_89 = arith.constant dense<0.000000e+00> : vector<1024x128xf32>
    %dot_general3A_90 = tpu.matmul %get3A_4, %get3A_88, %dot_general3A_89 {dimension_numbers = #tpu.dot_dimension_numbers<[1], [0], [0], [1], [0, 0, 1, 1], [], []>, transpose_lhs_hint = false} : vector<1024x128xf32>, vector<128x128xf32>, vector<1024x128xf32> -> vector<1024x128xf32>
    %add3A_91 = arith.addf %add3A_85, %dot_general3A_90 : vector<1024x128xf32>
    %get3A_92 = arith.constant 0 : index
    %get3A_93 = arith.constant 0 : index
    %get3A_94 = vector.load %arg15[%get3A_92, %get3A_93] : memref<128x128xf32, #tpu.memory_space<vmem>>, vector<128x128xf32>
    %dot_general3A_95 = arith.constant dense<0.000000e+00> : vector<1024x128xf32>
    %dot_general3A_96 = tpu.matmul %add3A_91, %get3A_94, %dot_general3A_95 {dimension_numbers = #tpu.dot_dimension_numbers<[1], [0], [0], [1], [0, 0, 1, 1], [], []>, transpose_lhs_hint = false} : vector<1024x128xf32>, vector<128x128xf32>, vector<1024x128xf32> -> vector<1024x128xf32>
    %get3A_97 = arith.constant 0 : index
    %get3A_98 = arith.constant 0 : index
    %get3A_99 = vector.load %arg16[%get3A_97, %get3A_98] : memref<1x128xf32, #tpu.memory_space<vmem>>, vector<1x128xf32>
    %add3A_100 = vector.broadcast %get3A_99 : vector<1x128xf32> to vector<1024x128xf32>
    %add3A_101 = arith.addf %dot_general3A_96, %add3A_100 : vector<1024x128xf32>
    %max3A_102 = arith.constant 0.000000e+00 : f32
    %max3A_103 = vector.broadcast %max3A_102 : f32 to vector<1024x128xf32>
    %max3A_104 = arith.maximumf %add3A_101, %max3A_103 : vector<1024x128xf32>
    %get3A_105 = arith.constant 0 : index
    %get3A_106 = arith.constant 0 : index
    %get3A_107 = vector.load %arg17[%get3A_105, %get3A_106] : memref<128x128xf32, #tpu.memory_space<vmem>>, vector<128x128xf32>
    %dot_general3A_108 = arith.constant dense<0.000000e+00> : vector<1024x128xf32>
    %dot_general3A_109 = tpu.matmul %max3A_104, %get3A_107, %dot_general3A_108 {dimension_numbers = #tpu.dot_dimension_numbers<[1], [0], [0], [1], [0, 0, 1, 1], [], []>, transpose_lhs_hint = false} : vector<1024x128xf32>, vector<128x128xf32>, vector<1024x128xf32> -> vector<1024x128xf32>
    %get3A_110 = arith.constant 0 : index
    %get3A_111 = arith.constant 0 : index
    %get3A_112 = vector.load %arg18[%get3A_110, %get3A_111] : memref<1x128xf32, #tpu.memory_space<vmem>>, vector<1x128xf32>
    %add3A_113 = vector.broadcast %get3A_112 : vector<1x128xf32> to vector<1024x128xf32>
    %add3A_114 = arith.addf %dot_general3A_109, %add3A_113 : vector<1024x128xf32>
    %add3A_115 = arith.addf %get3A_1, %add3A_57 : vector<1024x128xf32>
    %add3A_116 = arith.addf %get3A_4, %add3A_114 : vector<1024x128xf32>
    %get3A_117 = arith.constant 0 : index
    %get3A_118 = arith.constant 0 : index
    %get3A_119 = vector.load %arg19[%get3A_117, %get3A_118] : memref<128x64xf32, #tpu.memory_space<vmem>>, vector<128x64xf32>
    %dot_general3A_120 = arith.constant dense<0.000000e+00> : vector<1024x64xf32>
    %dot_general3A_121 = tpu.matmul %add3A_115, %get3A_119, %dot_general3A_120 {dimension_numbers = #tpu.dot_dimension_numbers<[1], [0], [0], [1], [0, 0, 1, 1], [], []>, transpose_lhs_hint = false} : vector<1024x128xf32>, vector<128x64xf32>, vector<1024x64xf32> -> vector<1024x64xf32>
    %get3A_122 = arith.constant 0 : index
    %get3A_123 = arith.constant 0 : index
    %get3A_124 = vector.load %arg20[%get3A_122, %get3A_123] : memref<1x64xf32, #tpu.memory_space<vmem>>, vector<1x64xf32>
    %add3A_125 = vector.broadcast %get3A_124 : vector<1x64xf32> to vector<1024x64xf32>
    %add3A_126 = arith.addf %dot_general3A_121, %add3A_125 : vector<1024x64xf32>
    %max3A_127 = arith.constant 0.000000e+00 : f32
    %max3A_128 = vector.broadcast %max3A_127 : f32 to vector<1024x64xf32>
    %max3A_129 = arith.maximumf %add3A_126, %max3A_128 : vector<1024x64xf32>
    %get3A_130 = arith.constant 0 : index
    %get3A_131 = arith.constant 0 : index
    %get3A_132 = vector.load %arg21[%get3A_130, %get3A_131] : memref<64x128xf32, #tpu.memory_space<vmem>>, vector<64x128xf32>
    %dot_general3A_133 = arith.constant dense<0.000000e+00> : vector<1024x128xf32>
    %dot_general3A_134 = tpu.matmul %max3A_129, %get3A_132, %dot_general3A_133 {dimension_numbers = #tpu.dot_dimension_numbers<[1], [0], [0], [1], [0, 0, 1, 1], [], []>, transpose_lhs_hint = false} : vector<1024x64xf32>, vector<64x128xf32>, vector<1024x128xf32> -> vector<1024x128xf32>
    %get3A_135 = arith.constant 0 : index
    %get3A_136 = arith.constant 0 : index
    %get3A_137 = vector.load %arg22[%get3A_135, %get3A_136] : memref<1x128xf32, #tpu.memory_space<vmem>>, vector<1x128xf32>
    %add3A_138 = vector.broadcast %get3A_137 : vector<1x128xf32> to vector<1024x128xf32>
    %add3A_139 = arith.addf %dot_general3A_134, %add3A_138 : vector<1024x128xf32>
    %neg3A = arith.constant 0.000000e+00 : f32
    %neg3A_140 = vector.broadcast %neg3A : f32 to vector<1024x128xf32>
    %neg3A_141 = arith.subf %neg3A_140, %add3A_139 : vector<1024x128xf32>
    %exp3A = math.exp %neg3A_141 : vector<1024x128xf32>
    %add3A_142 = arith.constant 1.000000e+00 : f32
    %add3A_143 = vector.broadcast %add3A_142 : f32 to vector<1024x128xf32>
    %add3A_144 = arith.addf %add3A_143, %exp3A : vector<1024x128xf32>
    %div3A_145 = arith.constant 1.000000e+00 : f32
    %div3A_146 = vector.broadcast %div3A_145 : f32 to vector<1024x128xf32>
    %div3A_147 = arith.divf %div3A_146, %add3A_144 : vector<1024x128xf32>
    %slice3A = vector.extract_strided_slice %div3A_147 {offsets = [0, 0], sizes = [1024, 1], strides = [1, 1]} : vector<1024x128xf32> to vector<1024x1xf32>
    %get3A_148 = arith.constant 0 : index
    %get3A_149 = arith.constant 0 : index
    %get3A_150 = vector.load %arg23[%get3A_148, %get3A_149] : memref<128x128xf32, #tpu.memory_space<vmem>>, vector<128x128xf32>
    %dot_general3A_151 = arith.constant dense<0.000000e+00> : vector<1024x128xf32>
    %dot_general3A_152 = tpu.matmul %add3A_115, %get3A_150, %dot_general3A_151 {dimension_numbers = #tpu.dot_dimension_numbers<[1], [0], [0], [1], [0, 0, 1, 1], [], []>, transpose_lhs_hint = false} : vector<1024x128xf32>, vector<128x128xf32>, vector<1024x128xf32> -> vector<1024x128xf32>
    %get3A_153 = arith.constant 0 : index
    %get3A_154 = arith.constant 0 : index
    %get3A_155 = vector.load %arg24[%get3A_153, %get3A_154] : memref<1x128xf32, #tpu.memory_space<vmem>>, vector<1x128xf32>
    %add3A_156 = vector.broadcast %get3A_155 : vector<1x128xf32> to vector<1024x128xf32>
    %add3A_157 = arith.addf %dot_general3A_152, %add3A_156 : vector<1024x128xf32>
    %max3A_158 = arith.constant 0.000000e+00 : f32
    %max3A_159 = vector.broadcast %max3A_158 : f32 to vector<1024x128xf32>
    %max3A_160 = arith.maximumf %add3A_157, %max3A_159 : vector<1024x128xf32>
    %get3A_161 = arith.constant 0 : index
    %get3A_162 = arith.constant 0 : index
    %get3A_163 = vector.load %arg25[%get3A_161, %get3A_162] : memref<128x128xf32, #tpu.memory_space<vmem>>, vector<128x128xf32>
    %dot_general3A_164 = arith.constant dense<0.000000e+00> : vector<1024x128xf32>
    %dot_general3A_165 = tpu.matmul %max3A_160, %get3A_163, %dot_general3A_164 {dimension_numbers = #tpu.dot_dimension_numbers<[1], [0], [0], [1], [0, 0, 1, 1], [], []>, transpose_lhs_hint = false} : vector<1024x128xf32>, vector<128x128xf32>, vector<1024x128xf32> -> vector<1024x128xf32>
    %get3A_166 = arith.constant 0 : index
    %get3A_167 = arith.constant 0 : index
    %get3A_168 = vector.load %arg26[%get3A_166, %get3A_167] : memref<1x128xf32, #tpu.memory_space<vmem>>, vector<1x128xf32>
    %add3A_169 = vector.broadcast %get3A_168 : vector<1x128xf32> to vector<1024x128xf32>
    %add3A_170 = arith.addf %dot_general3A_165, %add3A_169 : vector<1024x128xf32>
    %mul3A = vector.broadcast %slice3A : vector<1024x1xf32> to vector<1024x128xf32>
    %mul3A_171 = arith.mulf %add3A_170, %mul3A : vector<1024x128xf32>
    %add3A_172 = arith.addf %add3A_115, %mul3A_171 : vector<1024x128xf32>
    %get3A_173 = arith.constant 0 : index
    %get3A_174 = arith.constant 0 : index
    %get3A_175 = vector.load %arg27[%get3A_173, %get3A_174] : memref<128x128xf32, #tpu.memory_space<vmem>>, vector<128x128xf32>
    %dot_general3A_176 = arith.constant dense<0.000000e+00> : vector<1024x128xf32>
    %dot_general3A_177 = tpu.matmul %add3A_172, %get3A_175, %dot_general3A_176 {dimension_numbers = #tpu.dot_dimension_numbers<[1], [0], [0], [1], [0, 0, 1, 1], [], []>, transpose_lhs_hint = false} : vector<1024x128xf32>, vector<128x128xf32>, vector<1024x128xf32> -> vector<1024x128xf32>
    %get3A_178 = arith.constant 0 : index
    %get3A_179 = arith.constant 0 : index
    %get3A_180 = vector.load %arg28[%get3A_178, %get3A_179] : memref<1x128xf32, #tpu.memory_space<vmem>>, vector<1x128xf32>
    %add3A_181 = vector.broadcast %get3A_180 : vector<1x128xf32> to vector<1024x128xf32>
    %add3A_182 = arith.addf %dot_general3A_177, %add3A_181 : vector<1024x128xf32>
    %get3A_183 = arith.constant 0 : index
    %get3A_184 = arith.constant 0 : index
    %get3A_185 = vector.load %arg19[%get3A_183, %get3A_184] : memref<128x64xf32, #tpu.memory_space<vmem>>, vector<128x64xf32>
    %dot_general3A_186 = arith.constant dense<0.000000e+00> : vector<1024x64xf32>
    %dot_general3A_187 = tpu.matmul %add3A_116, %get3A_185, %dot_general3A_186 {dimension_numbers = #tpu.dot_dimension_numbers<[1], [0], [0], [1], [0, 0, 1, 1], [], []>, transpose_lhs_hint = false} : vector<1024x128xf32>, vector<128x64xf32>, vector<1024x64xf32> -> vector<1024x64xf32>
    %get3A_188 = arith.constant 0 : index
    %get3A_189 = arith.constant 0 : index
    %get3A_190 = vector.load %arg20[%get3A_188, %get3A_189] : memref<1x64xf32, #tpu.memory_space<vmem>>, vector<1x64xf32>
    %add3A_191 = vector.broadcast %get3A_190 : vector<1x64xf32> to vector<1024x64xf32>
    %add3A_192 = arith.addf %dot_general3A_187, %add3A_191 : vector<1024x64xf32>
    %max3A_193 = arith.constant 0.000000e+00 : f32
    %max3A_194 = vector.broadcast %max3A_193 : f32 to vector<1024x64xf32>
    %max3A_195 = arith.maximumf %add3A_192, %max3A_194 : vector<1024x64xf32>
    %get3A_196 = arith.constant 0 : index
    %get3A_197 = arith.constant 0 : index
    %get3A_198 = vector.load %arg21[%get3A_196, %get3A_197] : memref<64x128xf32, #tpu.memory_space<vmem>>, vector<64x128xf32>
    %dot_general3A_199 = arith.constant dense<0.000000e+00> : vector<1024x128xf32>
    %dot_general3A_200 = tpu.matmul %max3A_195, %get3A_198, %dot_general3A_199 {dimension_numbers = #tpu.dot_dimension_numbers<[1], [0], [0], [1], [0, 0, 1, 1], [], []>, transpose_lhs_hint = false} : vector<1024x64xf32>, vector<64x128xf32>, vector<1024x128xf32> -> vector<1024x128xf32>
    %get3A_201 = arith.constant 0 : index
    %get3A_202 = arith.constant 0 : index
    %get3A_203 = vector.load %arg22[%get3A_201, %get3A_202] : memref<1x128xf32, #tpu.memory_space<vmem>>, vector<1x128xf32>
    %add3A_204 = vector.broadcast %get3A_203 : vector<1x128xf32> to vector<1024x128xf32>
    %add3A_205 = arith.addf %dot_general3A_200, %add3A_204 : vector<1024x128xf32>
    %neg3A_206 = arith.constant 0.000000e+00 : f32
    %neg3A_207 = vector.broadcast %neg3A_206 : f32 to vector<1024x128xf32>
    %neg3A_208 = arith.subf %neg3A_207, %add3A_205 : vector<1024x128xf32>
    %exp3A_209 = math.exp %neg3A_208 : vector<1024x128xf32>
    %add3A_210 = arith.constant 1.000000e+00 : f32
    %add3A_211 = vector.broadcast %add3A_210 : f32 to vector<1024x128xf32>
    %add3A_212 = arith.addf %add3A_211, %exp3A_209 : vector<1024x128xf32>
    %div3A_213 = arith.constant 1.000000e+00 : f32
    %div3A_214 = vector.broadcast %div3A_213 : f32 to vector<1024x128xf32>
    %div3A_215 = arith.divf %div3A_214, %add3A_212 : vector<1024x128xf32>
    %slice3A_216 = vector.extract_strided_slice %div3A_215 {offsets = [0, 0], sizes = [1024, 1], strides = [1, 1]} : vector<1024x128xf32> to vector<1024x1xf32>
    %get3A_217 = arith.constant 0 : index
    %get3A_218 = arith.constant 0 : index
    %get3A_219 = vector.load %arg23[%get3A_217, %get3A_218] : memref<128x128xf32, #tpu.memory_space<vmem>>, vector<128x128xf32>
    %dot_general3A_220 = arith.constant dense<0.000000e+00> : vector<1024x128xf32>
    %dot_general3A_221 = tpu.matmul %add3A_116, %get3A_219, %dot_general3A_220 {dimension_numbers = #tpu.dot_dimension_numbers<[1], [0], [0], [1], [0, 0, 1, 1], [], []>, transpose_lhs_hint = false} : vector<1024x128xf32>, vector<128x128xf32>, vector<1024x128xf32> -> vector<1024x128xf32>
    %get3A_222 = arith.constant 0 : index
    %get3A_223 = arith.constant 0 : index
    %get3A_224 = vector.load %arg24[%get3A_222, %get3A_223] : memref<1x128xf32, #tpu.memory_space<vmem>>, vector<1x128xf32>
    %add3A_225 = vector.broadcast %get3A_224 : vector<1x128xf32> to vector<1024x128xf32>
    %add3A_226 = arith.addf %dot_general3A_221, %add3A_225 : vector<1024x128xf32>
    %max3A_227 = arith.constant 0.000000e+00 : f32
    %max3A_228 = vector.broadcast %max3A_227 : f32 to vector<1024x128xf32>
    %max3A_229 = arith.maximumf %add3A_226, %max3A_228 : vector<1024x128xf32>
    %get3A_230 = arith.constant 0 : index
    %get3A_231 = arith.constant 0 : index
    %get3A_232 = vector.load %arg25[%get3A_230, %get3A_231] : memref<128x128xf32, #tpu.memory_space<vmem>>, vector<128x128xf32>
    %dot_general3A_233 = arith.constant dense<0.000000e+00> : vector<1024x128xf32>
    %dot_general3A_234 = tpu.matmul %max3A_229, %get3A_232, %dot_general3A_233 {dimension_numbers = #tpu.dot_dimension_numbers<[1], [0], [0], [1], [0, 0, 1, 1], [], []>, transpose_lhs_hint = false} : vector<1024x128xf32>, vector<128x128xf32>, vector<1024x128xf32> -> vector<1024x128xf32>
    %get3A_235 = arith.constant 0 : index
    %get3A_236 = arith.constant 0 : index
    %get3A_237 = vector.load %arg26[%get3A_235, %get3A_236] : memref<1x128xf32, #tpu.memory_space<vmem>>, vector<1x128xf32>
    %add3A_238 = vector.broadcast %get3A_237 : vector<1x128xf32> to vector<1024x128xf32>
    %add3A_239 = arith.addf %dot_general3A_234, %add3A_238 : vector<1024x128xf32>
    %mul3A_240 = vector.broadcast %slice3A_216 : vector<1024x1xf32> to vector<1024x128xf32>
    %mul3A_241 = arith.mulf %add3A_239, %mul3A_240 : vector<1024x128xf32>
    %add3A_242 = arith.addf %add3A_116, %mul3A_241 : vector<1024x128xf32>
    %get3A_243 = arith.constant 0 : index
    %get3A_244 = arith.constant 0 : index
    %get3A_245 = vector.load %arg27[%get3A_243, %get3A_244] : memref<128x128xf32, #tpu.memory_space<vmem>>, vector<128x128xf32>
    %dot_general3A_246 = arith.constant dense<0.000000e+00> : vector<1024x128xf32>
    %dot_general3A_247 = tpu.matmul %add3A_242, %get3A_245, %dot_general3A_246 {dimension_numbers = #tpu.dot_dimension_numbers<[1], [0], [0], [1], [0, 0, 1, 1], [], []>, transpose_lhs_hint = false} : vector<1024x128xf32>, vector<128x128xf32>, vector<1024x128xf32> -> vector<1024x128xf32>
    %get3A_248 = arith.constant 0 : index
    %get3A_249 = arith.constant 0 : index
    %get3A_250 = vector.load %arg28[%get3A_248, %get3A_249] : memref<1x128xf32, #tpu.memory_space<vmem>>, vector<1x128xf32>
    %add3A_251 = vector.broadcast %get3A_250 : vector<1x128xf32> to vector<1024x128xf32>
    %add3A_252 = arith.addf %dot_general3A_247, %add3A_251 : vector<1024x128xf32>
    %get3A_253 = arith.constant 0 : index
    %get3A_254 = arith.constant 0 : index
    %get3A_255 = vector.load %arg29[%get3A_253, %get3A_254] : memref<128x128xf32, #tpu.memory_space<vmem>>, vector<128x128xf32>
    %dot_general3A_256 = arith.constant dense<0.000000e+00> : vector<1024x128xf32>
    %dot_general3A_257 = tpu.matmul %add3A_182, %get3A_255, %dot_general3A_256 {dimension_numbers = #tpu.dot_dimension_numbers<[1], [0], [0], [1], [0, 0, 1, 1], [], []>, transpose_lhs_hint = false} : vector<1024x128xf32>, vector<128x128xf32>, vector<1024x128xf32> -> vector<1024x128xf32>
    %swap3A = arith.constant 0 : index
    %swap3A_258 = arith.constant 0 : index
    %swap3A_259 = vector.load %arg35[%swap3A, %swap3A_258] : memref<1024x128xf32, #tpu.memory_space<vmem>>, vector<1024x128xf32>
    tpu.vector_store %arg35[%swap3A, %swap3A_258], %dot_general3A_257 {strides = array<i32>} : memref<1024x128xf32, #tpu.memory_space<vmem>>, vector<1024x128xf32>,
    %get3A_260 = arith.constant 0 : index
    %get3A_261 = arith.constant 0 : index
    %get3A_262 = vector.load %arg30[%get3A_260, %get3A_261] : memref<128x128xf32, #tpu.memory_space<vmem>>, vector<128x128xf32>
    %dot_general3A_263 = arith.constant dense<0.000000e+00> : vector<1024x128xf32>
    %dot_general3A_264 = tpu.matmul %add3A_252, %get3A_262, %dot_general3A_263 {dimension_numbers = #tpu.dot_dimension_numbers<[1], [0], [0], [1], [0, 0, 1, 1], [], []>, transpose_lhs_hint = false} : vector<1024x128xf32>, vector<128x128xf32>, vector<1024x128xf32> -> vector<1024x128xf32>
    %swap3A_265 = arith.constant 0 : index
    %swap3A_266 = arith.constant 0 : index
    %swap3A_267 = vector.load %arg36[%swap3A_265, %swap3A_266] : memref<1024x128xf32, #tpu.memory_space<vmem>>, vector<1024x128xf32>
    tpu.vector_store %arg36[%swap3A_265, %swap3A_266], %dot_general3A_264 {strides = array<i32>} : memref<1024x128xf32, #tpu.memory_space<vmem>>, vector<1024x128xf32>,
    %get3A_268 = arith.constant 0 : index
    %get3A_269 = arith.constant 0 : index
    %get3A_270 = vector.load %arg31[%get3A_268, %get3A_269] : memref<128x128xf32, #tpu.memory_space<vmem>>, vector<128x128xf32>
    %get3A_271 = arith.constant 0 : index
    %get3A_272 = arith.constant 0 : index
    %get3A_273 = vector.load %arg33[%get3A_271, %get3A_272] : memref<128x128xf32, #tpu.memory_space<vmem>>, vector<128x128xf32>
    %dot_general3A_274 = arith.constant dense<0.000000e+00> : vector<128x128xf32>
    %dot_general3A_275 = tpu.matmul %get3A_270, %get3A_273, %dot_general3A_274 {dimension_numbers = #tpu.dot_dimension_numbers<[1], [0], [0], [1], [0, 0, 1, 1], [], []>, transpose_lhs_hint = false} : vector<128x128xf32>, vector<128x128xf32>, vector<128x128xf32> -> vector<128x128xf32>
    %swap3A_276 = arith.constant 0 : index
    %swap3A_277 = arith.constant 0 : index
    %swap3A_278 = vector.load %arg37[%swap3A_276, %swap3A_277] : memref<128x128xf32, #tpu.memory_space<vmem>>, vector<128x128xf32>
    tpu.vector_store %arg37[%swap3A_276, %swap3A_277], %dot_general3A_275 {strides = array<i32>} : memref<128x128xf32, #tpu.memory_space<vmem>>, vector<128x128xf32>,
    %get3A_279 = arith.constant 0 : index
    %get3A_280 = arith.constant 0 : index
    %get3A_281 = vector.load %arg32[%get3A_279, %get3A_280] : memref<1x128xf32, #tpu.memory_space<vmem>>, vector<1x128xf32>
    %get3A_282 = arith.constant 0 : index
    %get3A_283 = arith.constant 0 : index
    %get3A_284 = vector.load %arg33[%get3A_282, %get3A_283] : memref<128x128xf32, #tpu.memory_space<vmem>>, vector<128x128xf32>
    %dot_general3A_285 = arith.constant dense<0.000000e+00> : vector<1x128xf32>
    %dot_general3A_286 = tpu.matmul %get3A_281, %get3A_284, %dot_general3A_285 {dimension_numbers = #tpu.dot_dimension_numbers<[1], [0], [0], [1], [0, 0, 1, 1], [], []>, transpose_lhs_hint = false} : vector<1x128xf32>, vector<128x128xf32>, vector<1x128xf32> -> vector<1x128xf32>
    %get3A_287 = arith.constant 0 : index
    %get3A_288 = arith.constant 0 : index
    %get3A_289 = vector.load %arg34[%get3A_287, %get3A_288] : memref<1x128xf32, #tpu.memory_space<vmem>>, vector<1x128xf32>
    %add3A_290 = arith.addf %dot_general3A_286, %get3A_289 : vector<1x128xf32>
    %swap3A_291 = arith.constant 0 : index
    %swap3A_292 = arith.constant 0 : index
    %swap3A_293 = vector.load %arg38[%swap3A_291, %swap3A_292] : memref<1x128xf32, #tpu.memory_space<vmem>>, vector<1x128xf32>
    tpu.vector_store %arg38[%swap3A_291, %swap3A_292], %add3A_290 {strides = array<i32>} : memref<1x128xf32, #tpu.memory_space<vmem>>, vector<1x128xf32>,
    return
  }
  func.func @transform_0(%arg0: i32) -> (i32, i32) {
    %c0_i32 = arith.constant 0 : i32
    %c0_i32_0 = arith.constant 0 : i32
    return %arg0, %c0_i32 : i32, i32
  }
  func.func @transform_1(%arg0: i32) -> (i32, i32) {
    %c0_i32 = arith.constant 0 : i32
    %c0_i32_0 = arith.constant 0 : i32
    return %arg0, %c0_i32 : i32, i32
  }
  func.func @transform_2(%arg0: i32) -> (i32, i32, i32) {
    %c0_i32 = arith.constant 0 : i32
    %c0_i32_0 = arith.constant 0 : i32
    %c0_i32_1 = arith.constant 0 : i32
    return %c0_i32, %arg0, %c0_i32_0 : i32, i32, i32
  }
  func.func @transform_3(%arg0: i32) -> (i32, i32, i32) {
    %c0_i32 = arith.constant 0 : i32
    %c0_i32_0 = arith.constant 0 : i32
    %c0_i32_1 = arith.constant 0 : i32
    return %c0_i32, %arg0, %c0_i32_0 : i32, i32, i32
  }
  func.func @transform_4(%arg0: i32) -> (i32, i32) {
    %c0_i32 = arith.constant 0 : i32
    %c0_i32_0 = arith.constant 0 : i32
    return %arg0, %c0_i32 : i32, i32
  }
  func.func @transform_5(%arg0: i32) -> (i32, i32) {
    %c0_i32 = arith.constant 0 : i32
    %c0_i32_0 = arith.constant 0 : i32
    return %arg0, %c0_i32 : i32, i32
  }
  func.func @transform_6(%arg0: i32) -> (i32, i32) {
    %c0_i32 = arith.constant 0 : i32
    %c0_i32_0 = arith.constant 0 : i32
    %c0_i32_1 = arith.constant 0 : i32
    return %c0_i32, %c0_i32_0 : i32, i32
  }
  func.func @transform_7(%arg0: i32) -> (i32, i32) {
    %c0_i32 = arith.constant 0 : i32
    %c0_i32_0 = arith.constant 0 : i32
    %c0_i32_1 = arith.constant 0 : i32
    return %c0_i32, %c0_i32_0 : i32, i32
  }
  func.func @transform_8(%arg0: i32) -> (i32, i32) {
    %c0_i32 = arith.constant 0 : i32
    %c0_i32_0 = arith.constant 0 : i32
    %c0_i32_1 = arith.constant 0 : i32
    return %c0_i32, %c0_i32_0 : i32, i32
  }
  func.func @transform_9(%arg0: i32) -> (i32, i32) {
    %c0_i32 = arith.constant 0 : i32
    %c0_i32_0 = arith.constant 0 : i32
    %c0_i32_1 = arith.constant 0 : i32
    return %c0_i32, %c0_i32_0 : i32, i32
  }
  func.func @transform_10(%arg0: i32) -> (i32, i32) {
    %c0_i32 = arith.constant 0 : i32
    %c0_i32_0 = arith.constant 0 : i32
    %c0_i32_1 = arith.constant 0 : i32
    return %c0_i32, %c0_i32_0 : i32, i32
  }
  func.func @transform_11(%arg0: i32) -> (i32, i32) {
    %c0_i32 = arith.constant 0 : i32
    %c0_i32_0 = arith.constant 0 : i32
    %c0_i32_1 = arith.constant 0 : i32
    return %c0_i32, %c0_i32_0 : i32, i32
  }
  func.func @transform_12(%arg0: i32) -> (i32, i32) {
    %c0_i32 = arith.constant 0 : i32
    %c0_i32_0 = arith.constant 0 : i32
    %c0_i32_1 = arith.constant 0 : i32
    return %c0_i32, %c0_i32_0 : i32, i32
  }
  func.func @transform_13(%arg0: i32) -> (i32, i32) {
    %c0_i32 = arith.constant 0 : i32
    %c0_i32_0 = arith.constant 0 : i32
    %c0_i32_1 = arith.constant 0 : i32
    return %c0_i32, %c0_i32_0 : i32, i32
  }
  func.func @transform_14(%arg0: i32) -> (i32, i32) {
    %c0_i32 = arith.constant 0 : i32
    %c0_i32_0 = arith.constant 0 : i32
    %c0_i32_1 = arith.constant 0 : i32
    return %c0_i32, %c0_i32_0 : i32, i32
  }
  func.func @transform_15(%arg0: i32) -> (i32, i32) {
    %c0_i32 = arith.constant 0 : i32
    %c0_i32_0 = arith.constant 0 : i32
    %c0_i32_1 = arith.constant 0 : i32
    return %c0_i32, %c0_i32_0 : i32, i32
  }
  func.func @transform_16(%arg0: i32) -> (i32, i32) {
    %c0_i32 = arith.constant 0 : i32
    %c0_i32_0 = arith.constant 0 : i32
    %c0_i32_1 = arith.constant 0 : i32
    return %c0_i32, %c0_i32_0 : i32, i32
  }
  func.func @transform_17(%arg0: i32) -> (i32, i32) {
    %c0_i32 = arith.constant 0 : i32
    %c0_i32_0 = arith.constant 0 : i32
    %c0_i32_1 = arith.constant 0 : i32
    return %c0_i32, %c0_i32_0 : i32, i32
  }
  func.func @transform_18(%arg0: i32) -> (i32, i32) {
    %c0_i32 = arith.constant 0 : i32
    %c0_i32_0 = arith.constant 0 : i32
    %c0_i32_1 = arith.constant 0 : i32
    return %c0_i32, %c0_i32_0 : i32, i32
  }
  func.func @transform_19(%arg0: i32) -> (i32, i32) {
    %c0_i32 = arith.constant 0 : i32
    %c0_i32_0 = arith.constant 0 : i32
    %c0_i32_1 = arith.constant 0 : i32
    return %c0_i32, %c0_i32_0 : i32, i32
  }
  func.func @transform_20(%arg0: i32) -> (i32, i32) {
    %c0_i32 = arith.constant 0 : i32
    %c0_i32_0 = arith.constant 0 : i32
    %c0_i32_1 = arith.constant 0 : i32
    return %c0_i32, %c0_i32_0 : i32, i32
  }
  func.func @transform_21(%arg0: i32) -> (i32, i32) {
    %c0_i32 = arith.constant 0 : i32
    %c0_i32_0 = arith.constant 0 : i32
    %c0_i32_1 = arith.constant 0 : i32
    return %c0_i32, %c0_i32_0 : i32, i32
  }
  func.func @transform_22(%arg0: i32) -> (i32, i32) {
    %c0_i32 = arith.constant 0 : i32
    %c0_i32_0 = arith.constant 0 : i32
    %c0_i32_1 = arith.constant 0 : i32
    return %c0_i32, %c0_i32_0 : i32, i32
  }
  func.func @transform_23(%arg0: i32) -> (i32, i32) {
    %c0_i32 = arith.constant 0 : i32
    %c0_i32_0 = arith.constant 0 : i32
    %c0_i32_1 = arith.constant 0 : i32
    return %c0_i32, %c0_i32_0 : i32, i32
  }
  func.func @transform_24(%arg0: i32) -> (i32, i32) {
    %c0_i32 = arith.constant 0 : i32
    %c0_i32_0 = arith.constant 0 : i32
    %c0_i32_1 = arith.constant 0 : i32
    return %c0_i32, %c0_i32_0 : i32, i32
  }
  func.func @transform_25(%arg0: i32) -> (i32, i32) {
    %c0_i32 = arith.constant 0 : i32
    %c0_i32_0 = arith.constant 0 : i32
    %c0_i32_1 = arith.constant 0 : i32
    return %c0_i32, %c0_i32_0 : i32, i32
  }
  func.func @transform_26(%arg0: i32) -> (i32, i32) {
    %c0_i32 = arith.constant 0 : i32
    %c0_i32_0 = arith.constant 0 : i32
    %c0_i32_1 = arith.constant 0 : i32
    return %c0_i32, %c0_i32_0 : i32, i32
  }
  func.func @transform_27(%arg0: i32) -> (i32, i32) {
    %c0_i32 = arith.constant 0 : i32
    %c0_i32_0 = arith.constant 0 : i32
    %c0_i32_1 = arith.constant 0 : i32
    return %c0_i32, %c0_i32_0 : i32, i32
  }
  func.func @transform_28(%arg0: i32) -> (i32, i32) {
    %c0_i32 = arith.constant 0 : i32
    %c0_i32_0 = arith.constant 0 : i32
    %c0_i32_1 = arith.constant 0 : i32
    return %c0_i32, %c0_i32_0 : i32, i32
  }
  func.func @transform_29(%arg0: i32) -> (i32, i32) {
    %c0_i32 = arith.constant 0 : i32
    %c0_i32_0 = arith.constant 0 : i32
    %c0_i32_1 = arith.constant 0 : i32
    return %c0_i32, %c0_i32_0 : i32, i32
  }
  func.func @transform_30(%arg0: i32) -> (i32, i32) {
    %c0_i32 = arith.constant 0 : i32
    %c0_i32_0 = arith.constant 0 : i32
    %c0_i32_1 = arith.constant 0 : i32
    return %c0_i32, %c0_i32_0 : i32, i32
  }
  func.func @transform_31(%arg0: i32) -> (i32, i32) {
    %c0_i32 = arith.constant 0 : i32
    %c0_i32_0 = arith.constant 0 : i32
    %c0_i32_1 = arith.constant 0 : i32
    return %c0_i32, %c0_i32_0 : i32, i32
  }
  func.func @transform_32(%arg0: i32) -> (i32, i32) {
    %c0_i32 = arith.constant 0 : i32
    %c0_i32_0 = arith.constant 0 : i32
    %c0_i32_1 = arith.constant 0 : i32
    return %c0_i32, %c0_i32_0 : i32, i32
  }
  func.func @transform_33(%arg0: i32) -> (i32, i32) {
    %c0_i32 = arith.constant 0 : i32
    %c0_i32_0 = arith.constant 0 : i32
    %c0_i32_1 = arith.constant 0 : i32
    return %c0_i32, %c0_i32_0 : i32, i32
  }
  func.func @transform_34(%arg0: i32) -> (i32, i32) {
    %c0_i32 = arith.constant 0 : i32
    %c0_i32_0 = arith.constant 0 : i32
    return %arg0, %c0_i32 : i32, i32
  }
  func.func @transform_35(%arg0: i32) -> (i32, i32) {
    %c0_i32 = arith.constant 0 : i32
    %c0_i32_0 = arith.constant 0 : i32
    return %arg0, %c0_i32 : i32, i32
  }
  func.func @transform_36(%arg0: i32) -> (i32, i32) {
    %c0_i32 = arith.constant 0 : i32
    %c0_i32_0 = arith.constant 0 : i32
    %c0_i32_1 = arith.constant 0 : i32
    return %c0_i32, %c0_i32_0 : i32, i32
  }
  func.func @transform_37(%arg0: i32) -> (i32, i32) {
    %c0_i32 = arith.constant 0 : i32
    %c0_i32_0 = arith.constant 0 : i32
    %c0_i32_1 = arith.constant 0 : i32
    return %c0_i32, %c0_i32_0 : i32, i32
  }
}

module attributes {stable_mosaic.version = 14 : i64} {
  func.func @_edges_body(%arg0: i32, %arg1: memref<3200x128xf32, #tpu.memory_space<vmem>>, %arg2: memref<16x3200xf32, #tpu.memory_space<vmem>>, %arg3: memref<16x128xf32, #tpu.memory_space<vmem>>, %arg4: memref<1x128xf32, #tpu.memory_space<vmem>>, %arg5: memref<128x128xf32, #tpu.memory_space<vmem>>, %arg6: memref<1x128xf32, #tpu.memory_space<vmem>>, %arg7: memref<128x64xf32, #tpu.memory_space<vmem>>, %arg8: memref<1x64xf32, #tpu.memory_space<vmem>>, %arg9: memref<64x2xf32, #tpu.memory_space<vmem>>, %arg10: memref<2x1xf32, #tpu.memory_space<vmem>>, %arg11: memref<2x3200xf32, #tpu.memory_space<vmem>>) attributes {dimension_semantics = [#tpu.dimension_semantics<arbitrary>], iteration_bounds = array<i64: 50>, scalar_prefetch = 0 : i64, scratch_operands = 0 : i64, tpu.core_type = #tpu.core_type<tc>, window_params = [{transform_indices = @transform_0, window_bounds = array<i64: 3200, 128>}, {transform_indices = @transform_1, window_bounds = array<i64: 16, 3200>}, {pipeline_mode = #tpu.pipeline_mode<synchronous>, transform_indices = @transform_2, window_bounds = array<i64: 16, 128>}, {pipeline_mode = #tpu.pipeline_mode<synchronous>, transform_indices = @transform_3, window_bounds = array<i64: 1, 128>}, {pipeline_mode = #tpu.pipeline_mode<synchronous>, transform_indices = @transform_4, window_bounds = array<i64: 128, 128>}, {pipeline_mode = #tpu.pipeline_mode<synchronous>, transform_indices = @transform_5, window_bounds = array<i64: 1, 128>}, {pipeline_mode = #tpu.pipeline_mode<synchronous>, transform_indices = @transform_6, window_bounds = array<i64: 128, 64>}, {pipeline_mode = #tpu.pipeline_mode<synchronous>, transform_indices = @transform_7, window_bounds = array<i64: 1, 64>}, {pipeline_mode = #tpu.pipeline_mode<synchronous>, transform_indices = @transform_8, window_bounds = array<i64: 64, 2>}, {pipeline_mode = #tpu.pipeline_mode<synchronous>, transform_indices = @transform_9, window_bounds = array<i64: 2, 1>}, {transform_indices = @transform_10, window_bounds = array<i64: 2, 3200>}]} {
    %get3A = arith.constant 0 : index
    %get3A_0 = arith.constant 0 : index
    %get3A_1 = vector.load %arg2[%get3A, %get3A_0] : memref<16x3200xf32, #tpu.memory_space<vmem>>, vector<16x3200xf32>
    %get3A_2 = arith.constant 0 : index
    %get3A_3 = arith.constant 0 : index
    %get3A_4 = vector.load %arg3[%get3A_2, %get3A_3] : memref<16x128xf32, #tpu.memory_space<vmem>>, vector<16x128xf32>
    %dot_general3A = arith.constant dense<0.000000e+00> : vector<3200x128xf32>
    %dot_general3A_5 = tpu.matmul %get3A_1, %get3A_4, %dot_general3A {dimension_numbers = #tpu.dot_dimension_numbers<[0], [0], [1], [1], [0, 1, 1, 1], [], []>, transpose_lhs_hint = false} : vector<16x3200xf32>, vector<16x128xf32>, vector<3200x128xf32> -> vector<3200x128xf32>
    %get3A_6 = arith.constant 0 : index
    %get3A_7 = arith.constant 0 : index
    %get3A_8 = vector.load %arg4[%get3A_6, %get3A_7] : memref<1x128xf32, #tpu.memory_space<vmem>>, vector<1x128xf32>
    %add3A = vector.broadcast %get3A_8 : vector<1x128xf32> to vector<3200x128xf32>
    %add3A_9 = arith.addf %dot_general3A_5, %add3A : vector<3200x128xf32>
    %max3A = arith.constant 0.000000e+00 : f32
    %max3A_10 = vector.broadcast %max3A : f32 to vector<3200x128xf32>
    %max3A_11 = arith.maximumf %add3A_9, %max3A_10 : vector<3200x128xf32>
    %get3A_12 = arith.constant 0 : index
    %get3A_13 = arith.constant 0 : index
    %get3A_14 = vector.load %arg1[%get3A_12, %get3A_13] : memref<3200x128xf32, #tpu.memory_space<vmem>>, vector<3200x128xf32>
    %get3A_15 = arith.constant 0 : index
    %get3A_16 = arith.constant 0 : index
    %get3A_17 = vector.load %arg5[%get3A_15, %get3A_16] : memref<128x128xf32, #tpu.memory_space<vmem>>, vector<128x128xf32>
    %dot_general3A_18 = arith.constant dense<0.000000e+00> : vector<3200x128xf32>
    %dot_general3A_19 = tpu.matmul %max3A_11, %get3A_17, %dot_general3A_18 {dimension_numbers = #tpu.dot_dimension_numbers<[1], [0], [0], [1], [0, 0, 1, 1], [], []>, transpose_lhs_hint = false} : vector<3200x128xf32>, vector<128x128xf32>, vector<3200x128xf32> -> vector<3200x128xf32>
    %add3A_20 = arith.addf %get3A_14, %dot_general3A_19 : vector<3200x128xf32>
    %get3A_21 = arith.constant 0 : index
    %get3A_22 = arith.constant 0 : index
    %get3A_23 = vector.load %arg6[%get3A_21, %get3A_22] : memref<1x128xf32, #tpu.memory_space<vmem>>, vector<1x128xf32>
    %add3A_24 = vector.broadcast %get3A_23 : vector<1x128xf32> to vector<3200x128xf32>
    %add3A_25 = arith.addf %add3A_20, %add3A_24 : vector<3200x128xf32>
    %max3A_26 = arith.constant 0.000000e+00 : f32
    %max3A_27 = vector.broadcast %max3A_26 : f32 to vector<3200x128xf32>
    %max3A_28 = arith.maximumf %add3A_25, %max3A_27 : vector<3200x128xf32>
    %get3A_29 = arith.constant 0 : index
    %get3A_30 = arith.constant 0 : index
    %get3A_31 = vector.load %arg7[%get3A_29, %get3A_30] : memref<128x64xf32, #tpu.memory_space<vmem>>, vector<128x64xf32>
    %dot_general3A_32 = arith.constant dense<0.000000e+00> : vector<3200x64xf32>
    %dot_general3A_33 = tpu.matmul %max3A_28, %get3A_31, %dot_general3A_32 {dimension_numbers = #tpu.dot_dimension_numbers<[1], [0], [0], [1], [0, 0, 1, 1], [], []>, transpose_lhs_hint = false} : vector<3200x128xf32>, vector<128x64xf32>, vector<3200x64xf32> -> vector<3200x64xf32>
    %get3A_34 = arith.constant 0 : index
    %get3A_35 = arith.constant 0 : index
    %get3A_36 = vector.load %arg8[%get3A_34, %get3A_35] : memref<1x64xf32, #tpu.memory_space<vmem>>, vector<1x64xf32>
    %add3A_37 = vector.broadcast %get3A_36 : vector<1x64xf32> to vector<3200x64xf32>
    %add3A_38 = arith.addf %dot_general3A_33, %add3A_37 : vector<3200x64xf32>
    %max3A_39 = arith.constant 0.000000e+00 : f32
    %max3A_40 = vector.broadcast %max3A_39 : f32 to vector<3200x64xf32>
    %max3A_41 = arith.maximumf %add3A_38, %max3A_40 : vector<3200x64xf32>
    %get3A_42 = arith.constant 0 : index
    %get3A_43 = arith.constant 0 : index
    %get3A_44 = vector.load %arg9[%get3A_42, %get3A_43] : memref<64x2xf32, #tpu.memory_space<vmem>>, vector<64x2xf32>
    %dot_general3A_45 = arith.constant dense<0.000000e+00> : vector<2x3200xf32>
    %dot_general3A_46 = tpu.matmul %get3A_44, %max3A_41, %dot_general3A_45 {dimension_numbers = #tpu.dot_dimension_numbers<[0], [1], [1], [0], [0, 1, 1, 0], [], []>, transpose_lhs_hint = false} : vector<64x2xf32>, vector<3200x64xf32>, vector<2x3200xf32> -> vector<2x3200xf32>
    %get3A_47 = arith.constant 0 : index
    %get3A_48 = arith.constant 0 : index
    %get3A_49 = vector.load %arg10[%get3A_47, %get3A_48] : memref<2x1xf32, #tpu.memory_space<vmem>>, vector<2x1xf32>
    %add3A_50 = vector.broadcast %get3A_49 : vector<2x1xf32> to vector<2x3200xf32>
    %add3A_51 = arith.addf %dot_general3A_46, %add3A_50 : vector<2x3200xf32>
    %swap3A = arith.constant 0 : index
    %swap3A_52 = arith.constant 0 : index
    %swap3A_53 = vector.load %arg11[%swap3A, %swap3A_52] : memref<2x3200xf32, #tpu.memory_space<vmem>>, vector<2x3200xf32>
    tpu.vector_store %arg11[%swap3A, %swap3A_52], %add3A_51 {strides = array<i32>} : memref<2x3200xf32, #tpu.memory_space<vmem>>, vector<2x3200xf32>,
    return
  }
  func.func @transform_0(%arg0: i32) -> (i32, i32) {
    %c0_i32 = arith.constant 0 : i32
    %c0_i32_0 = arith.constant 0 : i32
    return %arg0, %c0_i32 : i32, i32
  }
  func.func @transform_1(%arg0: i32) -> (i32, i32) {
    %add3A = arith.constant 0 : i32
    %add3A_0 = arith.addi %arg0, %add3A : i32
    %c0_i32 = arith.constant 0 : i32
    %c0_i32_1 = arith.constant 0 : i32
    return %c0_i32, %add3A_0 : i32, i32
  }
  func.func @transform_2(%arg0: i32) -> (i32, i32) {
    %c0_i32 = arith.constant 0 : i32
    %c0_i32_0 = arith.constant 0 : i32
    %c0_i32_1 = arith.constant 0 : i32
    return %c0_i32, %c0_i32_0 : i32, i32
  }
  func.func @transform_3(%arg0: i32) -> (i32, i32) {
    %c0_i32 = arith.constant 0 : i32
    %c0_i32_0 = arith.constant 0 : i32
    %c0_i32_1 = arith.constant 0 : i32
    return %c0_i32, %c0_i32_0 : i32, i32
  }
  func.func @transform_4(%arg0: i32) -> (i32, i32) {
    %c0_i32 = arith.constant 0 : i32
    %c0_i32_0 = arith.constant 0 : i32
    %c0_i32_1 = arith.constant 0 : i32
    return %c0_i32, %c0_i32_0 : i32, i32
  }
  func.func @transform_5(%arg0: i32) -> (i32, i32) {
    %c0_i32 = arith.constant 0 : i32
    %c0_i32_0 = arith.constant 0 : i32
    %c0_i32_1 = arith.constant 0 : i32
    return %c0_i32, %c0_i32_0 : i32, i32
  }
  func.func @transform_6(%arg0: i32) -> (i32, i32) {
    %c0_i32 = arith.constant 0 : i32
    %c0_i32_0 = arith.constant 0 : i32
    %c0_i32_1 = arith.constant 0 : i32
    return %c0_i32, %c0_i32_0 : i32, i32
  }
  func.func @transform_7(%arg0: i32) -> (i32, i32) {
    %c0_i32 = arith.constant 0 : i32
    %c0_i32_0 = arith.constant 0 : i32
    %c0_i32_1 = arith.constant 0 : i32
    return %c0_i32, %c0_i32_0 : i32, i32
  }
  func.func @transform_8(%arg0: i32) -> (i32, i32) {
    %c0_i32 = arith.constant 0 : i32
    %c0_i32_0 = arith.constant 0 : i32
    %c0_i32_1 = arith.constant 0 : i32
    return %c0_i32, %c0_i32_0 : i32, i32
  }
  func.func @transform_9(%arg0: i32) -> (i32, i32) {
    %c0_i32 = arith.constant 0 : i32
    %c0_i32_0 = arith.constant 0 : i32
    %c0_i32_1 = arith.constant 0 : i32
    return %c0_i32, %c0_i32_0 : i32, i32
  }
  func.func @transform_10(%arg0: i32) -> (i32, i32) {
    %c0_i32 = arith.constant 0 : i32
    %c0_i32_0 = arith.constant 0 : i32
    return %c0_i32, %arg0 : i32, i32
  }
}

module attributes {stable_mosaic.version = 14 : i64} {
  func.func @_edges_body(%arg0: i32, %arg1: memref<3200x128xf32, #tpu.memory_space<vmem>>, %arg2: memref<16x3200xf32, #tpu.memory_space<vmem>>, %arg3: memref<16x128xf32, #tpu.memory_space<vmem>>, %arg4: memref<1x128xf32, #tpu.memory_space<vmem>>, %arg5: memref<128x128xf32, #tpu.memory_space<vmem>>, %arg6: memref<1x128xf32, #tpu.memory_space<vmem>>, %arg7: memref<128x64xf32, #tpu.memory_space<vmem>>, %arg8: memref<1x64xf32, #tpu.memory_space<vmem>>, %arg9: memref<64x2xf32, #tpu.memory_space<vmem>>, %arg10: memref<2x1xf32, #tpu.memory_space<vmem>>, %arg11: memref<2x3200xf32, #tpu.memory_space<vmem>>) attributes {dimension_semantics = [#tpu.dimension_semantics<arbitrary>], iteration_bounds = array<i64: 50>, scalar_prefetch = 0 : i64, scratch_operands = 0 : i64, tpu.core_type = #tpu.core_type<tc>, window_params = [{transform_indices = @transform_0, window_bounds = array<i64: 3200, 128>}, {transform_indices = @transform_1, window_bounds = array<i64: 16, 3200>}, {pipeline_mode = #tpu.pipeline_mode<synchronous>, transform_indices = @transform_2, window_bounds = array<i64: 16, 128>}, {pipeline_mode = #tpu.pipeline_mode<synchronous>, transform_indices = @transform_3, window_bounds = array<i64: 1, 128>}, {pipeline_mode = #tpu.pipeline_mode<synchronous>, transform_indices = @transform_4, window_bounds = array<i64: 128, 128>}, {pipeline_mode = #tpu.pipeline_mode<synchronous>, transform_indices = @transform_5, window_bounds = array<i64: 1, 128>}, {pipeline_mode = #tpu.pipeline_mode<synchronous>, transform_indices = @transform_6, window_bounds = array<i64: 128, 64>}, {pipeline_mode = #tpu.pipeline_mode<synchronous>, transform_indices = @transform_7, window_bounds = array<i64: 1, 64>}, {pipeline_mode = #tpu.pipeline_mode<synchronous>, transform_indices = @transform_8, window_bounds = array<i64: 64, 2>}, {pipeline_mode = #tpu.pipeline_mode<synchronous>, transform_indices = @transform_9, window_bounds = array<i64: 2, 1>}, {transform_indices = @transform_10, window_bounds = array<i64: 2, 3200>}]} {
    %get3A = arith.constant 0 : index
    %get3A_0 = arith.constant 0 : index
    %get3A_1 = vector.load %arg2[%get3A, %get3A_0] : memref<16x3200xf32, #tpu.memory_space<vmem>>, vector<16x3200xf32>
    %get3A_2 = arith.constant 0 : index
    %get3A_3 = arith.constant 0 : index
    %get3A_4 = vector.load %arg3[%get3A_2, %get3A_3] : memref<16x128xf32, #tpu.memory_space<vmem>>, vector<16x128xf32>
    %dot_general3A = arith.constant dense<0.000000e+00> : vector<3200x128xf32>
    %dot_general3A_5 = tpu.matmul %get3A_1, %get3A_4, %dot_general3A {dimension_numbers = #tpu.dot_dimension_numbers<[0], [0], [1], [1], [0, 1, 1, 1], [], []>, transpose_lhs_hint = false} : vector<16x3200xf32>, vector<16x128xf32>, vector<3200x128xf32> -> vector<3200x128xf32>
    %get3A_6 = arith.constant 0 : index
    %get3A_7 = arith.constant 0 : index
    %get3A_8 = vector.load %arg4[%get3A_6, %get3A_7] : memref<1x128xf32, #tpu.memory_space<vmem>>, vector<1x128xf32>
    %add3A = vector.broadcast %get3A_8 : vector<1x128xf32> to vector<3200x128xf32>
    %add3A_9 = arith.addf %dot_general3A_5, %add3A : vector<3200x128xf32>
    %max3A = arith.constant 0.000000e+00 : f32
    %max3A_10 = vector.broadcast %max3A : f32 to vector<3200x128xf32>
    %max3A_11 = arith.maximumf %add3A_9, %max3A_10 : vector<3200x128xf32>
    %get3A_12 = arith.constant 0 : index
    %get3A_13 = arith.constant 0 : index
    %get3A_14 = vector.load %arg1[%get3A_12, %get3A_13] : memref<3200x128xf32, #tpu.memory_space<vmem>>, vector<3200x128xf32>
    %get3A_15 = arith.constant 0 : index
    %get3A_16 = arith.constant 0 : index
    %get3A_17 = vector.load %arg5[%get3A_15, %get3A_16] : memref<128x128xf32, #tpu.memory_space<vmem>>, vector<128x128xf32>
    %dot_general3A_18 = arith.constant dense<0.000000e+00> : vector<3200x128xf32>
    %dot_general3A_19 = tpu.matmul %max3A_11, %get3A_17, %dot_general3A_18 {dimension_numbers = #tpu.dot_dimension_numbers<[1], [0], [0], [1], [0, 0, 1, 1], [], []>, transpose_lhs_hint = false} : vector<3200x128xf32>, vector<128x128xf32>, vector<3200x128xf32> -> vector<3200x128xf32>
    %add3A_20 = arith.addf %get3A_14, %dot_general3A_19 : vector<3200x128xf32>
    %get3A_21 = arith.constant 0 : index
    %get3A_22 = arith.constant 0 : index
    %get3A_23 = vector.load %arg6[%get3A_21, %get3A_22] : memref<1x128xf32, #tpu.memory_space<vmem>>, vector<1x128xf32>
    %add3A_24 = vector.broadcast %get3A_23 : vector<1x128xf32> to vector<3200x128xf32>
    %add3A_25 = arith.addf %add3A_20, %add3A_24 : vector<3200x128xf32>
    %max3A_26 = arith.constant 0.000000e+00 : f32
    %max3A_27 = vector.broadcast %max3A_26 : f32 to vector<3200x128xf32>
    %max3A_28 = arith.maximumf %add3A_25, %max3A_27 : vector<3200x128xf32>
    %get3A_29 = arith.constant 0 : index
    %get3A_30 = arith.constant 0 : index
    %get3A_31 = vector.load %arg7[%get3A_29, %get3A_30] : memref<128x64xf32, #tpu.memory_space<vmem>>, vector<128x64xf32>
    %dot_general3A_32 = arith.constant dense<0.000000e+00> : vector<3200x64xf32>
    %dot_general3A_33 = tpu.matmul %max3A_28, %get3A_31, %dot_general3A_32 {dimension_numbers = #tpu.dot_dimension_numbers<[1], [0], [0], [1], [0, 0, 1, 1], [], []>, transpose_lhs_hint = false} : vector<3200x128xf32>, vector<128x64xf32>, vector<3200x64xf32> -> vector<3200x64xf32>
    %get3A_34 = arith.constant 0 : index
    %get3A_35 = arith.constant 0 : index
    %get3A_36 = vector.load %arg8[%get3A_34, %get3A_35] : memref<1x64xf32, #tpu.memory_space<vmem>>, vector<1x64xf32>
    %add3A_37 = vector.broadcast %get3A_36 : vector<1x64xf32> to vector<3200x64xf32>
    %add3A_38 = arith.addf %dot_general3A_33, %add3A_37 : vector<3200x64xf32>
    %max3A_39 = arith.constant 0.000000e+00 : f32
    %max3A_40 = vector.broadcast %max3A_39 : f32 to vector<3200x64xf32>
    %max3A_41 = arith.maximumf %add3A_38, %max3A_40 : vector<3200x64xf32>
    %get3A_42 = arith.constant 0 : index
    %get3A_43 = arith.constant 0 : index
    %get3A_44 = vector.load %arg9[%get3A_42, %get3A_43] : memref<64x2xf32, #tpu.memory_space<vmem>>, vector<64x2xf32>
    %dot_general3A_45 = arith.constant dense<0.000000e+00> : vector<2x3200xf32>
    %dot_general3A_46 = tpu.matmul %get3A_44, %max3A_41, %dot_general3A_45 {dimension_numbers = #tpu.dot_dimension_numbers<[0], [1], [1], [0], [0, 1, 1, 0], [], []>, transpose_lhs_hint = false} : vector<64x2xf32>, vector<3200x64xf32>, vector<2x3200xf32> -> vector<2x3200xf32>
    %get3A_47 = arith.constant 0 : index
    %get3A_48 = arith.constant 0 : index
    %get3A_49 = vector.load %arg10[%get3A_47, %get3A_48] : memref<2x1xf32, #tpu.memory_space<vmem>>, vector<2x1xf32>
    %add3A_50 = vector.broadcast %get3A_49 : vector<2x1xf32> to vector<2x3200xf32>
    %add3A_51 = arith.addf %dot_general3A_46, %add3A_50 : vector<2x3200xf32>
    %swap3A = arith.constant 0 : index
    %swap3A_52 = arith.constant 0 : index
    %swap3A_53 = vector.load %arg11[%swap3A, %swap3A_52] : memref<2x3200xf32, #tpu.memory_space<vmem>>, vector<2x3200xf32>
    tpu.vector_store %arg11[%swap3A, %swap3A_52], %add3A_51 {strides = array<i32>} : memref<2x3200xf32, #tpu.memory_space<vmem>>, vector<2x3200xf32>,
    return
  }
  func.func @transform_0(%arg0: i32) -> (i32, i32) {
    %c0_i32 = arith.constant 0 : i32
    %c0_i32_0 = arith.constant 0 : i32
    return %arg0, %c0_i32 : i32, i32
  }
  func.func @transform_1(%arg0: i32) -> (i32, i32) {
    %add3A = arith.constant 50 : i32
    %add3A_0 = arith.addi %arg0, %add3A : i32
    %c0_i32 = arith.constant 0 : i32
    %c0_i32_1 = arith.constant 0 : i32
    return %c0_i32, %add3A_0 : i32, i32
  }
  func.func @transform_2(%arg0: i32) -> (i32, i32) {
    %c0_i32 = arith.constant 0 : i32
    %c0_i32_0 = arith.constant 0 : i32
    %c0_i32_1 = arith.constant 0 : i32
    return %c0_i32, %c0_i32_0 : i32, i32
  }
  func.func @transform_3(%arg0: i32) -> (i32, i32) {
    %c0_i32 = arith.constant 0 : i32
    %c0_i32_0 = arith.constant 0 : i32
    %c0_i32_1 = arith.constant 0 : i32
    return %c0_i32, %c0_i32_0 : i32, i32
  }
  func.func @transform_4(%arg0: i32) -> (i32, i32) {
    %c0_i32 = arith.constant 0 : i32
    %c0_i32_0 = arith.constant 0 : i32
    %c0_i32_1 = arith.constant 0 : i32
    return %c0_i32, %c0_i32_0 : i32, i32
  }
  func.func @transform_5(%arg0: i32) -> (i32, i32) {
    %c0_i32 = arith.constant 0 : i32
    %c0_i32_0 = arith.constant 0 : i32
    %c0_i32_1 = arith.constant 0 : i32
    return %c0_i32, %c0_i32_0 : i32, i32
  }
  func.func @transform_6(%arg0: i32) -> (i32, i32) {
    %c0_i32 = arith.constant 0 : i32
    %c0_i32_0 = arith.constant 0 : i32
    %c0_i32_1 = arith.constant 0 : i32
    return %c0_i32, %c0_i32_0 : i32, i32
  }
  func.func @transform_7(%arg0: i32) -> (i32, i32) {
    %c0_i32 = arith.constant 0 : i32
    %c0_i32_0 = arith.constant 0 : i32
    %c0_i32_1 = arith.constant 0 : i32
    return %c0_i32, %c0_i32_0 : i32, i32
  }
  func.func @transform_8(%arg0: i32) -> (i32, i32) {
    %c0_i32 = arith.constant 0 : i32
    %c0_i32_0 = arith.constant 0 : i32
    %c0_i32_1 = arith.constant 0 : i32
    return %c0_i32, %c0_i32_0 : i32, i32
  }
  func.func @transform_9(%arg0: i32) -> (i32, i32) {
    %c0_i32 = arith.constant 0 : i32
    %c0_i32_0 = arith.constant 0 : i32
    %c0_i32_1 = arith.constant 0 : i32
    return %c0_i32, %c0_i32_0 : i32, i32
  }
  func.func @transform_10(%arg0: i32) -> (i32, i32) {
    %c0_i32 = arith.constant 0 : i32
    %c0_i32_0 = arith.constant 0 : i32
    return %c0_i32, %arg0 : i32, i32
  }
}

</mosaic_0001>

<sc_bundles>
// kernel: kernel.12.cloned.1.call-start
scs
__scs_entry_jumppad:
0x0: {  	(pc) =	sbr.rel $0x88, $3  }
0x1: {  	(tag) =	ssettag $0x0;
	lr =	simm.s32 $0x1  }
0x2: {  	[smem:$0x3F70] =	sst lr;
	_ =	strace $0xD0000000  }
0x3: {  	_ = 	snop  }
0x4: {  	_ = 	snop  }
0x5: {  	_ = 	snop  }
0x6: {  	_ = 	snop  }
0x7: {  	_ = 	snop  }
__scs_overlays_trampoline_lowered:
0x8: {  	[smem:$0x3F7F] =	sst s0  }
0x9: {  	[smem:$0x3F80] =	sst s1  }
0xa: {  	[smem:$0x3F81] =	sst s2  }
0xb: {  	[smem:$0x3F82] =	sst s3  }
0xc: {  	[smem:$0x3F83] =	sst s4  }
0xd: {  	[smem:$0x3F84] =	sst s5  }
0xe: {  	[smem:$0x3F85] =	sst s6  }
0xf: {  	[smem:$0x3F86] =	sst s7  }
0x10: {  	[smem:$0x3F87] =	sst s8  }
0x11: {  	[smem:$0x3F88] =	sst s9;
	s0 =	simm.s32 @!p0 $0x0  }
0x12: {  	s1 =	sld [smem:$0x3F6E];
	s0 =	simm.s32 @p0 $0x1  }
0x13: {  	[smem:$0x3F89] =	sst s0;
	s0 =	simm.s32 @!p1 $0x0  }
0x14: {  	s2 =	sld [smem:$0x3F6D];
	s0 =	simm.s32 @p1 $0x1  }
0x15: {  	[smem:$0x3F8A] =	sst s0;
	s0 =	simm.s32 @!p2 $0x0  }
0x16: {  	s3 =	sld [smem:$0x3FDB];
	s0 =	simm.s32 @p2 $0x1  }
0x17: {  	s4 =	simm.s32 $0x1BF5;
	[smem:$0x3F8C] =	sst s0  }
0x18: {  	s0 =	sld [smem:$0x3F6F];
	_ =	swait.ge [sflag:s4], $0x0  }
0x19: {  	s7 =	sld [smem:$0x3F70]  }
0x1a: {  	s8 =	sadd.s32 $0xFFFFE003, lr  }
0x1b: {  	s9 =	sadd.s32 $0xFFFFFEF7, lr;
	s5 =	simm.s32 $0xFFFFFFFF;
	p2 =	slt.u32 s8, $0xFFFFF086  }
0x1c: {  	p1 =	slt.u32 s9, $0xF7A;
	s5 =	simm.s32 @!p2 $0x0  }
0x1d: {  	s5 =	simm.s32 @p1 $0x1;
	p0 =	seq.s32 s7, s2  }
0x1e: {  	s7 =	smul.u32 @!p0 $0xF7A, s2;
	p2 =	seq.s32 @!p0 s5, $0x0  }
0x1f: {  	s9 =	smul.u32 $0xF7A, s1;
	s8 =	simm.s32 @!p0 $0x1BF5;
	p2 =	por !p2, p0  }
0x20: {  	[sflag:s8] =	ssyncset.s32 @!p0 $0xFFFFF086;
	s6 =	sadd.s32 @!p0 s3, s7;
	s7 =	simm.s32 @!p0 $0x108  }
0x21: {  	s3 =	sadd.s32 s3, s9;
	s6 =	sadd.s32 @!p0 $0x88, s6;
	s7 =	simm.s32 @p2 $0x1082  }
0x22: {  	[simem:s7], [sflag:s8] =	dma.local @!p0 [hbm:s6], $0xF7A  }
0x23: {  	s9 =	sor.u32 $0xD0000000, s2;
	s6 =	simm.s32 $0x108;
	_ =	swait.ge @!p0 [sflag:s8], $0x0  }
0x24: {  	s3 =	sadd.s32 $0x88, s3;
	s6 =	simm.s32 @!p1 $0x1082;
	[sflag:s4] =	ssyncset.s32 $0xFFFFF086  }
0x25: {  	[simem:s6], [sflag:s4] =	dma.local [hbm:s3], $0xF7A  }
0x26: {  	[smem:$0x3F70] =	sst s1;
	(tag) =	ssettag s2;
	_ =	strace s9  }
0x27: {  	s1 =	sld [smem:$0x3F80]  }
0x28: {  	s2 =	sld [smem:$0x3F81]  }
0x29: {  	s4 =	sld [smem:$0x3F83]  }
0x2a: {  	p0 =	seq.s32 s5, $0x0;
	s5 =	sld [smem:$0x3F84]  }
0x2b: {  	s6 =	sld [smem:$0x3F85]  }
0x2c: {  	s7 =	sld [smem:$0x3F86]  }
0x2d: {  	s3 =	simm.s32 $0x108;
	s8 =	sld [smem:$0x3F87]  }
0x2e: {  	s3 =	simm.s32 @!p0 $0x1082;
	s9 =	sld [smem:$0x3F88]  }
0x2f: {  	lr =	sadd.s32 s0, s3;
	s0 =	sld [smem:$0x3F7F]  }
0x30: {  	s3 =	sld [smem:$0x3F82]  }
0x31: {  	[smem:$0x3F8B] =	sst s10  }
0x32: {  	s10 =	sld [smem:$0x3F89];
	_ =	sdelay $0x3  }
0x33: {  	p0 =	seq.s32 s10, $0x1;
	s10 =	sld [smem:$0x3F8B];
	_ =	sdelay $0x3  }
0x34: {  	[smem:$0x3F8B] =	sst s10  }
0x35: {  	s10 =	sld [smem:$0x3F8A];
	_ =	sdelay $0x3  }
0x36: {  	p1 =	seq.s32 s10, $0x1;
	s10 =	sld [smem:$0x3F8B];
	_ =	sdelay $0x3  }
0x37: {  	[smem:$0x3F8B] =	sst s10  }
0x38: {  	s10 =	sld [smem:$0x3F8C]  }
0x39: {  	_ = 	snop;
	(pc) =	sbr.ind lr, $3  }
0x3a: {  	_ = 	snop  }
0x3b: {  	_ = 	snop  }
0x3c: {  	p2 =	seq.s32 s10, $0x1;
	s10 =	sld [smem:$0x3F8B]  }
0x3d: {  	_ =	shalt  }
0x3e: {  	_ =	shalt  }
0x3f: {  	_ =	shalt  }
0x40: {  	_ =	shalt  }
0x41: {  	_ =	shalt  }
0x42: {  	_ =	shalt  }
0x43: {  	_ =	shalt  }
0x44: {  	_ =	shalt  }
0x45: {  	_ =	shalt  }
0x46: {  	_ =	shalt  }
0x47: {  	_ =	shalt  }
0x48: {  	_ =	shalt  }
0x49: {  	_ =	shalt  }
0x4a: {  	_ =	shalt  }
0x4b: {  	_ =	shalt  }
0x4c: {  	_ =	shalt  }
0x4d: {  	_ =	shalt  }
0x4e: {  	_ =	shalt  }
0x4f: {  	_ =	shalt  }
0x50: {  	_ =	shalt  }
0x51: {  	_ =	shalt  }
0x52: {  	_ =	shalt  }
0x53: {  	_ =	shalt  }
0x54: {  	_ =	shalt  }
0x55: {  	_ =	shalt  }
0x56: {  	_ =	shalt  }
0x57: {  	_ =	shalt  }
0x58: {  	_ =	shalt  }
0x59: {  	_ =	shalt  }
0x5a: {  	_ =	shalt  }
0x5b: {  	_ =	shalt  }
0x5c: {  	_ =	shalt  }
0x5d: {  	_ =	shalt  }
0x5e: {  	_ =	shalt  }
0x5f: {  	_ =	shalt  }
0x60: {  	_ =	shalt  }
0x61: {  	_ =	shalt  }
0x62: {  	_ =	shalt  }
0x63: {  	_ =	shalt  }
0x64: {  	_ =	shalt  }
0x65: {  	_ =	shalt  }
0x66: {  	_ =	shalt  }
0x67: {  	_ =	shalt  }
0x68: {  	_ =	shalt  }
0x69: {  	_ =	shalt  }
0x6a: {  	_ =	shalt  }
0x6b: {  	_ =	shalt  }
0x6c: {  	_ =	shalt  }
0x6d: {  	_ =	shalt  }
0x6e: {  	_ =	shalt  }
0x6f: {  	_ =	shalt  }
0x70: {  	_ =	shalt  }
0x71: {  	_ =	shalt  }
0x72: {  	_ =	shalt  }
0x73: {  	_ =	shalt  }
0x74: {  	_ =	shalt  }
0x75: {  	_ =	shalt  }
0x76: {  	_ =	shalt  }
0x77: {  	_ =	shalt  }
0x78: {  	_ =	shalt  }
0x79: {  	_ =	shalt  }
0x7a: {  	_ =	shalt  }
0x7b: {  	_ =	shalt  }
0x7c: {  	_ =	shalt  }
0x7d: {  	_ =	shalt  }
0x7e: {  	_ =	shalt  }
0x7f: {  	_ =	shalt  }
0x80: {  	_ =	shalt  }
0x81: {  	_ =	shalt  }
0x82: {  	_ =	shalt  }
0x83: {  	_ =	shalt  }
0x84: {  	_ =	shalt  }
0x85: {  	_ =	shalt  }
0x86: {  	_ =	shalt  }
0x87: {  	_ =	shalt  }
.Lfunc_end0:
.L_simem_size_0:
called_computation.1_lowered:
.L_overlay_start_0:
0x88: {  	s2 =	sld [smem:$0x3FD9]  }
0x89: {  	s3 =	sld [smem:$0x3FFE];
	_ =	sdelay $0x1  }
0x8a: {  	s1 =	srdreg.scid  }
0x8b: {  	s0 =	sand.u32 $0x1, s1  }
0x8c: {  	s16 =	sshll.u32 s0, $0xA;
	s2 =	sadd.s32 s3, s2  }
0x8d: {  	s2 =	sadd.s32 s2, s16  }
0x8e: {  	[smem:$0x3F97] =	sst s2  }
0x8f: {  	_ = 	snop  }
0x90: {  	(tm) =	ssettm $0x1  }
0x91: {  	s17 =	sld [smem:$0x3FFB];
	_ =	sdelay $0x3  }
0x92: {  	_ =	strace s17  }
0x93: {  	s2 =	sld [smem:$0x3FFC];
	_ =	sdelay $0x3  }
0x94: {  	_ =	strace s2  }
0x95: {  	s2 =	sld [smem:$0x3FFD];
	_ =	sdelay $0x3  }
0x96: {  	_ =	strace s2  }
0x97: {  	_ =	strace $0x8FFFFFFF  }
0x98: {  	s18 =	sld [smem:$0x3FDB];
	_ =	sdelay $0x1  }
0x99: {  	s19 =	simm.s32 $_scs_section_size  }
0x9a: {  	s4 =	simm.s32 $_size__tile_overlayer_lowered;
	s5 =	simm.s32 $_tile_overlayer_lowered  }
0x9b: {  	s22 =	simm.s32 $0x1BFF;
	s21 =	sshll.u32 s5, $0x1;
	s2 =	sadd.s32 s19, s18  }
0x9c: {  	s6 =	simm.s32 $0x0;
	s20 =	sshll.u32 s4, $0x1;
	s4 =	sadd.s32 s21, s2  }
0x9d: {  	[timem:s6], [sflag:s22] =	dma.local [hbm:s4], s20  }
0x9e: {  	_ =	swait.ge [sflag:s22], s20  }
0x9f: {  	s3 =	ssub.s32 $0x0, s20;
	[sflag:s22] =	ssyncset.done $0x0  }
0xa0: {  	[sflag:s22] =	ssyncadd.s32 s3;
	_ =	sdelay $0x1  }
0xa1: {  	s23 =	simm.s32 $0x1B8B  }
0xa2: {  	_ =	swait.ge [sflag:s23], $0x1  }
0xa3: {  	[sflag:s23] =	ssyncset.done $0x0  }
0xa4: {  	s25 =	simm.s32 $0x1B8E;
	s24 =	sld [smem:$0x3FFE];
	[sflag:s23] =	ssyncadd.s32 $0xFFFFFFFF  }
0xa5: {  	s26 =	simm.s32 $execute0_lowered;
	[smem:$0x3FD2] =	sst s25  }
0xa6: {  	s4 =	sshll.u32 s26, $0x1;
	_ =	strace $0x80000049;
	[dreg:$0x1] =	wrdreg $0xFFFFFFFF  }
0xa7: {  	s28 =	simm.s32 $_size_execute0_lowered;
	s2 =	sadd.s32 s2, s4;
	[dreg:$0x0] =	wrdreg $0x0  }
0xa8: {  	s4 =	sshll.u32 s28, $0x1;
	[dreg:$0x2] =	wrdreg s2  }
0xa9: {  	[dreg:$0x3] =	wrdreg s4  }
0xaa: {  	[dreg:$0x4] =	wrdreg $0xC0  }
0xab: {  	_ =	task [dreg:s6], $0x5FFFF  }
0xac: {  	[dreg:$0x1] =	wrdreg $0xFFFFFFFF  }
0xad: {  	[dreg:$0x0] =	wrdreg $0x60  }
0xae: {  	[dreg:$0x2] =	wrdreg s24  }
0xaf: {  	[dreg:$0x3] =	wrdreg $0x9  }
0xb0: {  	_ =	task.clear_ibuf [dreg:s6], $0x4FFFF;
	_ =	strace $0x90000049  }
0xb1: {  	s29 =	simm.s32 $0x9;
	_ =	strace $0x8000004B  }
0xb2: {  	_ =	swait.ge [sflag:s29], $0x1  }
0xb3: {  	[sflag:s29] =	ssyncadd.s32 $0xFFFFFFFF  }
0xb4: {  	_ =	strace $0x9000004B  }
0xb5: {  	_ =	sfence  }
0xb6: {  	s30 =	sld [smem:$0x0];
	_ =	sdelay $0x2  }
0xb7: {  	s31 =	sshll.u32 s1, $0xD;
	s1 =	sshrl.u32 s1, $0x2  }
0xb8: {  	s3 =	sand.u32 $0x4000, s31;
	s1 =	sadd.s32 s1, s30  }
0xb9: {  	s0 =	sor.u32 s3, s0;
	s1 =	sshll.u32 s1, $0x11  }
0xba: {  	s0 =	sor.u32 s1, s0  }
0xbb: {  	s0 =	sadd.s32 $0x8F2B, s0  }
0xbc: {  	[sflag:s0] =	ssyncadd.remote.s32 $0x1  }
0xbd: {  	_ =	sfence.sel $0xFFFF  }
0xbe: {  	[dreg:$0x0] =	wrdreg $0xFFFFFFFF;
	(pc) =	sbr.abs _section_cstart, $3  }
0xbf: {  	[dreg:$0x1] =	wrdreg $0xFFFFFFFF  }
0xc0: {  	_ =	task.clear_ibuf [dreg:s6], $0x2FFFF;
	_ =	strace $0x9FFFFFFF  }
0xc1: {  	(tm) =	ssettm $0x7FFFFFFF  }
tec
execute0_lowered:
.L_overlay_start_1:
0x0: {  	(tag) =	ssettag $0x1  }
0x1: {  	s0 =	srdreg.scid;
	s6 =	rddreg [dreg:$0x0]  }
0x2: {  	s1 =	stileid.u32;
	s2 =	simm.s32 $0x0;
	s12 =	simm.s32 $0x1400  }
0x3: {  	s13 =	simm.s32 $0x80;
	s14 =	simm.s32 $0x2800;
	s15 =	simm.s32 $0xA800  }
0x4: {  	s16 =	simm.s32 $0x6800;
	s17 =	simm.s32 $0xE800;
	s5 =	sand.u32 $0x1, s0  }
0x5: {  	s18 =	simm.s32 $0x1;
	s19 =	simm.s32 $0x3;
	s3 =	sshll.u32 s5, $0x4  }
0x6: {  	s20 =	simm.s32 $0x2;
	s21 =	simm.s32 $0x4;
	s9 =	sor.u32 s1, s3  }
0x7: {  	s22 =	simm.s32 $0x0;
	s0 =	rddreg [dreg:$0x1];
	s3 =	smul.u32 $0x1400, s9  }
0x8: {  	[smem:$0x7FF] =	sst s2;
	s4 =	sadd.s32 $0x8400, s6;
	s8 =	ssub.s32 $0x2, s5  }
0x9: {  	_ =	strace $0x8000004A;
	s31 =	sshrl.u32 s8, $0x1;
	s7 =	sshrl.u32 s3, $0x3  }
0xa: {  	s5 =	sadd.s32 $0x30400, s6;
	s11 =	ssub.s32 s8, s31;
	s10 =	sadd.s32 s7, s6  }
0xb: {  	s9 =	smul.u32 $0xA0000, s9;
	s6 =	sadd.s32 $0x154000, s6;
	s7 =	sadd.s32 $0x145000, s10  }
0xc: {  	s8 =	sadd.s32 $0x140000, s10;
	s10 =	smax.u32 s11, $0x1;
	s11 =	simm.s32 $0x5  }
.LBB2_1:
0xd: {  	[tilespmem:s2], [sflag:$0x5] =	stream.linear.gather [hbm4b:s7+s2], $0x1400, $0x38;
	[tilespmem:$0x12800] =	vst v63  }
0xe: {  	_ =	swait.ge [sflag:s11], $0x1400  }
0xf: {  	[sflag:s11] =	ssyncset.done $0x0  }
0x10: {  	[sflag:s11] =	ssyncadd.s32 $0xFFFFEC00  }
0x11: {  	[tilespmem:s12], [sflag:$0x5] =	stream.linear.gather [hbm4b:s8+s2], $0x1400, $0x38;
	[tilespmem:$0x12800] =	vst v63  }
0x12: {  	_ =	swait.ge [sflag:s11], $0x1400  }
0x13: {  	[sflag:s11] =	ssyncset.done $0x0  }
0x14: {  	[sflag:s11] =	ssyncadd.s32 $0xFFFFEC00  }
0x15: {  	[tilespmem:s14], [sflag:$0x1] =	stream.indirect.gather [hbm4b:s4+s13], $0x80, s2, s13, $0xb8;
	[tilespmem:$0x12800] =	vst v63  }
0x16: {  	s23 =	simm.s32 $0x0  }
0x17: {  	[tilespmem:s15], [sflag:$0x3] =	stream.indirect.gather [hbm4b:s5+s13], $0x80, s12, s13, $0xb8;
	[tilespmem:$0x12800] =	vst v63  }
.LBB2_2:
0x18: {  	s25 =	sshll.u32 s23, $0x8  }
0x19: {  	s24 =	sor.u32 $0x80, s25  }
0x1a: {  	[tilespmem:s16], [sflag:$0x2] =	stream.indirect.gather [hbm4b:s4+s13], $0x80, s24, s13, $0xb8;
	[tilespmem:$0x12800] =	vst v63  }
0x1b: {  	s26 =	sadd.s32 $0x1480, s25  }
0x1c: {  	[tilespmem:s17], [sflag:$0x4] =	stream.indirect.gather [hbm4b:s5+s13], $0x80, s26, s13, $0xb8;
	[tilespmem:$0x12800] =	vst v63  }
0x1d: {  	_ =	swait.ge [sflag:s18], $0x4000  }
0x1e: {  	[sflag:s18] =	ssyncset.done $0x0  }
0x1f: {  	[sflag:s18] =	ssyncadd.s32 $0xFFFFC000  }
0x20: {  	_ =	swait.ge [sflag:s19], $0x4000  }
0x21: {  	[sflag:s19] =	ssyncset.done $0x0  }
0x22: {  	s26 =	simm.s32 $0x0;
	[sflag:s19] =	ssyncadd.s32 $0xFFFFC000  }
0x23: {  	v7 =	vld [tilespmem:s26+$0xA800]  }
0x24: {  	v11 =	vld [tilespmem:s26+$0xA810]  }
0x25: {  	v5 =	vld [tilespmem:s26+$0xA820]  }
0x26: {  	v4 =	vld [tilespmem:s26+$0xA830]  }
0x27: {  	v3 =	vld [tilespmem:s26+$0xA840]  }
0x28: {  	v2 =	vld [tilespmem:s26+$0xA850]  }
0x29: {  	v1 =	vld [tilespmem:s26+$0xA860]  }
0x2a: {  	v0 =	vld [tilespmem:s26+$0xA870]  }
0x2b: {  	v12 =	vld [tilespmem:s26+$0x2800]  }
0x2c: {  	v13 =	vld [tilespmem:s26+$0x2810]  }
0x2d: {  	v10 =	vld [tilespmem:s26+$0x2820]  }
0x2e: {  	v9 =	vld [tilespmem:s26+$0x2830]  }
0x2f: {  	v8 =	vld [tilespmem:s26+$0x2840]  }
0x30: {  	v6 =	vld [tilespmem:s26+$0x2850];
	v12 =	vadd.f32 v7, v12  }
0x31: {  	s28 =	simm.s32 $0x200;
	v11 =	vadd.f32 v11, v13;
	v7 =	vld [tilespmem:s26+$0x2860]  }
.LBB2_3:
0x32: {  	s29 =	sshra.s32 s28, $0x2;
	p0 =	sne.s32 s28, $0xFE00;
	[tilespmem:s26+$0x2800] =	vst v12;
	v5 =	vadd.f32 v5, v10;
	v10 =	vld [tilespmem:s26+$0x2870]  }
0x33: {  	v12 =	vld [tilespmem:s29+$0xA800];
	[tilespmem:s26+$0x2810] =	vst v11;
	v4 =	vadd.f32 v4, v9  }
0x34: {  	v11 =	vld [tilespmem:s29+$0xA810];
	[tilespmem:s26+$0x2820] =	vst v5;
	v3 =	vadd.f32 v3, v8  }
0x35: {  	v5 =	vld [tilespmem:s29+$0xA820];
	[tilespmem:s26+$0x2830] =	vst v4;
	v2 =	vadd.f32 v2, v6  }
0x36: {  	v4 =	vld [tilespmem:s29+$0xA830];
	[tilespmem:s26+$0x2840] =	vst v3;
	v1 =	vadd.f32 v1, v7  }
0x37: {  	v3 =	vld [tilespmem:s29+$0xA840];
	[tilespmem:s26+$0x2850] =	vst v2;
	v0 =	vadd.f32 v0, v10  }
0x38: {  	v2 =	vld [tilespmem:s29+$0xA850];
	[tilespmem:s26+$0x2860] =	vst v1  }
0x39: {  	v1 =	vld [tilespmem:s29+$0xA860];
	[tilespmem:s26+$0x2870] =	vst v0;
	s26 =	smov.u32 s29  }
0x3a: {  	v0 =	vld [tilespmem:s26+$0xA870]  }
0x3b: {  	v6 =	vld [tilespmem:s26+$0x2800]  }
0x3c: {  	v7 =	vld [tilespmem:s26+$0x2810]  }
.Ltmp0:
0x3d: {  	v10 =	vld [tilespmem:s26+$0x2820];
	(pc) =	sbr.rel @p0 .LBB2_3-.Ltmp0, $4  }
0x3e: {  	v9 =	vld [tilespmem:s26+$0x2830]  }
0x3f: {  	v8 =	vld [tilespmem:s26+$0x2840]  }
0x40: {  	v12 =	vadd.f32 v12, v6;
	v6 =	vld [tilespmem:s26+$0x2850]  }
0x41: {  	s28 =	sadd.s32 $0x200, s28;
	v11 =	vadd.f32 v11, v7;
	v7 =	vld [tilespmem:s26+$0x2860]  }
0x42: {  	[tilespmem:s26+$0x2800] =	vst v12;
	v5 =	vadd.f32 v5, v10;
	v10 =	vld [tilespmem:s26+$0x2870]  }
0x43: {  	[tilespmem:s26+$0x2810] =	vst v11;
	v4 =	vadd.f32 v4, v9  }
0x44: {  	[tilespmem:s26+$0x2820] =	vst v5;
	v3 =	vadd.f32 v3, v8  }
0x45: {  	[tilespmem:s26+$0x2830] =	vst v4;
	v2 =	vadd.f32 v2, v6  }
0x46: {  	s28 =	sshll.u32 s23, $0xF;
	[tilespmem:s26+$0x2840] =	vst v3;
	v1 =	vadd.f32 v1, v7  }
0x47: {  	s28 =	sadd.s32 s9, s28;
	[tilespmem:s26+$0x2850] =	vst v2;
	v0 =	vadd.f32 v0, v10  }
0x48: {  	s28 =	sshrl.u32 s28, $0x3;
	[tilespmem:s26+$0x2860] =	vst v1  }
0x49: {  	s31 =	simm.s32 $0x0;
	s30 =	sadd.s32 s6, s28;
	[tilespmem:s26+$0x2870] =	vst v0  }
0x4a: {  	[hbm4b:s30+s31] =	stream.linear.scatter [tilespmem:s14], [sflag:$0x5], $0x4000, $0x38;
	[tilespmem:$0x12800] =	vst v63  }
0x4b: {  	_ =	swait.ge [sflag:s11], $0x4000  }
0x4c: {  	s25 =	sadd.s32 $0x100, s25;
	p0 =	seq.s32 s23, $0x13;
	[sflag:s11] =	ssyncset.done $0x0  }
0x4d: {  	s25 =	simm.s32 @p0 $0x0;
	[sflag:s11] =	ssyncadd.s32 $0xFFFFC000  }
0x4e: {  	[tilespmem:s14], [sflag:$0x1] =	stream.indirect.gather [hbm4b:s4+s13], $0x80, s25, s13, $0xb8;
	[tilespmem:$0x12800] =	vst v63  }
0x4f: {  	s25 =	sadd.s32 $0x1400, s25  }
0x50: {  	[tilespmem:s15], [sflag:$0x3] =	stream.indirect.gather [hbm4b:s5+s13], $0x80, s25, s13, $0xb8;
	[tilespmem:$0x12800] =	vst v63  }
0x51: {  	_ =	swait.ge [sflag:s20], $0x4000  }
0x52: {  	[sflag:s20] =	ssyncset.done $0x0  }
0x53: {  	[sflag:s20] =	ssyncadd.s32 $0xFFFFC000  }
0x54: {  	_ =	swait.ge [sflag:s21], $0x4000  }
0x55: {  	[sflag:s21] =	ssyncset.done $0x0  }
0x56: {  	s25 =	simm.s32 $0x0;
	[sflag:s21] =	ssyncadd.s32 $0xFFFFC000  }
0x57: {  	v7 =	vld [tilespmem:s25+$0xE800]  }
0x58: {  	v11 =	vld [tilespmem:s25+$0xE810]  }
0x59: {  	v5 =	vld [tilespmem:s25+$0xE820]  }
0x5a: {  	v4 =	vld [tilespmem:s25+$0xE830]  }
0x5b: {  	v3 =	vld [tilespmem:s25+$0xE840]  }
0x5c: {  	v2 =	vld [tilespmem:s25+$0xE850]  }
0x5d: {  	v1 =	vld [tilespmem:s25+$0xE860]  }
0x5e: {  	v0 =	vld [tilespmem:s25+$0xE870]  }
0x5f: {  	v12 =	vld [tilespmem:s25+$0x6800]  }
0x60: {  	v13 =	vld [tilespmem:s25+$0x6810]  }
0x61: {  	v10 =	vld [tilespmem:s25+$0x6820]  }
0x62: {  	v9 =	vld [tilespmem:s25+$0x6830]  }
0x63: {  	v8 =	vld [tilespmem:s25+$0x6840]  }
0x64: {  	v6 =	vld [tilespmem:s25+$0x6850];
	v12 =	vadd.f32 v7, v12  }
0x65: {  	s26 =	simm.s32 $0x200;
	v11 =	vadd.f32 v11, v13;
	v7 =	vld [tilespmem:s25+$0x6860]  }
.LBB2_5:
0x66: {  	s28 =	sshra.s32 s26, $0x2;
	p0 =	sne.s32 s26, $0xFE00;
	[tilespmem:s25+$0x6800] =	vst v12;
	v5 =	vadd.f32 v5, v10;
	v10 =	vld [tilespmem:s25+$0x6870]  }
0x67: {  	v12 =	vld [tilespmem:s28+$0xE800];
	[tilespmem:s25+$0x6810] =	vst v11;
	v4 =	vadd.f32 v4, v9  }
0x68: {  	v11 =	vld [tilespmem:s28+$0xE810];
	[tilespmem:s25+$0x6820] =	vst v5;
	v3 =	vadd.f32 v3, v8  }
0x69: {  	v5 =	vld [tilespmem:s28+$0xE820];
	[tilespmem:s25+$0x6830] =	vst v4;
	v2 =	vadd.f32 v2, v6  }
0x6a: {  	v4 =	vld [tilespmem:s28+$0xE830];
	[tilespmem:s25+$0x6840] =	vst v3;
	v1 =	vadd.f32 v1, v7  }
0x6b: {  	v3 =	vld [tilespmem:s28+$0xE840];
	[tilespmem:s25+$0x6850] =	vst v2;
	v0 =	vadd.f32 v0, v10  }
0x6c: {  	v2 =	vld [tilespmem:s28+$0xE850];
	[tilespmem:s25+$0x6860] =	vst v1  }
0x6d: {  	v1 =	vld [tilespmem:s28+$0xE860];
	[tilespmem:s25+$0x6870] =	vst v0;
	s25 =	smov.u32 s28  }
0x6e: {  	v0 =	vld [tilespmem:s25+$0xE870]  }
0x6f: {  	v6 =	vld [tilespmem:s25+$0x6800]  }
0x70: {  	v7 =	vld [tilespmem:s25+$0x6810]  }
.Ltmp1:
0x71: {  	v10 =	vld [tilespmem:s25+$0x6820];
	(pc) =	sbr.rel @p0 .LBB2_5-.Ltmp1, $4  }
0x72: {  	v9 =	vld [tilespmem:s25+$0x6830]  }
0x73: {  	v8 =	vld [tilespmem:s25+$0x6840]  }
0x74: {  	v12 =	vadd.f32 v12, v6;
	v6 =	vld [tilespmem:s25+$0x6850]  }
0x75: {  	s26 =	sadd.s32 $0x200, s26;
	v11 =	vadd.f32 v11, v7;
	v7 =	vld [tilespmem:s25+$0x6860]  }
0x76: {  	[tilespmem:s25+$0x6800] =	vst v12;
	v5 =	vadd.f32 v5, v10;
	v63 =	vld [tilespmem:s25+$0x6870]  }
0x77: {  	[tilespmem:s25+$0x6810] =	vst v11;
	v4 =	vadd.f32 v4, v9  }
0x78: {  	[tilespmem:s25+$0x6820] =	vst v5;
	v3 =	vadd.f32 v3, v8  }
0x79: {  	[tilespmem:s25+$0x6830] =	vst v4;
	v2 =	vadd.f32 v2, v6  }
0x7a: {  	[tilespmem:s25+$0x6840] =	vst v3;
	v1 =	vadd.f32 v1, v7  }
0x7b: {  	s24 =	sadd.s32 s3, s24;
	s23 =	sadd.s32 $0x1, s23;
	[tilespmem:s25+$0x6850] =	vst v2;
	v0 =	vadd.f32 v0, v63  }
0x7c: {  	s24 =	sshll.u32 s24, $0x4;
	p0 =	sne.s32 s23, $0x14;
	[tilespmem:s25+$0x6860] =	vst v1  }
.Ltmp2:
0x7d: {  	s24 =	sadd.s32 s6, s24;
	[tilespmem:s25+$0x6870] =	vst v0;
	(pc) =	sbr.rel @p0 .LBB2_2-.Ltmp2, $4  }
0x7e: {  	[hbm4b:s24+s2] =	stream.linear.scatter [tilespmem:s16], [sflag:$0x5], $0x4000, $0x38;
	[tilespmem:$0x12800] =	vst v63  }
0x7f: {  	_ =	swait.ge [sflag:s11], $0x4000  }
0x80: {  	[sflag:s11] =	ssyncset.done $0x0  }
0x81: {  	[sflag:s11] =	ssyncadd.s32 $0xFFFFC000  }
0x82: {  	s22 =	sadd.s32 $0x1, s22  }
0x83: {  	_ =	swait.ge [sflag:s18], $0x4000;
	p0 =	sne.s32 s22, s10  }
.Ltmp3:
0x84: {  	[sflag:s18] =	ssyncset.done $0x0;
	(pc) =	sbr.rel @p0 .LBB2_1-.Ltmp3, $4  }
0x85: {  	[sflag:s18] =	ssyncadd.s32 $0xFFFFC000  }
0x86: {  	_ =	swait.ge [sflag:s19], $0x4000  }
0x87: {  	[sflag:s19] =	ssyncset.done $0x0  }
0x88: {  	[sflag:s19] =	ssyncadd.s32 $0xFFFFC000  }
0x89: {  	_ =	sfence.sel $0x180000  }
0x8a: {  	[bflag:$0x0] =	sbarrier.arrive $0xFFFF  }
0x8b: {  	p0 =	sne.s32 s1, $0x0;
	_ =	strace $0x9000004A  }
0x8c: {  	s0 =	sadd.s32 @!p0 $0x100000, s0;
	[bflag:$0x2] =	sbarrier.arrive $0xFFFF  }
0x8d: {  	[sflag:s0] =	ssyncadd.tile.s32 @!p0 $0x1;
	_ =	shalt  }
.Lfunc_end2:
_tile_overlayer_lowered:
.L_overlay_start_2:
0x8e: {  	(tag) =	ssettag $0x2  }
0x8f: {  	s0 =	rddreg [dreg:$0x0];
	s2 =	stileid.u32  }
0x90: {  	s1 =	rddreg [dreg:$0x1];
	p0 =	sne.s32 s2, $0x0  }
0x91: {  	s3 =	rddreg [dreg:$0x2];
	[bflag:$0x3] =	sbarrier.arrive $0xFFFF;
	s2 =	simm.s32 @!p0 $0x1C05  }
0x92: {  	[timem:s3], [sflag:s2] =	dma.local @!p0 [hbm:s0], s1  }
0x93: {  	s0 =	simm.s32 @!p0 $0x5  }
0x94: {  	_ =	swait.ge @!p0 [sflag:s0], s1  }
0x95: {  	s1 =	ssub.s32 @!p0 $0x0, s1;
	[sflag:s0] =	ssyncset.done @!p0 $0x0  }
0x96: {  	[sflag:s0] =	ssyncadd.s32 @!p0 s1  }
0x97: {  	[bflag:$0x3] =	sbarrier.arrive $0xFFFF  }
0x98: {  	_ =	shalt  }

// kernel: kernel.15.cloned.1.call-start
scs
__scs_entry_jumppad:
0x0: {  	(pc) =	sbr.rel $0x88, $3  }
0x1: {  	(tag) =	ssettag $0x0;
	lr =	simm.s32 $0x1  }
0x2: {  	[smem:$0x3F70] =	sst lr;
	_ =	strace $0xD0000000  }
0x3: {  	_ = 	snop  }
0x4: {  	_ = 	snop  }
0x5: {  	_ = 	snop  }
0x6: {  	_ = 	snop  }
0x7: {  	_ = 	snop  }
__scs_overlays_trampoline_lowered:
0x8: {  	[smem:$0x3F7F] =	sst s0  }
0x9: {  	[smem:$0x3F80] =	sst s1  }
0xa: {  	[smem:$0x3F81] =	sst s2  }
0xb: {  	[smem:$0x3F82] =	sst s3  }
0xc: {  	[smem:$0x3F83] =	sst s4  }
0xd: {  	[smem:$0x3F84] =	sst s5  }
0xe: {  	[smem:$0x3F85] =	sst s6  }
0xf: {  	[smem:$0x3F86] =	sst s7  }
0x10: {  	[smem:$0x3F87] =	sst s8  }
0x11: {  	[smem:$0x3F88] =	sst s9;
	s0 =	simm.s32 @!p0 $0x0  }
0x12: {  	s1 =	sld [smem:$0x3F6E];
	s0 =	simm.s32 @p0 $0x1  }
0x13: {  	[smem:$0x3F89] =	sst s0;
	s0 =	simm.s32 @!p1 $0x0  }
0x14: {  	s2 =	sld [smem:$0x3F6D];
	s0 =	simm.s32 @p1 $0x1  }
0x15: {  	[smem:$0x3F8A] =	sst s0;
	s0 =	simm.s32 @!p2 $0x0  }
0x16: {  	s3 =	sld [smem:$0x3FDB];
	s0 =	simm.s32 @p2 $0x1  }
0x17: {  	s4 =	simm.s32 $0x1BF5;
	[smem:$0x3F8C] =	sst s0  }
0x18: {  	s0 =	sld [smem:$0x3F6F];
	_ =	swait.ge [sflag:s4], $0x0  }
0x19: {  	s7 =	sld [smem:$0x3F70]  }
0x1a: {  	s8 =	sadd.s32 $0xFFFFE003, lr  }
0x1b: {  	s9 =	sadd.s32 $0xFFFFFEF7, lr;
	s5 =	simm.s32 $0xFFFFFFFF;
	p2 =	slt.u32 s8, $0xFFFFF086  }
0x1c: {  	p1 =	slt.u32 s9, $0xF7A;
	s5 =	simm.s32 @!p2 $0x0  }
0x1d: {  	s5 =	simm.s32 @p1 $0x1;
	p0 =	seq.s32 s7, s2  }
0x1e: {  	s7 =	smul.u32 @!p0 $0xF7A, s2;
	p2 =	seq.s32 @!p0 s5, $0x0  }
0x1f: {  	s9 =	smul.u32 $0xF7A, s1;
	s8 =	simm.s32 @!p0 $0x1BF5;
	p2 =	por !p2, p0  }
0x20: {  	[sflag:s8] =	ssyncset.s32 @!p0 $0xFFFFF086;
	s6 =	sadd.s32 @!p0 s3, s7;
	s7 =	simm.s32 @!p0 $0x108  }
0x21: {  	s3 =	sadd.s32 s3, s9;
	s6 =	sadd.s32 @!p0 $0x88, s6;
	s7 =	simm.s32 @p2 $0x1082  }
0x22: {  	[simem:s7], [sflag:s8] =	dma.local @!p0 [hbm:s6], $0xF7A  }
0x23: {  	s9 =	sor.u32 $0xD0000000, s2;
	s6 =	simm.s32 $0x108;
	_ =	swait.ge @!p0 [sflag:s8], $0x0  }
0x24: {  	s3 =	sadd.s32 $0x88, s3;
	s6 =	simm.s32 @!p1 $0x1082;
	[sflag:s4] =	ssyncset.s32 $0xFFFFF086  }
0x25: {  	[simem:s6], [sflag:s4] =	dma.local [hbm:s3], $0xF7A  }
0x26: {  	[smem:$0x3F70] =	sst s1;
	(tag) =	ssettag s2;
	_ =	strace s9  }
0x27: {  	s1 =	sld [smem:$0x3F80]  }
0x28: {  	s2 =	sld [smem:$0x3F81]  }
0x29: {  	s4 =	sld [smem:$0x3F83]  }
0x2a: {  	p0 =	seq.s32 s5, $0x0;
	s5 =	sld [smem:$0x3F84]  }
0x2b: {  	s6 =	sld [smem:$0x3F85]  }
0x2c: {  	s7 =	sld [smem:$0x3F86]  }
0x2d: {  	s3 =	simm.s32 $0x108;
	s8 =	sld [smem:$0x3F87]  }
0x2e: {  	s3 =	simm.s32 @!p0 $0x1082;
	s9 =	sld [smem:$0x3F88]  }
0x2f: {  	lr =	sadd.s32 s0, s3;
	s0 =	sld [smem:$0x3F7F]  }
0x30: {  	s3 =	sld [smem:$0x3F82]  }
0x31: {  	[smem:$0x3F8B] =	sst s10  }
0x32: {  	s10 =	sld [smem:$0x3F89];
	_ =	sdelay $0x3  }
0x33: {  	p0 =	seq.s32 s10, $0x1;
	s10 =	sld [smem:$0x3F8B];
	_ =	sdelay $0x3  }
0x34: {  	[smem:$0x3F8B] =	sst s10  }
0x35: {  	s10 =	sld [smem:$0x3F8A];
	_ =	sdelay $0x3  }
0x36: {  	p1 =	seq.s32 s10, $0x1;
	s10 =	sld [smem:$0x3F8B];
	_ =	sdelay $0x3  }
0x37: {  	[smem:$0x3F8B] =	sst s10  }
0x38: {  	s10 =	sld [smem:$0x3F8C]  }
0x39: {  	_ = 	snop;
	(pc) =	sbr.ind lr, $3  }
0x3a: {  	_ = 	snop  }
0x3b: {  	_ = 	snop  }
0x3c: {  	p2 =	seq.s32 s10, $0x1;
	s10 =	sld [smem:$0x3F8B]  }
0x3d: {  	_ =	shalt  }
0x3e: {  	_ =	shalt  }
0x3f: {  	_ =	shalt  }
0x40: {  	_ =	shalt  }
0x41: {  	_ =	shalt  }
0x42: {  	_ =	shalt  }
0x43: {  	_ =	shalt  }
0x44: {  	_ =	shalt  }
0x45: {  	_ =	shalt  }
0x46: {  	_ =	shalt  }
0x47: {  	_ =	shalt  }
0x48: {  	_ =	shalt  }
0x49: {  	_ =	shalt  }
0x4a: {  	_ =	shalt  }
0x4b: {  	_ =	shalt  }
0x4c: {  	_ =	shalt  }
0x4d: {  	_ =	shalt  }
0x4e: {  	_ =	shalt  }
0x4f: {  	_ =	shalt  }
0x50: {  	_ =	shalt  }
0x51: {  	_ =	shalt  }
0x52: {  	_ =	shalt  }
0x53: {  	_ =	shalt  }
0x54: {  	_ =	shalt  }
0x55: {  	_ =	shalt  }
0x56: {  	_ =	shalt  }
0x57: {  	_ =	shalt  }
0x58: {  	_ =	shalt  }
0x59: {  	_ =	shalt  }
0x5a: {  	_ =	shalt  }
0x5b: {  	_ =	shalt  }
0x5c: {  	_ =	shalt  }
0x5d: {  	_ =	shalt  }
0x5e: {  	_ =	shalt  }
0x5f: {  	_ =	shalt  }
0x60: {  	_ =	shalt  }
0x61: {  	_ =	shalt  }
0x62: {  	_ =	shalt  }
0x63: {  	_ =	shalt  }
0x64: {  	_ =	shalt  }
0x65: {  	_ =	shalt  }
0x66: {  	_ =	shalt  }
0x67: {  	_ =	shalt  }
0x68: {  	_ =	shalt  }
0x69: {  	_ =	shalt  }
0x6a: {  	_ =	shalt  }
0x6b: {  	_ =	shalt  }
0x6c: {  	_ =	shalt  }
0x6d: {  	_ =	shalt  }
0x6e: {  	_ =	shalt  }
0x6f: {  	_ =	shalt  }
0x70: {  	_ =	shalt  }
0x71: {  	_ =	shalt  }
0x72: {  	_ =	shalt  }
0x73: {  	_ =	shalt  }
0x74: {  	_ =	shalt  }
0x75: {  	_ =	shalt  }
0x76: {  	_ =	shalt  }
0x77: {  	_ =	shalt  }
0x78: {  	_ =	shalt  }
0x79: {  	_ =	shalt  }
0x7a: {  	_ =	shalt  }
0x7b: {  	_ =	shalt  }
0x7c: {  	_ =	shalt  }
0x7d: {  	_ =	shalt  }
0x7e: {  	_ =	shalt  }
0x7f: {  	_ =	shalt  }
0x80: {  	_ =	shalt  }
0x81: {  	_ =	shalt  }
0x82: {  	_ =	shalt  }
0x83: {  	_ =	shalt  }
0x84: {  	_ =	shalt  }
0x85: {  	_ =	shalt  }
0x86: {  	_ =	shalt  }
0x87: {  	_ =	shalt  }
.Lfunc_end0:
.L_simem_size_0:
called_computation.2_lowered:
.L_overlay_start_0:
0x88: {  	s2 =	sld [smem:$0x3FD9]  }
0x89: {  	s3 =	sld [smem:$0x3FFE];
	_ =	sdelay $0x1  }
0x8a: {  	s1 =	srdreg.scid  }
0x8b: {  	s0 =	sand.u32 $0x1, s1  }
0x8c: {  	s17 =	sshll.u32 s0, $0xA;
	s2 =	sadd.s32 s3, s2  }
0x8d: {  	s2 =	sadd.s32 s2, s17  }
0x8e: {  	[smem:$0x3F97] =	sst s2  }
0x8f: {  	_ = 	snop  }
0x90: {  	(tm) =	ssettm $0x1  }
0x91: {  	s18 =	sld [smem:$0x3FFB];
	_ =	sdelay $0x3  }
0x92: {  	_ =	strace s18  }
0x93: {  	s2 =	sld [smem:$0x3FFC];
	_ =	sdelay $0x3  }
0x94: {  	_ =	strace s2  }
0x95: {  	s2 =	sld [smem:$0x3FFD];
	_ =	sdelay $0x3  }
0x96: {  	_ =	strace s2  }
0x97: {  	_ =	strace $0x8FFFFFFF  }
0x98: {  	s19 =	sld [smem:$0x3FDB];
	_ =	sdelay $0x1  }
0x99: {  	s20 =	simm.s32 $_scs_section_size  }
0x9a: {  	s4 =	simm.s32 $_size__tile_overlayer_lowered;
	s5 =	simm.s32 $_tile_overlayer_lowered  }
0x9b: {  	s6 =	simm.s32 $0x1BFF;
	s21 =	sshll.u32 s5, $0x1;
	s3 =	sadd.s32 s20, s19  }
0x9c: {  	s22 =	simm.s32 $0x0;
	s4 =	sshll.u32 s4, $0x1;
	s5 =	sadd.s32 s21, s3  }
0x9d: {  	[timem:s22], [sflag:s6] =	dma.local [hbm:s5], s4  }
0x9e: {  	_ =	swait.ge [sflag:s6], s4  }
0x9f: {  	s4 =	ssub.s32 $0x0, s4;
	[sflag:s6] =	ssyncset.done $0x0  }
0xa0: {  	[sflag:s6] =	ssyncadd.s32 s4;
	_ =	sdelay $0x1  }
0xa1: {  	s23 =	simm.s32 $0x1B8B  }
0xa2: {  	_ =	swait.ge [sflag:s23], $0x1  }
0xa3: {  	[sflag:s23] =	ssyncset.done $0x0  }
0xa4: {  	[sflag:s23] =	ssyncadd.s32 $0xFFFFFFFF  }
0xa5: {  	s4 =	sld [smem:$0x0]  }
0xa6: {  	s5 =	sand.u32 $0xFFFFFFFE, s1  }
0xa7: {  	p0 =	sne.s32 s1, s5  }
0xa8: {  	s5 =	sshll.u32 @p0 s5, $0xE  }
0xa9: {  	s5 =	sadd.s32 @p0 $0x11B8D, s5;
	s6 =	sshll.u32 @p0 s4, $0x11  }
0xaa: {  	s5 =	sor.u32 @p0 s6, s5  }
0xab: {  	[sflag:s5] =	ssyncadd.remote.s32 @p0 $0x1;
	_ =	sdelay $0x1  }
0xac: {  	s5 =	simm.s32 @p0 $0x1B8D  }
0xad: {  	_ =	swait.eq @p0 [sflag:s5], $0x1  }
0xae: {  	[sflag:s5] =	ssyncadd.s32 @p0 $0xFFFFFFFF  }
0xaf: {  	s6 =	sshll.u32 @!p0 s1, $0xE  }
0xb0: {  	s6 =	sor.u32 @!p0 $0x4000, s6;
	s5 =	simm.s32 @!p0 $0x1B8D  }
0xb1: {  	s4 =	sshll.u32 @!p0 s4, $0x11;
	s6 =	sadd.s32 @!p0 $0x11B8D, s6;
	_ =	swait.eq @!p0 [sflag:s5], $0x1  }
0xb2: {  	s4 =	sor.u32 @!p0 s4, s6;
	[sflag:s5] =	ssyncadd.s32 @!p0 $0xFFFFFFFF  }
0xb3: {  	s25 =	simm.s32 $0x1B8E;
	s24 =	sld [smem:$0x3FFE];
	[sflag:s4] =	ssyncadd.remote.s32 @!p0 $0x1  }
0xb4: {  	s26 =	simm.s32 $execute0_lowered;
	[smem:$0x3FD2] =	sst s25  }
0xb5: {  	s5 =	sshll.u32 s26, $0x1;
	_ =	strace $0x8000004C;
	[dreg:$0x1] =	wrdreg $0xFFFFFFFF  }
0xb6: {  	s28 =	simm.s32 $_size_execute0_lowered;
	s3 =	sadd.s32 s3, s5;
	[dreg:$0x0] =	wrdreg $0x0  }
0xb7: {  	s5 =	sshll.u32 s28, $0x1;
	[dreg:$0x2] =	wrdreg s3  }
0xb8: {  	[dreg:$0x3] =	wrdreg s5  }
0xb9: {  	[dreg:$0x4] =	wrdreg $0xC0  }
0xba: {  	_ =	task [dreg:s22], $0x5FFFF  }
0xbb: {  	[dreg:$0x1] =	wrdreg $0xFFFFFFFF  }
0xbc: {  	[dreg:$0x0] =	wrdreg $0x60  }
0xbd: {  	[dreg:$0x2] =	wrdreg s24  }
0xbe: {  	[dreg:$0x3] =	wrdreg $0xA  }
0xbf: {  	_ =	task.clear_ibuf [dreg:s22], $0x4FFFF;
	_ =	strace $0x9000004C  }
0xc0: {  	s29 =	simm.s32 $0xA;
	_ =	strace $0x8000004E  }
0xc1: {  	_ =	swait.ge [sflag:s29], $0x1  }
0xc2: {  	[sflag:s29] =	ssyncadd.s32 $0xFFFFFFFF  }
0xc3: {  	_ =	strace $0x9000004E  }
0xc4: {  	_ =	sfence  }
0xc5: {  	s30 =	sld [smem:$0x0];
	_ =	sdelay $0x2  }
0xc6: {  	s31 =	sshll.u32 s1, $0xD;
	s1 =	sshrl.u32 s1, $0x2  }
0xc7: {  	s4 =	sand.u32 $0x4000, s31;
	s1 =	sadd.s32 s1, s30  }
0xc8: {  	s0 =	sor.u32 s4, s0;
	s1 =	sshll.u32 s1, $0x11  }
0xc9: {  	s0 =	sor.u32 s1, s0  }
0xca: {  	s0 =	sadd.s32 $0x8F2B, s0  }
0xcb: {  	[sflag:s0] =	ssyncadd.remote.s32 $0x1  }
0xcc: {  	_ =	sfence.sel $0xFFFF  }
0xcd: {  	[dreg:$0x0] =	wrdreg $0xFFFFFFFF;
	(pc) =	sbr.abs _section_cstart, $3  }
0xce: {  	[dreg:$0x1] =	wrdreg $0xFFFFFFFF  }
0xcf: {  	_ =	task.clear_ibuf [dreg:s22], $0x2FFFF;
	_ =	strace $0x9FFFFFFF  }
0xd0: {  	(tm) =	ssettm $0x7FFFFFFF  }
0xd1: {  	_ =	shalt  }
tec
execute0_lowered:
.L_overlay_start_1:
0x0: {  	(tag) =	ssettag $0x1  }
0x1: {  	s0 =	srdreg.scid;
	s6 =	rddreg [dreg:$0x0]  }
0x2: {  	s1 =	stileid.u32;
	s2 =	simm.s32 $0x0;
	s12 =	simm.s32 $0x1400  }
0x3: {  	s13 =	simm.s32 $0x80;
	s14 =	simm.s32 $0x2800;
	s15 =	simm.s32 $0xA800  }
0x4: {  	s16 =	simm.s32 $0x6800;
	s17 =	simm.s32 $0xE800;
	s5 =	sand.u32 $0x1, s0  }
0x5: {  	s18 =	simm.s32 $0x1;
	s19 =	simm.s32 $0x3;
	s3 =	sshll.u32 s5, $0x4  }
0x6: {  	s20 =	simm.s32 $0x2;
	s21 =	simm.s32 $0x4;
	s9 =	sor.u32 s1, s3  }
0x7: {  	s22 =	simm.s32 $0x0;
	s0 =	rddreg [dreg:$0x1];
	s3 =	smul.u32 $0x1400, s9  }
0x8: {  	[smem:$0x7FF] =	sst s2;
	s4 =	sadd.s32 $0x8400, s6;
	s8 =	ssub.s32 $0x2, s5  }
0x9: {  	_ =	strace $0x8000004D;
	s31 =	sshrl.u32 s8, $0x1;
	s7 =	sshrl.u32 s3, $0x3  }
0xa: {  	s5 =	sadd.s32 $0x30400, s6;
	s11 =	ssub.s32 s8, s31;
	s10 =	sadd.s32 s7, s6  }
0xb: {  	s9 =	smul.u32 $0xA0000, s9;
	s6 =	sadd.s32 $0x3D4000, s6;
	s7 =	sadd.s32 $0x14A000, s10  }
0xc: {  	s8 =	sadd.s32 $0x14F000, s10;
	s10 =	smax.u32 s11, $0x1;
	s11 =	simm.s32 $0x5  }
.LBB2_1:
0xd: {  	[tilespmem:s2], [sflag:$0x5] =	stream.linear.gather [hbm4b:s7+s2], $0x1400, $0x38;
	[tilespmem:$0x12800] =	vst v63  }
0xe: {  	_ =	swait.ge [sflag:s11], $0x1400  }
0xf: {  	[sflag:s11] =	ssyncset.done $0x0  }
0x10: {  	[sflag:s11] =	ssyncadd.s32 $0xFFFFEC00  }
0x11: {  	[tilespmem:s12], [sflag:$0x5] =	stream.linear.gather [hbm4b:s8+s2], $0x1400, $0x38;
	[tilespmem:$0x12800] =	vst v63  }
0x12: {  	_ =	swait.ge [sflag:s11], $0x1400  }
0x13: {  	[sflag:s11] =	ssyncset.done $0x0  }
0x14: {  	[sflag:s11] =	ssyncadd.s32 $0xFFFFEC00  }
0x15: {  	[tilespmem:s14], [sflag:$0x1] =	stream.indirect.gather [hbm4b:s4+s13], $0x80, s2, s13, $0xb8;
	[tilespmem:$0x12800] =	vst v63  }
0x16: {  	s23 =	simm.s32 $0x0  }
0x17: {  	[tilespmem:s15], [sflag:$0x3] =	stream.indirect.gather [hbm4b:s5+s13], $0x80, s12, s13, $0xb8;
	[tilespmem:$0x12800] =	vst v63  }
.LBB2_2:
0x18: {  	s25 =	sshll.u32 s23, $0x8  }
0x19: {  	s24 =	sor.u32 $0x80, s25  }
0x1a: {  	[tilespmem:s16], [sflag:$0x2] =	stream.indirect.gather [hbm4b:s4+s13], $0x80, s24, s13, $0xb8;
	[tilespmem:$0x12800] =	vst v63  }
0x1b: {  	s26 =	sadd.s32 $0x1480, s25  }
0x1c: {  	[tilespmem:s17], [sflag:$0x4] =	stream.indirect.gather [hbm4b:s5+s13], $0x80, s26, s13, $0xb8;
	[tilespmem:$0x12800] =	vst v63  }
0x1d: {  	_ =	swait.ge [sflag:s18], $0x4000  }
0x1e: {  	[sflag:s18] =	ssyncset.done $0x0  }
0x1f: {  	[sflag:s18] =	ssyncadd.s32 $0xFFFFC000  }
0x20: {  	_ =	swait.ge [sflag:s19], $0x4000  }
0x21: {  	[sflag:s19] =	ssyncset.done $0x0  }
0x22: {  	s26 =	simm.s32 $0x0;
	[sflag:s19] =	ssyncadd.s32 $0xFFFFC000  }
0x23: {  	v7 =	vld [tilespmem:s26+$0xA800]  }
0x24: {  	v11 =	vld [tilespmem:s26+$0xA810]  }
0x25: {  	v5 =	vld [tilespmem:s26+$0xA820]  }
0x26: {  	v4 =	vld [tilespmem:s26+$0xA830]  }
0x27: {  	v3 =	vld [tilespmem:s26+$0xA840]  }
0x28: {  	v2 =	vld [tilespmem:s26+$0xA850]  }
0x29: {  	v1 =	vld [tilespmem:s26+$0xA860]  }
0x2a: {  	v0 =	vld [tilespmem:s26+$0xA870]  }
0x2b: {  	v12 =	vld [tilespmem:s26+$0x2800]  }
0x2c: {  	v13 =	vld [tilespmem:s26+$0x2810]  }
0x2d: {  	v10 =	vld [tilespmem:s26+$0x2820]  }
0x2e: {  	v9 =	vld [tilespmem:s26+$0x2830]  }
0x2f: {  	v8 =	vld [tilespmem:s26+$0x2840]  }
0x30: {  	v6 =	vld [tilespmem:s26+$0x2850];
	v12 =	vadd.f32 v7, v12  }
0x31: {  	s28 =	simm.s32 $0x200;
	v11 =	vadd.f32 v11, v13;
	v7 =	vld [tilespmem:s26+$0x2860]  }
.LBB2_3:
0x32: {  	s29 =	sshra.s32 s28, $0x2;
	p0 =	sne.s32 s28, $0xFE00;
	[tilespmem:s26+$0x2800] =	vst v12;
	v5 =	vadd.f32 v5, v10;
	v10 =	vld [tilespmem:s26+$0x2870]  }
0x33: {  	v12 =	vld [tilespmem:s29+$0xA800];
	[tilespmem:s26+$0x2810] =	vst v11;
	v4 =	vadd.f32 v4, v9  }
0x34: {  	v11 =	vld [tilespmem:s29+$0xA810];
	[tilespmem:s26+$0x2820] =	vst v5;
	v3 =	vadd.f32 v3, v8  }
0x35: {  	v5 =	vld [tilespmem:s29+$0xA820];
	[tilespmem:s26+$0x2830] =	vst v4;
	v2 =	vadd.f32 v2, v6  }
0x36: {  	v4 =	vld [tilespmem:s29+$0xA830];
	[tilespmem:s26+$0x2840] =	vst v3;
	v1 =	vadd.f32 v1, v7  }
0x37: {  	v3 =	vld [tilespmem:s29+$0xA840];
	[tilespmem:s26+$0x2850] =	vst v2;
	v0 =	vadd.f32 v0, v10  }
0x38: {  	v2 =	vld [tilespmem:s29+$0xA850];
	[tilespmem:s26+$0x2860] =	vst v1  }
0x39: {  	v1 =	vld [tilespmem:s29+$0xA860];
	[tilespmem:s26+$0x2870] =	vst v0;
	s26 =	smov.u32 s29  }
0x3a: {  	v0 =	vld [tilespmem:s26+$0xA870]  }
0x3b: {  	v6 =	vld [tilespmem:s26+$0x2800]  }
0x3c: {  	v7 =	vld [tilespmem:s26+$0x2810]  }
.Ltmp0:
0x3d: {  	v10 =	vld [tilespmem:s26+$0x2820];
	(pc) =	sbr.rel @p0 .LBB2_3-.Ltmp0, $4  }
0x3e: {  	v9 =	vld [tilespmem:s26+$0x2830]  }
0x3f: {  	v8 =	vld [tilespmem:s26+$0x2840]  }
0x40: {  	v12 =	vadd.f32 v12, v6;
	v6 =	vld [tilespmem:s26+$0x2850]  }
0x41: {  	s28 =	sadd.s32 $0x200, s28;
	v11 =	vadd.f32 v11, v7;
	v7 =	vld [tilespmem:s26+$0x2860]  }
0x42: {  	[tilespmem:s26+$0x2800] =	vst v12;
	v5 =	vadd.f32 v5, v10;
	v10 =	vld [tilespmem:s26+$0x2870]  }
0x43: {  	[tilespmem:s26+$0x2810] =	vst v11;
	v4 =	vadd.f32 v4, v9  }
0x44: {  	[tilespmem:s26+$0x2820] =	vst v5;
	v3 =	vadd.f32 v3, v8  }
0x45: {  	[tilespmem:s26+$0x2830] =	vst v4;
	v2 =	vadd.f32 v2, v6  }
0x46: {  	s28 =	sshll.u32 s23, $0xF;
	[tilespmem:s26+$0x2840] =	vst v3;
	v1 =	vadd.f32 v1, v7  }
0x47: {  	s28 =	sadd.s32 s9, s28;
	[tilespmem:s26+$0x2850] =	vst v2;
	v0 =	vadd.f32 v0, v10  }
0x48: {  	s28 =	sshrl.u32 s28, $0x3;
	[tilespmem:s26+$0x2860] =	vst v1  }
0x49: {  	s31 =	simm.s32 $0x0;
	s30 =	sadd.s32 s6, s28;
	[tilespmem:s26+$0x2870] =	vst v0  }
0x4a: {  	[hbm4b:s30+s31] =	stream.linear.scatter [tilespmem:s14], [sflag:$0x5], $0x4000, $0x38;
	[tilespmem:$0x12800] =	vst v63  }
0x4b: {  	_ =	swait.ge [sflag:s11], $0x4000  }
0x4c: {  	s25 =	sadd.s32 $0x100, s25;
	p0 =	seq.s32 s23, $0x13;
	[sflag:s11] =	ssyncset.done $0x0  }
0x4d: {  	s25 =	simm.s32 @p0 $0x0;
	[sflag:s11] =	ssyncadd.s32 $0xFFFFC000  }
0x4e: {  	[tilespmem:s14], [sflag:$0x1] =	stream.indirect.gather [hbm4b:s4+s13], $0x80, s25, s13, $0xb8;
	[tilespmem:$0x12800] =	vst v63  }
0x4f: {  	s25 =	sadd.s32 $0x1400, s25  }
0x50: {  	[tilespmem:s15], [sflag:$0x3] =	stream.indirect.gather [hbm4b:s5+s13], $0x80, s25, s13, $0xb8;
	[tilespmem:$0x12800] =	vst v63  }
0x51: {  	_ =	swait.ge [sflag:s20], $0x4000  }
0x52: {  	[sflag:s20] =	ssyncset.done $0x0  }
0x53: {  	[sflag:s20] =	ssyncadd.s32 $0xFFFFC000  }
0x54: {  	_ =	swait.ge [sflag:s21], $0x4000  }
0x55: {  	[sflag:s21] =	ssyncset.done $0x0  }
0x56: {  	s25 =	simm.s32 $0x0;
	[sflag:s21] =	ssyncadd.s32 $0xFFFFC000  }
0x57: {  	v7 =	vld [tilespmem:s25+$0xE800]  }
0x58: {  	v11 =	vld [tilespmem:s25+$0xE810]  }
0x59: {  	v5 =	vld [tilespmem:s25+$0xE820]  }
0x5a: {  	v4 =	vld [tilespmem:s25+$0xE830]  }
0x5b: {  	v3 =	vld [tilespmem:s25+$0xE840]  }
0x5c: {  	v2 =	vld [tilespmem:s25+$0xE850]  }
0x5d: {  	v1 =	vld [tilespmem:s25+$0xE860]  }
0x5e: {  	v0 =	vld [tilespmem:s25+$0xE870]  }
0x5f: {  	v12 =	vld [tilespmem:s25+$0x6800]  }
0x60: {  	v13 =	vld [tilespmem:s25+$0x6810]  }
0x61: {  	v10 =	vld [tilespmem:s25+$0x6820]  }
0x62: {  	v9 =	vld [tilespmem:s25+$0x6830]  }
0x63: {  	v8 =	vld [tilespmem:s25+$0x6840]  }
0x64: {  	v6 =	vld [tilespmem:s25+$0x6850];
	v12 =	vadd.f32 v7, v12  }
0x65: {  	s26 =	simm.s32 $0x200;
	v11 =	vadd.f32 v11, v13;
	v7 =	vld [tilespmem:s25+$0x6860]  }
.LBB2_5:
0x66: {  	s28 =	sshra.s32 s26, $0x2;
	p0 =	sne.s32 s26, $0xFE00;
	[tilespmem:s25+$0x6800] =	vst v12;
	v5 =	vadd.f32 v5, v10;
	v10 =	vld [tilespmem:s25+$0x6870]  }
0x67: {  	v12 =	vld [tilespmem:s28+$0xE800];
	[tilespmem:s25+$0x6810] =	vst v11;
	v4 =	vadd.f32 v4, v9  }
0x68: {  	v11 =	vld [tilespmem:s28+$0xE810];
	[tilespmem:s25+$0x6820] =	vst v5;
	v3 =	vadd.f32 v3, v8  }
0x69: {  	v5 =	vld [tilespmem:s28+$0xE820];
	[tilespmem:s25+$0x6830] =	vst v4;
	v2 =	vadd.f32 v2, v6  }
0x6a: {  	v4 =	vld [tilespmem:s28+$0xE830];
	[tilespmem:s25+$0x6840] =	vst v3;
	v1 =	vadd.f32 v1, v7  }
0x6b: {  	v3 =	vld [tilespmem:s28+$0xE840];
	[tilespmem:s25+$0x6850] =	vst v2;
	v0 =	vadd.f32 v0, v10  }
0x6c: {  	v2 =	vld [tilespmem:s28+$0xE850];
	[tilespmem:s25+$0x6860] =	vst v1  }
0x6d: {  	v1 =	vld [tilespmem:s28+$0xE860];
	[tilespmem:s25+$0x6870] =	vst v0;
	s25 =	smov.u32 s28  }
0x6e: {  	v0 =	vld [tilespmem:s25+$0xE870]  }
0x6f: {  	v6 =	vld [tilespmem:s25+$0x6800]  }
0x70: {  	v7 =	vld [tilespmem:s25+$0x6810]  }
.Ltmp1:
0x71: {  	v10 =	vld [tilespmem:s25+$0x6820];
	(pc) =	sbr.rel @p0 .LBB2_5-.Ltmp1, $4  }
0x72: {  	v9 =	vld [tilespmem:s25+$0x6830]  }
0x73: {  	v8 =	vld [tilespmem:s25+$0x6840]  }
0x74: {  	v12 =	vadd.f32 v12, v6;
	v6 =	vld [tilespmem:s25+$0x6850]  }
0x75: {  	s26 =	sadd.s32 $0x200, s26;
	v11 =	vadd.f32 v11, v7;
	v7 =	vld [tilespmem:s25+$0x6860]  }
0x76: {  	[tilespmem:s25+$0x6800] =	vst v12;
	v5 =	vadd.f32 v5, v10;
	v63 =	vld [tilespmem:s25+$0x6870]  }
0x77: {  	[tilespmem:s25+$0x6810] =	vst v11;
	v4 =	vadd.f32 v4, v9  }
0x78: {  	[tilespmem:s25+$0x6820] =	vst v5;
	v3 =	vadd.f32 v3, v8  }
0x79: {  	[tilespmem:s25+$0x6830] =	vst v4;
	v2 =	vadd.f32 v2, v6  }
0x7a: {  	[tilespmem:s25+$0x6840] =	vst v3;
	v1 =	vadd.f32 v1, v7  }
0x7b: {  	s24 =	sadd.s32 s3, s24;
	s23 =	sadd.s32 $0x1, s23;
	[tilespmem:s25+$0x6850] =	vst v2;
	v0 =	vadd.f32 v0, v63  }
0x7c: {  	s24 =	sshll.u32 s24, $0x4;
	p0 =	sne.s32 s23, $0x14;
	[tilespmem:s25+$0x6860] =	vst v1  }
.Ltmp2:
0x7d: {  	s24 =	sadd.s32 s6, s24;
	[tilespmem:s25+$0x6870] =	vst v0;
	(pc) =	sbr.rel @p0 .LBB2_2-.Ltmp2, $4  }
0x7e: {  	[hbm4b:s24+s2] =	stream.linear.scatter [tilespmem:s16], [sflag:$0x5], $0x4000, $0x38;
	[tilespmem:$0x12800] =	vst v63  }
0x7f: {  	_ =	swait.ge [sflag:s11], $0x4000  }
0x80: {  	[sflag:s11] =	ssyncset.done $0x0  }
0x81: {  	[sflag:s11] =	ssyncadd.s32 $0xFFFFC000  }
0x82: {  	s22 =	sadd.s32 $0x1, s22  }
0x83: {  	_ =	swait.ge [sflag:s18], $0x4000;
	p0 =	sne.s32 s22, s10  }
.Ltmp3:
0x84: {  	[sflag:s18] =	ssyncset.done $0x0;
	(pc) =	sbr.rel @p0 .LBB2_1-.Ltmp3, $4  }
0x85: {  	[sflag:s18] =	ssyncadd.s32 $0xFFFFC000  }
0x86: {  	_ =	swait.ge [sflag:s19], $0x4000  }
0x87: {  	[sflag:s19] =	ssyncset.done $0x0  }
0x88: {  	[sflag:s19] =	ssyncadd.s32 $0xFFFFC000  }
0x89: {  	_ =	sfence.sel $0x180000  }
0x8a: {  	[bflag:$0x0] =	sbarrier.arrive $0xFFFF  }
0x8b: {  	p0 =	sne.s32 s1, $0x0;
	_ =	strace $0x9000004D  }
0x8c: {  	s0 =	sadd.s32 @!p0 $0x100000, s0;
	[bflag:$0x2] =	sbarrier.arrive $0xFFFF  }
0x8d: {  	[sflag:s0] =	ssyncadd.tile.s32 @!p0 $0x1;
	_ =	shalt  }
.Lfunc_end2:
_tile_overlayer_lowered:
.L_overlay_start_2:
0x8e: {  	(tag) =	ssettag $0x2  }
0x8f: {  	s0 =	rddreg [dreg:$0x0];
	s2 =	stileid.u32  }
0x90: {  	s1 =	rddreg [dreg:$0x1];
	p0 =	sne.s32 s2, $0x0  }
0x91: {  	s3 =	rddreg [dreg:$0x2];
	[bflag:$0x3] =	sbarrier.arrive $0xFFFF;
	s2 =	simm.s32 @!p0 $0x1C05  }
0x92: {  	[timem:s3], [sflag:s2] =	dma.local @!p0 [hbm:s0], s1  }
0x93: {  	s0 =	simm.s32 @!p0 $0x5  }
0x94: {  	_ =	swait.ge @!p0 [sflag:s0], s1  }
0x95: {  	s1 =	ssub.s32 @!p0 $0x0, s1;
	[sflag:s0] =	ssyncset.done @!p0 $0x0  }
0x96: {  	[sflag:s0] =	ssyncadd.s32 @!p0 s1  }
0x97: {  	[bflag:$0x3] =	sbarrier.arrive $0xFFFF  }
0x98: {  	_ =	shalt  }

// kernel: kernel.9.cloned.1.call-start
scs
__scs_entry_jumppad:
0x0: {  	(pc) =	sbr.rel $0x88, $3  }
0x1: {  	(tag) =	ssettag $0x0;
	lr =	simm.s32 $0x1  }
0x2: {  	[smem:$0x3F70] =	sst lr;
	_ =	strace $0xD0000000  }
0x3: {  	_ = 	snop  }
0x4: {  	_ = 	snop  }
0x5: {  	_ = 	snop  }
0x6: {  	_ = 	snop  }
0x7: {  	_ = 	snop  }
__scs_overlays_trampoline_lowered:
0x8: {  	[smem:$0x3F7F] =	sst s0  }
0x9: {  	[smem:$0x3F80] =	sst s1  }
0xa: {  	[smem:$0x3F81] =	sst s2  }
0xb: {  	[smem:$0x3F82] =	sst s3  }
0xc: {  	[smem:$0x3F83] =	sst s4  }
0xd: {  	[smem:$0x3F84] =	sst s5  }
0xe: {  	[smem:$0x3F85] =	sst s6  }
0xf: {  	[smem:$0x3F86] =	sst s7  }
0x10: {  	[smem:$0x3F87] =	sst s8  }
0x11: {  	[smem:$0x3F88] =	sst s9;
	s0 =	simm.s32 @!p0 $0x0  }
0x12: {  	s1 =	sld [smem:$0x3F6E];
	s0 =	simm.s32 @p0 $0x1  }
0x13: {  	[smem:$0x3F89] =	sst s0;
	s0 =	simm.s32 @!p1 $0x0  }
0x14: {  	s2 =	sld [smem:$0x3F6D];
	s0 =	simm.s32 @p1 $0x1  }
0x15: {  	[smem:$0x3F8A] =	sst s0;
	s0 =	simm.s32 @!p2 $0x0  }
0x16: {  	s3 =	sld [smem:$0x3FDB];
	s0 =	simm.s32 @p2 $0x1  }
0x17: {  	s4 =	simm.s32 $0x1BF5;
	[smem:$0x3F8C] =	sst s0  }
0x18: {  	s0 =	sld [smem:$0x3F6F];
	_ =	swait.ge [sflag:s4], $0x0  }
0x19: {  	s7 =	sld [smem:$0x3F70]  }
0x1a: {  	s8 =	sadd.s32 $0xFFFFE003, lr  }
0x1b: {  	s9 =	sadd.s32 $0xFFFFFEF7, lr;
	s5 =	simm.s32 $0xFFFFFFFF;
	p2 =	slt.u32 s8, $0xFFFFF086  }
0x1c: {  	p1 =	slt.u32 s9, $0xF7A;
	s5 =	simm.s32 @!p2 $0x0  }
0x1d: {  	s5 =	simm.s32 @p1 $0x1;
	p0 =	seq.s32 s7, s2  }
0x1e: {  	s7 =	smul.u32 @!p0 $0xF7A, s2;
	p2 =	seq.s32 @!p0 s5, $0x0  }
0x1f: {  	s9 =	smul.u32 $0xF7A, s1;
	s8 =	simm.s32 @!p0 $0x1BF5;
	p2 =	por !p2, p0  }
0x20: {  	[sflag:s8] =	ssyncset.s32 @!p0 $0xFFFFF086;
	s6 =	sadd.s32 @!p0 s3, s7;
	s7 =	simm.s32 @!p0 $0x108  }
0x21: {  	s3 =	sadd.s32 s3, s9;
	s6 =	sadd.s32 @!p0 $0x88, s6;
	s7 =	simm.s32 @p2 $0x1082  }
0x22: {  	[simem:s7], [sflag:s8] =	dma.local @!p0 [hbm:s6], $0xF7A  }
0x23: {  	s9 =	sor.u32 $0xD0000000, s2;
	s6 =	simm.s32 $0x108;
	_ =	swait.ge @!p0 [sflag:s8], $0x0  }
0x24: {  	s3 =	sadd.s32 $0x88, s3;
	s6 =	simm.s32 @!p1 $0x1082;
	[sflag:s4] =	ssyncset.s32 $0xFFFFF086  }
0x25: {  	[simem:s6], [sflag:s4] =	dma.local [hbm:s3], $0xF7A  }
0x26: {  	[smem:$0x3F70] =	sst s1;
	(tag) =	ssettag s2;
	_ =	strace s9  }
0x27: {  	s1 =	sld [smem:$0x3F80]  }
0x28: {  	s2 =	sld [smem:$0x3F81]  }
0x29: {  	s4 =	sld [smem:$0x3F83]  }
0x2a: {  	p0 =	seq.s32 s5, $0x0;
	s5 =	sld [smem:$0x3F84]  }
0x2b: {  	s6 =	sld [smem:$0x3F85]  }
0x2c: {  	s7 =	sld [smem:$0x3F86]  }
0x2d: {  	s3 =	simm.s32 $0x108;
	s8 =	sld [smem:$0x3F87]  }
0x2e: {  	s3 =	simm.s32 @!p0 $0x1082;
	s9 =	sld [smem:$0x3F88]  }
0x2f: {  	lr =	sadd.s32 s0, s3;
	s0 =	sld [smem:$0x3F7F]  }
0x30: {  	s3 =	sld [smem:$0x3F82]  }
0x31: {  	[smem:$0x3F8B] =	sst s10  }
0x32: {  	s10 =	sld [smem:$0x3F89];
	_ =	sdelay $0x3  }
0x33: {  	p0 =	seq.s32 s10, $0x1;
	s10 =	sld [smem:$0x3F8B];
	_ =	sdelay $0x3  }
0x34: {  	[smem:$0x3F8B] =	sst s10  }
0x35: {  	s10 =	sld [smem:$0x3F8A];
	_ =	sdelay $0x3  }
0x36: {  	p1 =	seq.s32 s10, $0x1;
	s10 =	sld [smem:$0x3F8B];
	_ =	sdelay $0x3  }
0x37: {  	[smem:$0x3F8B] =	sst s10  }
0x38: {  	s10 =	sld [smem:$0x3F8C]  }
0x39: {  	_ = 	snop;
	(pc) =	sbr.ind lr, $3  }
0x3a: {  	_ = 	snop  }
0x3b: {  	_ = 	snop  }
0x3c: {  	p2 =	seq.s32 s10, $0x1;
	s10 =	sld [smem:$0x3F8B]  }
0x3d: {  	_ =	shalt  }
0x3e: {  	_ =	shalt  }
0x3f: {  	_ =	shalt  }
0x40: {  	_ =	shalt  }
0x41: {  	_ =	shalt  }
0x42: {  	_ =	shalt  }
0x43: {  	_ =	shalt  }
0x44: {  	_ =	shalt  }
0x45: {  	_ =	shalt  }
0x46: {  	_ =	shalt  }
0x47: {  	_ =	shalt  }
0x48: {  	_ =	shalt  }
0x49: {  	_ =	shalt  }
0x4a: {  	_ =	shalt  }
0x4b: {  	_ =	shalt  }
0x4c: {  	_ =	shalt  }
0x4d: {  	_ =	shalt  }
0x4e: {  	_ =	shalt  }
0x4f: {  	_ =	shalt  }
0x50: {  	_ =	shalt  }
0x51: {  	_ =	shalt  }
0x52: {  	_ =	shalt  }
0x53: {  	_ =	shalt  }
0x54: {  	_ =	shalt  }
0x55: {  	_ =	shalt  }
0x56: {  	_ =	shalt  }
0x57: {  	_ =	shalt  }
0x58: {  	_ =	shalt  }
0x59: {  	_ =	shalt  }
0x5a: {  	_ =	shalt  }
0x5b: {  	_ =	shalt  }
0x5c: {  	_ =	shalt  }
0x5d: {  	_ =	shalt  }
0x5e: {  	_ =	shalt  }
0x5f: {  	_ =	shalt  }
0x60: {  	_ =	shalt  }
0x61: {  	_ =	shalt  }
0x62: {  	_ =	shalt  }
0x63: {  	_ =	shalt  }
0x64: {  	_ =	shalt  }
0x65: {  	_ =	shalt  }
0x66: {  	_ =	shalt  }
0x67: {  	_ =	shalt  }
0x68: {  	_ =	shalt  }
0x69: {  	_ =	shalt  }
0x6a: {  	_ =	shalt  }
0x6b: {  	_ =	shalt  }
0x6c: {  	_ =	shalt  }
0x6d: {  	_ =	shalt  }
0x6e: {  	_ =	shalt  }
0x6f: {  	_ =	shalt  }
0x70: {  	_ =	shalt  }
0x71: {  	_ =	shalt  }
0x72: {  	_ =	shalt  }
0x73: {  	_ =	shalt  }
0x74: {  	_ =	shalt  }
0x75: {  	_ =	shalt  }
0x76: {  	_ =	shalt  }
0x77: {  	_ =	shalt  }
0x78: {  	_ =	shalt  }
0x79: {  	_ =	shalt  }
0x7a: {  	_ =	shalt  }
0x7b: {  	_ =	shalt  }
0x7c: {  	_ =	shalt  }
0x7d: {  	_ =	shalt  }
0x7e: {  	_ =	shalt  }
0x7f: {  	_ =	shalt  }
0x80: {  	_ =	shalt  }
0x81: {  	_ =	shalt  }
0x82: {  	_ =	shalt  }
0x83: {  	_ =	shalt  }
0x84: {  	_ =	shalt  }
0x85: {  	_ =	shalt  }
0x86: {  	_ =	shalt  }
0x87: {  	_ =	shalt  }
.Lfunc_end0:
.L_simem_size_0:
called_computation_lowered:
.L_overlay_start_0:
0x88: {  	s2 =	sld [smem:$0x3FD9]  }
0x89: {  	s3 =	sld [smem:$0x3FFE];
	_ =	sdelay $0x1  }
0x8a: {  	s1 =	srdreg.scid  }
0x8b: {  	s0 =	sand.u32 $0x1, s1  }
0x8c: {  	s17 =	sshll.u32 s0, $0xA;
	s2 =	sadd.s32 s3, s2  }
0x8d: {  	s2 =	sadd.s32 s2, s17  }
0x8e: {  	[smem:$0x3F97] =	sst s2  }
0x8f: {  	_ = 	snop  }
0x90: {  	s2 =	sld [smem:$0x3FD0];
	(tm) =	ssettm $0x1  }
0x91: {  	s18 =	sld [smem:$0x3FFB];
	_ =	sdelay $0x3  }
0x92: {  	_ =	strace s18  }
0x93: {  	s3 =	sld [smem:$0x3FFC];
	_ =	sdelay $0x3  }
0x94: {  	_ =	strace s3  }
0x95: {  	s3 =	sld [smem:$0x3FFD];
	_ =	sdelay $0x3  }
0x96: {  	_ =	strace s3  }
0x97: {  	_ =	strace $0x8FFFFFFF  }
0x98: {  	s19 =	sld [smem:$0x3FDB];
	_ =	sdelay $0x1  }
0x99: {  	s4 =	simm.s32 $_scs_section_size  }
0x9a: {  	s5 =	simm.s32 $_size__tile_overlayer_lowered;
	s6 =	simm.s32 $_tile_overlayer_lowered  }
0x9b: {  	s22 =	simm.s32 $0x1BFF;
	s21 =	sshll.u32 s6, $0x1;
	s3 =	sadd.s32 s4, s19  }
0x9c: {  	s7 =	simm.s32 $0x0;
	s20 =	sshll.u32 s5, $0x1;
	s5 =	sadd.s32 s21, s3  }
0x9d: {  	[timem:s7], [sflag:s22] =	dma.local [hbm:s5], s20  }
0x9e: {  	_ =	swait.ge [sflag:s22], s20  }
0x9f: {  	s4 =	ssub.s32 $0x0, s20;
	[sflag:s22] =	ssyncset.done $0x0  }
0xa0: {  	[sflag:s22] =	ssyncadd.s32 s4;
	_ =	sdelay $0x1  }
0xa1: {  	s23 =	simm.s32 $0x1B8B  }
0xa2: {  	_ =	swait.ge [sflag:s23], $0x1  }
0xa3: {  	[sflag:s23] =	ssyncset.done $0x0  }
0xa4: {  	s25 =	simm.s32 $0x1B8E;
	s24 =	sld [smem:$0x3FFE];
	[sflag:s23] =	ssyncadd.s32 $0xFFFFFFFF  }
0xa5: {  	s26 =	simm.s32 $execute0_lowered;
	[smem:$0x3FD2] =	sst s25  }
0xa6: {  	s5 =	sshll.u32 s26, $0x1;
	_ =	strace $0x80000046;
	[dreg:$0x1] =	wrdreg $0xFFFFFFFF  }
0xa7: {  	s28 =	simm.s32 $_size_execute0_lowered;
	s3 =	sadd.s32 s3, s5;
	[dreg:$0x0] =	wrdreg $0x0  }
0xa8: {  	s5 =	sshll.u32 s28, $0x1;
	[dreg:$0x2] =	wrdreg s3  }
0xa9: {  	[dreg:$0x3] =	wrdreg s5  }
0xaa: {  	[dreg:$0x4] =	wrdreg $0xC0  }
0xab: {  	_ =	task [dreg:s7], $0x5FFFF  }
0xac: {  	[dreg:$0x1] =	wrdreg $0xFFFFFFFF  }
0xad: {  	[dreg:$0x0] =	wrdreg $0x60  }
0xae: {  	[dreg:$0x2] =	wrdreg s24  }
0xaf: {  	[dreg:$0x3] =	wrdreg s2  }
0xb0: {  	[dreg:$0x4] =	wrdreg $0xA9800  }
0xb1: {  	[dreg:$0x5] =	wrdreg $0x1E9800  }
0xb2: {  	[dreg:$0x6] =	wrdreg $0x9  }
0xb3: {  	_ =	task.clear_ibuf [dreg:s7], $0x7FFFF;
	_ =	strace $0x90000046  }
0xb4: {  	s29 =	simm.s32 $0x9;
	_ =	strace $0x80000048  }
0xb5: {  	_ =	swait.ge [sflag:s29], $0x1  }
0xb6: {  	[sflag:s29] =	ssyncadd.s32 $0xFFFFFFFF  }
0xb7: {  	_ =	strace $0x90000048  }
0xb8: {  	_ =	sfence  }
0xb9: {  	s30 =	sld [smem:$0x0];
	_ =	sdelay $0x2  }
0xba: {  	s31 =	sshll.u32 s1, $0xD;
	s1 =	sshrl.u32 s1, $0x2  }
0xbb: {  	s3 =	sand.u32 $0x4000, s31;
	s1 =	sadd.s32 s1, s30  }
0xbc: {  	s0 =	sor.u32 s3, s0;
	s1 =	sshll.u32 s1, $0x11  }
0xbd: {  	s0 =	sor.u32 s1, s0  }
0xbe: {  	s0 =	sadd.s32 $0x8F2B, s0  }
0xbf: {  	[sflag:s0] =	ssyncadd.remote.s32 $0x1  }
0xc0: {  	_ =	sfence.sel $0xFFFF  }
0xc1: {  	[dreg:$0x0] =	wrdreg $0xFFFFFFFF;
	(pc) =	sbr.abs _section_cstart, $3  }
0xc2: {  	[dreg:$0x1] =	wrdreg $0xFFFFFFFF  }
0xc3: {  	_ =	task.clear_ibuf [dreg:s7], $0x2FFFF;
	_ =	strace $0x9FFFFFFF  }
0xc4: {  	(tm) =	ssettm $0x7FFFFFFF  }
0xc5: {  	_ =	shalt  }
tec
execute0_lowered:
.L_overlay_start_1:
0x0: {  	(tag) =	ssettag $0x1  }
0x1: {  	s0 =	rddreg [dreg:$0x0]  }
0x2: {  	s1 =	rddreg [dreg:$0x1];
	s3 =	srdreg.scid  }
0x3: {  	s2 =	rddreg [dreg:$0x2];
	s19 =	stileid.u32;
	s4 =	simm.s32 $0x0  }
0x4: {  	s28 =	simm.s32 $0x8;
	s30 =	simm.s32 $0x80;
	s31 =	simm.s32 $0x2900  }
0x5: {  	s29 =	simm.s32 $0x5;
	s10 =	sand.u32 $0x1, s3;
	s3 =	rddreg [dreg:$0x3]  }
0x6: {  	[smem:$0x7FF] =	sst s4;
	s11 =	smul.u32 $0x14000, s19;
	s6 =	sadd.s32 $0x26400, s0  }
0x7: {  	s13 =	smul.u32 $0x280, s19;
	s7 =	sadd.s32 $0x4E400, s0;
	s8 =	sadd.s32 $0x1C400, s0  }
0x8: {  	s9 =	sadd.s32 $0x12400, s0;
	s18 =	sadd.s32 $0x9EA00, s0;
	s23 =	smul.u32 $0x500, s19  }
0x9: {  	s5 =	sshll.u32 s10, $0x4;
	_ =	strace $0x80000047;
	s17 =	smul.u32 $0x140000, s10  }
0xa: {  	[dreg:$0x5] =	wrdreg s18;
	s24 =	sshll.u32 s10, $0x7;
	s10 =	ssub.s32 $0x2, s10  }
0xb: {  	s5 =	sor.u32 s19, s5;
	s15 =	sshrl.u32 s11, $0x3;
	s16 =	sshrl.u32 s13, $0x3  }
0xc: {  	s19 =	smul.u32 $0x50000, s19;
	s25 =	sshrl.u32 s10, $0x1;
	s13 =	sadd.s32 s13, s3  }
0xd: {  	s5 =	smul.u32 $0x2800, s5;
	s15 =	sadd.s32 s15, s0;
	s16 =	sadd.s32 s16, s0  }
0xe: {  	s11 =	sadd.s32 s11, s17;
	s17 =	sor.u32 s24, s23;
	s10 =	ssub.s32 s10, s25  }
0xf: {  	[dreg:$0x8] =	wrdreg s13;
	s13 =	simm.s32 $0x6;
	s11 =	sshrl.u32 s11, $0x3  }
0x10: {  	s17 =	sshrl.u32 s17, $0x3;
	s19 =	sshrl.u32 s19, $0x2;
	s15 =	sadd.s32 $0x76400, s15  }
0x11: {  	s16 =	sadd.s32 $0x9E400, s16;
	s12 =	sshrl.u32 s5, $0x3;
	[dreg:$0x7] =	wrdreg s15  }
0x12: {  	s11 =	sadd.s32 s11, s0;
	s26 =	sadd.s32 s19, s2;
	[dreg:$0x9] =	wrdreg s16  }
0x13: {  	s15 =	simm.s32 $0x4;
	[dreg:$0x6] =	wrdreg s26;
	s18 =	sadd.s32 s8, s12  }
0x14: {  	s14 =	sadd.s32 s12, s0;
	s21 =	sadd.s32 $0xA0000, s11;
	[dreg:$0xb] =	wrdreg s18  }
0x15: {  	s0 =	sadd.s32 s17, s0;
	s1 =	sadd.s32 s1, s12;
	[dreg:$0xd] =	wrdreg s21  }
0x16: {  	s19 =	sor.u32 $0x10, s12;
	s23 =	sadd.s32 s9, s12;
	[dreg:$0xf] =	wrdreg s1  }
0x17: {  	s25 =	sadd.s32 $0xF0000, s11;
	s26 =	smax.u32 s10, $0x1;
	[dreg:$0x10] =	wrdreg s23  }
0x18: {  	s10 =	simm.s32 $0x2;
	s11 =	simm.s32 $0x3;
	[dreg:$0x12] =	wrdreg s25  }
0x19: {  	s17 =	sadd.s32 $0x8400, s14;
	s20 =	sadd.s32 s8, s19;
	[dreg:$0x14] =	wrdreg s26  }
0x1a: {  	s22 =	sadd.s32 $0x9EC00, s0;
	s24 =	sadd.s32 s9, s19;
	[dreg:$0xa] =	wrdreg s17  }
0x1b: {  	s0 =	sadd.s32 $0x9F600, s0;
	s26 =	simm.s32 $0xA900;
	[dreg:$0xc] =	wrdreg s20  }
0x1c: {  	s1 =	simm.s32 $0x1;
	s18 =	simm.s32 $0x7;
	[dreg:$0xe] =	wrdreg s22  }
0x1d: {  	s19 =	simm.s32 $0x2800;
	s25 =	simm.s32 $0x0;
	[dreg:$0x11] =	wrdreg s24  }
0x1e: {  	[dreg:$0x13] =	wrdreg s0;
	s0 =	simm.s32 $0x6900;
	s20 =	simm.s32 $0x2880  }
.LBB2_1:
0x1f: {  	s12 =	rddreg [dreg:$0x5];
	s24 =	stileid.u32  }
0x20: {  	[tilespmem:s26], [sflag:$0x8] =	stream.linear.gather [hbm4b:s12+s4], $0x80, $0x38;
	[tilespmem:$0x1EC00] =	vst v63  }
0x21: {  	s12 =	sshll.u32 s24, $0x6;
	_ =	swait.ge [sflag:s28], $0x80  }
0x22: {  	s23 =	sor.u32 $0x1C08, s12;
	[sflag:s28] =	ssyncset.done $0x0;
	s14 =	rddreg [dreg:$0x6]  }
0x23: {  	s16 =	rddreg [dreg:$0x7];
	[sflag:s28] =	ssyncadd.s32 $0xFFFFFF80;
	s24 =	sshrl.u32 s14, $0x3  }
0x24: {  	[spmem:s24], [sflag:s23] =	dma.local [hbm:s16], $0x2800  }
0x25: {  	_ =	swait.ge [sflag:s28], $0x2800  }
0x26: {  	[sflag:s28] =	ssyncset.done $0x0;
	s17 =	rddreg [dreg:$0x8]  }
0x27: {  	s14 =	rddreg [dreg:$0x9];
	[sflag:s28] =	ssyncadd.s32 $0xFFFFD800;
	s12 =	sshrl.u32 s17, $0x3  }
0x28: {  	[spmem:s12], [sflag:s23] =	dma.local [hbm:s14], $0x50  }
0x29: {  	_ =	swait.ge [sflag:s28], $0x50  }
0x2a: {  	[sflag:s28] =	ssyncset.done $0x0  }
0x2b: {  	s16 =	simm.s32 $0x100;
	s21 =	rddreg [dreg:$0xa];
	[sflag:s28] =	ssyncadd.s32 $0xFFFFFFB0  }
0x2c: {  	[tilespmem:s16], [sflag:$0x8] =	stream.linear.gather [hbm4b:s21+s4], $0x2800, $0x38;
	[tilespmem:$0x1EC00] =	vst v63  }
0x2d: {  	_ =	swait.ge [sflag:s28], $0x2800  }
0x2e: {  	[sflag:s28] =	ssyncset.done $0x0  }
0x2f: {  	[sflag:s28] =	ssyncadd.s32 $0xFFFFD800  }
0x30: {  	[bflag:$0x0] =	sbarrier.arrive $0xFFFF  }
0x31: {  	s22 =	rddreg [dreg:$0xb]  }
0x32: {  	[tilespmem:s4], [sflag:$0x8] =	stream.linear.gather [hbm4b:s22+s4], $0x80, $0x38;
	[tilespmem:$0x1EC00] =	vst v63  }
0x33: {  	_ =	swait.ge [sflag:s28], $0x80  }
0x34: {  	[sflag:s28] =	ssyncset.done $0x0  }
0x35: {  	[sflag:s28] =	ssyncadd.s32 $0xFFFFFF80  }
0x36: {  	[tilespmem:s31], [sflag:$0x1] =	stream.indirect.gather [hbm4b:s6+s30], $0x80, s4, s30, $0xb8;
	[tilespmem:$0x1EC00] =	vst v63  }
0x37: {  	s16 =	rddreg [dreg:$0xc]  }
0x38: {  	[tilespmem:s30], [sflag:$0x8] =	stream.linear.gather [hbm4b:s16+s4], $0x80, $0x38;
	[tilespmem:$0x1EC00] =	vst v63  }
0x39: {  	_ =	swait.ge [sflag:s28], $0x80  }
0x3a: {  	[sflag:s28] =	ssyncset.done $0x0  }
0x3b: {  	s17 =	simm.s32 $0x100;
	[sflag:s28] =	ssyncadd.s32 $0xFFFFFF80  }
0x3c: {  	[tilespmem:s0], [sflag:$0x2] =	stream.indirect.gather [hbm4b:s6+s30], $0x80, s30, s30, $0xb8;
	[tilespmem:$0x1EC00] =	vst v63  }
0x3d: {  	s21 =	sand.u32 $0x3C00, s17;
	_ =	swait.ge [sflag:s1], $0x4000  }
0x3e: {  	s14 =	sand.u32 $0x300, s17;
	s16 =	sadd.s32 s5, s21;
	[sflag:s1] =	ssyncset.done $0x0  }
0x3f: {  	s22 =	simm.s32 $0x100;
	s14 =	sor.u32 s14, s16;
	[sflag:s1] =	ssyncadd.s32 $0xFFFFC000  }
0x40: {  	[spmem:s2] =	stream.indirect.scatter.add.f32 [tilespmem:s31], [sflag:$0x3], $0x80, s22, s30, $0xb8;
	[tilespmem:$0x1EC00] =	vst v63  }
0x41: {  	s17 =	sshrl.u32 s14, $0x3  }
0x42: {  	[spmem:s3] =	stream.indirect.scatter.add.f32 [tilespmem:s26], [sflag:$0x5], $0x1, s22, s30, $0xb8;
	[tilespmem:$0x1EC00] =	vst v63  }
0x43: {  	s14 =	simm.s32 $0x180;
	s17 =	sadd.s32 s8, s17  }
0x44: {  	[tilespmem:s4], [sflag:$0x6] =	stream.linear.gather [hbm4b:s17+s4], $0x80, $0x38;
	[tilespmem:$0x1EC00] =	vst v63  }
0x45: {  	s21 =	sand.u32 $0x3C00, s14;
	_ =	swait.ge [sflag:s10], $0x4000  }
0x46: {  	s16 =	sadd.s32 s5, s21;
	s22 =	sand.u32 $0x380, s14;
	[sflag:s10] =	ssyncset.done $0x0  }
0x47: {  	s16 =	sor.u32 s22, s16;
	[sflag:s10] =	ssyncadd.s32 $0xFFFFC000  }
0x48: {  	[spmem:s2] =	stream.indirect.scatter.add.f32 [tilespmem:s0], [sflag:$0x4], $0x80, s14, s30, $0xb8;
	[tilespmem:$0x1EC00] =	vst v63  }
0x49: {  	s16 =	sshrl.u32 s16, $0x3  }
0x4a: {  	[spmem:s3] =	stream.indirect.scatter.add.f32 [tilespmem:s26], [sflag:$0x5], $0x1, s14, s30, $0xb8;
	[tilespmem:$0x1EC00] =	vst v63  }
0x4b: {  	s16 =	sadd.s32 s8, s16  }
0x4c: {  	[tilespmem:s30], [sflag:$0x7] =	stream.linear.gather [hbm4b:s16+s4], $0x80, $0x38;
	[tilespmem:$0x1EC00] =	vst v63  }
0x4d: {  	_ =	swait.ge [sflag:s11], $0x4000  }
0x4e: {  	[sflag:s11] =	ssyncset.done $0x0  }
0x4f: {  	[sflag:s11] =	ssyncadd.s32 $0xFFFFC000  }
0x50: {  	_ =	swait.ge [sflag:s13], $0x80  }
0x51: {  	[sflag:s13] =	ssyncset.done $0x0  }
0x52: {  	s16 =	simm.s32 $0x280;
	[sflag:s13] =	ssyncadd.s32 $0xFFFFFF80  }
0x53: {  	[tilespmem:s31], [sflag:$0x1] =	stream.indirect.gather [hbm4b:s6+s30], $0x80, s4, s30, $0xb8;
	[tilespmem:$0x1EC00] =	vst v63  }
.LBB2_2:
0x54: {  	p0 =	sne.s32 s16, $0x2780;
	_ =	swait.ge [sflag:s15], $0x4000;
	s14 =	sadd.s32 $0x100, s14  }
0x55: {  	s17 =	smov.u32 s16;
	s16 =	sadd.s32 $0x100, s16;
	[sflag:s15] =	ssyncset.done $0x0  }
0x56: {  	s21 =	sadd.s32 $0xFFFFFF80, s17;
	[sflag:s15] =	ssyncadd.s32 $0xFFFFC000  }
0x57: {  	_ =	swait.ge [sflag:s18], $0x80  }
0x58: {  	s22 =	sand.u32 $0x3C00, s21;
	s21 =	sand.u32 $0x300, s21;
	[sflag:s18] =	ssyncset.done $0x0  }
0x59: {  	s22 =	sadd.s32 s5, s22;
	[sflag:s18] =	ssyncadd.s32 $0xFFFFFF80  }
0x5a: {  	[tilespmem:s0], [sflag:$0x2] =	stream.indirect.gather [hbm4b:s6+s30], $0x80, s30, s30, $0xb8;
	[tilespmem:$0x1EC00] =	vst v63  }
0x5b: {  	s21 =	sor.u32 s21, s22;
	_ =	swait.ge [sflag:s1], $0x4000  }
0x5c: {  	s21 =	sshrl.u32 s21, $0x3;
	[sflag:s1] =	ssyncset.done $0x0  }
0x5d: {  	[sflag:s1] =	ssyncadd.s32 $0xFFFFC000  }
0x5e: {  	s22 =	sadd.s32 $0xFFFFFF80, s14;
	s21 =	sadd.s32 s8, s21  }
0x5f: {  	[spmem:s2] =	stream.indirect.scatter.add.f32 [tilespmem:s31], [sflag:$0x3], $0x80, s22, s30, $0xb8;
	[tilespmem:$0x1EC00] =	vst v63  }
0x60: {  	_ = 	snop  }
0x61: {  	[spmem:s3] =	stream.indirect.scatter.add.f32 [tilespmem:s26], [sflag:$0x5], $0x1, s22, s30, $0xb8;
	[tilespmem:$0x1EC00] =	vst v63  }
0x62: {  	s22 =	sand.u32 $0x3C00, s17  }
0x63: {  	[tilespmem:s4], [sflag:$0x6] =	stream.linear.gather [hbm4b:s21+s4], $0x80, $0x38;
	[tilespmem:$0x1EC00] =	vst v63  }
0x64: {  	s21 =	sadd.s32 s5, s22;
	_ =	swait.ge [sflag:s10], $0x4000  }
0x65: {  	s17 =	sand.u32 $0x380, s17;
	[sflag:s10] =	ssyncset.done $0x0  }
0x66: {  	s17 =	sor.u32 s17, s21;
	[sflag:s10] =	ssyncadd.s32 $0xFFFFC000  }
0x67: {  	[spmem:s2] =	stream.indirect.scatter.add.f32 [tilespmem:s0], [sflag:$0x4], $0x80, s14, s30, $0xb8;
	[tilespmem:$0x1EC00] =	vst v63  }
0x68: {  	s17 =	sshrl.u32 s17, $0x3  }
0x69: {  	[spmem:s3] =	stream.indirect.scatter.add.f32 [tilespmem:s26], [sflag:$0x5], $0x1, s14, s30, $0xb8;
	[tilespmem:$0x1EC00] =	vst v63  }
0x6a: {  	s17 =	sadd.s32 s8, s17  }
0x6b: {  	[tilespmem:s30], [sflag:$0x7] =	stream.linear.gather [hbm4b:s17+s4], $0x80, $0x38;
	[tilespmem:$0x1EC00] =	vst v63  }
0x6c: {  	_ =	swait.ge [sflag:s11], $0x4000  }
0x6d: {  	[sflag:s11] =	ssyncset.done $0x0  }
.Ltmp0:
0x6e: {  	[sflag:s11] =	ssyncadd.s32 $0xFFFFC000;
	(pc) =	sbr.rel @p0 .LBB2_2-.Ltmp0, $4  }
0x6f: {  	_ =	swait.ge [sflag:s13], $0x80  }
0x70: {  	[sflag:s13] =	ssyncset.done $0x0  }
0x71: {  	[sflag:s13] =	ssyncadd.s32 $0xFFFFFF80  }
0x72: {  	[tilespmem:s31], [sflag:$0x1] =	stream.indirect.gather [hbm4b:s6+s30], $0x80, s4, s30, $0xb8;
	[tilespmem:$0x1EC00] =	vst v63  }
0x73: {  	_ =	swait.ge [sflag:s15], $0x4000  }
0x74: {  	[sflag:s15] =	ssyncset.done $0x0  }
0x75: {  	[sflag:s15] =	ssyncadd.s32 $0xFFFFC000  }
0x76: {  	_ =	swait.ge [sflag:s18], $0x80  }
0x77: {  	[sflag:s18] =	ssyncset.done $0x0  }
0x78: {  	[sflag:s18] =	ssyncadd.s32 $0xFFFFFF80  }
0x79: {  	[tilespmem:s0], [sflag:$0x2] =	stream.indirect.gather [hbm4b:s6+s30], $0x80, s30, s30, $0xb8;
	[tilespmem:$0x1EC00] =	vst v63  }
0x7a: {  	_ =	swait.ge [sflag:s1], $0x4000  }
0x7b: {  	[sflag:s1] =	ssyncset.done $0x0  }
0x7c: {  	[sflag:s1] =	ssyncadd.s32 $0xFFFFC000  }
0x7d: {  	[spmem:s2] =	stream.indirect.scatter.add.f32 [tilespmem:s31], [sflag:$0x3], $0x80, s19, s30, $0xb8;
	[tilespmem:$0x1EC00] =	vst v63  }
0x7e: {  	_ = 	snop  }
0x7f: {  	[spmem:s3] =	stream.indirect.scatter.add.f32 [tilespmem:s26], [sflag:$0x5], $0x1, s19, s30, $0xb8;
	[tilespmem:$0x1EC00] =	vst v63  }
0x80: {  	s14 =	rddreg [dreg:$0xb]  }
0x81: {  	[tilespmem:s4], [sflag:$0x6] =	stream.linear.gather [hbm4b:s14+s4], $0x80, $0x38;
	[tilespmem:$0x1EC00] =	vst v63  }
0x82: {  	_ =	swait.ge [sflag:s10], $0x4000  }
0x83: {  	[sflag:s10] =	ssyncset.done $0x0  }
0x84: {  	[sflag:s10] =	ssyncadd.s32 $0xFFFFC000  }
0x85: {  	[spmem:s2] =	stream.indirect.scatter.add.f32 [tilespmem:s0], [sflag:$0x4], $0x80, s20, s30, $0xb8;
	[tilespmem:$0x1EC00] =	vst v63  }
0x86: {  	_ = 	snop  }
0x87: {  	[spmem:s3] =	stream.indirect.scatter.add.f32 [tilespmem:s26], [sflag:$0x5], $0x1, s20, s30, $0xb8;
	[tilespmem:$0x1EC00] =	vst v63  }
0x88: {  	s22 =	rddreg [dreg:$0xc]  }
0x89: {  	[tilespmem:s30], [sflag:$0x7] =	stream.linear.gather [hbm4b:s22+s4], $0x80, $0x38;
	[tilespmem:$0x1EC00] =	vst v63  }
0x8a: {  	_ =	swait.ge [sflag:s11], $0x4000  }
0x8b: {  	[sflag:s11] =	ssyncset.done $0x0  }
0x8c: {  	[sflag:s11] =	ssyncadd.s32 $0xFFFFC000  }
0x8d: {  	_ =	swait.ge [sflag:s13], $0x80  }
0x8e: {  	[sflag:s13] =	ssyncset.done $0x0  }
0x8f: {  	[sflag:s13] =	ssyncadd.s32 $0xFFFFFF80  }
0x90: {  	[tilespmem:s31], [sflag:$0x1] =	stream.indirect.gather [hbm4b:s6+s30], $0x80, s4, s30, $0xb8;
	[tilespmem:$0x1EC00] =	vst v63  }
0x91: {  	_ =	swait.ge [sflag:s15], $0x4000  }
0x92: {  	[sflag:s15] =	ssyncset.done $0x0  }
0x93: {  	[sflag:s15] =	ssyncadd.s32 $0xFFFFC000  }
0x94: {  	_ =	swait.ge [sflag:s18], $0x80  }
0x95: {  	[sflag:s18] =	ssyncset.done $0x0  }
0x96: {  	[sflag:s18] =	ssyncadd.s32 $0xFFFFFF80  }
0x97: {  	[tilespmem:s0], [sflag:$0x2] =	stream.indirect.gather [hbm4b:s6+s30], $0x80, s30, s30, $0xb8;
	[tilespmem:$0x1EC00] =	vst v63  }
0x98: {  	_ =	swait.ge [sflag:s1], $0x4000  }
0x99: {  	[sflag:s1] =	ssyncset.done $0x0  }
0x9a: {  	[sflag:s1] =	ssyncadd.s32 $0xFFFFC000  }
0x9b: {  	_ =	swait.ge [sflag:s10], $0x4000  }
0x9c: {  	[sflag:s10] =	ssyncset.done $0x0  }
0x9d: {  	[sflag:s10] =	ssyncadd.s32 $0xFFFFC000  }
0x9e: {  	_ =	swait.ge [sflag:s29], $0x80  }
0x9f: {  	s14 =	simm.s32 $0x4F;
	[sflag:s29] =	ssyncset.done $0x0  }
.LBB2_4:
0xa0: {  	p0 =	sne.s32 s14, $0x1;
	s14 =	sadd.s32 $0xFFFFFFFF, s14;
	[sflag:s29] =	ssyncadd.s32 $0xFFFFFF80  }
.Ltmp1:
0xa1: {  	(pc) =	sbr.rel @p0 .LBB2_4-.Ltmp1, $3  }
0xa2: {  	_ =	sdelay $0x1  }
0xa3: {  	_ =	swait.ge [sflag:s29], $0x80  }
0xa4: {  	[sflag:s29] =	ssyncset.done $0x0  }
0xa5: {  	[sflag:s29] =	ssyncadd.s32 $0xFFFFFF80  }
0xa6: {  	[bflag:$0x0] =	sbarrier.arrive $0xFFFF  }
0xa7: {  	s14 =	rddreg [dreg:$0xd]  }
0xa8: {  	[hbm:s14], [sflag:s23] =	dma.local [spmem:s24], $0x2800  }
0xa9: {  	_ =	swait.ge [sflag:s28], $0x2800  }
0xaa: {  	s16 =	simm.s32 $0x20;
	[sflag:s28] =	ssyncset.done $0x0  }
0xab: {  	s17 =	simm.s32 $0x10;
	s22 =	rddreg [dreg:$0xe];
	[sflag:s28] =	ssyncadd.s32 $0xFFFFD800  }
0xac: {  	[hbm:s22@s16], [sflag:s23] =	dma.strided [spmem:s12@s17], $0x50, s1, $0x10   }
0xad: {  	_ =	swait.ge [sflag:s28], $0x50  }
0xae: {  	[sflag:s28] =	ssyncset.done $0x0  }
0xaf: {  	[sflag:s28] =	ssyncadd.s32 $0xFFFFFFB0  }
0xb0: {  	[bflag:$0x0] =	sbarrier.arrive $0xFFFF  }
0xb1: {  	s21 =	rddreg [dreg:$0x7]  }
0xb2: {  	[spmem:s24], [sflag:s23] =	dma.local [hbm:s21], $0x2800  }
0xb3: {  	_ =	swait.ge [sflag:s28], $0x2800  }
0xb4: {  	[sflag:s28] =	ssyncset.done $0x0  }
0xb5: {  	s22 =	rddreg [dreg:$0x9];
	[sflag:s28] =	ssyncadd.s32 $0xFFFFD800  }
0xb6: {  	[spmem:s12], [sflag:s23] =	dma.local [hbm:s22], $0x50  }
0xb7: {  	_ =	swait.ge [sflag:s28], $0x50  }
0xb8: {  	[sflag:s28] =	ssyncset.done $0x0  }
0xb9: {  	s17 =	simm.s32 $0x100;
	s16 =	rddreg [dreg:$0xf];
	[sflag:s28] =	ssyncadd.s32 $0xFFFFFFB0  }
0xba: {  	[tilespmem:s17], [sflag:$0x8] =	stream.linear.gather [hbm4b:s16+s4], $0x2800, $0x38;
	[tilespmem:$0x1EC00] =	vst v63  }
0xbb: {  	_ =	swait.ge [sflag:s28], $0x2800  }
0xbc: {  	[sflag:s28] =	ssyncset.done $0x0  }
0xbd: {  	[sflag:s28] =	ssyncadd.s32 $0xFFFFD800  }
0xbe: {  	[bflag:$0x0] =	sbarrier.arrive $0xFFFF  }
0xbf: {  	s21 =	rddreg [dreg:$0x10]  }
0xc0: {  	[tilespmem:s4], [sflag:$0x8] =	stream.linear.gather [hbm4b:s21+s4], $0x80, $0x38;
	[tilespmem:$0x1EC00] =	vst v63  }
0xc1: {  	_ =	swait.ge [sflag:s28], $0x80  }
0xc2: {  	[sflag:s28] =	ssyncset.done $0x0  }
0xc3: {  	[sflag:s28] =	ssyncadd.s32 $0xFFFFFF80  }
0xc4: {  	[tilespmem:s31], [sflag:$0x1] =	stream.indirect.gather [hbm4b:s7+s30], $0x80, s4, s30, $0xb8;
	[tilespmem:$0x1EC00] =	vst v63  }
0xc5: {  	s22 =	rddreg [dreg:$0x11]  }
0xc6: {  	[tilespmem:s30], [sflag:$0x8] =	stream.linear.gather [hbm4b:s22+s4], $0x80, $0x38;
	[tilespmem:$0x1EC00] =	vst v63  }
0xc7: {  	_ =	swait.ge [sflag:s28], $0x80  }
0xc8: {  	[sflag:s28] =	ssyncset.done $0x0  }
0xc9: {  	s16 =	simm.s32 $0x100;
	[sflag:s28] =	ssyncadd.s32 $0xFFFFFF80  }
0xca: {  	[tilespmem:s0], [sflag:$0x2] =	stream.indirect.gather [hbm4b:s7+s30], $0x80, s30, s30, $0xb8;
	[tilespmem:$0x1EC00] =	vst v63  }
0xcb: {  	s17 =	sand.u32 $0x3C00, s16;
	_ =	swait.ge [sflag:s1], $0x4000  }
0xcc: {  	s14 =	sand.u32 $0x300, s16;
	s16 =	sadd.s32 s5, s17;
	[sflag:s1] =	ssyncset.done $0x0  }
0xcd: {  	s14 =	sor.u32 s14, s16;
	s21 =	simm.s32 $0x100;
	[sflag:s1] =	ssyncadd.s32 $0xFFFFC000  }
0xce: {  	[spmem:s2] =	stream.indirect.scatter.add.f32 [tilespmem:s31], [sflag:$0x3], $0x80, s21, s30, $0xb8;
	[tilespmem:$0x1EC00] =	vst v63  }
0xcf: {  	s22 =	sshrl.u32 s14, $0x3  }
0xd0: {  	[spmem:s3] =	stream.indirect.scatter.add.f32 [tilespmem:s26], [sflag:$0x5], $0x1, s21, s30, $0xb8;
	[tilespmem:$0x1EC00] =	vst v63  }
0xd1: {  	s14 =	simm.s32 $0x180;
	s17 =	sadd.s32 s9, s22  }
0xd2: {  	[tilespmem:s4], [sflag:$0x6] =	stream.linear.gather [hbm4b:s17+s4], $0x80, $0x38;
	[tilespmem:$0x1EC00] =	vst v63  }
0xd3: {  	s21 =	sand.u32 $0x3C00, s14;
	_ =	swait.ge [sflag:s10], $0x4000  }
0xd4: {  	s22 =	sand.u32 $0x380, s14;
	s16 =	sadd.s32 s5, s21;
	[sflag:s10] =	ssyncset.done $0x0  }
0xd5: {  	s16 =	sor.u32 s22, s16;
	[sflag:s10] =	ssyncadd.s32 $0xFFFFC000  }
0xd6: {  	[spmem:s2] =	stream.indirect.scatter.add.f32 [tilespmem:s0], [sflag:$0x4], $0x80, s14, s30, $0xb8;
	[tilespmem:$0x1EC00] =	vst v63  }
0xd7: {  	s16 =	sshrl.u32 s16, $0x3  }
0xd8: {  	[spmem:s3] =	stream.indirect.scatter.add.f32 [tilespmem:s26], [sflag:$0x5], $0x1, s14, s30, $0xb8;
	[tilespmem:$0x1EC00] =	vst v63  }
0xd9: {  	s16 =	sadd.s32 s9, s16  }
0xda: {  	[tilespmem:s30], [sflag:$0x7] =	stream.linear.gather [hbm4b:s16+s4], $0x80, $0x38;
	[tilespmem:$0x1EC00] =	vst v63  }
0xdb: {  	_ =	swait.ge [sflag:s11], $0x4000  }
0xdc: {  	[sflag:s11] =	ssyncset.done $0x0  }
0xdd: {  	[sflag:s11] =	ssyncadd.s32 $0xFFFFC000  }
0xde: {  	_ =	swait.ge [sflag:s13], $0x80  }
0xdf: {  	[sflag:s13] =	ssyncset.done $0x0  }
0xe0: {  	s16 =	simm.s32 $0x280;
	[sflag:s13] =	ssyncadd.s32 $0xFFFFFF80  }
0xe1: {  	[tilespmem:s31], [sflag:$0x1] =	stream.indirect.gather [hbm4b:s7+s30], $0x80, s4, s30, $0xb8;
	[tilespmem:$0x1EC00] =	vst v63  }
.LBB2_6:
0xe2: {  	p0 =	sne.s32 s16, $0x2780;
	_ =	swait.ge [sflag:s15], $0x4000;
	s14 =	sadd.s32 $0x100, s14  }
0xe3: {  	s17 =	smov.u32 s16;
	s16 =	sadd.s32 $0x100, s16;
	[sflag:s15] =	ssyncset.done $0x0  }
0xe4: {  	s21 =	sadd.s32 $0xFFFFFF80, s17;
	[sflag:s15] =	ssyncadd.s32 $0xFFFFC000  }
0xe5: {  	_ =	swait.ge [sflag:s18], $0x80  }
0xe6: {  	s22 =	sand.u32 $0x3C00, s21;
	s21 =	sand.u32 $0x300, s21;
	[sflag:s18] =	ssyncset.done $0x0  }
0xe7: {  	s22 =	sadd.s32 s5, s22;
	[sflag:s18] =	ssyncadd.s32 $0xFFFFFF80  }
0xe8: {  	[tilespmem:s0], [sflag:$0x2] =	stream.indirect.gather [hbm4b:s7+s30], $0x80, s30, s30, $0xb8;
	[tilespmem:$0x1EC00] =	vst v63  }
0xe9: {  	s21 =	sor.u32 s21, s22;
	_ =	swait.ge [sflag:s1], $0x4000  }
0xea: {  	s21 =	sshrl.u32 s21, $0x3;
	[sflag:s1] =	ssyncset.done $0x0  }
0xeb: {  	[sflag:s1] =	ssyncadd.s32 $0xFFFFC000  }
0xec: {  	s22 =	sadd.s32 $0xFFFFFF80, s14;
	s21 =	sadd.s32 s9, s21  }
0xed: {  	[spmem:s2] =	stream.indirect.scatter.add.f32 [tilespmem:s31], [sflag:$0x3], $0x80, s22, s30, $0xb8;
	[tilespmem:$0x1EC00] =	vst v63  }
0xee: {  	_ = 	snop  }
0xef: {  	[spmem:s3] =	stream.indirect.scatter.add.f32 [tilespmem:s26], [sflag:$0x5], $0x1, s22, s30, $0xb8;
	[tilespmem:$0x1EC00] =	vst v63  }
0xf0: {  	s22 =	sand.u32 $0x3C00, s17  }
0xf1: {  	[tilespmem:s4], [sflag:$0x6] =	stream.linear.gather [hbm4b:s21+s4], $0x80, $0x38;
	[tilespmem:$0x1EC00] =	vst v63  }
0xf2: {  	s21 =	sadd.s32 s5, s22;
	_ =	swait.ge [sflag:s10], $0x4000  }
0xf3: {  	s17 =	sand.u32 $0x380, s17;
	[sflag:s10] =	ssyncset.done $0x0  }
0xf4: {  	s17 =	sor.u32 s17, s21;
	[sflag:s10] =	ssyncadd.s32 $0xFFFFC000  }
0xf5: {  	[spmem:s2] =	stream.indirect.scatter.add.f32 [tilespmem:s0], [sflag:$0x4], $0x80, s14, s30, $0xb8;
	[tilespmem:$0x1EC00] =	vst v63  }
0xf6: {  	s17 =	sshrl.u32 s17, $0x3  }
0xf7: {  	[spmem:s3] =	stream.indirect.scatter.add.f32 [tilespmem:s26], [sflag:$0x5], $0x1, s14, s30, $0xb8;
	[tilespmem:$0x1EC00] =	vst v63  }
0xf8: {  	s17 =	sadd.s32 s9, s17  }
0xf9: {  	[tilespmem:s30], [sflag:$0x7] =	stream.linear.gather [hbm4b:s17+s4], $0x80, $0x38;
	[tilespmem:$0x1EC00] =	vst v63  }
0xfa: {  	_ =	swait.ge [sflag:s11], $0x4000  }
0xfb: {  	[sflag:s11] =	ssyncset.done $0x0  }
.Ltmp2:
0xfc: {  	[sflag:s11] =	ssyncadd.s32 $0xFFFFC000;
	(pc) =	sbr.rel @p0 .LBB2_6-.Ltmp2, $4  }
0xfd: {  	_ =	swait.ge [sflag:s13], $0x80  }
0xfe: {  	[sflag:s13] =	ssyncset.done $0x0  }
0xff: {  	[sflag:s13] =	ssyncadd.s32 $0xFFFFFF80  }
0x100: {  	[tilespmem:s31], [sflag:$0x1] =	stream.indirect.gather [hbm4b:s7+s30], $0x80, s4, s30, $0xb8;
	[tilespmem:$0x1EC00] =	vst v63  }
0x101: {  	_ =	swait.ge [sflag:s15], $0x4000  }
0x102: {  	[sflag:s15] =	ssyncset.done $0x0  }
0x103: {  	[sflag:s15] =	ssyncadd.s32 $0xFFFFC000  }
0x104: {  	_ =	swait.ge [sflag:s18], $0x80  }
0x105: {  	[sflag:s18] =	ssyncset.done $0x0  }
0x106: {  	[sflag:s18] =	ssyncadd.s32 $0xFFFFFF80  }
0x107: {  	[tilespmem:s0], [sflag:$0x2] =	stream.indirect.gather [hbm4b:s7+s30], $0x80, s30, s30, $0xb8;
	[tilespmem:$0x1EC00] =	vst v63  }
0x108: {  	_ =	swait.ge [sflag:s1], $0x4000  }
0x109: {  	[sflag:s1] =	ssyncset.done $0x0  }
0x10a: {  	[sflag:s1] =	ssyncadd.s32 $0xFFFFC000  }
0x10b: {  	[spmem:s2] =	stream.indirect.scatter.add.f32 [tilespmem:s31], [sflag:$0x3], $0x80, s19, s30, $0xb8;
	[tilespmem:$0x1EC00] =	vst v63  }
0x10c: {  	_ = 	snop  }
0x10d: {  	[spmem:s3] =	stream.indirect.scatter.add.f32 [tilespmem:s26], [sflag:$0x5], $0x1, s19, s30, $0xb8;
	[tilespmem:$0x1EC00] =	vst v63  }
0x10e: {  	s14 =	rddreg [dreg:$0x10]  }
0x10f: {  	[tilespmem:s4], [sflag:$0x6] =	stream.linear.gather [hbm4b:s14+s4], $0x80, $0x38;
	[tilespmem:$0x1EC00] =	vst v63  }
0x110: {  	_ =	swait.ge [sflag:s10], $0x4000  }
0x111: {  	[sflag:s10] =	ssyncset.done $0x0  }
0x112: {  	[sflag:s10] =	ssyncadd.s32 $0xFFFFC000  }
0x113: {  	[spmem:s2] =	stream.indirect.scatter.add.f32 [tilespmem:s0], [sflag:$0x4], $0x80, s20, s30, $0xb8;
	[tilespmem:$0x1EC00] =	vst v63  }
0x114: {  	_ = 	snop  }
0x115: {  	[spmem:s3] =	stream.indirect.scatter.add.f32 [tilespmem:s26], [sflag:$0x5], $0x1, s20, s30, $0xb8;
	[tilespmem:$0x1EC00] =	vst v63  }
0x116: {  	s22 =	rddreg [dreg:$0x11]  }
0x117: {  	[tilespmem:s30], [sflag:$0x7] =	stream.linear.gather [hbm4b:s22+s4], $0x80, $0x38;
	[tilespmem:$0x1EC00] =	vst v63  }
0x118: {  	_ =	swait.ge [sflag:s11], $0x4000  }
0x119: {  	[sflag:s11] =	ssyncset.done $0x0  }
0x11a: {  	[sflag:s11] =	ssyncadd.s32 $0xFFFFC000  }
0x11b: {  	_ =	swait.ge [sflag:s13], $0x80  }
0x11c: {  	[sflag:s13] =	ssyncset.done $0x0  }
0x11d: {  	[sflag:s13] =	ssyncadd.s32 $0xFFFFFF80  }
0x11e: {  	[tilespmem:s31], [sflag:$0x1] =	stream.indirect.gather [hbm4b:s7+s30], $0x80, s4, s30, $0xb8;
	[tilespmem:$0x1EC00] =	vst v63  }
0x11f: {  	_ =	swait.ge [sflag:s15], $0x4000  }
0x120: {  	[sflag:s15] =	ssyncset.done $0x0  }
0x121: {  	[sflag:s15] =	ssyncadd.s32 $0xFFFFC000  }
0x122: {  	_ =	swait.ge [sflag:s18], $0x80  }
0x123: {  	[sflag:s18] =	ssyncset.done $0x0  }
0x124: {  	[sflag:s18] =	ssyncadd.s32 $0xFFFFFF80  }
0x125: {  	[tilespmem:s0], [sflag:$0x2] =	stream.indirect.gather [hbm4b:s7+s30], $0x80, s30, s30, $0xb8;
	[tilespmem:$0x1EC00] =	vst v63  }
0x126: {  	_ =	swait.ge [sflag:s1], $0x4000  }
0x127: {  	[sflag:s1] =	ssyncset.done $0x0  }
0x128: {  	[sflag:s1] =	ssyncadd.s32 $0xFFFFC000  }
0x129: {  	_ =	swait.ge [sflag:s10], $0x4000  }
0x12a: {  	[sflag:s10] =	ssyncset.done $0x0  }
0x12b: {  	[sflag:s10] =	ssyncadd.s32 $0xFFFFC000  }
0x12c: {  	_ =	swait.ge [sflag:s29], $0x80  }
0x12d: {  	s14 =	simm.s32 $0x4F;
	[sflag:s29] =	ssyncset.done $0x0  }
.LBB2_8:
0x12e: {  	p0 =	sne.s32 s14, $0x1;
	s14 =	sadd.s32 $0xFFFFFFFF, s14;
	[sflag:s29] =	ssyncadd.s32 $0xFFFFFF80  }
.Ltmp3:
0x12f: {  	(pc) =	sbr.rel @p0 .LBB2_8-.Ltmp3, $3  }
0x130: {  	_ =	sdelay $0x1  }
0x131: {  	_ =	swait.ge [sflag:s29], $0x80  }
0x132: {  	[sflag:s29] =	ssyncset.done $0x0  }
0x133: {  	[sflag:s29] =	ssyncadd.s32 $0xFFFFFF80  }
0x134: {  	[bflag:$0x0] =	sbarrier.arrive $0xFFFF  }
0x135: {  	s14 =	rddreg [dreg:$0x12]  }
0x136: {  	[hbm:s14], [sflag:s23] =	dma.local [spmem:s24], $0x2800  }
0x137: {  	_ =	swait.ge [sflag:s28], $0x2800  }
0x138: {  	s16 =	simm.s32 $0x20;
	[sflag:s28] =	ssyncset.done $0x0  }
0x139: {  	s17 =	simm.s32 $0x10;
	s22 =	rddreg [dreg:$0x13];
	[sflag:s28] =	ssyncadd.s32 $0xFFFFD800  }
0x13a: {  	[hbm:s22@s16], [sflag:s23] =	dma.strided [spmem:s12@s17], $0x50, s1, $0x10   }
0x13b: {  	_ =	swait.ge [sflag:s28], $0x50  }
0x13c: {  	s25 =	sadd.s32 $0x1, s25;
	s24 =	rddreg [dreg:$0x14]  }
0x13d: {  	p0 =	sne.s32 s25, s24  }
.Ltmp4:
0x13e: {  	_ = 	snop;
	(pc) =	sbr.rel @p0 .LBB2_1-.Ltmp4, $3  }
0x13f: {  	[sflag:s28] =	ssyncset.done $0x0  }
0x140: {  	[sflag:s28] =	ssyncadd.s32 $0xFFFFFFB0  }
0x141: {  	[bflag:$0x0] =	sbarrier.arrive $0xFFFF;
	_ =	sdelay $0x1  }
0x142: {  	_ =	sfence.sel $0x180000  }
0x143: {  	[bflag:$0x0] =	sbarrier.arrive $0xFFFF  }
0x144: {  	_ =	strace $0x90000047  }
0x145: {  	s0 =	stileid.u32;
	[bflag:$0x2] =	sbarrier.arrive $0xFFFF  }
0x146: {  	p0 =	sne.s32 s0, $0x0;
	s0 =	rddreg [dreg:$0x4]  }
0x147: {  	s0 =	sadd.s32 @!p0 $0x100000, s0  }
0x148: {  	[sflag:s0] =	ssyncadd.tile.s32 @!p0 $0x1;
	_ =	shalt  }
.Lfunc_end2:
_tile_overlayer_lowered:
.L_overlay_start_2:
0x149: {  	(tag) =	ssettag $0x2  }
0x14a: {  	s0 =	rddreg [dreg:$0x0];
	s2 =	stileid.u32  }
0x14b: {  	s1 =	rddreg [dreg:$0x1];
	p0 =	sne.s32 s2, $0x0  }
0x14c: {  	s3 =	rddreg [dreg:$0x2];
	[bflag:$0x3] =	sbarrier.arrive $0xFFFF;
	s2 =	simm.s32 @!p0 $0x1C08  }
0x14d: {  	[timem:s3], [sflag:s2] =	dma.local @!p0 [hbm:s0], s1  }
0x14e: {  	s0 =	simm.s32 @!p0 $0x8  }
0x14f: {  	_ =	swait.ge @!p0 [sflag:s0], s1  }
0x150: {  	s1 =	ssub.s32 @!p0 $0x0, s1;
	[sflag:s0] =	ssyncset.done @!p0 $0x0  }
0x151: {  	[sflag:s0] =	ssyncadd.s32 @!p0 s1  }
0x152: {  	[bflag:$0x3] =	sbarrier.arrive $0xFFFF  }
0x153: {  	_ =	shalt  }

</sc_bundles>
